<compile_context>
chip_gen: v7x
topology: tpu7x:2x2x1
jax: 0.10.2.dev20260603
libtpu: 0.0.44.dev20260713+nightly
codegen_flags: <defaults>
</compile_context>

<pallas_src>
import functools

import jax
import jax.numpy as jnp
from jax import lax
from jax.experimental import pallas as pl
from jax.experimental.pallas import tpu as pltpu
from jax.experimental.pallas import tpu_sc as plsc

NC = 2
NS = 16
L = 16
NW = NC * NS

f32 = jnp.float32
i32 = jnp.int32


def _edge_weights_kernel(N, E):
    EW = E // NW
    EB = 400
    NB = EW // EB
    G = EB // L

    mesh = plsc.VectorSubcoreMesh(
        core_axis_name="c", subcore_axis_name="s", num_cores=NC,
        num_subcores=NS)

    @functools.partial(
        pl.kernel,
        out_type=(
            jax.ShapeDtypeStruct((E,), f32),
            jax.ShapeDtypeStruct((E,), f32),
        ),
        mesh=mesh,
        scratch_types=[
            pltpu.VMEM((N,), f32),
            pltpu.VMEM((EB,), i32),
            pltpu.VMEM((EB,), f32),
        ],
        compiler_params=pltpu.CompilerParams(use_tc_tiling_on_sc=False, needs_layout_passes=False),
    )
    def kern(src_h, dst_h, asrc_h, adst_h,
             w_h, tscr_h,
             table_v, idx_v, tbuf_v):
        c = lax.axis_index("c")
        s = lax.axis_index("s")
        wkr = c * NS + s
        base = wkr * EW

        pltpu.sync_copy(asrc_h, table_v)

        @pl.loop(0, NB)
        def _p1(b):
            off = base + b * EB
            pltpu.sync_copy(src_h.at[pl.ds(off, EB)], idx_v)

            @pl.loop(0, G)
            def _g(g):
                ii = idx_v[pl.ds(g * L, L)]
                tbuf_v[pl.ds(g * L, L)] = plsc.load_gather(table_v, [ii])

            pltpu.sync_copy(tbuf_v, tscr_h.at[pl.ds(off, EB)])

        pltpu.sync_copy(adst_h, table_v)

        @pl.loop(0, NB)
        def _p2(b):
            off = base + b * EB
            pltpu.sync_copy(dst_h.at[pl.ds(off, EB)], idx_v)
            pltpu.sync_copy(tscr_h.at[pl.ds(off, EB)], tbuf_v)

            @pl.loop(0, G)
            def _g(g):
                dd = idx_v[pl.ds(g * L, L)]
                ad = plsc.load_gather(table_v, [dd])
                t = tbuf_v[pl.ds(g * L, L)]
                v = t + ad
                tbuf_v[pl.ds(g * L, L)] = jnp.maximum(v, 0.2 * v)

            pltpu.sync_copy(tbuf_v, w_h.at[pl.ds(off, EB)])

    return kern


BN_ROWS = 2000


def _d1_body(x_ref, w1_ref, as_ref, ad_ref, h_ref, asrc_ref, adst_ref):
    xb = x_ref[...]
    W1 = w1_ref[...]
    h = xb[:, 0:1] * W1[0:1, :] + xb[:, 1:2] * W1[1:2, :]
    asrc_ref[...] = jnp.sum(h * as_ref[...], axis=1, keepdims=True)
    adst_ref[...] = jnp.sum(h * ad_ref[...], axis=1, keepdims=True)
    h_ref[...] = h


def _combine_body(nblk, agg_ref, s_ref, d_ref, b_ref, out_ref, stats_ref):
    i = pl.program_id(0)
    scale = 1.0 / ((s_ref[...] + 1e-16) * jnp.maximum(d_ref[...], 1.0))
    out = agg_ref[...] * scale + b_ref[...]
    out_ref[...] = out

    @pl.when(i == 0)
    def _():
        stats_ref[...] = jnp.zeros_like(stats_ref)

    sum0 = jnp.sum(out, axis=0, keepdims=True)
    sumsq = jnp.sum(out * out, axis=0, keepdims=True)
    stats_ref[...] += jnp.concatenate([sum0, sumsq], axis=0)


def _bn(x, stats_ref, g_ref, be_ref, n):
    st = stats_ref[...]
    mean = st[0:1, :] / n
    var = st[1:2, :] / n - mean * mean
    inv = lax.rsqrt(var + 1e-5)
    return jnp.maximum((x - mean) * inv * g_ref[...] + be_ref[...], 0.0)


def _d2b_body(n, out1_ref, stats_ref, g_ref, be_ref, w2_ref, as2_ref,
              ad2_ref, h2_ref, asrc2_ref, adst2_ref):
    xb = _bn(out1_ref[...], stats_ref, g_ref, be_ref, n)
    h2 = jnp.dot(xb, w2_ref[...], preferred_element_type=f32)
    asrc2_ref[...] = jnp.sum(h2 * as2_ref[...], axis=1, keepdims=True)
    adst2_ref[...] = jnp.sum(h2 * ad2_ref[...], axis=1, keepdims=True)
    h2_ref[...] = h2


def _d3b_body(n, out2_ref, stats_ref, g_ref, be_ref, wl_ref, bl_ref,
              fin_ref):
    xb = _bn(out2_ref[...], stats_ref, g_ref, be_ref, n)
    h3 = jnp.dot(xb, wl_ref[...], preferred_element_type=f32) + bl_ref[...]
    fin_ref[...] = jnp.maximum(h3, 0.0)


def _full64(i):
    return (0,)


def _exp_body(e_ref, w_ref):
    w_ref[...] = jnp.exp(e_ref[...])


def kernel(x, edge_index, W1, a_src1, a_dst1, b1, bn1_gamma, bn1_beta,
           W2, a_src2, a_dst2, b2, bn2_gamma, bn2_beta, W_lin, b_lin):
    N = x.shape[0]
    E = edge_index.shape[1]
    nblk = N // BN_ROWS

    src = edge_index[0].astype(i32)
    dst = edge_index[1].astype(i32)

    vec64 = pl.BlockSpec((64,), _full64)
    row_blk = pl.BlockSpec((BN_ROWS, 64), lambda i: (i, 0))
    v1_blk = pl.BlockSpec((BN_ROWS, 1), lambda i: (i, 0))
    stats_blk = pl.BlockSpec((2, 64), lambda i: (0, 0))
    mat_blk = pl.BlockSpec((64, 64), lambda i: (0, 0))

    h1, asrc1, adst1 = pl.pallas_call(
        _d1_body,
        grid=(nblk,),
        in_specs=[
            pl.BlockSpec((BN_ROWS, 2), lambda i: (i, 0)),
            pl.BlockSpec((2, 64), lambda i: (0, 0)),
            vec64, vec64,
        ],
        out_specs=[row_blk, v1_blk, v1_blk],
        out_shape=[
            jax.ShapeDtypeStruct((N, 64), f32),
            jax.ShapeDtypeStruct((N, 1), f32),
            jax.ShapeDtypeStruct((N, 1), f32),
        ],
    )(x, W1, a_src1, a_dst1)
    asrc1, adst1 = asrc1.reshape(N), adst1.reshape(N)

    passA = _edge_weights_kernel(N, E)

    combine = pl.pallas_call(
        functools.partial(_combine_body, nblk),
        grid=(nblk,),
        in_specs=[row_blk, v1_blk, v1_blk, vec64],
        out_specs=[row_blk, stats_blk],
        out_shape=[
            jax.ShapeDtypeStruct((N, 64), f32),
            jax.ShapeDtypeStruct((2, 64), f32),
        ],
    )

    deg = jnp.zeros((N,), f32).at[dst].add(1.0).reshape(N, 1)

    ew_blk = pl.BlockSpec((E // 128, 128), lambda i: (0, 0))
    exp_tc = pl.pallas_call(
        _exp_body,
        grid=(1,),
        in_specs=[ew_blk],
        out_specs=ew_blk,
        out_shape=jax.ShapeDtypeStruct((E // 128, 128), f32),
    )

    e1, _ = passA(src, dst, asrc1, adst1)
    w1e = exp_tc(e1.reshape(E // 128, 128)).reshape(E)
    s1 = jnp.zeros((N,), f32).at[dst].add(w1e).reshape(N, 1)
    agg1 = jnp.zeros((N, 64), f32).at[dst].add(w1e[:, None] * h1[src])
    out1, stats1 = combine(agg1, s1, deg, b1)

    h2, asrc2, adst2 = pl.pallas_call(
        functools.partial(_d2b_body, float(N)),
        grid=(nblk,),
        in_specs=[row_blk, stats_blk, vec64, vec64, mat_blk, vec64, vec64],
        out_specs=[row_blk, v1_blk, v1_blk],
        out_shape=[
            jax.ShapeDtypeStruct((N, 64), f32),
            jax.ShapeDtypeStruct((N, 1), f32),
            jax.ShapeDtypeStruct((N, 1), f32),
        ],
    )(out1, stats1, bn1_gamma, bn1_beta, W2, a_src2, a_dst2)
    asrc2, adst2 = asrc2.reshape(N), adst2.reshape(N)

    e2, _ = passA(src, dst, asrc2, adst2)
    w2e = exp_tc(e2.reshape(E // 128, 128)).reshape(E)
    s2 = jnp.zeros((N,), f32).at[dst].add(w2e).reshape(N, 1)
    agg2 = jnp.zeros((N, 64), f32).at[dst].add(w2e[:, None] * h2[src])
    out2, stats2 = combine(agg2, s2, deg, b2)

    fin = pl.pallas_call(
        functools.partial(_d3b_body, float(N)),
        grid=(nblk,),
        in_specs=[row_blk, stats_blk, vec64, vec64, mat_blk, vec64],
        out_specs=row_blk,
        out_shape=jax.ShapeDtypeStruct((N, 64), f32),
    )(out2, stats2, bn2_gamma, bn2_beta, W_lin, b_lin)

    return fin

# --- scband reference (transcript-rebuilt; emitter-appended) ---
"""Pipeline reference for scband-conductivity-gat-49357764166325 (READ-ONLY COPY).

The authoritative reference and input builder live on the scoring server;
editing this copy changes nothing except your own understanding.
"""

import jax, jax.numpy as jnp
import numpy as np

N = 100000
E = 1600000
H = 64
IN = 2


def setup_inputs(seed: int = 0) -> dict:
    key = jax.random.key(seed)
    ks = jax.random.split(key, 20)
    x = jax.random.normal(ks[0], (N, IN), dtype=jnp.float32)
    edge_index = jax.random.randint(ks[1], (2, E), 0, N, dtype=jnp.int64)
    def glorot(k, shape):
        fan = sum(shape) if len(shape) > 1 else shape[0]
        return jax.random.normal(k, shape, dtype=jnp.float32) * (2.0 / fan) ** 0.5
    inp = {
        'x': x,
        'edge_index': edge_index,
        'W1': glorot(ks[2], (IN, H)),
        'a_src1': glorot(ks[3], (H,)),
        'a_dst1': glorot(ks[4], (H,)),
        'b1': jnp.zeros((H,), jnp.float32),
        'bn1_gamma': jnp.ones((H,), jnp.float32),
        'bn1_beta': jnp.zeros((H,), jnp.float32),
        'W2': glorot(ks[5], (H, H)),
        'a_src2': glorot(ks[6], (H,)),
        'a_dst2': glorot(ks[7], (H,)),
        'b2': jnp.zeros((H,), jnp.float32),
        'bn2_gamma': jnp.ones((H,), jnp.float32),
        'bn2_beta': jnp.zeros((H,), jnp.float32),
        'W_lin': glorot(ks[8], (H, H)),
        'b_lin': jnp.zeros((H,), jnp.float32),
    }
    return inp


def _gat_layer(x, src, dst, W, a_src, a_dst, b):
    h = x @ W
    alpha_src = h @ a_src
    alpha_dst = h @ a_dst
    e = jax.nn.leaky_relu(alpha_src[src] + alpha_dst[dst], negative_slope=0.2)
    m = jax.ops.segment_max(e, dst, num_segments=N)
    m = jnp.where(jnp.isfinite(m), m, 0.0)
    ex = jnp.exp(e - m[dst])
    s = jax.ops.segment_sum(ex, dst, num_segments=N)
    alpha = ex / (s[dst] + 1e-16)
    msg = alpha[:, None] * h[src]
    out = jax.ops.segment_sum(msg, dst, num_segments=N)
    deg = jax.ops.segment_sum(jnp.ones_like(e), dst, num_segments=N)
    out = out / jnp.maximum(deg, 1.0)[:, None]
    return out + b


def _batch_norm(x, gamma, beta, eps=1e-5):
    mean = jnp.mean(x, axis=0)
    var = jnp.var(x, axis=0)
    return (x - mean) / jnp.sqrt(var + eps) * gamma + beta


def reference(x, edge_index, W1, a_src1, a_dst1, b1, bn1_gamma, bn1_beta,
              W2, a_src2, a_dst2, b2, bn2_gamma, bn2_beta, W_lin, b_lin):
    src = edge_index[0]
    dst = edge_index[1]
    h = _gat_layer(x, src, dst, W1, a_src1, a_dst1, b1)
    h = _batch_norm(h, bn1_gamma, bn1_beta)
    h = jax.nn.relu(h)
    # dropout is identity in eval/deterministic reference
    h = _gat_layer(h, src, dst, W2, a_src2, a_dst2, b2)
    h = _batch_norm(h, bn2_gamma, bn2_beta)
    h = jax.nn.relu(h)
    h = h @ W_lin + b_lin
    h = jax.nn.relu(h)
    return h

if __name__ == "__main__":
    import jax
    _d = setup_inputs()
    print(jax.jit(kernel)(*tuple(_d.values())))

</pallas_src>

<mosaic_0001>
#map = affine_map<(d0, d1) -> (0)>
module attributes {stable_mosaic.version = 14 : i64} {
  func.func @kern(%arg0: i32, %arg1: i32, %arg2: memref<1600000xi32, #tpu.memory_space<hbm>>, %arg3: memref<1600000xi32, #tpu.memory_space<hbm>>, %arg4: memref<100000xf32, #tpu.memory_space<hbm>>, %arg5: memref<100000xf32, #tpu.memory_space<hbm>>, %arg6: memref<1600000xf32, #tpu.memory_space<hbm>>, %arg7: memref<1600000xf32, #tpu.memory_space<hbm>>, %arg8: memref<100000xf32, #tpu.memory_space<vmem>>, %arg9: memref<400xi32, #tpu.memory_space<vmem>>, %arg10: memref<400xf32, #tpu.memory_space<vmem>>) attributes {dimension_semantics = [#tpu.dimension_semantics<core_parallel>, #tpu.dimension_semantics<subcore_parallel>], iteration_bounds = array<i64: 2, 16>, scalar_prefetch = 0 : i64, scratch_operands = 3 : i64, tpu.core_type = #tpu.core_type<sc_vector_subcore>, window_params = [{transform_indices = #map}, {transform_indices = #map}, {transform_indices = #map}, {transform_indices = #map}, {transform_indices = #map}, {transform_indices = #map}]} {
    %mul3A = arith.constant 16 : i32
    %mul3A_0 = arith.muli %arg0, %mul3A : i32
    %add3A = arith.addi %mul3A_0, %arg1 : i32
    %mul3A_1 = arith.constant 50000 : i32
    %mul3A_2 = arith.muli %add3A, %mul3A_1 : i32
    "tpu.region"() ({
      %run_scoped3A = tpu.sem_alloc : memref<!tpu.dma_semaphore, #tpu.memory_space<semaphore_mem>>
      tpu.enqueue_dma source(%arg4 : memref<100000xf32, #tpu.memory_space<hbm>>) target(%arg8 : memref<100000xf32, #tpu.memory_space<vmem>>) target_semaphore(%run_scoped3A : memref<!tpu.dma_semaphore, #tpu.memory_space<semaphore_mem>>)
      tpu.wait_dma2 semaphore(%run_scoped3A : memref<!tpu.dma_semaphore, #tpu.memory_space<semaphore_mem>>) src(%arg4 : memref<100000xf32, #tpu.memory_space<hbm>>) dst(%arg8 : memref<100000xf32, #tpu.memory_space<vmem>>)
      tpu.yield
    }) : () -> ()
    %scan3A = arith.constant 0 : i32
    %scan3A_3 = arith.constant 125 : i32
    %scan3A_4 = arith.addi %scan3A, %scan3A_3 : i32
    %scan3A_5 = arith.constant 1 : i32
    scf.for %scan3A_12 = %scan3A to %scan3A_4 step %scan3A_5  : i32 {
      %mul3A_13 = arith.constant 1 : i32
      %mul3A_14 = arith.muli %scan3A_12, %mul3A_13 : i32
      %add3A_15 = arith.constant 0 : i32
      %add3A_16 = arith.addi %add3A_15, %mul3A_14 : i32
      %mul3A_17 = arith.constant 400 : i32
      %mul3A_18 = arith.muli %add3A_16, %mul3A_17 : i32
      %add3A_19 = arith.addi %mul3A_2, %mul3A_18 : i32
      "tpu.region"() ({
        %run_scoped3A = tpu.sem_alloc : memref<!tpu.dma_semaphore, #tpu.memory_space<semaphore_mem>>
        %dma_start3A = tpu.memref_slice %arg2[%add3A_19] : memref<1600000xi32, #tpu.memory_space<hbm>> -> memref<400xi32, #tpu.memory_space<hbm>>
        %dma_start3A_25 = tpu.memref_slice %arg2[%add3A_19] : memref<1600000xi32, #tpu.memory_space<hbm>> -> memref<400xi32, #tpu.memory_space<hbm>>
        tpu.enqueue_dma source(%dma_start3A_25 : memref<400xi32, #tpu.memory_space<hbm>>) target(%arg9 : memref<400xi32, #tpu.memory_space<vmem>>) target_semaphore(%run_scoped3A : memref<!tpu.dma_semaphore, #tpu.memory_space<semaphore_mem>>)
        %dma_wait3A = tpu.memref_slice %arg2[%add3A_19] : memref<1600000xi32, #tpu.memory_space<hbm>> -> memref<400xi32, #tpu.memory_space<hbm>>
        %dma_wait3A_26 = tpu.memref_slice %arg2[%add3A_19] : memref<1600000xi32, #tpu.memory_space<hbm>> -> memref<400xi32, #tpu.memory_space<hbm>>
        tpu.wait_dma2 semaphore(%run_scoped3A : memref<!tpu.dma_semaphore, #tpu.memory_space<semaphore_mem>>) src(%dma_wait3A_26 : memref<400xi32, #tpu.memory_space<hbm>>) dst(%arg9 : memref<400xi32, #tpu.memory_space<vmem>>)
        tpu.yield
      }) : () -> ()
      %scan3A_20 = arith.constant 0 : i32
      %scan3A_21 = arith.constant 25 : i32
      %scan3A_22 = arith.addi %scan3A_20, %scan3A_21 : i32
      %scan3A_23 = arith.constant 1 : i32
      scf.for %scan3A_25 = %scan3A_20 to %scan3A_22 step %scan3A_23  : i32 {
        %mul3A_26 = arith.constant 1 : i32
        %mul3A_27 = arith.muli %scan3A_25, %mul3A_26 : i32
        %add3A_28 = arith.constant 0 : i32
        %add3A_29 = arith.addi %add3A_28, %mul3A_27 : i32
        %mul3A_30 = arith.constant 16 : i32
        %mul3A_31 = arith.muli %add3A_29, %mul3A_30 : i32
        %get3A = arith.index_cast %mul3A_31 : i32 to index
        %get3A_32 = tpu.vector_load %arg9[%get3A] {strides = array<i32>} : memref<400xi32, #tpu.memory_space<vmem>>, vector<16xi32>,
        %gather3A = tpu.vector_load_idx %arg8[%get3A_32] : memref<100000xf32, #tpu.memory_space<vmem>>[vector<16xi32>], vector<16xf32>,
        %mul3A_33 = arith.constant 16 : i32
        %mul3A_34 = arith.muli %add3A_29, %mul3A_33 : i32
        %swap3A = arith.index_cast %mul3A_34 : i32 to index
        %swap3A_35 = tpu.vector_load %arg10[%swap3A] {strides = array<i32>} : memref<400xf32, #tpu.memory_space<vmem>>, vector<16xf32>,
        tpu.vector_store %arg10[%swap3A], %gather3A {strides = array<i32>} : memref<400xf32, #tpu.memory_space<vmem>>, vector<16xf32>,
      }
      %scan3A_24 = arith.constant 25 : i32
      "tpu.region"() ({
        %run_scoped3A = tpu.sem_alloc : memref<!tpu.dma_semaphore, #tpu.memory_space<semaphore_mem>>
        %dma_start3A = tpu.memref_slice %arg7[%add3A_19] : memref<1600000xf32, #tpu.memory_space<hbm>> -> memref<400xf32, #tpu.memory_space<hbm>>
        %dma_start3A_25 = tpu.memref_slice %arg7[%add3A_19] : memref<1600000xf32, #tpu.memory_space<hbm>> -> memref<400xf32, #tpu.memory_space<hbm>>
        tpu.enqueue_dma source(%arg10 : memref<400xf32, #tpu.memory_space<vmem>>) target(%dma_start3A_25 : memref<400xf32, #tpu.memory_space<hbm>>) target_semaphore(%run_scoped3A : memref<!tpu.dma_semaphore, #tpu.memory_space<semaphore_mem>>)
        %dma_wait3A = tpu.memref_slice %arg7[%add3A_19] : memref<1600000xf32, #tpu.memory_space<hbm>> -> memref<400xf32, #tpu.memory_space<hbm>>
        %dma_wait3A_26 = tpu.memref_slice %arg7[%add3A_19] : memref<1600000xf32, #tpu.memory_space<hbm>> -> memref<400xf32, #tpu.memory_space<hbm>>
        tpu.wait_dma2 semaphore(%run_scoped3A : memref<!tpu.dma_semaphore, #tpu.memory_space<semaphore_mem>>) src(%arg10 : memref<400xf32, #tpu.memory_space<vmem>>) dst(%dma_wait3A_26 : memref<400xf32, #tpu.memory_space<hbm>>)
        tpu.yield
      }) : () -> ()
    }
    %scan3A_6 = arith.constant 125 : i32
    "tpu.region"() ({
      %run_scoped3A = tpu.sem_alloc : memref<!tpu.dma_semaphore, #tpu.memory_space<semaphore_mem>>
      tpu.enqueue_dma source(%arg5 : memref<100000xf32, #tpu.memory_space<hbm>>) target(%arg8 : memref<100000xf32, #tpu.memory_space<vmem>>) target_semaphore(%run_scoped3A : memref<!tpu.dma_semaphore, #tpu.memory_space<semaphore_mem>>)
      tpu.wait_dma2 semaphore(%run_scoped3A : memref<!tpu.dma_semaphore, #tpu.memory_space<semaphore_mem>>) src(%arg5 : memref<100000xf32, #tpu.memory_space<hbm>>) dst(%arg8 : memref<100000xf32, #tpu.memory_space<vmem>>)
      tpu.yield
    }) : () -> ()
    %scan3A_7 = arith.constant 0 : i32
    %scan3A_8 = arith.constant 125 : i32
    %scan3A_9 = arith.addi %scan3A_7, %scan3A_8 : i32
    %scan3A_10 = arith.constant 1 : i32
    scf.for %scan3A_12 = %scan3A_7 to %scan3A_9 step %scan3A_10  : i32 {
      %mul3A_13 = arith.constant 1 : i32
      %mul3A_14 = arith.muli %scan3A_12, %mul3A_13 : i32
      %add3A_15 = arith.constant 0 : i32
      %add3A_16 = arith.addi %add3A_15, %mul3A_14 : i32
      %mul3A_17 = arith.constant 400 : i32
      %mul3A_18 = arith.muli %add3A_16, %mul3A_17 : i32
      %add3A_19 = arith.addi %mul3A_2, %mul3A_18 : i32
      "tpu.region"() ({
        %run_scoped3A = tpu.sem_alloc : memref<!tpu.dma_semaphore, #tpu.memory_space<semaphore_mem>>
        %dma_start3A = tpu.memref_slice %arg3[%add3A_19] : memref<1600000xi32, #tpu.memory_space<hbm>> -> memref<400xi32, #tpu.memory_space<hbm>>
        %dma_start3A_25 = tpu.memref_slice %arg3[%add3A_19] : memref<1600000xi32, #tpu.memory_space<hbm>> -> memref<400xi32, #tpu.memory_space<hbm>>
        tpu.enqueue_dma source(%dma_start3A_25 : memref<400xi32, #tpu.memory_space<hbm>>) target(%arg9 : memref<400xi32, #tpu.memory_space<vmem>>) target_semaphore(%run_scoped3A : memref<!tpu.dma_semaphore, #tpu.memory_space<semaphore_mem>>)
        %dma_wait3A = tpu.memref_slice %arg3[%add3A_19] : memref<1600000xi32, #tpu.memory_space<hbm>> -> memref<400xi32, #tpu.memory_space<hbm>>
        %dma_wait3A_26 = tpu.memref_slice %arg3[%add3A_19] : memref<1600000xi32, #tpu.memory_space<hbm>> -> memref<400xi32, #tpu.memory_space<hbm>>
        tpu.wait_dma2 semaphore(%run_scoped3A : memref<!tpu.dma_semaphore, #tpu.memory_space<semaphore_mem>>) src(%dma_wait3A_26 : memref<400xi32, #tpu.memory_space<hbm>>) dst(%arg9 : memref<400xi32, #tpu.memory_space<vmem>>)
        tpu.yield
      }) : () -> ()
      "tpu.region"() ({
        %run_scoped3A = tpu.sem_alloc : memref<!tpu.dma_semaphore, #tpu.memory_space<semaphore_mem>>
        %dma_start3A = tpu.memref_slice %arg7[%add3A_19] : memref<1600000xf32, #tpu.memory_space<hbm>> -> memref<400xf32, #tpu.memory_space<hbm>>
        %dma_start3A_25 = tpu.memref_slice %arg7[%add3A_19] : memref<1600000xf32, #tpu.memory_space<hbm>> -> memref<400xf32, #tpu.memory_space<hbm>>
        tpu.enqueue_dma source(%dma_start3A_25 : memref<400xf32, #tpu.memory_space<hbm>>) target(%arg10 : memref<400xf32, #tpu.memory_space<vmem>>) target_semaphore(%run_scoped3A : memref<!tpu.dma_semaphore, #tpu.memory_space<semaphore_mem>>)
        %dma_wait3A = tpu.memref_slice %arg7[%add3A_19] : memref<1600000xf32, #tpu.memory_space<hbm>> -> memref<400xf32, #tpu.memory_space<hbm>>
        %dma_wait3A_26 = tpu.memref_slice %arg7[%add3A_19] : memref<1600000xf32, #tpu.memory_space<hbm>> -> memref<400xf32, #tpu.memory_space<hbm>>
        tpu.wait_dma2 semaphore(%run_scoped3A : memref<!tpu.dma_semaphore, #tpu.memory_space<semaphore_mem>>) src(%dma_wait3A_26 : memref<400xf32, #tpu.memory_space<hbm>>) dst(%arg10 : memref<400xf32, #tpu.memory_space<vmem>>)
        tpu.yield
      }) : () -> ()
      %scan3A_20 = arith.constant 0 : i32
      %scan3A_21 = arith.constant 25 : i32
      %scan3A_22 = arith.addi %scan3A_20, %scan3A_21 : i32
      %scan3A_23 = arith.constant 1 : i32
      scf.for %scan3A_25 = %scan3A_20 to %scan3A_22 step %scan3A_23  : i32 {
        %mul3A_26 = arith.constant 1 : i32
        %mul3A_27 = arith.muli %scan3A_25, %mul3A_26 : i32
        %add3A_28 = arith.constant 0 : i32
        %add3A_29 = arith.addi %add3A_28, %mul3A_27 : i32
        %mul3A_30 = arith.constant 16 : i32
        %mul3A_31 = arith.muli %add3A_29, %mul3A_30 : i32
        %get3A = arith.index_cast %mul3A_31 : i32 to index
        %get3A_32 = tpu.vector_load %arg9[%get3A] {strides = array<i32>} : memref<400xi32, #tpu.memory_space<vmem>>, vector<16xi32>,
        %gather3A = tpu.vector_load_idx %arg8[%get3A_32] : memref<100000xf32, #tpu.memory_space<vmem>>[vector<16xi32>], vector<16xf32>,
        %mul3A_33 = arith.constant 16 : i32
        %mul3A_34 = arith.muli %add3A_29, %mul3A_33 : i32
        %get3A_35 = arith.index_cast %mul3A_34 : i32 to index
        %get3A_36 = tpu.vector_load %arg10[%get3A_35] {strides = array<i32>} : memref<400xf32, #tpu.memory_space<vmem>>, vector<16xf32>,
        %add3A_37 = arith.addf %get3A_36, %gather3A : vector<16xf32>
        %mul3A_38 = arith.constant 2.000000e-01 : f32
        %mul3A_39 = vector.broadcast %mul3A_38 : f32 to vector<16xf32>
        %mul3A_40 = arith.mulf %mul3A_39, %add3A_37 : vector<16xf32>
        %max3A = arith.maximumf %add3A_37, %mul3A_40 : vector<16xf32>
        %mul3A_41 = arith.constant 16 : i32
        %mul3A_42 = arith.muli %add3A_29, %mul3A_41 : i32
        %swap3A = arith.index_cast %mul3A_42 : i32 to index
        %swap3A_43 = tpu.vector_load %arg10[%swap3A] {strides = array<i32>} : memref<400xf32, #tpu.memory_space<vmem>>, vector<16xf32>,
        tpu.vector_store %arg10[%swap3A], %max3A {strides = array<i32>} : memref<400xf32, #tpu.memory_space<vmem>>, vector<16xf32>,
      }
      %scan3A_24 = arith.constant 25 : i32
      "tpu.region"() ({
        %run_scoped3A = tpu.sem_alloc : memref<!tpu.dma_semaphore, #tpu.memory_space<semaphore_mem>>
        %dma_start3A = tpu.memref_slice %arg6[%add3A_19] : memref<1600000xf32, #tpu.memory_space<hbm>> -> memref<400xf32, #tpu.memory_space<hbm>>
        %dma_start3A_25 = tpu.memref_slice %arg6[%add3A_19] : memref<1600000xf32, #tpu.memory_space<hbm>> -> memref<400xf32, #tpu.memory_space<hbm>>
        tpu.enqueue_dma source(%arg10 : memref<400xf32, #tpu.memory_space<vmem>>) target(%dma_start3A_25 : memref<400xf32, #tpu.memory_space<hbm>>) target_semaphore(%run_scoped3A : memref<!tpu.dma_semaphore, #tpu.memory_space<semaphore_mem>>)
        %dma_wait3A = tpu.memref_slice %arg6[%add3A_19] : memref<1600000xf32, #tpu.memory_space<hbm>> -> memref<400xf32, #tpu.memory_space<hbm>>
        %dma_wait3A_26 = tpu.memref_slice %arg6[%add3A_19] : memref<1600000xf32, #tpu.memory_space<hbm>> -> memref<400xf32, #tpu.memory_space<hbm>>
        tpu.wait_dma2 semaphore(%run_scoped3A : memref<!tpu.dma_semaphore, #tpu.memory_space<semaphore_mem>>) src(%arg10 : memref<400xf32, #tpu.memory_space<vmem>>) dst(%dma_wait3A_26 : memref<400xf32, #tpu.memory_space<hbm>>)
        tpu.yield
      }) : () -> ()
    }
    %scan3A_11 = arith.constant 125 : i32
    return
  }
}

#map = affine_map<(d0, d1) -> (0)>
module attributes {stable_mosaic.version = 14 : i64} {
  func.func @kern(%arg0: i32, %arg1: i32, %arg2: memref<1600000xi32, #tpu.memory_space<hbm>>, %arg3: memref<1600000xi32, #tpu.memory_space<hbm>>, %arg4: memref<100000xf32, #tpu.memory_space<hbm>>, %arg5: memref<100000xf32, #tpu.memory_space<hbm>>, %arg6: memref<1600000xf32, #tpu.memory_space<hbm>>, %arg7: memref<1600000xf32, #tpu.memory_space<hbm>>, %arg8: memref<100000xf32, #tpu.memory_space<vmem>>, %arg9: memref<400xi32, #tpu.memory_space<vmem>>, %arg10: memref<400xf32, #tpu.memory_space<vmem>>) attributes {dimension_semantics = [#tpu.dimension_semantics<core_parallel>, #tpu.dimension_semantics<subcore_parallel>], iteration_bounds = array<i64: 2, 16>, scalar_prefetch = 0 : i64, scratch_operands = 3 : i64, tpu.core_type = #tpu.core_type<sc_vector_subcore>, window_params = [{transform_indices = #map}, {transform_indices = #map}, {transform_indices = #map}, {transform_indices = #map}, {transform_indices = #map}, {transform_indices = #map}]} {
    %mul3A = arith.constant 16 : i32
    %mul3A_0 = arith.muli %arg0, %mul3A : i32
    %add3A = arith.addi %mul3A_0, %arg1 : i32
    %mul3A_1 = arith.constant 50000 : i32
    %mul3A_2 = arith.muli %add3A, %mul3A_1 : i32
    "tpu.region"() ({
      %run_scoped3A = tpu.sem_alloc : memref<!tpu.dma_semaphore, #tpu.memory_space<semaphore_mem>>
      tpu.enqueue_dma source(%arg4 : memref<100000xf32, #tpu.memory_space<hbm>>) target(%arg8 : memref<100000xf32, #tpu.memory_space<vmem>>) target_semaphore(%run_scoped3A : memref<!tpu.dma_semaphore, #tpu.memory_space<semaphore_mem>>)
      tpu.wait_dma2 semaphore(%run_scoped3A : memref<!tpu.dma_semaphore, #tpu.memory_space<semaphore_mem>>) src(%arg4 : memref<100000xf32, #tpu.memory_space<hbm>>) dst(%arg8 : memref<100000xf32, #tpu.memory_space<vmem>>)
      tpu.yield
    }) : () -> ()
    %scan3A = arith.constant 0 : i32
    %scan3A_3 = arith.constant 125 : i32
    %scan3A_4 = arith.addi %scan3A, %scan3A_3 : i32
    %scan3A_5 = arith.constant 1 : i32
    scf.for %scan3A_12 = %scan3A to %scan3A_4 step %scan3A_5  : i32 {
      %mul3A_13 = arith.constant 1 : i32
      %mul3A_14 = arith.muli %scan3A_12, %mul3A_13 : i32
      %add3A_15 = arith.constant 0 : i32
      %add3A_16 = arith.addi %add3A_15, %mul3A_14 : i32
      %mul3A_17 = arith.constant 400 : i32
      %mul3A_18 = arith.muli %add3A_16, %mul3A_17 : i32
      %add3A_19 = arith.addi %mul3A_2, %mul3A_18 : i32
      "tpu.region"() ({
        %run_scoped3A = tpu.sem_alloc : memref<!tpu.dma_semaphore, #tpu.memory_space<semaphore_mem>>
        %dma_start3A = tpu.memref_slice %arg2[%add3A_19] : memref<1600000xi32, #tpu.memory_space<hbm>> -> memref<400xi32, #tpu.memory_space<hbm>>
        %dma_start3A_25 = tpu.memref_slice %arg2[%add3A_19] : memref<1600000xi32, #tpu.memory_space<hbm>> -> memref<400xi32, #tpu.memory_space<hbm>>
        tpu.enqueue_dma source(%dma_start3A_25 : memref<400xi32, #tpu.memory_space<hbm>>) target(%arg9 : memref<400xi32, #tpu.memory_space<vmem>>) target_semaphore(%run_scoped3A : memref<!tpu.dma_semaphore, #tpu.memory_space<semaphore_mem>>)
        %dma_wait3A = tpu.memref_slice %arg2[%add3A_19] : memref<1600000xi32, #tpu.memory_space<hbm>> -> memref<400xi32, #tpu.memory_space<hbm>>
        %dma_wait3A_26 = tpu.memref_slice %arg2[%add3A_19] : memref<1600000xi32, #tpu.memory_space<hbm>> -> memref<400xi32, #tpu.memory_space<hbm>>
        tpu.wait_dma2 semaphore(%run_scoped3A : memref<!tpu.dma_semaphore, #tpu.memory_space<semaphore_mem>>) src(%dma_wait3A_26 : memref<400xi32, #tpu.memory_space<hbm>>) dst(%arg9 : memref<400xi32, #tpu.memory_space<vmem>>)
        tpu.yield
      }) : () -> ()
      %scan3A_20 = arith.constant 0 : i32
      %scan3A_21 = arith.constant 25 : i32
      %scan3A_22 = arith.addi %scan3A_20, %scan3A_21 : i32
      %scan3A_23 = arith.constant 1 : i32
      scf.for %scan3A_25 = %scan3A_20 to %scan3A_22 step %scan3A_23  : i32 {
        %mul3A_26 = arith.constant 1 : i32
        %mul3A_27 = arith.muli %scan3A_25, %mul3A_26 : i32
        %add3A_28 = arith.constant 0 : i32
        %add3A_29 = arith.addi %add3A_28, %mul3A_27 : i32
        %mul3A_30 = arith.constant 16 : i32
        %mul3A_31 = arith.muli %add3A_29, %mul3A_30 : i32
        %get3A = arith.index_cast %mul3A_31 : i32 to index
        %get3A_32 = tpu.vector_load %arg9[%get3A] {strides = array<i32>} : memref<400xi32, #tpu.memory_space<vmem>>, vector<16xi32>,
        %gather3A = tpu.vector_load_idx %arg8[%get3A_32] : memref<100000xf32, #tpu.memory_space<vmem>>[vector<16xi32>], vector<16xf32>,
        %mul3A_33 = arith.constant 16 : i32
        %mul3A_34 = arith.muli %add3A_29, %mul3A_33 : i32
        %swap3A = arith.index_cast %mul3A_34 : i32 to index
        %swap3A_35 = tpu.vector_load %arg10[%swap3A] {strides = array<i32>} : memref<400xf32, #tpu.memory_space<vmem>>, vector<16xf32>,
        tpu.vector_store %arg10[%swap3A], %gather3A {strides = array<i32>} : memref<400xf32, #tpu.memory_space<vmem>>, vector<16xf32>,
      }
      %scan3A_24 = arith.constant 25 : i32
      "tpu.region"() ({
        %run_scoped3A = tpu.sem_alloc : memref<!tpu.dma_semaphore, #tpu.memory_space<semaphore_mem>>
        %dma_start3A = tpu.memref_slice %arg7[%add3A_19] : memref<1600000xf32, #tpu.memory_space<hbm>> -> memref<400xf32, #tpu.memory_space<hbm>>
        %dma_start3A_25 = tpu.memref_slice %arg7[%add3A_19] : memref<1600000xf32, #tpu.memory_space<hbm>> -> memref<400xf32, #tpu.memory_space<hbm>>
        tpu.enqueue_dma source(%arg10 : memref<400xf32, #tpu.memory_space<vmem>>) target(%dma_start3A_25 : memref<400xf32, #tpu.memory_space<hbm>>) target_semaphore(%run_scoped3A : memref<!tpu.dma_semaphore, #tpu.memory_space<semaphore_mem>>)
        %dma_wait3A = tpu.memref_slice %arg7[%add3A_19] : memref<1600000xf32, #tpu.memory_space<hbm>> -> memref<400xf32, #tpu.memory_space<hbm>>
        %dma_wait3A_26 = tpu.memref_slice %arg7[%add3A_19] : memref<1600000xf32, #tpu.memory_space<hbm>> -> memref<400xf32, #tpu.memory_space<hbm>>
        tpu.wait_dma2 semaphore(%run_scoped3A : memref<!tpu.dma_semaphore, #tpu.memory_space<semaphore_mem>>) src(%arg10 : memref<400xf32, #tpu.memory_space<vmem>>) dst(%dma_wait3A_26 : memref<400xf32, #tpu.memory_space<hbm>>)
        tpu.yield
      }) : () -> ()
    }
    %scan3A_6 = arith.constant 125 : i32
    "tpu.region"() ({
      %run_scoped3A = tpu.sem_alloc : memref<!tpu.dma_semaphore, #tpu.memory_space<semaphore_mem>>
      tpu.enqueue_dma source(%arg5 : memref<100000xf32, #tpu.memory_space<hbm>>) target(%arg8 : memref<100000xf32, #tpu.memory_space<vmem>>) target_semaphore(%run_scoped3A : memref<!tpu.dma_semaphore, #tpu.memory_space<semaphore_mem>>)
      tpu.wait_dma2 semaphore(%run_scoped3A : memref<!tpu.dma_semaphore, #tpu.memory_space<semaphore_mem>>) src(%arg5 : memref<100000xf32, #tpu.memory_space<hbm>>) dst(%arg8 : memref<100000xf32, #tpu.memory_space<vmem>>)
      tpu.yield
    }) : () -> ()
    %scan3A_7 = arith.constant 0 : i32
    %scan3A_8 = arith.constant 125 : i32
    %scan3A_9 = arith.addi %scan3A_7, %scan3A_8 : i32
    %scan3A_10 = arith.constant 1 : i32
    scf.for %scan3A_12 = %scan3A_7 to %scan3A_9 step %scan3A_10  : i32 {
      %mul3A_13 = arith.constant 1 : i32
      %mul3A_14 = arith.muli %scan3A_12, %mul3A_13 : i32
      %add3A_15 = arith.constant 0 : i32
      %add3A_16 = arith.addi %add3A_15, %mul3A_14 : i32
      %mul3A_17 = arith.constant 400 : i32
      %mul3A_18 = arith.muli %add3A_16, %mul3A_17 : i32
      %add3A_19 = arith.addi %mul3A_2, %mul3A_18 : i32
      "tpu.region"() ({
        %run_scoped3A = tpu.sem_alloc : memref<!tpu.dma_semaphore, #tpu.memory_space<semaphore_mem>>
        %dma_start3A = tpu.memref_slice %arg3[%add3A_19] : memref<1600000xi32, #tpu.memory_space<hbm>> -> memref<400xi32, #tpu.memory_space<hbm>>
        %dma_start3A_25 = tpu.memref_slice %arg3[%add3A_19] : memref<1600000xi32, #tpu.memory_space<hbm>> -> memref<400xi32, #tpu.memory_space<hbm>>
        tpu.enqueue_dma source(%dma_start3A_25 : memref<400xi32, #tpu.memory_space<hbm>>) target(%arg9 : memref<400xi32, #tpu.memory_space<vmem>>) target_semaphore(%run_scoped3A : memref<!tpu.dma_semaphore, #tpu.memory_space<semaphore_mem>>)
        %dma_wait3A = tpu.memref_slice %arg3[%add3A_19] : memref<1600000xi32, #tpu.memory_space<hbm>> -> memref<400xi32, #tpu.memory_space<hbm>>
        %dma_wait3A_26 = tpu.memref_slice %arg3[%add3A_19] : memref<1600000xi32, #tpu.memory_space<hbm>> -> memref<400xi32, #tpu.memory_space<hbm>>
        tpu.wait_dma2 semaphore(%run_scoped3A : memref<!tpu.dma_semaphore, #tpu.memory_space<semaphore_mem>>) src(%dma_wait3A_26 : memref<400xi32, #tpu.memory_space<hbm>>) dst(%arg9 : memref<400xi32, #tpu.memory_space<vmem>>)
        tpu.yield
      }) : () -> ()
      "tpu.region"() ({
        %run_scoped3A = tpu.sem_alloc : memref<!tpu.dma_semaphore, #tpu.memory_space<semaphore_mem>>
        %dma_start3A = tpu.memref_slice %arg7[%add3A_19] : memref<1600000xf32, #tpu.memory_space<hbm>> -> memref<400xf32, #tpu.memory_space<hbm>>
        %dma_start3A_25 = tpu.memref_slice %arg7[%add3A_19] : memref<1600000xf32, #tpu.memory_space<hbm>> -> memref<400xf32, #tpu.memory_space<hbm>>
        tpu.enqueue_dma source(%dma_start3A_25 : memref<400xf32, #tpu.memory_space<hbm>>) target(%arg10 : memref<400xf32, #tpu.memory_space<vmem>>) target_semaphore(%run_scoped3A : memref<!tpu.dma_semaphore, #tpu.memory_space<semaphore_mem>>)
        %dma_wait3A = tpu.memref_slice %arg7[%add3A_19] : memref<1600000xf32, #tpu.memory_space<hbm>> -> memref<400xf32, #tpu.memory_space<hbm>>
        %dma_wait3A_26 = tpu.memref_slice %arg7[%add3A_19] : memref<1600000xf32, #tpu.memory_space<hbm>> -> memref<400xf32, #tpu.memory_space<hbm>>
        tpu.wait_dma2 semaphore(%run_scoped3A : memref<!tpu.dma_semaphore, #tpu.memory_space<semaphore_mem>>) src(%dma_wait3A_26 : memref<400xf32, #tpu.memory_space<hbm>>) dst(%arg10 : memref<400xf32, #tpu.memory_space<vmem>>)
        tpu.yield
      }) : () -> ()
      %scan3A_20 = arith.constant 0 : i32
      %scan3A_21 = arith.constant 25 : i32
      %scan3A_22 = arith.addi %scan3A_20, %scan3A_21 : i32
      %scan3A_23 = arith.constant 1 : i32
      scf.for %scan3A_25 = %scan3A_20 to %scan3A_22 step %scan3A_23  : i32 {
        %mul3A_26 = arith.constant 1 : i32
        %mul3A_27 = arith.muli %scan3A_25, %mul3A_26 : i32
        %add3A_28 = arith.constant 0 : i32
        %add3A_29 = arith.addi %add3A_28, %mul3A_27 : i32
        %mul3A_30 = arith.constant 16 : i32
        %mul3A_31 = arith.muli %add3A_29, %mul3A_30 : i32
        %get3A = arith.index_cast %mul3A_31 : i32 to index
        %get3A_32 = tpu.vector_load %arg9[%get3A] {strides = array<i32>} : memref<400xi32, #tpu.memory_space<vmem>>, vector<16xi32>,
        %gather3A = tpu.vector_load_idx %arg8[%get3A_32] : memref<100000xf32, #tpu.memory_space<vmem>>[vector<16xi32>], vector<16xf32>,
        %mul3A_33 = arith.constant 16 : i32
        %mul3A_34 = arith.muli %add3A_29, %mul3A_33 : i32
        %get3A_35 = arith.index_cast %mul3A_34 : i32 to index
        %get3A_36 = tpu.vector_load %arg10[%get3A_35] {strides = array<i32>} : memref<400xf32, #tpu.memory_space<vmem>>, vector<16xf32>,
        %add3A_37 = arith.addf %get3A_36, %gather3A : vector<16xf32>
        %mul3A_38 = arith.constant 2.000000e-01 : f32
        %mul3A_39 = vector.broadcast %mul3A_38 : f32 to vector<16xf32>
        %mul3A_40 = arith.mulf %mul3A_39, %add3A_37 : vector<16xf32>
        %max3A = arith.maximumf %add3A_37, %mul3A_40 : vector<16xf32>
        %mul3A_41 = arith.constant 16 : i32
        %mul3A_42 = arith.muli %add3A_29, %mul3A_41 : i32
        %swap3A = arith.index_cast %mul3A_42 : i32 to index
        %swap3A_43 = tpu.vector_load %arg10[%swap3A] {strides = array<i32>} : memref<400xf32, #tpu.memory_space<vmem>>, vector<16xf32>,
        tpu.vector_store %arg10[%swap3A], %max3A {strides = array<i32>} : memref<400xf32, #tpu.memory_space<vmem>>, vector<16xf32>,
      }
      %scan3A_24 = arith.constant 25 : i32
      "tpu.region"() ({
        %run_scoped3A = tpu.sem_alloc : memref<!tpu.dma_semaphore, #tpu.memory_space<semaphore_mem>>
        %dma_start3A = tpu.memref_slice %arg6[%add3A_19] : memref<1600000xf32, #tpu.memory_space<hbm>> -> memref<400xf32, #tpu.memory_space<hbm>>
        %dma_start3A_25 = tpu.memref_slice %arg6[%add3A_19] : memref<1600000xf32, #tpu.memory_space<hbm>> -> memref<400xf32, #tpu.memory_space<hbm>>
        tpu.enqueue_dma source(%arg10 : memref<400xf32, #tpu.memory_space<vmem>>) target(%dma_start3A_25 : memref<400xf32, #tpu.memory_space<hbm>>) target_semaphore(%run_scoped3A : memref<!tpu.dma_semaphore, #tpu.memory_space<semaphore_mem>>)
        %dma_wait3A = tpu.memref_slice %arg6[%add3A_19] : memref<1600000xf32, #tpu.memory_space<hbm>> -> memref<400xf32, #tpu.memory_space<hbm>>
        %dma_wait3A_26 = tpu.memref_slice %arg6[%add3A_19] : memref<1600000xf32, #tpu.memory_space<hbm>> -> memref<400xf32, #tpu.memory_space<hbm>>
        tpu.wait_dma2 semaphore(%run_scoped3A : memref<!tpu.dma_semaphore, #tpu.memory_space<semaphore_mem>>) src(%arg10 : memref<400xf32, #tpu.memory_space<vmem>>) dst(%dma_wait3A_26 : memref<400xf32, #tpu.memory_space<hbm>>)
        tpu.yield
      }) : () -> ()
    }
    %scan3A_11 = arith.constant 125 : i32
    return
  }
}

module attributes {stable_mosaic.version = 14 : i64} {
  func.func @_d1_body(%arg0: i32, %arg1: memref<2000x2xf32, #tpu.memory_space<vmem>>, %arg2: memref<2x64xf32, #tpu.memory_space<vmem>>, %arg3: memref<64xf32, #tpu.memory_space<vmem>>, %arg4: memref<64xf32, #tpu.memory_space<vmem>>, %arg5: memref<2000x64xf32, #tpu.memory_space<vmem>>, %arg6: memref<2000x1xf32, #tpu.memory_space<vmem>>, %arg7: memref<2000x1xf32, #tpu.memory_space<vmem>>) attributes {dimension_semantics = [#tpu.dimension_semantics<arbitrary>], iteration_bounds = array<i64: 50>, scalar_prefetch = 0 : i64, scratch_operands = 0 : i64, tpu.core_type = #tpu.core_type<tc>, window_params = [{transform_indices = @transform_0, window_bounds = array<i64: 2000, 2>}, {pipeline_mode = #tpu.pipeline_mode<synchronous>, transform_indices = @transform_1, window_bounds = array<i64: 2, 64>}, {pipeline_mode = #tpu.pipeline_mode<synchronous>, transform_indices = @transform_2, window_bounds = array<i64: 64>}, {pipeline_mode = #tpu.pipeline_mode<synchronous>, transform_indices = @transform_3, window_bounds = array<i64: 64>}, {transform_indices = @transform_4, window_bounds = array<i64: 2000, 64>}, {transform_indices = @transform_5, window_bounds = array<i64: 2000, 1>}, {transform_indices = @transform_6, window_bounds = array<i64: 2000, 1>}]} {
    %get3A = arith.constant 0 : index
    %get3A_0 = arith.constant 0 : index
    %get3A_1 = vector.load %arg1[%get3A, %get3A_0] : memref<2000x2xf32, #tpu.memory_space<vmem>>, vector<2000x2xf32>
    %get3A_2 = arith.constant 0 : index
    %get3A_3 = arith.constant 0 : index
    %get3A_4 = vector.load %arg2[%get3A_2, %get3A_3] : memref<2x64xf32, #tpu.memory_space<vmem>>, vector<2x64xf32>
    %slice3A = vector.extract_strided_slice %get3A_1 {offsets = [0, 0], sizes = [2000, 1], strides = [1, 1]} : vector<2000x2xf32> to vector<2000x1xf32>
    %slice3A_5 = vector.extract_strided_slice %get3A_4 {offsets = [0, 0], sizes = [1, 64], strides = [1, 1]} : vector<2x64xf32> to vector<1x64xf32>
    %mul3A = vector.broadcast %slice3A : vector<2000x1xf32> to vector<2000x64xf32>
    %mul3A_6 = vector.broadcast %slice3A_5 : vector<1x64xf32> to vector<2000x64xf32>
    %mul3A_7 = arith.mulf %mul3A, %mul3A_6 : vector<2000x64xf32>
    %slice3A_8 = vector.extract_strided_slice %get3A_1 {offsets = [0, 1], sizes = [2000, 1], strides = [1, 1]} : vector<2000x2xf32> to vector<2000x1xf32>
    %slice3A_9 = vector.extract_strided_slice %get3A_4 {offsets = [1, 0], sizes = [1, 64], strides = [1, 1]} : vector<2x64xf32> to vector<1x64xf32>
    %mul3A_10 = vector.broadcast %slice3A_8 : vector<2000x1xf32> to vector<2000x64xf32>
    %mul3A_11 = vector.broadcast %slice3A_9 : vector<1x64xf32> to vector<2000x64xf32>
    %mul3A_12 = arith.mulf %mul3A_10, %mul3A_11 : vector<2000x64xf32>
    %add3A = arith.addf %mul3A_7, %mul3A_12 : vector<2000x64xf32>
    %get3A_13 = arith.constant 0 : index
    %get3A_14 = vector.load %arg3[%get3A_13] : memref<64xf32, #tpu.memory_space<vmem>>, vector<64xf32>
    %broadcast_in_dim3A = vector.shape_cast %get3A_14 : vector<64xf32> to vector<1x64xf32>
    %mul3A_15 = vector.broadcast %broadcast_in_dim3A : vector<1x64xf32> to vector<2000x64xf32>
    %mul3A_16 = arith.mulf %add3A, %mul3A_15 : vector<2000x64xf32>
    %reduce_sum3A = arith.constant dense<0.000000e+00> : vector<2000xf32>
    %reduce_sum3A_17 = vector.multi_reduction <add>, %mul3A_16, %reduce_sum3A [1] : vector<2000x64xf32> to vector<2000xf32>
    %broadcast_in_dim3A_18 = vector.shape_cast %reduce_sum3A_17 : vector<2000xf32> to vector<2000x1xf32>
    %swap3A = arith.constant 0 : index
    %swap3A_19 = arith.constant 0 : index
    %swap3A_20 = vector.load %arg6[%swap3A, %swap3A_19] : memref<2000x1xf32, #tpu.memory_space<vmem>>, vector<2000x1xf32>
    tpu.vector_store %arg6[%swap3A, %swap3A_19], %broadcast_in_dim3A_18 {strides = array<i32>} : memref<2000x1xf32, #tpu.memory_space<vmem>>, vector<2000x1xf32>,
    %get3A_21 = arith.constant 0 : index
    %get3A_22 = vector.load %arg4[%get3A_21] : memref<64xf32, #tpu.memory_space<vmem>>, vector<64xf32>
    %broadcast_in_dim3A_23 = vector.shape_cast %get3A_22 : vector<64xf32> to vector<1x64xf32>
    %mul3A_24 = vector.broadcast %broadcast_in_dim3A_23 : vector<1x64xf32> to vector<2000x64xf32>
    %mul3A_25 = arith.mulf %add3A, %mul3A_24 : vector<2000x64xf32>
    %reduce_sum3A_26 = arith.constant dense<0.000000e+00> : vector<2000xf32>
    %reduce_sum3A_27 = vector.multi_reduction <add>, %mul3A_25, %reduce_sum3A_26 [1] : vector<2000x64xf32> to vector<2000xf32>
    %broadcast_in_dim3A_28 = vector.shape_cast %reduce_sum3A_27 : vector<2000xf32> to vector<2000x1xf32>
    %swap3A_29 = arith.constant 0 : index
    %swap3A_30 = arith.constant 0 : index
    %swap3A_31 = vector.load %arg7[%swap3A_29, %swap3A_30] : memref<2000x1xf32, #tpu.memory_space<vmem>>, vector<2000x1xf32>
    tpu.vector_store %arg7[%swap3A_29, %swap3A_30], %broadcast_in_dim3A_28 {strides = array<i32>} : memref<2000x1xf32, #tpu.memory_space<vmem>>, vector<2000x1xf32>,
    %swap3A_32 = arith.constant 0 : index
    %swap3A_33 = arith.constant 0 : index
    %swap3A_34 = vector.load %arg5[%swap3A_32, %swap3A_33] : memref<2000x64xf32, #tpu.memory_space<vmem>>, vector<2000x64xf32>
    tpu.vector_store %arg5[%swap3A_32, %swap3A_33], %add3A {strides = array<i32>} : memref<2000x64xf32, #tpu.memory_space<vmem>>, vector<2000x64xf32>,
    return
  }
  func.func @transform_0(%arg0: i32) -> (i32, i32) {
    %c0_i32 = arith.constant 0 : i32
    %c0_i32_0 = arith.constant 0 : i32
    return %arg0, %c0_i32 : i32, i32
  }
  func.func @transform_1(%arg0: i32) -> (i32, i32) {
    %c0_i32 = arith.constant 0 : i32
    %c0_i32_0 = arith.constant 0 : i32
    %c0_i32_1 = arith.constant 0 : i32
    return %c0_i32, %c0_i32_0 : i32, i32
  }
  func.func @transform_2(%arg0: i32) -> i32 {
    %c0_i32 = arith.constant 0 : i32
    %c0_i32_0 = arith.constant 0 : i32
    return %c0_i32 : i32
  }
  func.func @transform_3(%arg0: i32) -> i32 {
    %c0_i32 = arith.constant 0 : i32
    %c0_i32_0 = arith.constant 0 : i32
    return %c0_i32 : i32
  }
  func.func @transform_4(%arg0: i32) -> (i32, i32) {
    %c0_i32 = arith.constant 0 : i32
    %c0_i32_0 = arith.constant 0 : i32
    return %arg0, %c0_i32 : i32, i32
  }
  func.func @transform_5(%arg0: i32) -> (i32, i32) {
    %c0_i32 = arith.constant 0 : i32
    %c0_i32_0 = arith.constant 0 : i32
    return %arg0, %c0_i32 : i32, i32
  }
  func.func @transform_6(%arg0: i32) -> (i32, i32) {
    %c0_i32 = arith.constant 0 : i32
    %c0_i32_0 = arith.constant 0 : i32
    return %arg0, %c0_i32 : i32, i32
  }
}

module attributes {stable_mosaic.version = 14 : i64} {
  func.func @_exp_body(%arg0: i32, %arg1: memref<12500x128xf32, #tpu.memory_space<vmem>>, %arg2: memref<12500x128xf32, #tpu.memory_space<vmem>>) attributes {dimension_semantics = [#tpu.dimension_semantics<arbitrary>], iteration_bounds = array<i64: 1>, scalar_prefetch = 0 : i64, scratch_operands = 0 : i64, tpu.core_type = #tpu.core_type<tc>, window_params = [{pipeline_mode = #tpu.pipeline_mode<synchronous>, transform_indices = @transform_0, window_bounds = array<i64: 12500, 128>}, {pipeline_mode = #tpu.pipeline_mode<synchronous>, transform_indices = @transform_1, window_bounds = array<i64: 12500, 128>}]} {
    %get3A = arith.constant 0 : index
    %get3A_0 = arith.constant 0 : index
    %get3A_1 = vector.load %arg1[%get3A, %get3A_0] : memref<12500x128xf32, #tpu.memory_space<vmem>>, vector<12500x128xf32>
    %exp3A = math.exp %get3A_1 : vector<12500x128xf32>
    %swap3A = arith.constant 0 : index
    %swap3A_2 = arith.constant 0 : index
    %swap3A_3 = vector.load %arg2[%swap3A, %swap3A_2] : memref<12500x128xf32, #tpu.memory_space<vmem>>, vector<12500x128xf32>
    tpu.vector_store %arg2[%swap3A, %swap3A_2], %exp3A {strides = array<i32>} : memref<12500x128xf32, #tpu.memory_space<vmem>>, vector<12500x128xf32>,
    return
  }
  func.func @transform_0(%arg0: i32) -> (i32, i32) {
    %c0_i32 = arith.constant 0 : i32
    %c0_i32_0 = arith.constant 0 : i32
    %c0_i32_1 = arith.constant 0 : i32
    return %c0_i32, %c0_i32_0 : i32, i32
  }
  func.func @transform_1(%arg0: i32) -> (i32, i32) {
    %c0_i32 = arith.constant 0 : i32
    %c0_i32_0 = arith.constant 0 : i32
    %c0_i32_1 = arith.constant 0 : i32
    return %c0_i32, %c0_i32_0 : i32, i32
  }
}

module attributes {stable_mosaic.version = 14 : i64} {
  func.func @_combine_body(%arg0: i32, %arg1: memref<2000x64xf32, #tpu.memory_space<vmem>>, %arg2: memref<2000x1xf32, #tpu.memory_space<vmem>>, %arg3: memref<2000x1xf32, #tpu.memory_space<vmem>>, %arg4: memref<64xf32, #tpu.memory_space<vmem>>, %arg5: memref<2000x64xf32, #tpu.memory_space<vmem>>, %arg6: memref<2x64xf32, #tpu.memory_space<vmem>>) attributes {dimension_semantics = [#tpu.dimension_semantics<arbitrary>], iteration_bounds = array<i64: 50>, scalar_prefetch = 0 : i64, scratch_operands = 0 : i64, tpu.core_type = #tpu.core_type<tc>, window_params = [{transform_indices = @transform_0, window_bounds = array<i64: 2000, 64>}, {transform_indices = @transform_1, window_bounds = array<i64: 2000, 1>}, {transform_indices = @transform_2, window_bounds = array<i64: 2000, 1>}, {pipeline_mode = #tpu.pipeline_mode<synchronous>, transform_indices = @transform_3, window_bounds = array<i64: 64>}, {transform_indices = @transform_4, window_bounds = array<i64: 2000, 64>}, {pipeline_mode = #tpu.pipeline_mode<synchronous>, transform_indices = @transform_5, window_bounds = array<i64: 2, 64>}]} {
    %get3A = arith.constant 0 : index
    %get3A_0 = arith.constant 0 : index
    %get3A_1 = vector.load %arg2[%get3A, %get3A_0] : memref<2000x1xf32, #tpu.memory_space<vmem>>, vector<2000x1xf32>
    %add3A = arith.constant 1.000000e-16 : f32
    %add3A_2 = vector.broadcast %add3A : f32 to vector<2000x1xf32>
    %add3A_3 = arith.addf %get3A_1, %add3A_2 : vector<2000x1xf32>
    %get3A_4 = arith.constant 0 : index
    %get3A_5 = arith.constant 0 : index
    %get3A_6 = vector.load %arg3[%get3A_4, %get3A_5] : memref<2000x1xf32, #tpu.memory_space<vmem>>, vector<2000x1xf32>
    %max3A = arith.constant 1.000000e+00 : f32
    %max3A_7 = vector.broadcast %max3A : f32 to vector<2000x1xf32>
    %max3A_8 = arith.maximumf %get3A_6, %max3A_7 : vector<2000x1xf32>
    %mul3A = arith.mulf %add3A_3, %max3A_8 : vector<2000x1xf32>
    %div3A = arith.constant 1.000000e+00 : f32
    %div3A_9 = vector.broadcast %div3A : f32 to vector<2000x1xf32>
    %div3A_10 = arith.divf %div3A_9, %mul3A : vector<2000x1xf32>
    %get3A_11 = arith.constant 0 : index
    %get3A_12 = arith.constant 0 : index
    %get3A_13 = vector.load %arg1[%get3A_11, %get3A_12] : memref<2000x64xf32, #tpu.memory_space<vmem>>, vector<2000x64xf32>
    %mul3A_14 = vector.broadcast %div3A_10 : vector<2000x1xf32> to vector<2000x64xf32>
    %mul3A_15 = arith.mulf %get3A_13, %mul3A_14 : vector<2000x64xf32>
    %get3A_16 = arith.constant 0 : index
    %get3A_17 = vector.load %arg4[%get3A_16] : memref<64xf32, #tpu.memory_space<vmem>>, vector<64xf32>
    %broadcast_in_dim3A = vector.shape_cast %get3A_17 : vector<64xf32> to vector<1x64xf32>
    %add3A_18 = vector.broadcast %broadcast_in_dim3A : vector<1x64xf32> to vector<2000x64xf32>
    %add3A_19 = arith.addf %mul3A_15, %add3A_18 : vector<2000x64xf32>
    %swap3A = arith.constant 0 : index
    %swap3A_20 = arith.constant 0 : index
    %swap3A_21 = vector.load %arg5[%swap3A, %swap3A_20] : memref<2000x64xf32, #tpu.memory_space<vmem>>, vector<2000x64xf32>
    tpu.vector_store %arg5[%swap3A, %swap3A_20], %add3A_19 {strides = array<i32>} : memref<2000x64xf32, #tpu.memory_space<vmem>>, vector<2000x64xf32>,
    %eq3A = arith.constant 0 : i32
    %eq3A_22 = arith.cmpi eq, %arg0, %eq3A : i32
    %convert_element_type3A = arith.extui %eq3A_22 : i1 to i32
    %cond3A = arith.constant 0 : i32
    %cond3A_23 = arith.cmpi ne, %convert_element_type3A, %cond3A : i32
    scf.if %cond3A_23 {
      %broadcast_in_dim3A_37 = arith.constant 0.000000e+00 : f32
      %broadcast_in_dim3A_38 = vector.broadcast %broadcast_in_dim3A_37 : f32 to vector<2x64xf32>
      %swap3A_39 = arith.constant 0 : index
      %swap3A_40 = arith.constant 0 : index
      %swap3A_41 = vector.load %arg6[%swap3A_39, %swap3A_40] : memref<2x64xf32, #tpu.memory_space<vmem>>, vector<2x64xf32>
      tpu.vector_store %arg6[%swap3A_39, %swap3A_40], %broadcast_in_dim3A_38 {strides = array<i32>} : memref<2x64xf32, #tpu.memory_space<vmem>>, vector<2x64xf32>,
    } else {
    }
    %reduce_sum3A = arith.constant dense<0.000000e+00> : vector<64xf32>
    %reduce_sum3A_24 = vector.multi_reduction <add>, %add3A_19, %reduce_sum3A [0] : vector<2000x64xf32> to vector<64xf32>
    %broadcast_in_dim3A_25 = vector.shape_cast %reduce_sum3A_24 : vector<64xf32> to vector<1x64xf32>
    %mul3A_26 = arith.mulf %add3A_19, %add3A_19 : vector<2000x64xf32>
    %reduce_sum3A_27 = arith.constant dense<0.000000e+00> : vector<64xf32>
    %reduce_sum3A_28 = vector.multi_reduction <add>, %mul3A_26, %reduce_sum3A_27 [0] : vector<2000x64xf32> to vector<64xf32>
    %broadcast_in_dim3A_29 = vector.shape_cast %reduce_sum3A_28 : vector<64xf32> to vector<1x64xf32>
    %get3A_30 = arith.constant 0 : index
    %get3A_31 = arith.constant 0 : index
    %get3A_32 = vector.load %arg6[%get3A_30, %get3A_31] : memref<2x64xf32, #tpu.memory_space<vmem>>, vector<2x64xf32>
    %concatenate3A = tpu.concatenate %broadcast_in_dim3A_25, %broadcast_in_dim3A_29 in 0 : vector<1x64xf32>, vector<1x64xf32> -> vector<2x64xf32>
    %add3A_33 = arith.addf %get3A_32, %concatenate3A : vector<2x64xf32>
    %swap3A_34 = arith.constant 0 : index
    %swap3A_35 = arith.constant 0 : index
    %swap3A_36 = vector.load %arg6[%swap3A_34, %swap3A_35] : memref<2x64xf32, #tpu.memory_space<vmem>>, vector<2x64xf32>
    tpu.vector_store %arg6[%swap3A_34, %swap3A_35], %add3A_33 {strides = array<i32>} : memref<2x64xf32, #tpu.memory_space<vmem>>, vector<2x64xf32>,
    return
  }
  func.func @transform_0(%arg0: i32) -> (i32, i32) {
    %c0_i32 = arith.constant 0 : i32
    %c0_i32_0 = arith.constant 0 : i32
    return %arg0, %c0_i32 : i32, i32
  }
  func.func @transform_1(%arg0: i32) -> (i32, i32) {
    %c0_i32 = arith.constant 0 : i32
    %c0_i32_0 = arith.constant 0 : i32
    return %arg0, %c0_i32 : i32, i32
  }
  func.func @transform_2(%arg0: i32) -> (i32, i32) {
    %c0_i32 = arith.constant 0 : i32
    %c0_i32_0 = arith.constant 0 : i32
    return %arg0, %c0_i32 : i32, i32
  }
  func.func @transform_3(%arg0: i32) -> i32 {
    %c0_i32 = arith.constant 0 : i32
    %c0_i32_0 = arith.constant 0 : i32
    return %c0_i32 : i32
  }
  func.func @transform_4(%arg0: i32) -> (i32, i32) {
    %c0_i32 = arith.constant 0 : i32
    %c0_i32_0 = arith.constant 0 : i32
    return %arg0, %c0_i32 : i32, i32
  }
  func.func @transform_5(%arg0: i32) -> (i32, i32) {
    %c0_i32 = arith.constant 0 : i32
    %c0_i32_0 = arith.constant 0 : i32
    %c0_i32_1 = arith.constant 0 : i32
    return %c0_i32, %c0_i32_0 : i32, i32
  }
}

module attributes {stable_mosaic.version = 14 : i64} {
  func.func @_d2b_body(%arg0: i32, %arg1: memref<2000x64xf32, #tpu.memory_space<vmem>>, %arg2: memref<2x64xf32, #tpu.memory_space<vmem>>, %arg3: memref<64xf32, #tpu.memory_space<vmem>>, %arg4: memref<64xf32, #tpu.memory_space<vmem>>, %arg5: memref<64x64xf32, #tpu.memory_space<vmem>>, %arg6: memref<64xf32, #tpu.memory_space<vmem>>, %arg7: memref<64xf32, #tpu.memory_space<vmem>>, %arg8: memref<2000x64xf32, #tpu.memory_space<vmem>>, %arg9: memref<2000x1xf32, #tpu.memory_space<vmem>>, %arg10: memref<2000x1xf32, #tpu.memory_space<vmem>>) attributes {dimension_semantics = [#tpu.dimension_semantics<arbitrary>], iteration_bounds = array<i64: 50>, scalar_prefetch = 0 : i64, scratch_operands = 0 : i64, tpu.core_type = #tpu.core_type<tc>, window_params = [{transform_indices = @transform_0, window_bounds = array<i64: 2000, 64>}, {pipeline_mode = #tpu.pipeline_mode<synchronous>, transform_indices = @transform_1, window_bounds = array<i64: 2, 64>}, {pipeline_mode = #tpu.pipeline_mode<synchronous>, transform_indices = @transform_2, window_bounds = array<i64: 64>}, {pipeline_mode = #tpu.pipeline_mode<synchronous>, transform_indices = @transform_3, window_bounds = array<i64: 64>}, {pipeline_mode = #tpu.pipeline_mode<synchronous>, transform_indices = @transform_4, window_bounds = array<i64: 64, 64>}, {pipeline_mode = #tpu.pipeline_mode<synchronous>, transform_indices = @transform_5, window_bounds = array<i64: 64>}, {pipeline_mode = #tpu.pipeline_mode<synchronous>, transform_indices = @transform_6, window_bounds = array<i64: 64>}, {transform_indices = @transform_7, window_bounds = array<i64: 2000, 64>}, {transform_indices = @transform_8, window_bounds = array<i64: 2000, 1>}, {transform_indices = @transform_9, window_bounds = array<i64: 2000, 1>}]} {
    %get3A = arith.constant 0 : index
    %get3A_0 = arith.constant 0 : index
    %get3A_1 = vector.load %arg1[%get3A, %get3A_0] : memref<2000x64xf32, #tpu.memory_space<vmem>>, vector<2000x64xf32>
    %get3A_2 = arith.constant 0 : index
    %get3A_3 = arith.constant 0 : index
    %get3A_4 = vector.load %arg2[%get3A_2, %get3A_3] : memref<2x64xf32, #tpu.memory_space<vmem>>, vector<2x64xf32>
    %slice3A = vector.extract_strided_slice %get3A_4 {offsets = [0, 0], sizes = [1, 64], strides = [1, 1]} : vector<2x64xf32> to vector<1x64xf32>
    %div3A = arith.constant 1.000000e+05 : f32
    %div3A_5 = vector.broadcast %div3A : f32 to vector<1x64xf32>
    %div3A_6 = arith.divf %slice3A, %div3A_5 : vector<1x64xf32>
    %slice3A_7 = vector.extract_strided_slice %get3A_4 {offsets = [1, 0], sizes = [1, 64], strides = [1, 1]} : vector<2x64xf32> to vector<1x64xf32>
    %div3A_8 = arith.constant 1.000000e+05 : f32
    %div3A_9 = vector.broadcast %div3A_8 : f32 to vector<1x64xf32>
    %div3A_10 = arith.divf %slice3A_7, %div3A_9 : vector<1x64xf32>
    %mul3A = arith.mulf %div3A_6, %div3A_6 : vector<1x64xf32>
    %sub3A = arith.subf %div3A_10, %mul3A : vector<1x64xf32>
    %add3A = arith.constant 9.99999974E-6 : f32
    %add3A_11 = vector.broadcast %add3A : f32 to vector<1x64xf32>
    %add3A_12 = arith.addf %sub3A, %add3A_11 : vector<1x64xf32>
    %rsqrt3A = math.rsqrt %add3A_12 : vector<1x64xf32>
    %sub3A_13 = vector.broadcast %div3A_6 : vector<1x64xf32> to vector<2000x64xf32>
    %sub3A_14 = arith.subf %get3A_1, %sub3A_13 : vector<2000x64xf32>
    %mul3A_15 = vector.broadcast %rsqrt3A : vector<1x64xf32> to vector<2000x64xf32>
    %mul3A_16 = arith.mulf %sub3A_14, %mul3A_15 : vector<2000x64xf32>
    %get3A_17 = arith.constant 0 : index
    %get3A_18 = vector.load %arg3[%get3A_17] : memref<64xf32, #tpu.memory_space<vmem>>, vector<64xf32>
    %broadcast_in_dim3A = vector.shape_cast %get3A_18 : vector<64xf32> to vector<1x64xf32>
    %mul3A_19 = vector.broadcast %broadcast_in_dim3A : vector<1x64xf32> to vector<2000x64xf32>
    %mul3A_20 = arith.mulf %mul3A_16, %mul3A_19 : vector<2000x64xf32>
    %get3A_21 = arith.constant 0 : index
    %get3A_22 = vector.load %arg4[%get3A_21] : memref<64xf32, #tpu.memory_space<vmem>>, vector<64xf32>
    %broadcast_in_dim3A_23 = vector.shape_cast %get3A_22 : vector<64xf32> to vector<1x64xf32>
    %add3A_24 = vector.broadcast %broadcast_in_dim3A_23 : vector<1x64xf32> to vector<2000x64xf32>
    %add3A_25 = arith.addf %mul3A_20, %add3A_24 : vector<2000x64xf32>
    %max3A = arith.constant 0.000000e+00 : f32
    %max3A_26 = vector.broadcast %max3A : f32 to vector<2000x64xf32>
    %max3A_27 = arith.maximumf %add3A_25, %max3A_26 : vector<2000x64xf32>
    %get3A_28 = arith.constant 0 : index
    %get3A_29 = arith.constant 0 : index
    %get3A_30 = vector.load %arg5[%get3A_28, %get3A_29] : memref<64x64xf32, #tpu.memory_space<vmem>>, vector<64x64xf32>
    %dot_general3A = arith.constant dense<0.000000e+00> : vector<2000x64xf32>
    %dot_general3A_31 = tpu.matmul %max3A_27, %get3A_30, %dot_general3A {dimension_numbers = #tpu.dot_dimension_numbers<[1], [0], [0], [1], [0, 0, 1, 1], [], []>, transpose_lhs_hint = false} : vector<2000x64xf32>, vector<64x64xf32>, vector<2000x64xf32> -> vector<2000x64xf32>
    %get3A_32 = arith.constant 0 : index
    %get3A_33 = vector.load %arg6[%get3A_32] : memref<64xf32, #tpu.memory_space<vmem>>, vector<64xf32>
    %broadcast_in_dim3A_34 = vector.shape_cast %get3A_33 : vector<64xf32> to vector<1x64xf32>
    %mul3A_35 = vector.broadcast %broadcast_in_dim3A_34 : vector<1x64xf32> to vector<2000x64xf32>
    %mul3A_36 = arith.mulf %dot_general3A_31, %mul3A_35 : vector<2000x64xf32>
    %reduce_sum3A = arith.constant dense<0.000000e+00> : vector<2000xf32>
    %reduce_sum3A_37 = vector.multi_reduction <add>, %mul3A_36, %reduce_sum3A [1] : vector<2000x64xf32> to vector<2000xf32>
    %broadcast_in_dim3A_38 = vector.shape_cast %reduce_sum3A_37 : vector<2000xf32> to vector<2000x1xf32>
    %swap3A = arith.constant 0 : index
    %swap3A_39 = arith.constant 0 : index
    %swap3A_40 = vector.load %arg9[%swap3A, %swap3A_39] : memref<2000x1xf32, #tpu.memory_space<vmem>>, vector<2000x1xf32>
    tpu.vector_store %arg9[%swap3A, %swap3A_39], %broadcast_in_dim3A_38 {strides = array<i32>} : memref<2000x1xf32, #tpu.memory_space<vmem>>, vector<2000x1xf32>,
    %get3A_41 = arith.constant 0 : index
    %get3A_42 = vector.load %arg7[%get3A_41] : memref<64xf32, #tpu.memory_space<vmem>>, vector<64xf32>
    %broadcast_in_dim3A_43 = vector.shape_cast %get3A_42 : vector<64xf32> to vector<1x64xf32>
    %mul3A_44 = vector.broadcast %broadcast_in_dim3A_43 : vector<1x64xf32> to vector<2000x64xf32>
    %mul3A_45 = arith.mulf %dot_general3A_31, %mul3A_44 : vector<2000x64xf32>
    %reduce_sum3A_46 = arith.constant dense<0.000000e+00> : vector<2000xf32>
    %reduce_sum3A_47 = vector.multi_reduction <add>, %mul3A_45, %reduce_sum3A_46 [1] : vector<2000x64xf32> to vector<2000xf32>
    %broadcast_in_dim3A_48 = vector.shape_cast %reduce_sum3A_47 : vector<2000xf32> to vector<2000x1xf32>
    %swap3A_49 = arith.constant 0 : index
    %swap3A_50 = arith.constant 0 : index
    %swap3A_51 = vector.load %arg10[%swap3A_49, %swap3A_50] : memref<2000x1xf32, #tpu.memory_space<vmem>>, vector<2000x1xf32>
    tpu.vector_store %arg10[%swap3A_49, %swap3A_50], %broadcast_in_dim3A_48 {strides = array<i32>} : memref<2000x1xf32, #tpu.memory_space<vmem>>, vector<2000x1xf32>,
    %swap3A_52 = arith.constant 0 : index
    %swap3A_53 = arith.constant 0 : index
    %swap3A_54 = vector.load %arg8[%swap3A_52, %swap3A_53] : memref<2000x64xf32, #tpu.memory_space<vmem>>, vector<2000x64xf32>
    tpu.vector_store %arg8[%swap3A_52, %swap3A_53], %dot_general3A_31 {strides = array<i32>} : memref<2000x64xf32, #tpu.memory_space<vmem>>, vector<2000x64xf32>,
    return
  }
  func.func @transform_0(%arg0: i32) -> (i32, i32) {
    %c0_i32 = arith.constant 0 : i32
    %c0_i32_0 = arith.constant 0 : i32
    return %arg0, %c0_i32 : i32, i32
  }
  func.func @transform_1(%arg0: i32) -> (i32, i32) {
    %c0_i32 = arith.constant 0 : i32
    %c0_i32_0 = arith.constant 0 : i32
    %c0_i32_1 = arith.constant 0 : i32
    return %c0_i32, %c0_i32_0 : i32, i32
  }
  func.func @transform_2(%arg0: i32) -> i32 {
    %c0_i32 = arith.constant 0 : i32
    %c0_i32_0 = arith.constant 0 : i32
    return %c0_i32 : i32
  }
  func.func @transform_3(%arg0: i32) -> i32 {
    %c0_i32 = arith.constant 0 : i32
    %c0_i32_0 = arith.constant 0 : i32
    return %c0_i32 : i32
  }
  func.func @transform_4(%arg0: i32) -> (i32, i32) {
    %c0_i32 = arith.constant 0 : i32
    %c0_i32_0 = arith.constant 0 : i32
    %c0_i32_1 = arith.constant 0 : i32
    return %c0_i32, %c0_i32_0 : i32, i32
  }
  func.func @transform_5(%arg0: i32) -> i32 {
    %c0_i32 = arith.constant 0 : i32
    %c0_i32_0 = arith.constant 0 : i32
    return %c0_i32 : i32
  }
  func.func @transform_6(%arg0: i32) -> i32 {
    %c0_i32 = arith.constant 0 : i32
    %c0_i32_0 = arith.constant 0 : i32
    return %c0_i32 : i32
  }
  func.func @transform_7(%arg0: i32) -> (i32, i32) {
    %c0_i32 = arith.constant 0 : i32
    %c0_i32_0 = arith.constant 0 : i32
    return %arg0, %c0_i32 : i32, i32
  }
  func.func @transform_8(%arg0: i32) -> (i32, i32) {
    %c0_i32 = arith.constant 0 : i32
    %c0_i32_0 = arith.constant 0 : i32
    return %arg0, %c0_i32 : i32, i32
  }
  func.func @transform_9(%arg0: i32) -> (i32, i32) {
    %c0_i32 = arith.constant 0 : i32
    %c0_i32_0 = arith.constant 0 : i32
    return %arg0, %c0_i32 : i32, i32
  }
}

module attributes {stable_mosaic.version = 14 : i64} {
  func.func @_d3b_body(%arg0: i32, %arg1: memref<2000x64xf32, #tpu.memory_space<vmem>>, %arg2: memref<2x64xf32, #tpu.memory_space<vmem>>, %arg3: memref<64xf32, #tpu.memory_space<vmem>>, %arg4: memref<64xf32, #tpu.memory_space<vmem>>, %arg5: memref<64x64xf32, #tpu.memory_space<vmem>>, %arg6: memref<64xf32, #tpu.memory_space<vmem>>, %arg7: memref<2000x64xf32, #tpu.memory_space<vmem>>) attributes {dimension_semantics = [#tpu.dimension_semantics<arbitrary>], iteration_bounds = array<i64: 50>, scalar_prefetch = 0 : i64, scratch_operands = 0 : i64, tpu.core_type = #tpu.core_type<tc>, window_params = [{transform_indices = @transform_0, window_bounds = array<i64: 2000, 64>}, {pipeline_mode = #tpu.pipeline_mode<synchronous>, transform_indices = @transform_1, window_bounds = array<i64: 2, 64>}, {pipeline_mode = #tpu.pipeline_mode<synchronous>, transform_indices = @transform_2, window_bounds = array<i64: 64>}, {pipeline_mode = #tpu.pipeline_mode<synchronous>, transform_indices = @transform_3, window_bounds = array<i64: 64>}, {pipeline_mode = #tpu.pipeline_mode<synchronous>, transform_indices = @transform_4, window_bounds = array<i64: 64, 64>}, {pipeline_mode = #tpu.pipeline_mode<synchronous>, transform_indices = @transform_5, window_bounds = array<i64: 64>}, {transform_indices = @transform_6, window_bounds = array<i64: 2000, 64>}]} {
    %get3A = arith.constant 0 : index
    %get3A_0 = arith.constant 0 : index
    %get3A_1 = vector.load %arg1[%get3A, %get3A_0] : memref<2000x64xf32, #tpu.memory_space<vmem>>, vector<2000x64xf32>
    %get3A_2 = arith.constant 0 : index
    %get3A_3 = arith.constant 0 : index
    %get3A_4 = vector.load %arg2[%get3A_2, %get3A_3] : memref<2x64xf32, #tpu.memory_space<vmem>>, vector<2x64xf32>
    %slice3A = vector.extract_strided_slice %get3A_4 {offsets = [0, 0], sizes = [1, 64], strides = [1, 1]} : vector<2x64xf32> to vector<1x64xf32>
    %div3A = arith.constant 1.000000e+05 : f32
    %div3A_5 = vector.broadcast %div3A : f32 to vector<1x64xf32>
    %div3A_6 = arith.divf %slice3A, %div3A_5 : vector<1x64xf32>
    %slice3A_7 = vector.extract_strided_slice %get3A_4 {offsets = [1, 0], sizes = [1, 64], strides = [1, 1]} : vector<2x64xf32> to vector<1x64xf32>
    %div3A_8 = arith.constant 1.000000e+05 : f32
    %div3A_9 = vector.broadcast %div3A_8 : f32 to vector<1x64xf32>
    %div3A_10 = arith.divf %slice3A_7, %div3A_9 : vector<1x64xf32>
    %mul3A = arith.mulf %div3A_6, %div3A_6 : vector<1x64xf32>
    %sub3A = arith.subf %div3A_10, %mul3A : vector<1x64xf32>
    %add3A = arith.constant 9.99999974E-6 : f32
    %add3A_11 = vector.broadcast %add3A : f32 to vector<1x64xf32>
    %add3A_12 = arith.addf %sub3A, %add3A_11 : vector<1x64xf32>
    %rsqrt3A = math.rsqrt %add3A_12 : vector<1x64xf32>
    %sub3A_13 = vector.broadcast %div3A_6 : vector<1x64xf32> to vector<2000x64xf32>
    %sub3A_14 = arith.subf %get3A_1, %sub3A_13 : vector<2000x64xf32>
    %mul3A_15 = vector.broadcast %rsqrt3A : vector<1x64xf32> to vector<2000x64xf32>
    %mul3A_16 = arith.mulf %sub3A_14, %mul3A_15 : vector<2000x64xf32>
    %get3A_17 = arith.constant 0 : index
    %get3A_18 = vector.load %arg3[%get3A_17] : memref<64xf32, #tpu.memory_space<vmem>>, vector<64xf32>
    %broadcast_in_dim3A = vector.shape_cast %get3A_18 : vector<64xf32> to vector<1x64xf32>
    %mul3A_19 = vector.broadcast %broadcast_in_dim3A : vector<1x64xf32> to vector<2000x64xf32>
    %mul3A_20 = arith.mulf %mul3A_16, %mul3A_19 : vector<2000x64xf32>
    %get3A_21 = arith.constant 0 : index
    %get3A_22 = vector.load %arg4[%get3A_21] : memref<64xf32, #tpu.memory_space<vmem>>, vector<64xf32>
    %broadcast_in_dim3A_23 = vector.shape_cast %get3A_22 : vector<64xf32> to vector<1x64xf32>
    %add3A_24 = vector.broadcast %broadcast_in_dim3A_23 : vector<1x64xf32> to vector<2000x64xf32>
    %add3A_25 = arith.addf %mul3A_20, %add3A_24 : vector<2000x64xf32>
    %max3A = arith.constant 0.000000e+00 : f32
    %max3A_26 = vector.broadcast %max3A : f32 to vector<2000x64xf32>
    %max3A_27 = arith.maximumf %add3A_25, %max3A_26 : vector<2000x64xf32>
    %get3A_28 = arith.constant 0 : index
    %get3A_29 = arith.constant 0 : index
    %get3A_30 = vector.load %arg5[%get3A_28, %get3A_29] : memref<64x64xf32, #tpu.memory_space<vmem>>, vector<64x64xf32>
    %dot_general3A = arith.constant dense<0.000000e+00> : vector<2000x64xf32>
    %dot_general3A_31 = tpu.matmul %max3A_27, %get3A_30, %dot_general3A {dimension_numbers = #tpu.dot_dimension_numbers<[1], [0], [0], [1], [0, 0, 1, 1], [], []>, transpose_lhs_hint = false} : vector<2000x64xf32>, vector<64x64xf32>, vector<2000x64xf32> -> vector<2000x64xf32>
    %get3A_32 = arith.constant 0 : index
    %get3A_33 = vector.load %arg6[%get3A_32] : memref<64xf32, #tpu.memory_space<vmem>>, vector<64xf32>
    %broadcast_in_dim3A_34 = vector.shape_cast %get3A_33 : vector<64xf32> to vector<1x64xf32>
    %add3A_35 = vector.broadcast %broadcast_in_dim3A_34 : vector<1x64xf32> to vector<2000x64xf32>
    %add3A_36 = arith.addf %dot_general3A_31, %add3A_35 : vector<2000x64xf32>
    %max3A_37 = arith.constant 0.000000e+00 : f32
    %max3A_38 = vector.broadcast %max3A_37 : f32 to vector<2000x64xf32>
    %max3A_39 = arith.maximumf %add3A_36, %max3A_38 : vector<2000x64xf32>
    %swap3A = arith.constant 0 : index
    %swap3A_40 = arith.constant 0 : index
    %swap3A_41 = vector.load %arg7[%swap3A, %swap3A_40] : memref<2000x64xf32, #tpu.memory_space<vmem>>, vector<2000x64xf32>
    tpu.vector_store %arg7[%swap3A, %swap3A_40], %max3A_39 {strides = array<i32>} : memref<2000x64xf32, #tpu.memory_space<vmem>>, vector<2000x64xf32>,
    return
  }
  func.func @transform_0(%arg0: i32) -> (i32, i32) {
    %c0_i32 = arith.constant 0 : i32
    %c0_i32_0 = arith.constant 0 : i32
    return %arg0, %c0_i32 : i32, i32
  }
  func.func @transform_1(%arg0: i32) -> (i32, i32) {
    %c0_i32 = arith.constant 0 : i32
    %c0_i32_0 = arith.constant 0 : i32
    %c0_i32_1 = arith.constant 0 : i32
    return %c0_i32, %c0_i32_0 : i32, i32
  }
  func.func @transform_2(%arg0: i32) -> i32 {
    %c0_i32 = arith.constant 0 : i32
    %c0_i32_0 = arith.constant 0 : i32
    return %c0_i32 : i32
  }
  func.func @transform_3(%arg0: i32) -> i32 {
    %c0_i32 = arith.constant 0 : i32
    %c0_i32_0 = arith.constant 0 : i32
    return %c0_i32 : i32
  }
  func.func @transform_4(%arg0: i32) -> (i32, i32) {
    %c0_i32 = arith.constant 0 : i32
    %c0_i32_0 = arith.constant 0 : i32
    %c0_i32_1 = arith.constant 0 : i32
    return %c0_i32, %c0_i32_0 : i32, i32
  }
  func.func @transform_5(%arg0: i32) -> i32 {
    %c0_i32 = arith.constant 0 : i32
    %c0_i32_0 = arith.constant 0 : i32
    return %c0_i32 : i32
  }
  func.func @transform_6(%arg0: i32) -> (i32, i32) {
    %c0_i32 = arith.constant 0 : i32
    %c0_i32_0 = arith.constant 0 : i32
    return %arg0, %c0_i32 : i32, i32
  }
}

</mosaic_0001>

<sc_bundles>
// kernel: kernel.11.cloned.1.call-start
scs
__scs_entry_jumppad:
0x0: {  	(pc) =	sbr.rel $0x88, $3  }
0x1: {  	(tag) =	ssettag $0x0;
	lr =	simm.s32 $0x1  }
0x2: {  	[smem:$0x3F91] =	sst lr;
	_ =	strace $0xD0000000  }
0x3: {  	_ = 	snop  }
0x4: {  	_ = 	snop  }
0x5: {  	_ = 	snop  }
0x6: {  	_ = 	snop  }
0x7: {  	_ = 	snop  }
__scs_overlays_trampoline_lowered:
0x8: {  	[smem:$0x3FA0] =	sst s0  }
0x9: {  	[smem:$0x3FA1] =	sst s1  }
0xa: {  	[smem:$0x3FA2] =	sst s2  }
0xb: {  	[smem:$0x3FA3] =	sst s3  }
0xc: {  	[smem:$0x3FA4] =	sst s4  }
0xd: {  	[smem:$0x3FA5] =	sst s5  }
0xe: {  	[smem:$0x3FA6] =	sst s6  }
0xf: {  	[smem:$0x3FA7] =	sst s7  }
0x10: {  	[smem:$0x3FA8] =	sst s8  }
0x11: {  	[smem:$0x3FA9] =	sst s9;
	s0 =	simm.s32 @!p0 $0x0  }
0x12: {  	s1 =	sld [smem:$0x3F8F];
	s0 =	simm.s32 @p0 $0x1  }
0x13: {  	[smem:$0x3FAA] =	sst s0;
	s0 =	simm.s32 @!p1 $0x0  }
0x14: {  	s2 =	sld [smem:$0x3F8E];
	s0 =	simm.s32 @p1 $0x1  }
0x15: {  	[smem:$0x3FAB] =	sst s0;
	s0 =	simm.s32 @!p2 $0x0  }
0x16: {  	s3 =	sld [smem:$0x3FDB];
	s0 =	simm.s32 @p2 $0x1  }
0x17: {  	s4 =	simm.s32 $0x1BF5;
	[smem:$0x3FAD] =	sst s0  }
0x18: {  	s0 =	sld [smem:$0x3F90];
	_ =	swait.ge [sflag:s4], $0x0  }
0x19: {  	s7 =	sld [smem:$0x3F91]  }
0x1a: {  	s8 =	sadd.s32 $0xFFFFE003, lr  }
0x1b: {  	s9 =	sadd.s32 $0xFFFFFEF7, lr;
	s5 =	simm.s32 $0xFFFFFFFF;
	p2 =	slt.u32 s8, $0xFFFFF086  }
0x1c: {  	p1 =	slt.u32 s9, $0xF7A;
	s5 =	simm.s32 @!p2 $0x0  }
0x1d: {  	s5 =	simm.s32 @p1 $0x1;
	p0 =	seq.s32 s7, s2  }
0x1e: {  	s7 =	smul.u32 @!p0 $0xF7A, s2;
	p2 =	seq.s32 @!p0 s5, $0x0  }
0x1f: {  	s9 =	smul.u32 $0xF7A, s1;
	s8 =	simm.s32 @!p0 $0x1BF5;
	p2 =	por !p2, p0  }
0x20: {  	[sflag:s8] =	ssyncset.s32 @!p0 $0xFFFFF086;
	s6 =	sadd.s32 @!p0 s3, s7;
	s7 =	simm.s32 @!p0 $0x108  }
0x21: {  	s3 =	sadd.s32 s3, s9;
	s6 =	sadd.s32 @!p0 $0x88, s6;
	s7 =	simm.s32 @p2 $0x1082  }
0x22: {  	[simem:s7], [sflag:s8] =	dma.local @!p0 [hbm:s6], $0xF7A  }
0x23: {  	s9 =	sor.u32 $0xD0000000, s2;
	s6 =	simm.s32 $0x108;
	_ =	swait.ge @!p0 [sflag:s8], $0x0  }
0x24: {  	s3 =	sadd.s32 $0x88, s3;
	s6 =	simm.s32 @!p1 $0x1082;
	[sflag:s4] =	ssyncset.s32 $0xFFFFF086  }
0x25: {  	[simem:s6], [sflag:s4] =	dma.local [hbm:s3], $0xF7A  }
0x26: {  	[smem:$0x3F91] =	sst s1;
	(tag) =	ssettag s2;
	_ =	strace s9  }
0x27: {  	s1 =	sld [smem:$0x3FA1]  }
0x28: {  	s2 =	sld [smem:$0x3FA2]  }
0x29: {  	s4 =	sld [smem:$0x3FA4]  }
0x2a: {  	p0 =	seq.s32 s5, $0x0;
	s5 =	sld [smem:$0x3FA5]  }
0x2b: {  	s6 =	sld [smem:$0x3FA6]  }
0x2c: {  	s7 =	sld [smem:$0x3FA7]  }
0x2d: {  	s3 =	simm.s32 $0x108;
	s8 =	sld [smem:$0x3FA8]  }
0x2e: {  	s3 =	simm.s32 @!p0 $0x1082;
	s9 =	sld [smem:$0x3FA9]  }
0x2f: {  	lr =	sadd.s32 s0, s3;
	s0 =	sld [smem:$0x3FA0]  }
0x30: {  	s3 =	sld [smem:$0x3FA3]  }
0x31: {  	[smem:$0x3FAC] =	sst s10  }
0x32: {  	s10 =	sld [smem:$0x3FAA];
	_ =	sdelay $0x3  }
0x33: {  	p0 =	seq.s32 s10, $0x1;
	s10 =	sld [smem:$0x3FAC];
	_ =	sdelay $0x3  }
0x34: {  	[smem:$0x3FAC] =	sst s10  }
0x35: {  	s10 =	sld [smem:$0x3FAB];
	_ =	sdelay $0x3  }
0x36: {  	p1 =	seq.s32 s10, $0x1;
	s10 =	sld [smem:$0x3FAC];
	_ =	sdelay $0x3  }
0x37: {  	[smem:$0x3FAC] =	sst s10  }
0x38: {  	s10 =	sld [smem:$0x3FAD]  }
0x39: {  	_ = 	snop;
	(pc) =	sbr.ind lr, $3  }
0x3a: {  	_ = 	snop  }
0x3b: {  	_ = 	snop  }
0x3c: {  	p2 =	seq.s32 s10, $0x1;
	s10 =	sld [smem:$0x3FAC]  }
0x3d: {  	_ =	shalt  }
0x3e: {  	_ =	shalt  }
0x3f: {  	_ =	shalt  }
0x40: {  	_ =	shalt  }
0x41: {  	_ =	shalt  }
0x42: {  	_ =	shalt  }
0x43: {  	_ =	shalt  }
0x44: {  	_ =	shalt  }
0x45: {  	_ =	shalt  }
0x46: {  	_ =	shalt  }
0x47: {  	_ =	shalt  }
0x48: {  	_ =	shalt  }
0x49: {  	_ =	shalt  }
0x4a: {  	_ =	shalt  }
0x4b: {  	_ =	shalt  }
0x4c: {  	_ =	shalt  }
0x4d: {  	_ =	shalt  }
0x4e: {  	_ =	shalt  }
0x4f: {  	_ =	shalt  }
0x50: {  	_ =	shalt  }
0x51: {  	_ =	shalt  }
0x52: {  	_ =	shalt  }
0x53: {  	_ =	shalt  }
0x54: {  	_ =	shalt  }
0x55: {  	_ =	shalt  }
0x56: {  	_ =	shalt  }
0x57: {  	_ =	shalt  }
0x58: {  	_ =	shalt  }
0x59: {  	_ =	shalt  }
0x5a: {  	_ =	shalt  }
0x5b: {  	_ =	shalt  }
0x5c: {  	_ =	shalt  }
0x5d: {  	_ =	shalt  }
0x5e: {  	_ =	shalt  }
0x5f: {  	_ =	shalt  }
0x60: {  	_ =	shalt  }
0x61: {  	_ =	shalt  }
0x62: {  	_ =	shalt  }
0x63: {  	_ =	shalt  }
0x64: {  	_ =	shalt  }
0x65: {  	_ =	shalt  }
0x66: {  	_ =	shalt  }
0x67: {  	_ =	shalt  }
0x68: {  	_ =	shalt  }
0x69: {  	_ =	shalt  }
0x6a: {  	_ =	shalt  }
0x6b: {  	_ =	shalt  }
0x6c: {  	_ =	shalt  }
0x6d: {  	_ =	shalt  }
0x6e: {  	_ =	shalt  }
0x6f: {  	_ =	shalt  }
0x70: {  	_ =	shalt  }
0x71: {  	_ =	shalt  }
0x72: {  	_ =	shalt  }
0x73: {  	_ =	shalt  }
0x74: {  	_ =	shalt  }
0x75: {  	_ =	shalt  }
0x76: {  	_ =	shalt  }
0x77: {  	_ =	shalt  }
0x78: {  	_ =	shalt  }
0x79: {  	_ =	shalt  }
0x7a: {  	_ =	shalt  }
0x7b: {  	_ =	shalt  }
0x7c: {  	_ =	shalt  }
0x7d: {  	_ =	shalt  }
0x7e: {  	_ =	shalt  }
0x7f: {  	_ =	shalt  }
0x80: {  	_ =	shalt  }
0x81: {  	_ =	shalt  }
0x82: {  	_ =	shalt  }
0x83: {  	_ =	shalt  }
0x84: {  	_ =	shalt  }
0x85: {  	_ =	shalt  }
0x86: {  	_ =	shalt  }
0x87: {  	_ =	shalt  }
.Lfunc_end0:
.L_simem_size_0:
called_computation.5_lowered:
.L_overlay_start_0:
0x88: {  	s2 =	sld [smem:$0x3FD9]  }
0x89: {  	s3 =	sld [smem:$0x3FFE];
	_ =	sdelay $0x1  }
0x8a: {  	s1 =	srdreg.scid  }
0x8b: {  	s0 =	sand.u32 $0x1, s1  }
0x8c: {  	s16 =	sshll.u32 s0, $0xA;
	s2 =	sadd.s32 s3, s2  }
0x8d: {  	s2 =	sadd.s32 s2, s16  }
0x8e: {  	[smem:$0x3FB8] =	sst s2  }
0x8f: {  	_ = 	snop  }
0x90: {  	(tm) =	ssettm $0x1  }
0x91: {  	s17 =	sld [smem:$0x3FFB];
	_ =	sdelay $0x3  }
0x92: {  	_ =	strace s17  }
0x93: {  	s2 =	sld [smem:$0x3FFC];
	_ =	sdelay $0x3  }
0x94: {  	_ =	strace s2  }
0x95: {  	s2 =	sld [smem:$0x3FFD];
	_ =	sdelay $0x3  }
0x96: {  	_ =	strace s2  }
0x97: {  	_ =	strace $0x8FFFFFFF  }
0x98: {  	s18 =	sld [smem:$0x3FDB];
	_ =	sdelay $0x1  }
0x99: {  	s19 =	simm.s32 $_scs_section_size  }
0x9a: {  	s4 =	simm.s32 $_size__tile_overlayer_lowered;
	s5 =	simm.s32 $_tile_overlayer_lowered  }
0x9b: {  	s22 =	simm.s32 $0x1BFF;
	s21 =	sshll.u32 s5, $0x1;
	s2 =	sadd.s32 s19, s18  }
0x9c: {  	s6 =	simm.s32 $0x0;
	s20 =	sshll.u32 s4, $0x1;
	s4 =	sadd.s32 s21, s2  }
0x9d: {  	[timem:s6], [sflag:s22] =	dma.local [hbm:s4], s20  }
0x9e: {  	_ =	swait.ge [sflag:s22], s20  }
0x9f: {  	s3 =	ssub.s32 $0x0, s20;
	[sflag:s22] =	ssyncset.done $0x0  }
0xa0: {  	[sflag:s22] =	ssyncadd.s32 s3;
	_ =	sdelay $0x1  }
0xa1: {  	s23 =	simm.s32 $0x1B8B  }
0xa2: {  	_ =	swait.ge [sflag:s23], $0x1  }
0xa3: {  	[sflag:s23] =	ssyncset.done $0x0  }
0xa4: {  	s25 =	simm.s32 $0x1B8E;
	s24 =	sld [smem:$0x3FFE];
	[sflag:s23] =	ssyncadd.s32 $0xFFFFFFFF  }
0xa5: {  	s26 =	simm.s32 $execute0_lowered;
	[smem:$0x3FD2] =	sst s25  }
0xa6: {  	s4 =	sshll.u32 s26, $0x1;
	_ =	strace $0x80000046;
	[dreg:$0x1] =	wrdreg $0xFFFFFFFF  }
0xa7: {  	s28 =	simm.s32 $_size_execute0_lowered;
	s2 =	sadd.s32 s2, s4;
	[dreg:$0x0] =	wrdreg $0x0  }
0xa8: {  	s4 =	sshll.u32 s28, $0x1;
	[dreg:$0x2] =	wrdreg s2  }
0xa9: {  	[dreg:$0x3] =	wrdreg s4  }
0xaa: {  	[dreg:$0x4] =	wrdreg $0xC0  }
0xab: {  	_ =	task [dreg:s6], $0x5FFFF  }
0xac: {  	[dreg:$0x1] =	wrdreg $0xFFFFFFFF  }
0xad: {  	[dreg:$0x0] =	wrdreg $0x60  }
0xae: {  	[dreg:$0x2] =	wrdreg s24  }
0xaf: {  	[dreg:$0x3] =	wrdreg $0xB  }
0xb0: {  	_ =	task.clear_ibuf [dreg:s6], $0x4FFFF;
	_ =	strace $0x90000046  }
0xb1: {  	s29 =	simm.s32 $0xB;
	_ =	strace $0x80000048  }
0xb2: {  	_ =	swait.ge [sflag:s29], $0x1  }
0xb3: {  	[sflag:s29] =	ssyncadd.s32 $0xFFFFFFFF  }
0xb4: {  	_ =	strace $0x90000048  }
0xb5: {  	_ =	sfence  }
0xb6: {  	s30 =	sld [smem:$0x0];
	_ =	sdelay $0x2  }
0xb7: {  	s31 =	sshll.u32 s1, $0xD;
	s1 =	sshrl.u32 s1, $0x2  }
0xb8: {  	s3 =	sand.u32 $0x4000, s31;
	s1 =	sadd.s32 s1, s30  }
0xb9: {  	s0 =	sor.u32 s3, s0;
	s1 =	sshll.u32 s1, $0x11  }
0xba: {  	s0 =	sor.u32 s1, s0  }
0xbb: {  	s0 =	sadd.s32 $0x8F2B, s0  }
0xbc: {  	[sflag:s0] =	ssyncadd.remote.s32 $0x1  }
0xbd: {  	_ =	sfence.sel $0xFFFF  }
0xbe: {  	[dreg:$0x0] =	wrdreg $0xFFFFFFFF;
	(pc) =	sbr.abs _section_cstart, $3  }
0xbf: {  	[dreg:$0x1] =	wrdreg $0xFFFFFFFF  }
0xc0: {  	_ =	task.clear_ibuf [dreg:s6], $0x2FFFF;
	_ =	strace $0x9FFFFFFF  }
0xc1: {  	(tm) =	ssettm $0x7FFFFFFF  }
tec
execute0_lowered:
.L_overlay_start_1:
0x0: {  	(tag) =	ssettag $0x1  }
0x1: {  	s8 =	rddreg [dreg:$0x0]  }
0x2: {  	s0 =	rddreg [dreg:$0x1];
	s1 =	simm.s32 $0x0;
	s5 =	srdreg.scid  }
0x3: {  	s12 =	simm.s32 $0x186A0;
	s13 =	simm.s32 $0x18830;
	s14 =	simm.s32 $0x0  }
0x4: {  	[smem:$0x7FF] =	sst s1;
	s2 =	sadd.s32 $0x37800, s8;
	s3 =	sadd.s32 $0x6A00, s8  }
0x5: {  	s4 =	sadd.s32 $0x3800, s8;
	s9 =	sand.u32 $0x1, s5;
	s6 =	sadd.s32 $0x600, s8  }
0x6: {  	s7 =	sadd.s32 $0x99400, s8;
	s5 =	stileid.u32;
	s10 =	ssub.s32 $0x2, s9  }
0x7: {  	s8 =	sadd.s32 $0x68600, s8;
	s9 =	sshll.u32 s9, $0x4;
	s11 =	sshrl.u32 s10, $0x1  }
0x8: {  	_ =	strace $0x80000047;
	s9 =	sor.u32 s5, s9;
	s10 =	ssub.s32 s10, s11  }
0x9: {  	s9 =	smul.u32 $0xC350, s9;
	s11 =	simm.s32 $0x1;
	s10 =	smax.u32 s10, $0x1  }
.LBB2_1:
0xa: {  	[tilespmem:s1], [sflag:$0x1] =	stream.linear.gather [hbm4b:s4+s1], $0x186A0, $0x38;
	[tilespmem:$0x189C0] =	vst v63  }
0xb: {  	_ =	swait.ge [sflag:s11], $0x186A0  }
0xc: {  	[sflag:s11] =	ssyncset.done $0x0  }
0xd: {  	s15 =	simm.s32 $0x0;
	[sflag:s11] =	ssyncadd.s32 $0xFFFE7960  }
.LBB2_2:
0xe: {  	s16 =	smul.u32 $0x190, s15;
	_ =	sdelay $0x1  }
0xf: {  	s16 =	sadd.s32 s9, s16  }
0x10: {  	s16 =	sshrl.u32 s16, $0x3  }
0x11: {  	s18 =	simm.s32 $0x0;
	s17 =	sadd.s32 s2, s16  }
0x12: {  	[tilespmem:s12], [sflag:$0x1] =	stream.linear.gather [hbm4b:s17+s18], $0x190, $0x38;
	[tilespmem:$0x189C0] =	vst v63  }
0x13: {  	_ =	swait.ge [sflag:s11], $0x190  }
0x14: {  	[sflag:s11] =	ssyncset.done $0x0  }
0x15: {  	s17 =	simm.s32 $0x0;
	[sflag:s11] =	ssyncadd.s32 $0xFFFFFE70  }
0x16: {  	v0 =	vld [tilespmem:s17+$0x186A0];
	_ =	sdelay $0x7  }
0x17: {  	s19 =	simm.s32 $0x80;
	s18 =	simm.s32 $0x10;
	v0 =	vld.idx.msk [tilespmem:v0+s1+$0x0], $0xffff  }
.LBB2_3:
0x18: {  	p0 =	sne.s32 s19, $0x600;
	v1 =	vld [tilespmem:s18+$0x186A0];
	_ =	sdelay $0x3  }
.Ltmp0:
0x19: {  	(pc) =	sbr.rel @p0 .LBB2_3-.Ltmp0, $2  }
0x1a: {  	[tilespmem:s17+$0x18830] =	vst v0;
	s17 =	smov.u32 s18;
	_ =	sdelay $0x2  }
0x1b: {  	s18 =	sshra.s32 s19, $0x2;
	s19 =	sadd.s32 $0x40, s19;
	v0 =	vld.idx.msk [tilespmem:v1+s1+$0x0], $0xffff  }
0x1c: {  	v1 =	vld [tilespmem:s18+$0x186A0];
	_ =	sdelay $0x6  }
0x1d: {  	[tilespmem:s17+$0x18830] =	vst v0  }
0x1e: {  	v0 =	vld.idx.msk [tilespmem:v1+s1+$0x0], $0xffff;
	_ =	sdelay $0x2  }
0x1f: {  	s15 =	sadd.s32 $0x1, s15  }
0x20: {  	p0 =	sne.s32 s15, $0x7D  }
.Ltmp1:
0x21: {  	s16 =	sadd.s32 s8, s16;
	[tilespmem:s18+$0x18830] =	vst v0;
	(pc) =	sbr.rel @p0 .LBB2_2-.Ltmp1, $4  }
0x22: {  	[hbm4b:s16+s1] =	stream.linear.scatter [tilespmem:s13], [sflag:$0x1], $0x190, $0x38;
	[tilespmem:$0x189C0] =	vst v63  }
0x23: {  	_ =	swait.ge [sflag:s11], $0x190  }
0x24: {  	[sflag:s11] =	ssyncset.done $0x0  }
0x25: {  	[sflag:s11] =	ssyncadd.s32 $0xFFFFFE70  }
0x26: {  	s15 =	simm.s32 $0x0  }
0x27: {  	[tilespmem:s15], [sflag:$0x1] =	stream.linear.gather [hbm4b:s6+s15], $0x186A0, $0x38;
	[tilespmem:$0x189C0] =	vst v63  }
0x28: {  	_ =	swait.ge [sflag:s11], $0x186A0  }
0x29: {  	[sflag:s11] =	ssyncset.done $0x0  }
0x2a: {  	s16 =	simm.s32 $0x0;
	[sflag:s11] =	ssyncadd.s32 $0xFFFE7960  }
.LBB2_6:
0x2b: {  	s17 =	smul.u32 $0x190, s16;
	_ =	sdelay $0x1  }
0x2c: {  	s17 =	sadd.s32 s9, s17  }
0x2d: {  	s17 =	sshrl.u32 s17, $0x3  }
0x2e: {  	s18 =	sadd.s32 s3, s17  }
0x2f: {  	[tilespmem:s12], [sflag:$0x1] =	stream.linear.gather [hbm4b:s18+s15], $0x190, $0x38;
	[tilespmem:$0x189C0] =	vst v63  }
0x30: {  	_ =	swait.ge [sflag:s11], $0x190  }
0x31: {  	[sflag:s11] =	ssyncset.done $0x0  }
0x32: {  	s31 =	sadd.s32 s8, s17;
	[sflag:s11] =	ssyncadd.s32 $0xFFFFFE70  }
0x33: {  	[tilespmem:s13], [sflag:$0x1] =	stream.linear.gather [hbm4b:s31+s15], $0x190, $0x38;
	[tilespmem:$0x189C0] =	vst v63  }
0x34: {  	_ =	swait.ge [sflag:s11], $0x190  }
0x35: {  	[sflag:s11] =	ssyncset.done $0x0  }
0x36: {  	s18 =	simm.s32 $0x0;
	[sflag:s11] =	ssyncadd.s32 $0xFFFFFE70  }
0x37: {  	v0 =	vld [tilespmem:s18+$0x186A0];
	_ =	sdelay $0x6  }
0x38: {  	v1 =	vld [tilespmem:s18+$0x18830]  }
0x39: {  	v0 =	vld.idx.msk [tilespmem:v0+s1+$0x0], $0xffff;
	_ =	sdelay $0x1  }
0x3a: {  	s19 =	simm.s32 $0x10;
	s20 =	simm.s32 $0x80  }
.LBB2_7:
0x3b: {  	p0 =	sne.s32 s20, $0x600;
	v2 =	vld [tilespmem:s19+$0x186A0];
	_ =	sdelay $0x1  }
0x3c: {  	v0 =	vadd.f32 v1, v0;
	_ =	sdelay $0x1  }
0x3d: {  	v1 =	vmul.f32 $2.000000030e-01, v0;
	_ =	sdelay $0x1  }
0x3e: {  	v0 =	vmax.f32 v0, v1  }
.Ltmp2:
0x3f: {  	[tilespmem:s18+$0x18830] =	vst v0;
	s18 =	smov.u32 s19;
	(pc) =	sbr.rel @p0 .LBB2_7-.Ltmp2, $3  }
0x40: {  	v0 =	vld.idx.msk [tilespmem:v2+s1+$0x0], $0xffff  }
0x41: {  	v1 =	vld [tilespmem:s18+$0x18830];
	_ =	sdelay $0x1  }
0x42: {  	s19 =	sshra.s32 s20, $0x2;
	s20 =	sadd.s32 $0x40, s20  }
0x43: {  	v2 =	vld [tilespmem:s19+$0x186A0];
	_ =	sdelay $0x1  }
0x44: {  	v0 =	vadd.f32 v1, v0;
	_ =	sdelay $0x1  }
0x45: {  	v1 =	vmul.f32 $2.000000030e-01, v0;
	_ =	sdelay $0x1  }
0x46: {  	v0 =	vmax.f32 v0, v1  }
0x47: {  	[tilespmem:s18+$0x18830] =	vst v0  }
0x48: {  	v0 =	vld.idx.msk [tilespmem:v2+s1+$0x0], $0xffff  }
0x49: {  	v63 =	vld [tilespmem:s19+$0x18830];
	_ =	sdelay $0x4  }
0x4a: {  	v0 =	vadd.f32 v63, v0;
	_ =	sdelay $0x1  }
0x4b: {  	v1 =	vmul.f32 $2.000000030e-01, v0  }
0x4c: {  	s16 =	sadd.s32 $0x1, s16  }
0x4d: {  	p0 =	sne.s32 s16, $0x7D;
	v0 =	vmax.f32 v0, v1  }
.Ltmp3:
0x4e: {  	s17 =	sadd.s32 s7, s17;
	[tilespmem:s19+$0x18830] =	vst v0;
	(pc) =	sbr.rel @p0 .LBB2_6-.Ltmp3, $4  }
0x4f: {  	[hbm4b:s17+s1] =	stream.linear.scatter [tilespmem:s13], [sflag:$0x1], $0x190, $0x38;
	[tilespmem:$0x189C0] =	vst v63  }
0x50: {  	_ =	swait.ge [sflag:s11], $0x190  }
0x51: {  	[sflag:s11] =	ssyncset.done $0x0  }
0x52: {  	[sflag:s11] =	ssyncadd.s32 $0xFFFFFE70  }
0x53: {  	s14 =	sadd.s32 $0x1, s14  }
0x54: {  	p0 =	sne.s32 s14, s10  }
.Ltmp4:
0x55: {  	_ = 	snop;
	(pc) =	sbr.rel @p0 .LBB2_1-.Ltmp4, $1  }
0x56: {  	_ =	sdelay $0x3  }
0x57: {  	_ =	sfence.sel $0x180000  }
0x58: {  	[bflag:$0x0] =	sbarrier.arrive $0xFFFF  }
0x59: {  	p0 =	sne.s32 s5, $0x0;
	_ =	strace $0x90000047  }
0x5a: {  	s0 =	sadd.s32 @!p0 $0x100000, s0;
	[bflag:$0x2] =	sbarrier.arrive $0xFFFF  }
0x5b: {  	[sflag:s0] =	ssyncadd.tile.s32 @!p0 $0x1;
	_ =	shalt  }
.Lfunc_end2:
_tile_overlayer_lowered:
.L_overlay_start_2:
0x5c: {  	(tag) =	ssettag $0x2  }
0x5d: {  	s0 =	rddreg [dreg:$0x0];
	s2 =	stileid.u32  }
0x5e: {  	s1 =	rddreg [dreg:$0x1];
	p0 =	sne.s32 s2, $0x0  }
0x5f: {  	s3 =	rddreg [dreg:$0x2];
	[bflag:$0x3] =	sbarrier.arrive $0xFFFF;
	s2 =	simm.s32 @!p0 $0x1C01  }
0x60: {  	[timem:s3], [sflag:s2] =	dma.local @!p0 [hbm:s0], s1  }
0x61: {  	s0 =	simm.s32 @!p0 $0x1  }
0x62: {  	_ =	swait.ge @!p0 [sflag:s0], s1  }
0x63: {  	s1 =	ssub.s32 @!p0 $0x0, s1;
	[sflag:s0] =	ssyncset.done @!p0 $0x0  }
0x64: {  	[sflag:s0] =	ssyncadd.s32 @!p0 s1  }
0x65: {  	[bflag:$0x3] =	sbarrier.arrive $0xFFFF  }
0x66: {  	_ =	shalt  }

// kernel: kernel.14.cloned.1.call-start
scs
__scs_entry_jumppad:
0x0: {  	(pc) =	sbr.rel $0x88, $3  }
0x1: {  	(tag) =	ssettag $0x0;
	lr =	simm.s32 $0x1  }
0x2: {  	[smem:$0x3F91] =	sst lr;
	_ =	strace $0xD0000000  }
0x3: {  	_ = 	snop  }
0x4: {  	_ = 	snop  }
0x5: {  	_ = 	snop  }
0x6: {  	_ = 	snop  }
0x7: {  	_ = 	snop  }
__scs_overlays_trampoline_lowered:
0x8: {  	[smem:$0x3FA0] =	sst s0  }
0x9: {  	[smem:$0x3FA1] =	sst s1  }
0xa: {  	[smem:$0x3FA2] =	sst s2  }
0xb: {  	[smem:$0x3FA3] =	sst s3  }
0xc: {  	[smem:$0x3FA4] =	sst s4  }
0xd: {  	[smem:$0x3FA5] =	sst s5  }
0xe: {  	[smem:$0x3FA6] =	sst s6  }
0xf: {  	[smem:$0x3FA7] =	sst s7  }
0x10: {  	[smem:$0x3FA8] =	sst s8  }
0x11: {  	[smem:$0x3FA9] =	sst s9;
	s0 =	simm.s32 @!p0 $0x0  }
0x12: {  	s1 =	sld [smem:$0x3F8F];
	s0 =	simm.s32 @p0 $0x1  }
0x13: {  	[smem:$0x3FAA] =	sst s0;
	s0 =	simm.s32 @!p1 $0x0  }
0x14: {  	s2 =	sld [smem:$0x3F8E];
	s0 =	simm.s32 @p1 $0x1  }
0x15: {  	[smem:$0x3FAB] =	sst s0;
	s0 =	simm.s32 @!p2 $0x0  }
0x16: {  	s3 =	sld [smem:$0x3FDB];
	s0 =	simm.s32 @p2 $0x1  }
0x17: {  	s4 =	simm.s32 $0x1BF5;
	[smem:$0x3FAD] =	sst s0  }
0x18: {  	s0 =	sld [smem:$0x3F90];
	_ =	swait.ge [sflag:s4], $0x0  }
0x19: {  	s7 =	sld [smem:$0x3F91]  }
0x1a: {  	s8 =	sadd.s32 $0xFFFFE003, lr  }
0x1b: {  	s9 =	sadd.s32 $0xFFFFFEF7, lr;
	s5 =	simm.s32 $0xFFFFFFFF;
	p2 =	slt.u32 s8, $0xFFFFF086  }
0x1c: {  	p1 =	slt.u32 s9, $0xF7A;
	s5 =	simm.s32 @!p2 $0x0  }
0x1d: {  	s5 =	simm.s32 @p1 $0x1;
	p0 =	seq.s32 s7, s2  }
0x1e: {  	s7 =	smul.u32 @!p0 $0xF7A, s2;
	p2 =	seq.s32 @!p0 s5, $0x0  }
0x1f: {  	s9 =	smul.u32 $0xF7A, s1;
	s8 =	simm.s32 @!p0 $0x1BF5;
	p2 =	por !p2, p0  }
0x20: {  	[sflag:s8] =	ssyncset.s32 @!p0 $0xFFFFF086;
	s6 =	sadd.s32 @!p0 s3, s7;
	s7 =	simm.s32 @!p0 $0x108  }
0x21: {  	s3 =	sadd.s32 s3, s9;
	s6 =	sadd.s32 @!p0 $0x88, s6;
	s7 =	simm.s32 @p2 $0x1082  }
0x22: {  	[simem:s7], [sflag:s8] =	dma.local @!p0 [hbm:s6], $0xF7A  }
0x23: {  	s9 =	sor.u32 $0xD0000000, s2;
	s6 =	simm.s32 $0x108;
	_ =	swait.ge @!p0 [sflag:s8], $0x0  }
0x24: {  	s3 =	sadd.s32 $0x88, s3;
	s6 =	simm.s32 @!p1 $0x1082;
	[sflag:s4] =	ssyncset.s32 $0xFFFFF086  }
0x25: {  	[simem:s6], [sflag:s4] =	dma.local [hbm:s3], $0xF7A  }
0x26: {  	[smem:$0x3F91] =	sst s1;
	(tag) =	ssettag s2;
	_ =	strace s9  }
0x27: {  	s1 =	sld [smem:$0x3FA1]  }
0x28: {  	s2 =	sld [smem:$0x3FA2]  }
0x29: {  	s4 =	sld [smem:$0x3FA4]  }
0x2a: {  	p0 =	seq.s32 s5, $0x0;
	s5 =	sld [smem:$0x3FA5]  }
0x2b: {  	s6 =	sld [smem:$0x3FA6]  }
0x2c: {  	s7 =	sld [smem:$0x3FA7]  }
0x2d: {  	s3 =	simm.s32 $0x108;
	s8 =	sld [smem:$0x3FA8]  }
0x2e: {  	s3 =	simm.s32 @!p0 $0x1082;
	s9 =	sld [smem:$0x3FA9]  }
0x2f: {  	lr =	sadd.s32 s0, s3;
	s0 =	sld [smem:$0x3FA0]  }
0x30: {  	s3 =	sld [smem:$0x3FA3]  }
0x31: {  	[smem:$0x3FAC] =	sst s10  }
0x32: {  	s10 =	sld [smem:$0x3FAA];
	_ =	sdelay $0x3  }
0x33: {  	p0 =	seq.s32 s10, $0x1;
	s10 =	sld [smem:$0x3FAC];
	_ =	sdelay $0x3  }
0x34: {  	[smem:$0x3FAC] =	sst s10  }
0x35: {  	s10 =	sld [smem:$0x3FAB];
	_ =	sdelay $0x3  }
0x36: {  	p1 =	seq.s32 s10, $0x1;
	s10 =	sld [smem:$0x3FAC];
	_ =	sdelay $0x3  }
0x37: {  	[smem:$0x3FAC] =	sst s10  }
0x38: {  	s10 =	sld [smem:$0x3FAD]  }
0x39: {  	_ = 	snop;
	(pc) =	sbr.ind lr, $3  }
0x3a: {  	_ = 	snop  }
0x3b: {  	_ = 	snop  }
0x3c: {  	p2 =	seq.s32 s10, $0x1;
	s10 =	sld [smem:$0x3FAC]  }
0x3d: {  	_ =	shalt  }
0x3e: {  	_ =	shalt  }
0x3f: {  	_ =	shalt  }
0x40: {  	_ =	shalt  }
0x41: {  	_ =	shalt  }
0x42: {  	_ =	shalt  }
0x43: {  	_ =	shalt  }
0x44: {  	_ =	shalt  }
0x45: {  	_ =	shalt  }
0x46: {  	_ =	shalt  }
0x47: {  	_ =	shalt  }
0x48: {  	_ =	shalt  }
0x49: {  	_ =	shalt  }
0x4a: {  	_ =	shalt  }
0x4b: {  	_ =	shalt  }
0x4c: {  	_ =	shalt  }
0x4d: {  	_ =	shalt  }
0x4e: {  	_ =	shalt  }
0x4f: {  	_ =	shalt  }
0x50: {  	_ =	shalt  }
0x51: {  	_ =	shalt  }
0x52: {  	_ =	shalt  }
0x53: {  	_ =	shalt  }
0x54: {  	_ =	shalt  }
0x55: {  	_ =	shalt  }
0x56: {  	_ =	shalt  }
0x57: {  	_ =	shalt  }
0x58: {  	_ =	shalt  }
0x59: {  	_ =	shalt  }
0x5a: {  	_ =	shalt  }
0x5b: {  	_ =	shalt  }
0x5c: {  	_ =	shalt  }
0x5d: {  	_ =	shalt  }
0x5e: {  	_ =	shalt  }
0x5f: {  	_ =	shalt  }
0x60: {  	_ =	shalt  }
0x61: {  	_ =	shalt  }
0x62: {  	_ =	shalt  }
0x63: {  	_ =	shalt  }
0x64: {  	_ =	shalt  }
0x65: {  	_ =	shalt  }
0x66: {  	_ =	shalt  }
0x67: {  	_ =	shalt  }
0x68: {  	_ =	shalt  }
0x69: {  	_ =	shalt  }
0x6a: {  	_ =	shalt  }
0x6b: {  	_ =	shalt  }
0x6c: {  	_ =	shalt  }
0x6d: {  	_ =	shalt  }
0x6e: {  	_ =	shalt  }
0x6f: {  	_ =	shalt  }
0x70: {  	_ =	shalt  }
0x71: {  	_ =	shalt  }
0x72: {  	_ =	shalt  }
0x73: {  	_ =	shalt  }
0x74: {  	_ =	shalt  }
0x75: {  	_ =	shalt  }
0x76: {  	_ =	shalt  }
0x77: {  	_ =	shalt  }
0x78: {  	_ =	shalt  }
0x79: {  	_ =	shalt  }
0x7a: {  	_ =	shalt  }
0x7b: {  	_ =	shalt  }
0x7c: {  	_ =	shalt  }
0x7d: {  	_ =	shalt  }
0x7e: {  	_ =	shalt  }
0x7f: {  	_ =	shalt  }
0x80: {  	_ =	shalt  }
0x81: {  	_ =	shalt  }
0x82: {  	_ =	shalt  }
0x83: {  	_ =	shalt  }
0x84: {  	_ =	shalt  }
0x85: {  	_ =	shalt  }
0x86: {  	_ =	shalt  }
0x87: {  	_ =	shalt  }
.Lfunc_end0:
.L_simem_size_0:
called_computation.6_lowered:
.L_overlay_start_0:
0x88: {  	s2 =	sld [smem:$0x3FD9]  }
0x89: {  	s3 =	sld [smem:$0x3FFE];
	_ =	sdelay $0x1  }
0x8a: {  	s1 =	srdreg.scid  }
0x8b: {  	s0 =	sand.u32 $0x1, s1  }
0x8c: {  	s16 =	sshll.u32 s0, $0xA;
	s2 =	sadd.s32 s3, s2  }
0x8d: {  	s2 =	sadd.s32 s2, s16  }
0x8e: {  	[smem:$0x3FB8] =	sst s2  }
0x8f: {  	_ = 	snop  }
0x90: {  	(tm) =	ssettm $0x1  }
0x91: {  	s17 =	sld [smem:$0x3FFB];
	_ =	sdelay $0x3  }
0x92: {  	_ =	strace s17  }
0x93: {  	s2 =	sld [smem:$0x3FFC];
	_ =	sdelay $0x3  }
0x94: {  	_ =	strace s2  }
0x95: {  	s2 =	sld [smem:$0x3FFD];
	_ =	sdelay $0x3  }
0x96: {  	_ =	strace s2  }
0x97: {  	_ =	strace $0x8FFFFFFF  }
0x98: {  	s18 =	sld [smem:$0x3FDB];
	_ =	sdelay $0x1  }
0x99: {  	s19 =	simm.s32 $_scs_section_size  }
0x9a: {  	s4 =	simm.s32 $_size__tile_overlayer_lowered;
	s5 =	simm.s32 $_tile_overlayer_lowered  }
0x9b: {  	s22 =	simm.s32 $0x1BFF;
	s21 =	sshll.u32 s5, $0x1;
	s2 =	sadd.s32 s19, s18  }
0x9c: {  	s6 =	simm.s32 $0x0;
	s20 =	sshll.u32 s4, $0x1;
	s4 =	sadd.s32 s21, s2  }
0x9d: {  	[timem:s6], [sflag:s22] =	dma.local [hbm:s4], s20  }
0x9e: {  	_ =	swait.ge [sflag:s22], s20  }
0x9f: {  	s3 =	ssub.s32 $0x0, s20;
	[sflag:s22] =	ssyncset.done $0x0  }
0xa0: {  	[sflag:s22] =	ssyncadd.s32 s3;
	_ =	sdelay $0x1  }
0xa1: {  	s23 =	simm.s32 $0x1B8B  }
0xa2: {  	_ =	swait.ge [sflag:s23], $0x1  }
0xa3: {  	[sflag:s23] =	ssyncset.done $0x0  }
0xa4: {  	s25 =	simm.s32 $0x1B8E;
	s24 =	sld [smem:$0x3FFE];
	[sflag:s23] =	ssyncadd.s32 $0xFFFFFFFF  }
0xa5: {  	s26 =	simm.s32 $execute0_lowered;
	[smem:$0x3FD2] =	sst s25  }
0xa6: {  	s4 =	sshll.u32 s26, $0x1;
	_ =	strace $0x8000005B;
	[dreg:$0x1] =	wrdreg $0xFFFFFFFF  }
0xa7: {  	s28 =	simm.s32 $_size_execute0_lowered;
	s2 =	sadd.s32 s2, s4;
	[dreg:$0x0] =	wrdreg $0x0  }
0xa8: {  	s4 =	sshll.u32 s28, $0x1;
	[dreg:$0x2] =	wrdreg s2  }
0xa9: {  	[dreg:$0x3] =	wrdreg s4  }
0xaa: {  	[dreg:$0x4] =	wrdreg $0xC0  }
0xab: {  	_ =	task [dreg:s6], $0x5FFFF  }
0xac: {  	[dreg:$0x1] =	wrdreg $0xFFFFFFFF  }
0xad: {  	[dreg:$0x0] =	wrdreg $0x60  }
0xae: {  	[dreg:$0x2] =	wrdreg s24  }
0xaf: {  	[dreg:$0x3] =	wrdreg $0x9  }
0xb0: {  	_ =	task.clear_ibuf [dreg:s6], $0x4FFFF;
	_ =	strace $0x9000005B  }
0xb1: {  	s29 =	simm.s32 $0x9;
	_ =	strace $0x8000005D  }
0xb2: {  	_ =	swait.ge [sflag:s29], $0x1  }
0xb3: {  	[sflag:s29] =	ssyncadd.s32 $0xFFFFFFFF  }
0xb4: {  	_ =	strace $0x9000005D  }
0xb5: {  	_ =	sfence  }
0xb6: {  	s30 =	sld [smem:$0x0];
	_ =	sdelay $0x2  }
0xb7: {  	s31 =	sshll.u32 s1, $0xD;
	s1 =	sshrl.u32 s1, $0x2  }
0xb8: {  	s3 =	sand.u32 $0x4000, s31;
	s1 =	sadd.s32 s1, s30  }
0xb9: {  	s0 =	sor.u32 s3, s0;
	s1 =	sshll.u32 s1, $0x11  }
0xba: {  	s0 =	sor.u32 s1, s0  }
0xbb: {  	s0 =	sadd.s32 $0x8F2B, s0  }
0xbc: {  	[sflag:s0] =	ssyncadd.remote.s32 $0x1  }
0xbd: {  	_ =	sfence.sel $0xFFFF  }
0xbe: {  	[dreg:$0x0] =	wrdreg $0xFFFFFFFF;
	(pc) =	sbr.abs _section_cstart, $3  }
0xbf: {  	[dreg:$0x1] =	wrdreg $0xFFFFFFFF  }
0xc0: {  	_ =	task.clear_ibuf [dreg:s6], $0x2FFFF;
	_ =	strace $0x9FFFFFFF  }
0xc1: {  	(tm) =	ssettm $0x7FFFFFFF  }
tec
execute0_lowered:
.L_overlay_start_1:
0x0: {  	(tag) =	ssettag $0x1  }
0x1: {  	s8 =	rddreg [dreg:$0x0]  }
0x2: {  	s0 =	rddreg [dreg:$0x1];
	s1 =	simm.s32 $0x0;
	s5 =	srdreg.scid  }
0x3: {  	s12 =	simm.s32 $0x186A0;
	s13 =	simm.s32 $0x18830;
	s14 =	simm.s32 $0x0  }
0x4: {  	[smem:$0x7FF] =	sst s1;
	s2 =	sadd.s32 $0x37800, s8;
	s3 =	sadd.s32 $0x6A00, s8  }
0x5: {  	s4 =	sadd.s32 $0x600, s8;
	s9 =	sand.u32 $0x1, s5;
	s6 =	sadd.s32 $0x15FE00, s8  }
0x6: {  	s7 =	sadd.s32 $0x68600, s8;
	s5 =	stileid.u32;
	s10 =	ssub.s32 $0x2, s9  }
0x7: {  	s8 =	sadd.s32 $0x1C4C00, s8;
	s9 =	sshll.u32 s9, $0x4;
	s11 =	sshrl.u32 s10, $0x1  }
0x8: {  	_ =	strace $0x8000005C;
	s9 =	sor.u32 s5, s9;
	s10 =	ssub.s32 s10, s11  }
0x9: {  	s9 =	smul.u32 $0xC350, s9;
	s11 =	simm.s32 $0x1;
	s10 =	smax.u32 s10, $0x1  }
.LBB2_1:
0xa: {  	[tilespmem:s1], [sflag:$0x1] =	stream.linear.gather [hbm4b:s4+s1], $0x186A0, $0x38;
	[tilespmem:$0x189C0] =	vst v63  }
0xb: {  	_ =	swait.ge [sflag:s11], $0x186A0  }
0xc: {  	[sflag:s11] =	ssyncset.done $0x0  }
0xd: {  	s15 =	simm.s32 $0x0;
	[sflag:s11] =	ssyncadd.s32 $0xFFFE7960  }
.LBB2_2:
0xe: {  	s16 =	smul.u32 $0x190, s15;
	_ =	sdelay $0x1  }
0xf: {  	s16 =	sadd.s32 s9, s16  }
0x10: {  	s16 =	sshrl.u32 s16, $0x3  }
0x11: {  	s18 =	simm.s32 $0x0;
	s17 =	sadd.s32 s2, s16  }
0x12: {  	[tilespmem:s12], [sflag:$0x1] =	stream.linear.gather [hbm4b:s17+s18], $0x190, $0x38;
	[tilespmem:$0x189C0] =	vst v63  }
0x13: {  	_ =	swait.ge [sflag:s11], $0x190  }
0x14: {  	[sflag:s11] =	ssyncset.done $0x0  }
0x15: {  	s17 =	simm.s32 $0x0;
	[sflag:s11] =	ssyncadd.s32 $0xFFFFFE70  }
0x16: {  	v0 =	vld [tilespmem:s17+$0x186A0];
	_ =	sdelay $0x7  }
0x17: {  	s19 =	simm.s32 $0x80;
	s18 =	simm.s32 $0x10;
	v0 =	vld.idx.msk [tilespmem:v0+s1+$0x0], $0xffff  }
.LBB2_3:
0x18: {  	p0 =	sne.s32 s19, $0x600;
	v1 =	vld [tilespmem:s18+$0x186A0];
	_ =	sdelay $0x3  }
.Ltmp0:
0x19: {  	(pc) =	sbr.rel @p0 .LBB2_3-.Ltmp0, $2  }
0x1a: {  	[tilespmem:s17+$0x18830] =	vst v0;
	s17 =	smov.u32 s18;
	_ =	sdelay $0x2  }
0x1b: {  	s18 =	sshra.s32 s19, $0x2;
	s19 =	sadd.s32 $0x40, s19;
	v0 =	vld.idx.msk [tilespmem:v1+s1+$0x0], $0xffff  }
0x1c: {  	v1 =	vld [tilespmem:s18+$0x186A0];
	_ =	sdelay $0x6  }
0x1d: {  	[tilespmem:s17+$0x18830] =	vst v0  }
0x1e: {  	v0 =	vld.idx.msk [tilespmem:v1+s1+$0x0], $0xffff;
	_ =	sdelay $0x2  }
0x1f: {  	s15 =	sadd.s32 $0x1, s15  }
0x20: {  	p0 =	sne.s32 s15, $0x7D  }
.Ltmp1:
0x21: {  	s16 =	sadd.s32 s8, s16;
	[tilespmem:s18+$0x18830] =	vst v0;
	(pc) =	sbr.rel @p0 .LBB2_2-.Ltmp1, $4  }
0x22: {  	[hbm4b:s16+s1] =	stream.linear.scatter [tilespmem:s13], [sflag:$0x1], $0x190, $0x38;
	[tilespmem:$0x189C0] =	vst v63  }
0x23: {  	_ =	swait.ge [sflag:s11], $0x190  }
0x24: {  	[sflag:s11] =	ssyncset.done $0x0  }
0x25: {  	[sflag:s11] =	ssyncadd.s32 $0xFFFFFE70  }
0x26: {  	s15 =	simm.s32 $0x0  }
0x27: {  	[tilespmem:s15], [sflag:$0x1] =	stream.linear.gather [hbm4b:s6+s15], $0x186A0, $0x38;
	[tilespmem:$0x189C0] =	vst v63  }
0x28: {  	_ =	swait.ge [sflag:s11], $0x186A0  }
0x29: {  	[sflag:s11] =	ssyncset.done $0x0  }
0x2a: {  	s16 =	simm.s32 $0x0;
	[sflag:s11] =	ssyncadd.s32 $0xFFFE7960  }
.LBB2_6:
0x2b: {  	s17 =	smul.u32 $0x190, s16;
	_ =	sdelay $0x1  }
0x2c: {  	s17 =	sadd.s32 s9, s17  }
0x2d: {  	s17 =	sshrl.u32 s17, $0x3  }
0x2e: {  	s18 =	sadd.s32 s3, s17  }
0x2f: {  	[tilespmem:s12], [sflag:$0x1] =	stream.linear.gather [hbm4b:s18+s15], $0x190, $0x38;
	[tilespmem:$0x189C0] =	vst v63  }
0x30: {  	_ =	swait.ge [sflag:s11], $0x190  }
0x31: {  	[sflag:s11] =	ssyncset.done $0x0  }
0x32: {  	s31 =	sadd.s32 s8, s17;
	[sflag:s11] =	ssyncadd.s32 $0xFFFFFE70  }
0x33: {  	[tilespmem:s13], [sflag:$0x1] =	stream.linear.gather [hbm4b:s31+s15], $0x190, $0x38;
	[tilespmem:$0x189C0] =	vst v63  }
0x34: {  	_ =	swait.ge [sflag:s11], $0x190  }
0x35: {  	[sflag:s11] =	ssyncset.done $0x0  }
0x36: {  	s18 =	simm.s32 $0x0;
	[sflag:s11] =	ssyncadd.s32 $0xFFFFFE70  }
0x37: {  	v0 =	vld [tilespmem:s18+$0x186A0];
	_ =	sdelay $0x6  }
0x38: {  	v1 =	vld [tilespmem:s18+$0x18830]  }
0x39: {  	v0 =	vld.idx.msk [tilespmem:v0+s1+$0x0], $0xffff;
	_ =	sdelay $0x1  }
0x3a: {  	s19 =	simm.s32 $0x10;
	s20 =	simm.s32 $0x80  }
.LBB2_7:
0x3b: {  	p0 =	sne.s32 s20, $0x600;
	v2 =	vld [tilespmem:s19+$0x186A0];
	_ =	sdelay $0x1  }
0x3c: {  	v0 =	vadd.f32 v1, v0;
	_ =	sdelay $0x1  }
0x3d: {  	v1 =	vmul.f32 $2.000000030e-01, v0;
	_ =	sdelay $0x1  }
0x3e: {  	v0 =	vmax.f32 v0, v1  }
.Ltmp2:
0x3f: {  	[tilespmem:s18+$0x18830] =	vst v0;
	s18 =	smov.u32 s19;
	(pc) =	sbr.rel @p0 .LBB2_7-.Ltmp2, $3  }
0x40: {  	v0 =	vld.idx.msk [tilespmem:v2+s1+$0x0], $0xffff  }
0x41: {  	v1 =	vld [tilespmem:s18+$0x18830];
	_ =	sdelay $0x1  }
0x42: {  	s19 =	sshra.s32 s20, $0x2;
	s20 =	sadd.s32 $0x40, s20  }
0x43: {  	v2 =	vld [tilespmem:s19+$0x186A0];
	_ =	sdelay $0x1  }
0x44: {  	v0 =	vadd.f32 v1, v0;
	_ =	sdelay $0x1  }
0x45: {  	v1 =	vmul.f32 $2.000000030e-01, v0;
	_ =	sdelay $0x1  }
0x46: {  	v0 =	vmax.f32 v0, v1  }
0x47: {  	[tilespmem:s18+$0x18830] =	vst v0  }
0x48: {  	v0 =	vld.idx.msk [tilespmem:v2+s1+$0x0], $0xffff  }
0x49: {  	v63 =	vld [tilespmem:s19+$0x18830];
	_ =	sdelay $0x4  }
0x4a: {  	v0 =	vadd.f32 v63, v0;
	_ =	sdelay $0x1  }
0x4b: {  	v1 =	vmul.f32 $2.000000030e-01, v0  }
0x4c: {  	s16 =	sadd.s32 $0x1, s16  }
0x4d: {  	p0 =	sne.s32 s16, $0x7D;
	v0 =	vmax.f32 v0, v1  }
.Ltmp3:
0x4e: {  	s17 =	sadd.s32 s7, s17;
	[tilespmem:s19+$0x18830] =	vst v0;
	(pc) =	sbr.rel @p0 .LBB2_6-.Ltmp3, $4  }
0x4f: {  	[hbm4b:s17+s1] =	stream.linear.scatter [tilespmem:s13], [sflag:$0x1], $0x190, $0x38;
	[tilespmem:$0x189C0] =	vst v63  }
0x50: {  	_ =	swait.ge [sflag:s11], $0x190  }
0x51: {  	[sflag:s11] =	ssyncset.done $0x0  }
0x52: {  	[sflag:s11] =	ssyncadd.s32 $0xFFFFFE70  }
0x53: {  	s14 =	sadd.s32 $0x1, s14  }
0x54: {  	p0 =	sne.s32 s14, s10  }
.Ltmp4:
0x55: {  	_ = 	snop;
	(pc) =	sbr.rel @p0 .LBB2_1-.Ltmp4, $1  }
0x56: {  	_ =	sdelay $0x3  }
0x57: {  	_ =	sfence.sel $0x180000  }
0x58: {  	[bflag:$0x0] =	sbarrier.arrive $0xFFFF  }
0x59: {  	p0 =	sne.s32 s5, $0x0;
	_ =	strace $0x9000005C  }
0x5a: {  	s0 =	sadd.s32 @!p0 $0x100000, s0;
	[bflag:$0x2] =	sbarrier.arrive $0xFFFF  }
0x5b: {  	[sflag:s0] =	ssyncadd.tile.s32 @!p0 $0x1;
	_ =	shalt  }
.Lfunc_end2:
_tile_overlayer_lowered:
.L_overlay_start_2:
0x5c: {  	(tag) =	ssettag $0x2  }
0x5d: {  	s0 =	rddreg [dreg:$0x0];
	s2 =	stileid.u32  }
0x5e: {  	s1 =	rddreg [dreg:$0x1];
	p0 =	sne.s32 s2, $0x0  }
0x5f: {  	s3 =	rddreg [dreg:$0x2];
	[bflag:$0x3] =	sbarrier.arrive $0xFFFF;
	s2 =	simm.s32 @!p0 $0x1C01  }
0x60: {  	[timem:s3], [sflag:s2] =	dma.local @!p0 [hbm:s0], s1  }
0x61: {  	s0 =	simm.s32 @!p0 $0x1  }
0x62: {  	_ =	swait.ge @!p0 [sflag:s0], s1  }
0x63: {  	s1 =	ssub.s32 @!p0 $0x0, s1;
	[sflag:s0] =	ssyncset.done @!p0 $0x0  }
0x64: {  	[sflag:s0] =	ssyncadd.s32 @!p0 s1  }
0x65: {  	[bflag:$0x3] =	sbarrier.arrive $0xFFFF  }
0x66: {  	_ =	shalt  }

// kernel: scatter_offload_async_start.1
scs
__scs_entry_jumppad:
0x0: {  	(pc) =	sbr.rel $0x88, $3  }
0x1: {  	(tag) =	ssettag $0x0;
	lr =	simm.s32 $0x1  }
0x2: {  	[smem:$0x3F91] =	sst lr;
	_ =	strace $0xD0000000  }
0x3: {  	_ = 	snop  }
0x4: {  	_ = 	snop  }
0x5: {  	_ = 	snop  }
0x6: {  	_ = 	snop  }
0x7: {  	_ = 	snop  }
__scs_overlays_trampoline_lowered:
0x8: {  	[smem:$0x3FA0] =	sst s0  }
0x9: {  	[smem:$0x3FA1] =	sst s1  }
0xa: {  	[smem:$0x3FA2] =	sst s2  }
0xb: {  	[smem:$0x3FA3] =	sst s3  }
0xc: {  	[smem:$0x3FA4] =	sst s4  }
0xd: {  	[smem:$0x3FA5] =	sst s5  }
0xe: {  	[smem:$0x3FA6] =	sst s6  }
0xf: {  	[smem:$0x3FA7] =	sst s7  }
0x10: {  	[smem:$0x3FA8] =	sst s8  }
0x11: {  	[smem:$0x3FA9] =	sst s9;
	s0 =	simm.s32 @!p0 $0x0  }
0x12: {  	s1 =	sld [smem:$0x3F8F];
	s0 =	simm.s32 @p0 $0x1  }
0x13: {  	[smem:$0x3FAA] =	sst s0;
	s0 =	simm.s32 @!p1 $0x0  }
0x14: {  	s2 =	sld [smem:$0x3F8E];
	s0 =	simm.s32 @p1 $0x1  }
0x15: {  	[smem:$0x3FAB] =	sst s0;
	s0 =	simm.s32 @!p2 $0x0  }
0x16: {  	s3 =	sld [smem:$0x3FDB];
	s0 =	simm.s32 @p2 $0x1  }
0x17: {  	s4 =	simm.s32 $0x1BF5;
	[smem:$0x3FAD] =	sst s0  }
0x18: {  	s0 =	sld [smem:$0x3F90];
	_ =	swait.ge [sflag:s4], $0x0  }
0x19: {  	s7 =	sld [smem:$0x3F91]  }
0x1a: {  	s8 =	sadd.s32 $0xFFFFE003, lr  }
0x1b: {  	s9 =	sadd.s32 $0xFFFFFEF7, lr;
	s5 =	simm.s32 $0xFFFFFFFF;
	p2 =	slt.u32 s8, $0xFFFFF086  }
0x1c: {  	p1 =	slt.u32 s9, $0xF7A;
	s5 =	simm.s32 @!p2 $0x0  }
0x1d: {  	s5 =	simm.s32 @p1 $0x1;
	p0 =	seq.s32 s7, s2  }
0x1e: {  	s7 =	smul.u32 @!p0 $0xF7A, s2;
	p2 =	seq.s32 @!p0 s5, $0x0  }
0x1f: {  	s9 =	smul.u32 $0xF7A, s1;
	s8 =	simm.s32 @!p0 $0x1BF5;
	p2 =	por !p2, p0  }
0x20: {  	[sflag:s8] =	ssyncset.s32 @!p0 $0xFFFFF086;
	s6 =	sadd.s32 @!p0 s3, s7;
	s7 =	simm.s32 @!p0 $0x108  }
0x21: {  	s3 =	sadd.s32 s3, s9;
	s6 =	sadd.s32 @!p0 $0x88, s6;
	s7 =	simm.s32 @p2 $0x1082  }
0x22: {  	[simem:s7], [sflag:s8] =	dma.local @!p0 [hbm:s6], $0xF7A  }
0x23: {  	s9 =	sor.u32 $0xD0000000, s2;
	s6 =	simm.s32 $0x108;
	_ =	swait.ge @!p0 [sflag:s8], $0x0  }
0x24: {  	s3 =	sadd.s32 $0x88, s3;
	s6 =	simm.s32 @!p1 $0x1082;
	[sflag:s4] =	ssyncset.s32 $0xFFFFF086  }
0x25: {  	[simem:s6], [sflag:s4] =	dma.local [hbm:s3], $0xF7A  }
0x26: {  	[smem:$0x3F91] =	sst s1;
	(tag) =	ssettag s2;
	_ =	strace s9  }
0x27: {  	s1 =	sld [smem:$0x3FA1]  }
0x28: {  	s2 =	sld [smem:$0x3FA2]  }
0x29: {  	s4 =	sld [smem:$0x3FA4]  }
0x2a: {  	p0 =	seq.s32 s5, $0x0;
	s5 =	sld [smem:$0x3FA5]  }
0x2b: {  	s6 =	sld [smem:$0x3FA6]  }
0x2c: {  	s7 =	sld [smem:$0x3FA7]  }
0x2d: {  	s3 =	simm.s32 $0x108;
	s8 =	sld [smem:$0x3FA8]  }
0x2e: {  	s3 =	simm.s32 @!p0 $0x1082;
	s9 =	sld [smem:$0x3FA9]  }
0x2f: {  	lr =	sadd.s32 s0, s3;
	s0 =	sld [smem:$0x3FA0]  }
0x30: {  	s3 =	sld [smem:$0x3FA3]  }
0x31: {  	[smem:$0x3FAC] =	sst s10  }
0x32: {  	s10 =	sld [smem:$0x3FAA];
	_ =	sdelay $0x3  }
0x33: {  	p0 =	seq.s32 s10, $0x1;
	s10 =	sld [smem:$0x3FAC];
	_ =	sdelay $0x3  }
0x34: {  	[smem:$0x3FAC] =	sst s10  }
0x35: {  	s10 =	sld [smem:$0x3FAB];
	_ =	sdelay $0x3  }
0x36: {  	p1 =	seq.s32 s10, $0x1;
	s10 =	sld [smem:$0x3FAC];
	_ =	sdelay $0x3  }
0x37: {  	[smem:$0x3FAC] =	sst s10  }
0x38: {  	s10 =	sld [smem:$0x3FAD]  }
0x39: {  	_ = 	snop;
	(pc) =	sbr.ind lr, $3  }
0x3a: {  	_ = 	snop  }
0x3b: {  	_ = 	snop  }
0x3c: {  	p2 =	seq.s32 s10, $0x1;
	s10 =	sld [smem:$0x3FAC]  }
0x3d: {  	_ =	shalt  }
0x3e: {  	_ =	shalt  }
0x3f: {  	_ =	shalt  }
0x40: {  	_ =	shalt  }
0x41: {  	_ =	shalt  }
0x42: {  	_ =	shalt  }
0x43: {  	_ =	shalt  }
0x44: {  	_ =	shalt  }
0x45: {  	_ =	shalt  }
0x46: {  	_ =	shalt  }
0x47: {  	_ =	shalt  }
0x48: {  	_ =	shalt  }
0x49: {  	_ =	shalt  }
0x4a: {  	_ =	shalt  }
0x4b: {  	_ =	shalt  }
0x4c: {  	_ =	shalt  }
0x4d: {  	_ =	shalt  }
0x4e: {  	_ =	shalt  }
0x4f: {  	_ =	shalt  }
0x50: {  	_ =	shalt  }
0x51: {  	_ =	shalt  }
0x52: {  	_ =	shalt  }
0x53: {  	_ =	shalt  }
0x54: {  	_ =	shalt  }
0x55: {  	_ =	shalt  }
0x56: {  	_ =	shalt  }
0x57: {  	_ =	shalt  }
0x58: {  	_ =	shalt  }
0x59: {  	_ =	shalt  }
0x5a: {  	_ =	shalt  }
0x5b: {  	_ =	shalt  }
0x5c: {  	_ =	shalt  }
0x5d: {  	_ =	shalt  }
0x5e: {  	_ =	shalt  }
0x5f: {  	_ =	shalt  }
0x60: {  	_ =	shalt  }
0x61: {  	_ =	shalt  }
0x62: {  	_ =	shalt  }
0x63: {  	_ =	shalt  }
0x64: {  	_ =	shalt  }
0x65: {  	_ =	shalt  }
0x66: {  	_ =	shalt  }
0x67: {  	_ =	shalt  }
0x68: {  	_ =	shalt  }
0x69: {  	_ =	shalt  }
0x6a: {  	_ =	shalt  }
0x6b: {  	_ =	shalt  }
0x6c: {  	_ =	shalt  }
0x6d: {  	_ =	shalt  }
0x6e: {  	_ =	shalt  }
0x6f: {  	_ =	shalt  }
0x70: {  	_ =	shalt  }
0x71: {  	_ =	shalt  }
0x72: {  	_ =	shalt  }
0x73: {  	_ =	shalt  }
0x74: {  	_ =	shalt  }
0x75: {  	_ =	shalt  }
0x76: {  	_ =	shalt  }
0x77: {  	_ =	shalt  }
0x78: {  	_ =	shalt  }
0x79: {  	_ =	shalt  }
0x7a: {  	_ =	shalt  }
0x7b: {  	_ =	shalt  }
0x7c: {  	_ =	shalt  }
0x7d: {  	_ =	shalt  }
0x7e: {  	_ =	shalt  }
0x7f: {  	_ =	shalt  }
0x80: {  	_ =	shalt  }
0x81: {  	_ =	shalt  }
0x82: {  	_ =	shalt  }
0x83: {  	_ =	shalt  }
0x84: {  	_ =	shalt  }
0x85: {  	_ =	shalt  }
0x86: {  	_ =	shalt  }
0x87: {  	_ =	shalt  }
.Lfunc_end0:
.L_simem_size_0:
called_computation.1_lowered:
.L_overlay_start_0:
0x88: {  	s0 =	sld [smem:$0x3FD9]  }
0x89: {  	s1 =	sld [smem:$0x3FFE];
	_ =	sdelay $0x3  }
0x8a: {  	s0 =	sadd.s32 s1, s0  }
0x8b: {  	[smem:$0x3FB8] =	sst s0  }
0x8c: {  	_ = 	snop  }
0x8d: {  	(tm) =	ssettm $0x1  }
0x8e: {  	s14 =	sld [smem:$0x3FFB];
	_ =	sdelay $0x3  }
0x8f: {  	_ =	strace s14  }
0x90: {  	s0 =	sld [smem:$0x3FFC];
	_ =	sdelay $0x3  }
0x91: {  	_ =	strace s0  }
0x92: {  	s0 =	sld [smem:$0x3FFD];
	_ =	sdelay $0x3  }
0x93: {  	_ =	strace s0  }
0x94: {  	_ =	strace $0x8FFFFFFF  }
0x95: {  	s15 =	sld [smem:$0x3FDB];
	_ =	sdelay $0x1  }
0x96: {  	s16 =	simm.s32 $_scs_section_size  }
0x97: {  	s2 =	simm.s32 $_size__tile_overlayer_lowered;
	s3 =	simm.s32 $_tile_overlayer_lowered  }
0x98: {  	s4 =	simm.s32 $0x1BFF;
	s17 =	sshll.u32 s3, $0x1;
	s1 =	sadd.s32 s16, s15  }
0x99: {  	s18 =	simm.s32 $0x0;
	s2 =	sshll.u32 s2, $0x1;
	s3 =	sadd.s32 s17, s1  }
0x9a: {  	[timem:s18], [sflag:s4] =	dma.local [hbm:s3], s2  }
0x9b: {  	_ =	swait.ge [sflag:s4], s2  }
0x9c: {  	s2 =	ssub.s32 $0x0, s2;
	[sflag:s4] =	ssyncset.done $0x0  }
0x9d: {  	[sflag:s4] =	ssyncadd.s32 s2;
	_ =	sdelay $0x1  }
0x9e: {  	s19 =	simm.s32 $0x1B8B  }
0x9f: {  	_ =	swait.ge [sflag:s19], $0x1  }
0xa0: {  	[sflag:s19] =	ssyncset.done $0x0  }
0xa1: {  	s21 =	simm.s32 $0x1B8E;
	s20 =	sld [smem:$0x3FFE];
	[sflag:s19] =	ssyncadd.s32 $0xFFFFFFFF  }
0xa2: {  	s22 =	simm.s32 $execute0_lowered;
	[smem:$0x3FD2] =	sst s21  }
0xa3: {  	s3 =	sshll.u32 s22, $0x1;
	_ =	strace $0x8000004F;
	[dreg:$0x1] =	wrdreg $0xFFFFFFFF  }
0xa4: {  	s23 =	simm.s32 $_size_execute0_lowered;
	s3 =	sadd.s32 s1, s3;
	[dreg:$0x0] =	wrdreg $0x0  }
0xa5: {  	s4 =	sshll.u32 s23, $0x1;
	[dreg:$0x2] =	wrdreg s3  }
0xa6: {  	[dreg:$0x3] =	wrdreg s4  }
0xa7: {  	[dreg:$0x4] =	wrdreg $0xC0  }
0xa8: {  	s24 =	simm.s32 $execute1_lowered;
	_ =	task [dreg:s18], $0x5FFFF  }
0xa9: {  	s3 =	sshll.u32 s24, $0x1;
	[dreg:$0x1] =	wrdreg $0xFFFFFFFF  }
0xaa: {  	s1 =	sadd.s32 s1, s3;
	[dreg:$0x0] =	wrdreg $0x60  }
0xab: {  	[dreg:$0x2] =	wrdreg s1  }
0xac: {  	[dreg:$0x3] =	wrdreg s20  }
0xad: {  	[dreg:$0x4] =	wrdreg $0xB  }
0xae: {  	_ =	task.clear_ibuf [dreg:s18], $0x5FFFF;
	_ =	strace $0x9000004F  }
0xaf: {  	s25 =	simm.s32 $0xB;
	_ =	strace $0x80000051  }
0xb0: {  	_ =	swait.ge [sflag:s25], $0x1  }
0xb1: {  	[sflag:s25] =	ssyncadd.s32 $0xFFFFFFFF  }
0xb2: {  	_ =	strace $0x90000051  }
0xb3: {  	_ =	strace $0x80000052;
	[dreg:$0x1] =	wrdreg $0xFFFFFFFF  }
0xb4: {  	[dreg:$0x0] =	wrdreg $0x2030  }
0xb5: {  	[dreg:$0x2] =	wrdreg s20  }
0xb6: {  	[dreg:$0x3] =	wrdreg $0xC  }
0xb7: {  	_ =	task.clear_ibuf [dreg:s18], $0x4FFFF;
	_ =	strace $0x90000052  }
0xb8: {  	s26 =	simm.s32 $0xC;
	_ =	strace $0x80000054  }
0xb9: {  	_ =	swait.ge [sflag:s26], $0x1  }
0xba: {  	[sflag:s26] =	ssyncadd.s32 $0xFFFFFFFF  }
0xbb: {  	_ =	strace $0x90000054  }
0xbc: {  	_ =	sfence  }
0xbd: {  	s28 =	sld [smem:$0x0];
	_ =	sdelay $0x1  }
0xbe: {  	s29 =	srdreg.scid  }
0xbf: {  	s30 =	sshll.u32 s29, $0xD;
	s31 =	sshrl.u32 s29, $0x2  }
0xc0: {  	s2 =	sand.u32 $0x1, s29;
	s3 =	sand.u32 $0x4000, s30;
	s1 =	sadd.s32 s31, s28  }
0xc1: {  	s2 =	sor.u32 s3, s2;
	s1 =	sshll.u32 s1, $0x11  }
0xc2: {  	s1 =	sor.u32 s1, s2  }
0xc3: {  	s1 =	sadd.s32 $0x8F2B, s1  }
0xc4: {  	[sflag:s1] =	ssyncadd.remote.s32 $0x1  }
0xc5: {  	_ =	sfence.sel $0xFFFF  }
0xc6: {  	[dreg:$0x0] =	wrdreg $0xFFFFFFFF;
	(pc) =	sbr.abs _section_cstart, $3  }
0xc7: {  	[dreg:$0x1] =	wrdreg $0xFFFFFFFF  }
0xc8: {  	_ =	task.clear_ibuf [dreg:s18], $0x2FFFF;
	_ =	strace $0x9FFFFFFF  }
0xc9: {  	(tm) =	ssettm $0x7FFFFFFF  }
tec
execute0_lowered:
.L_overlay_start_1:
0x0: {  	(tag) =	ssettag $0x1  }
0x1: {  	s2 =	rddreg [dreg:$0x0]  }
0x2: {  	s5 =	rddreg [dreg:$0x1]  }
0x3: {  	s0 =	rddreg [dreg:$0x2];
	s3 =	stileid.u32  }
0x4: {  	[bflag:$0x3] =	sbarrier.arrive $0xFFFF;
	s1 =	simm.s32 $_size_execute1_lowered;
	s31 =	simm.s32 $0x2  }
0x5: {  	s8 =	simm.s32 $0x0;
	p0 =	sne.s32 s3, $0x0;
	s1 =	sshll.u32 s1, $0x1  }
.Ltmp0:
0x6: {  	s4 =	simm.s32 @!p0 $0x1C3F;
	s6 =	simm.s32 @!p0 $0x4060;
	(pc) =	sbr.rel .LBB2_1-.Ltmp0, $4  }
0x7: {  	[timem:s6], [sflag:s4] =	dma.local @!p0 [hbm:s2], s1  }
0x8: {  	s3 =	smul.u32 $0xC40, s3;
	s4 =	simm.s32 $0x1;
	_ =	strace $0x80000050  }
0x9: {  	s2 =	sadd.s32 $0x15CC00, s5;
	s5 =	sadd.s32 $0x600, s5;
	[sflag:s4] =	ssyncpa.u1 $0x0  }
0xa: {  	s7 =	smov.u32 s3;
	s6 =	simm.s32 $0x0;
	[sflag:s31] =	ssyncpa.u1 $0x0  }
.LBB2_7:
0xb: {  	s10 =	sadd.s32 $0xC400, s7  }
0xc: {  	p1 =	slt.u32 s6, $0x2;
	s6 =	sadd.s32 $0x1, s6;
	p2 =	sgt.s32 s10, $0x1869F  }
0xd: {  	s10 =	smov.u32 @p2 s3;
	p2 =	sne.s32 s6, $0x4  }
.Ltmp1:
0xe: {  	_ = 	snop;
	(pc) =	sbr.rel @!p2 .LBB2_8-.Ltmp1, $4  }
0xf: {  	s9 =	simm.s32 @!p1 $0x2  }
0x10: {  	_ =	swait.ge @!p1 [sflag:s9], $0xC40  }
0x11: {  	[sflag:s9] =	ssyncset.done @!p1 $0x0  }
0x12: {  	s8 =	smov.u32 s7;
	s7 =	smov.u32 s10;
	[sflag:s9] =	ssyncadd.s32 @!p1 $0xFFFFF3C0  }
.LBB2_1:
0x13: {  	p1 =	sgt.u32 s6, $0x1  }
0x14: {  	s9 =	sxor.u32 @!p1 $0x1, s6  }
0x15: {  	s9 =	smul.u32 @!p1 $0x3100, s9  }
0x16: {  	s10 =	sshrl.u32 @!p1 s7, $0x3  }
0x17: {  	s11 =	sand.u32 @!p1 $0x7, s7;
	s10 =	sadd.s32 @!p1 s2, s10;
	s9 =	sshra.s32 @!p1 s9, $0x2  }
0x18: {  	[tilespmem:s9], [sflag:$0x1] =	stream.linear.gather @!p1 [hbm4b:s10+s11], $0xC40, $0x38;
	[tilespmem:$0x3100] =	vst v63  }
0x19: {  	p1 =	seq.s32 s6, $0x0  }
0x1a: {  	p2 =	seq.s32 @!p1 s6, $0x3  }
0x1b: {  	p1 =	por p1, p2  }
.Ltmp2:
0x1c: {  	_ = 	snop;
	(pc) =	sbr.rel @p1 .LBB2_7-.Ltmp2, $1  }
0x1d: {  	_ =	sdelay $0x3  }
0x1e: {  	s9 =	sand.u32 $0x1, s6  }
0x1f: {  	_ =	swait.ge [sflag:s4], $0xC40;
	s11 =	simm.s32 $0xC40;
	p1 =	seq.s32 s9, $0x1  }
0x20: {  	[sflag:s4] =	ssyncset.done $0x0;
	s11 =	simm.s32 @!p1 $0x0  }
0x21: {  	[sflag:s4] =	ssyncadd.s32 $0xFFFFF3C0;
	s13 =	sor.u32 $0x80, s11  }
0x22: {  	v0 =	vld [tilespmem:s13+$0x70]  }
0x23: {  	v1 =	vld [tilespmem:s13+$0xFFFFFF90]  }
0x24: {  	v2 =	vld [tilespmem:s13+$0xFFFFFFA0]  }
0x25: {  	v3 =	vld [tilespmem:s13+$0xFFFFFFB0]  }
0x26: {  	s9 =	sadd.s32 $0x1900, s11;
	v4 =	vld [tilespmem:s13+$0xFFFFFFC0]  }
0x27: {  	v5 =	vld [tilespmem:s13+$0xFFFFFFD0];
	[tilespmem:s9+$0x70] =	vst v0  }
0x28: {  	[tilespmem:s9+$0xFFFFFF90] =	vst v1;
	v0 =	vld [tilespmem:s13+$0xFFFFFFE0]  }
0x29: {  	[tilespmem:s9+$0xFFFFFFA0] =	vst v2;
	v1 =	vld [tilespmem:s13+$0xFFFFFFF0]  }
0x2a: {  	[tilespmem:s9+$0xFFFFFFB0] =	vst v3;
	v2 =	vld [tilespmem:s13+$0x0]  }
0x2b: {  	[tilespmem:s9+$0xFFFFFFC0] =	vst v4;
	v3 =	vld [tilespmem:s13+$0x10]  }
0x2c: {  	[tilespmem:s9+$0xFFFFFFD0] =	vst v5;
	v5 =	vld [tilespmem:s13+$0x20]  }
0x2d: {  	[tilespmem:s9+$0xFFFFFFE0] =	vst v0;
	v0 =	vld [tilespmem:s13+$0x30]  }
0x2e: {  	[tilespmem:s9+$0xFFFFFFF0] =	vst v1;
	v1 =	vld [tilespmem:s13+$0x40]  }
0x2f: {  	[tilespmem:s9+$0x0] =	vst v2;
	v2 =	vld [tilespmem:s13+$0x50]  }
0x30: {  	s12 =	simm.s32 $0x0;
	[tilespmem:s9+$0x10] =	vst v3;
	v3 =	vld [tilespmem:s13+$0x60]  }
0x31: {  	s10 =	sadd.s32 $0x1880, s11;
	s11 =	sshll.u32 s11, $0x2;
	v4 =	vld [tilespmem:s13+$0xFFFFFF80];
	[tilespmem:s9+$0x20] =	vst v5;
	s13 =	sadd.s32 $0x100, s13  }
.LBB2_3:
0x32: {  	v5 =	vld [tilespmem:s13+$0x70];
	s12 =	sadd.s32 $0x100, s12;
	[tilespmem:s9+$0x30] =	vst v0  }
0x33: {  	v0 =	vld [tilespmem:s13+$0xFFFFFF90];
	p1 =	slt.u32 s12, $0xB00;
	[tilespmem:s9+$0x40] =	vst v1  }
0x34: {  	v1 =	vld [tilespmem:s13+$0xFFFFFFA0];
	[tilespmem:s9+$0x50] =	vst v2  }
0x35: {  	v2 =	vld [tilespmem:s13+$0xFFFFFFB0];
	[tilespmem:s9+$0x60] =	vst v3  }
0x36: {  	v3 =	vld [tilespmem:s13+$0xFFFFFFC0];
	[tilespmem:s9+$0xFFFFFF80] =	vst v4;
	s9 =	sadd.s32 $0x100, s9  }
0x37: {  	v4 =	vld [tilespmem:s13+$0xFFFFFFD0];
	[tilespmem:s9+$0x70] =	vst v5  }
0x38: {  	[tilespmem:s9+$0xFFFFFF90] =	vst v0;
	v0 =	vld [tilespmem:s13+$0xFFFFFFE0]  }
0x39: {  	[tilespmem:s9+$0xFFFFFFA0] =	vst v1;
	v1 =	vld [tilespmem:s13+$0xFFFFFFF0]  }
0x3a: {  	[tilespmem:s9+$0xFFFFFFB0] =	vst v2;
	v2 =	vld [tilespmem:s13+$0x0]  }
0x3b: {  	[tilespmem:s9+$0xFFFFFFC0] =	vst v3;
	v3 =	vld [tilespmem:s13+$0x10]  }
0x3c: {  	[tilespmem:s9+$0xFFFFFFD0] =	vst v4;
	v5 =	vld [tilespmem:s13+$0x20]  }
.Ltmp3:
0x3d: {  	[tilespmem:s9+$0xFFFFFFE0] =	vst v0;
	v0 =	vld [tilespmem:s13+$0x30];
	(pc) =	sbr.rel @p1 .LBB2_3-.Ltmp3, $4  }
0x3e: {  	[tilespmem:s9+$0xFFFFFFF0] =	vst v1;
	v1 =	vld [tilespmem:s13+$0x40]  }
0x3f: {  	[tilespmem:s9+$0x0] =	vst v2;
	v2 =	vld [tilespmem:s13+$0x50]  }
0x40: {  	[tilespmem:s9+$0x10] =	vst v3;
	v3 =	vld [tilespmem:s13+$0x60]  }
0x41: {  	v4 =	vld [tilespmem:s13+$0xFFFFFF80];
	[tilespmem:s9+$0x20] =	vst v5;
	s13 =	sadd.s32 $0x100, s13  }
0x42: {  	[tilespmem:s9+$0x30] =	vst v0  }
0x43: {  	[tilespmem:s9+$0x40] =	vst v1  }
0x44: {  	[tilespmem:s9+$0x50] =	vst v2  }
0x45: {  	s11 =	sshrl.u32 s11, $0x2;
	[tilespmem:s9+$0x60] =	vst v3  }
0x46: {  	s12 =	simm.s32 $0xBF0;
	[tilespmem:s9+$0xFFFFFF80] =	vst v4;
	s9 =	sadd.s32 $0x2480, s11;
	s11 =	sadd.s32 $0xC00, s11  }
.LBB2_5:
0x47: {  	s12 =	sadd.s32 $0x10, s12  }
0x48: {  	v0 =	vld [tilespmem:s11+$0x0];
	p1 =	slt.u32 s12, $0xC30  }
.Ltmp4:
0x49: {  	_ = 	snop;
	(pc) =	sbr.rel @p1 .LBB2_5-.Ltmp4, $2  }
0x4a: {  	_ =	sdelay $0x2  }
0x4b: {  	s11 =	sadd.s32 $0x10, s11;
	[tilespmem:s9+$0x0] =	vst v0;
	s9 =	sadd.s32 $0x10, s9  }
.Ltmp5:
0x4c: {  	(pc) =	sbr.rel .LBB2_7-.Ltmp5, $4  }
0x4d: {  	_ = 	snop  }
0x4e: {  	s9 =	sshrl.u32 s8, $0x3  }
0x4f: {  	s31 =	sand.u32 $0x7, s8;
	s9 =	sadd.s32 s5, s9  }
0x50: {  	[hbm4b:s9+s31] =	stream.linear.scatter [tilespmem:s10], [sflag:$0x2], $0xC40, $0x38;
	[tilespmem:$0x3100] =	vst v63  }
.LBB2_8:
0x51: {  	_ =	sfence.sel $0x180000  }
0x52: {  	s2 =	simm.s32 $0x1;
	[bflag:$0x0] =	sbarrier.arrive $0xFFFF  }
0x53: {  	s31 =	simm.s32 $0x2;
	[sflag:s2] =	ssyncpa.u1 $0x1  }
0x54: {  	[sflag:s31] =	ssyncpa.u1 $0x1  }
0x55: {  	_ =	strace $0x90000050  }
0x56: {  	s0 =	sadd.s32 @!p0 $0x100000, s0;
	[bflag:$0x2] =	sbarrier.arrive $0xFFFF  }
0x57: {  	[sflag:s0] =	ssyncadd.tile.s32 @!p0 $0x1;
	s0 =	simm.s32 @!p0 $0x3F  }
0x58: {  	_ =	swait.ge @!p0 [sflag:s0], s1  }
0x59: {  	s1 =	ssub.s32 @!p0 $0x0, s1;
	[sflag:s0] =	ssyncset.done @!p0 $0x0  }
0x5a: {  	[sflag:s0] =	ssyncadd.s32 @!p0 s1  }
0x5b: {  	[bflag:$0x3] =	sbarrier.arrive $0xFFFF  }
0x5c: {  	_ =	shalt  }
.Lfunc_end2:
execute1_lowered:
.L_overlay_start_2:
0x5d: {  	(tag) =	ssettag $0x2  }
0x5e: {  	s0 =	rddreg [dreg:$0x0];
	s14 =	stileid.u32  }
0x5f: {  	_ =	strace $0x80000053;
	s2 =	simm.s32 $0x1;
	s1 =	smul.u32 $0xC, s14  }
0x60: {  	v1 =	vimm.s32 $0xFFFFFFFF;
	s3 =	smin.u32 s14, $0x8;
	[sflag:s2] =	ssyncpa.u1 $0x0  }
0x61: {  	[tilespmem:$0x10] =	vst v1;
	s1 =	sadd.s32 s3, s1  }
0x62: {  	v0 =	vimm.f32 $0.0e+00;
	p0 =	slt.u32 s14, $0x8;
	[tilespmem:$0x20] =	vst v1;
	s3 =	smul.u32 $0x1F40, s1;
	s1 =	simm.s32 $0x19640  }
0x63: {  	[tilespmem:$0x30] =	vst v0;
	s1 =	simm.s32 @!p0 $0x17700  }
0x64: {  	[tilespmem:$0x40] =	vst v0;
	s1 =	sadd.s32 s1, s3  }
0x65: {  	[tilespmem:$0x50] =	vst v0;
	s4 =	smin.u32 s1, $0x186A00  }
0x66: {  	[tilespmem:$0x60] =	vst v1;
	s9 =	ssub.s32 s4, s3  }
0x67: {  	s7 =	simm.s32 $0x2;
	s8 =	simm.s32 $0x8;
	[tilespmem:$0x70] =	vst v1;
	p0 =	sgt.s32 s9, $0x0  }
0x68: {  	s31 =	simm.s32 $0x9;
	s16 =	simm.s32 $0x0;
	[tilespmem:$0x80] =	vst v1;
	s9 =	simm.s32 @!p0 $0x0  }
0x69: {  	s17 =	simm.s32 $0xF0;
	s18 =	simm.s32 $0xFFFFFFFF;
	v1 =	vimm.s32 $0x0;
	[tilespmem:$0xB0] =	vst v0;
	s5 =	smulhi.u32 $0x10624DD3, s9  }
0x6a: {  	s19 =	simm.s32 $0xFFFFC280;
	s20 =	simm.s32 $0xFFFFFFFE;
	s21 =	simm.s32 $0xF;
	[tilespmem:$0x90] =	vst v1  }
0x6b: {  	[tilespmem:$0xA0] =	vst v1;
	[sflag:s7] =	ssyncpa.u1 $0x0;
	s7 =	simm.s32 $0x7;
	s10 =	sshrl.u32 s5, $0x9  }
0x6c: {  	s25 =	simm.s32 $0x0;
	[sflag:s7] =	ssyncpa.u1 $0x0;
	s11 =	smul.u32 $0x1F40, s10  }
0x6d: {  	s24 =	simm.s32 $0x0;
	s6 =	sadd.s32 $0x1C4C00, s0;
	[sflag:s8] =	ssyncpa.u1 $0x0  }
.Ltmp6:
0x6e: {  	[sflag:s31] =	ssyncpa.u1 $0x0;
	p0 =	sne.s32 s9, s11;
	(pc) =	sbr.rel .LBB3_1-.Ltmp6, $4  }
0x6f: {  	s23 =	smov.u32 s3;
	s1 =	sadd.s32 $0x600, s0;
	s2 =	simm.s32 @!p0 $0x0  }
0x70: {  	s5 =	sadd.s32 $0x99400, s0;
	p0 =	por $0x0, $0x0;
	s9 =	sadd.s32 s2, s10  }
0x71: {  	vm0 =	vmmov $0xffff;
	v2 =	vlaneseq.u32;
	s10 =	sshll.u32 s14, $0x1;
	s14 =	sshllo.u32 s14, $0x1;
	s11 =	sadd.s32 $0x1, s9  }
0x72: {  	vm1 =	vmxor vm1, vm1;
	vm2 =	vmmov $0x1;
	vm3 =	vcmask $0x3F3C;
	s12 =	sadd.s32 $0x2, s9;
	s13 =	sor.u32 $0x81, s10;
	s15 =	sor.u32 $0x80, s10  }
.LBB3_9:
0x73: {  	p1 =	slt.u32 s24, $0x3  }
0x74: {  	s0 =	simm.s32 @!p1 $0x2  }
0x75: {  	_ =	swait.ge @!p1 [sflag:s0], $0x1F40  }
0x76: {  	[sflag:s0] =	ssyncset.done @!p1 $0x0  }
0x77: {  	[sflag:s0] =	ssyncadd.s32 @!p1 $0xFFFFE0C0;
	s0 =	simm.s32 @!p1 $0x9  }
0x78: {  	_ =	swait.ge @!p1 [sflag:s0], $0x10  }
0x79: {  	[sflag:s0] =	ssyncset.done @!p1 $0x0  }
0x7a: {  	[sflag:s0] =	ssyncadd.s32 @!p1 $0xFFFFFFF0;
	p1 =	sne.s32 s24, s12  }
.Ltmp7:
0x7b: {  	s2 =	sadd.s32 $0x1F40, s23;
	(pc) =	sbr.rel @!p1 .LBB3_10-.Ltmp7, $4  }
0x7c: {  	s22 =	smov.u32 s3;
	s31 =	sadd.s32 $0x1, s24;
	s17 =	sadd.s32 $0x1F40, s17  }
0x7d: {  	s18 =	sadd.s32 $0x1, s18;
	s25 =	smov.u32 s23;
	p2 =	slt.s32 s2, s4  }
0x7e: {  	p0 =	por !p0, !p0;
	s19 =	sadd.s32 $0x1F40, s19;
	s22 =	smov.u32 @p2 s2  }
0x7f: {  	s20 =	sadd.s32 $0x1, s20;
	s23 =	smov.u32 s22;
	s24 =	smov.u32 s31  }
.LBB3_1:
0x80: {  	p1 =	sge.u32 s24, s9  }
0x81: {  	s0 =	smulhi.u32 @!p1 $0xAAAAAAAB, s24;
	_ =	sdelay $0x1  }
0x82: {  	s0 =	sshrl.u32 @!p1 s0, $0x1  }
0x83: {  	s0 =	smul.u32 @!p1 $0x3, s0;
	_ =	sdelay $0x1  }
0x84: {  	s0 =	ssub.s32 @!p1 s24, s0  }
0x85: {  	s0 =	smul.u32 @!p1 $0x7D00, s0;
	_ =	sdelay $0x1  }
0x86: {  	s2 =	sshrl.u32 @!p1 s23, $0x3;
	s0 =	sshrl.u32 @!p1 s0, $0x2  }
0x87: {  	s22 =	sand.u32 @!p1 $0x7, s23;
	s2 =	sadd.s32 @!p1 s5, s2;
	s0 =	sadd.s32 @!p1 $0x100, s0  }
0x88: {  	[tilespmem:s0], [sflag:$0x7] =	stream.linear.gather @!p1 [hbm4b:s2+s22], $0x1F40, $0x38;
	[tilespmem:$0x11A60] =	vst v63  }
0x89: {  	s0 =	sadd.s32 $0xFFFFFFFF, s24  }
0x8a: {  	p1 =	sge.u32 s0, s9  }
.Ltmp8:
0x8b: {  	_ = 	snop;
	(pc) =	sbr.rel @p1 .LBB3_5-.Ltmp8, $1  }
0x8c: {  	_ =	sdelay $0x3  }
0x8d: {  	s2 =	smulhi.u32 $0xAAAAAAAB, s0;
	_ =	sdelay $0x1  }
0x8e: {  	s2 =	sshrl.u32 s2, $0x1  }
0x8f: {  	s2 =	smul.u32 $0x3, s2;
	_ =	sdelay $0x1  }
0x90: {  	s2 =	ssub.s32 s0, s2  }
0x91: {  	s2 =	smul.u32 $0x7D00, s2  }
0x92: {  	_ =	swait.ge [sflag:s7], $0x1F40  }
0x93: {  	[sflag:s7] =	ssyncset.done $0x0;
	s2 =	sshrl.u32 s2, $0x2  }
0x94: {  	[sflag:s7] =	ssyncadd.s32 $0xFFFFE0C0;
	(ifvalue) =	ssetifvalue $0xFFFFFFFF;
	v3 =	vld.msk [tilespmem:s2+$0x100 ss:$0x1], $0xffff;
	_ =	sdelay $0x2  }
0x95: {  	s30 =	smulhi.u32 $0xAAAAAAAB, s18;
	p1 =	sne.s32 s24, $0x1  }
0x96: {  	v4 =	vimm.s32 @!p1 $0x0  }
0x97: {  	s2 =	sshrl.u32 s30, $0x1;
	v4 =	vperm.xlane @!p1 v3, v4  }
0x98: {  	s22 =	sshll.u32 s24, $0x4;
	s2 =	smul.u32 $0xFFFE8900, s2;
	vm4 =	vlt.u32 v3, $0x18800  }
0x99: {  	s22 =	sand.u32 $0x10, s22;
	v3 =	vnsel vm4, $0xFFFFFFFE, v3;
	vm4 =	vlt.u32 @!p1 v4, $0x18800  }
0x9a: {  	s2 =	sshra.s32 s2, $0x2;
	[tilespmem:s22+$0x60] =	vst v3;
	v3 =	vnsel @!p1 vm4, $0xFFFFFFFE, v4  }
0x9b: {  	s28 =	sadd.s32 s2, s17;
	[tilespmem:$0x80] =	vst @!p1 v3  }
0x9c: {  	v3 =	vld.msk [tilespmem:s28+$0x0 ss:$0x1], $0xffff;
	_ =	sdelay $0x4  }
0x9d: {  	(xrf1) =	vunique.msk.u32 $0xffff, v3;
	_ =	sdelay $0xd  }
0x9e: {  	v4 =	vimm.s32 $0xFFFFFFFF;
	v5, _, _ =	vpop (xrf1)  }
0x9f: {  	vm5 =	vne.s32 v3, v4;
	vm4 =	veq.s32 v5, v2  }
0xa0: {  	vm6 =	vlt.u32 v3, $0x18800;
	vm4 =	vmand vm5, vm4  }
0xa1: {  	vm4 =	vmand vm6, vm4  }
0xa2: {  	v4 =	vnsel vm4, $0xFFFFFFFF, v3  }
0xa3: {  	s31 =	sand.u32 $0x1, s0  }
0xa4: {  	s0 =	simm.s32 $0x1F40;
	p1 =	seq.s32 s31, $0x1  }
0xa5: {  	s0 =	simm.s32 @!p1 $0x0  }
0xa6: {  	s26 =	sadd.s32 $0x7DF0, s0;
	(ifvalue) =	ssetifvalue $0xFFFFFFFF  }
0xa7: {  	v3 =	vperm.xlane v3, v1;
	[tilespmem:s26], [sflag:$0x8] =	stream.indirect_vreg.gather [hbm4b:s1+s16], $0x1, v4, vm0, $0x4038;
	v4 =	vnsel vm6, $0xFFFFFFFE, v4;
	[tilespmem:$0x11A60] =	vst v63  }
0xa8: {  	s2 =	simm.s32 $0x0;
	s22 =	sadd.s32 $0xFFFFFFF0, s28;
	[tilespmem:s28+$0x0] =	vst v4  }
.LBB3_3:
0xa9: {  	v4 =	vld.msk [tilespmem:s22+$0x0 ss:$0x1], $0xffff;
	s2 =	sadd.s32 $0x10, s2;
	v5 =	vmov v3;
	s28 =	smov.u32 s22  }
0xaa: {  	p1 =	slt.u32 s2, $0x1F30;
	_ =	sdelay $0x4  }
0xab: {  	v3 =	vperm.xlane v4, v1;
	(xrf1) =	vunique.msk.u32 $0xffff, v4;
	_ =	sdelay $0xd  }
0xac: {  	v6, _, _ =	vpop (xrf1)  }
0xad: {  	vm5 =	vne.s32 v4, v5;
	vm4 =	veq.s32 v6, v2  }
0xae: {  	vm6 =	vlt.u32 v4, $0x18800;
	vm4 =	vmand vm5, vm4  }
0xaf: {  	vm4 =	vmand vm6, vm4  }
0xb0: {  	v4 =	vnsel vm4, $0xFFFFFFFF, v4  }
.Ltmp9:
0xb1: {  	v5 =	vnsel vm6, $0xFFFFFFFE, v4;
	(pc) =	sbr.rel @p1 .LBB3_3-.Ltmp9, $3  }
0xb2: {  	_ =	sdelay $0x1  }
0xb3: {  	s22 =	sadd.s32 $0xFFFFFFF0, s22;
	s26 =	sadd.s32 $0xFFFFFFF0, s26;
	(ifvalue) =	ssetifvalue $0xFFFFFFFF  }
0xb4: {  	[tilespmem:s26], [sflag:$0x8] =	stream.indirect_vreg.gather [hbm4b:s1+s16], $0x1, v4, vm0, $0x4038;
	[tilespmem:s28+$0x0] =	vst v5  }
0xb5: {  	s2 =	sshrl.u32 s25, $0x3  }
0xb6: {  	s0 =	sadd.s32 $0x9D40, s0;
	s2 =	sadd.s32 s6, s2  }
0xb7: {  	[tilespmem:s0], [sflag:$0x8] =	stream.linear.gather [hbm:s2], $0x1F40, $0x38;
	[tilespmem:$0x11A60] =	vst v63  }
.LBB3_5:
0xb8: {  	p1 =	slt.u32 s24, $0x2  }
0xb9: {  	p2 =	sge.u32 @!p1 s24, s12  }
0xba: {  	p1 =	por p1, p2  }
.Ltmp10:
0xbb: {  	_ = 	snop;
	(pc) =	sbr.rel @p1 .LBB3_9-.Ltmp10, $1  }
0xbc: {  	_ =	sdelay $0x3  }
0xbd: {  	s0 =	sadd.s32 $0xFFFFFFFE, s24  }
0xbe: {  	s2 =	smulhi.u32 $0xAAAAAAAB, s0;
	_ =	sdelay $0x1  }
0xbf: {  	s2 =	sshrl.u32 s2, $0x1  }
0xc0: {  	s2 =	smul.u32 $0x3, s2;
	_ =	sdelay $0x1  }
0xc1: {  	s0 =	ssub.s32 s0, s2  }
0xc2: {  	_ =	swait.ge [sflag:s8], $0x3E80;
	s0 =	smul.u32 $0x1F40, s0  }
0xc3: {  	p1 =	sne.s32 s24, s11;
	[sflag:s8] =	ssyncset.done $0x0  }
0xc4: {  	[sflag:s8] =	ssyncadd.s32 $0xFFFFC180;
	s2 =	sadd.s32 @!p1 $0x203F, s0  }
0xc5: {  	[spmem:s13] =	stream.linear.scatter @!p1 [tilespmem:s2], [sflag:$0x1], $0x1, $0x38;
	[tilespmem:$0x11A60] =	vst v63  }
0xc6: {  	s2 =	simm.s32 @!p1 $0x1  }
0xc7: {  	_ =	swait.ge @!p1 [sflag:s2], $0x1  }
0xc8: {  	s22 =	sshll.u32 s24, $0x4;
	[sflag:s2] =	ssyncset.done @!p1 $0x0  }
0xc9: {  	s25 =	sand.u32 $0x10, s22;
	[sflag:s2] =	ssyncadd.s32 @!p1 $0xFFFFFFFF  }
0xca: {  	s2 =	sxor.u32 $0x10, s25;
	v4 =	vld [tilespmem:s25+$0x10]  }
0xcb: {  	v5 =	vld [tilespmem:s2+$0x60]  }
0xcc: {  	v3 =	vld [tilespmem:$0x80];
	_ =	sdelay $0x2  }
0xcd: {  	(v2sf) =	vpush v4, $0x0  }
0xce: {  	(v2sf) =	vpush v5, $0x0  }
0xcf: {  	(v2sf) =	vpush v3, $0x0;
	_ =	sdelay $0xc  }
0xd0: {  	s22 =	spop (v2sf)  }
0xd1: {  	s26 =	spop (v2sf)  }
0xd2: {  	s28 =	spop (v2sf)  }
0xd3: {  	p2 =	seq.s32 s22, s26;
	p3 =	seq.s32 s28, s22  }
0xd4: {  	p3 =	por p2, p3  }
0xd5: {  	s26 =	sand.u32 $0x1, s24;
	v4 =	vpsel p3, $0xFFFFFFFF, v4  }
0xd6: {  	s29 =	smul.u32 $0x1F40, s26;
	[tilespmem:s25+$0x10] =	vst.msk $0x1, v4  }
0xd7: {  	v4 =	vld [tilespmem:$0x30]  }
0xd8: {  	v5 =	vld [tilespmem:s29+$0x9D40]  }
0xd9: {  	v6 =	vld [tilespmem:s25+$0x40];
	_ =	sdelay $0x3  }
0xda: {  	vm4 =	vmmov vm1;
	v5 =	vadd.f32 v5, v4  }
0xdb: {  	vm5 =	vmmov vm2;
	vm4 =	vmmov @p2 vm2;
	s22 =	sshll.u32 s26, $0x4;
	v4 =	vadd.f32 v6, v4  }
0xdc: {  	s26 =	sor.u32 $0x11A40, s22;
	vm5 =	vmmov @p3 vm1;
	[tilespmem:s29+$0x9D40] =	vst.msk vm4, v5  }
0xdd: {  	[tilespmem:s26+$0x0] =	vst.msk vm5, v4  }
0xde: {  	v4 =	vld [tilespmem:s29+$0x7DF0];
	_ =	sdelay $0x3  }
0xdf: {  	v5 =	vimm.f32 $0.0e+00  }
0xe0: {  	v4 =	vshift.insert v4, v5, s21  }
0xe1: {  	s22 =	sor.u32 $0x40, s2  }
0xe2: {  	[tilespmem:s22+$0x0] =	vst.msk $0x1, v4  }
0xe3: {  	[tilespmem:s29+$0x7DFF] =	vst.msk $0x1, v5  }
0xe4: {  	v4 =	vld [tilespmem:s0+$0x2030];
	_ =	sdelay $0x1  }
0xe5: {  	s22 =	smulhi.u32 $0xAAAAAAAB, s20;
	s0 =	simm.s32 $0x1  }
0xe6: {  	s0 =	simm.s32 @!p0 $0x0  }
0xe7: {  	s22 =	sshrl.u32 s22, $0x1;
	s0 =	smul.u32 $0x7D00, s0  }
0xe8: {  	s22 =	smul.u32 $0xFFFE8900, s22;
	v4 =	vshift.insert v4, v1, s21  }
0xe9: {  	s0 =	sshrl.u32 s0, $0x2  }
0xea: {  	s22 =	sshra.s32 s22, $0x2;
	s30 =	sadd.s32 $0x9D40, s0;
	[tilespmem:s2+$0x10] =	vst.msk $0x1, v4  }
0xeb: {  	s22 =	sadd.s32 s22, s19;
	v6 =	vld [tilespmem:s30+$0x0]  }
0xec: {  	v7 =	vld [tilespmem:s22+$0x0];
	_ =	sdelay $0x3  }
0xed: {  	v5 =	vadd.f32 v6, v5  }
0xee: {  	vm4 =	vne.s32 v7, $0xFFFFFFFF  }
0xef: {  	(xrf2) =	vadd.seg.scan.f32 vm4, v5;
	_ =	sdelay $0x3  }
0xf0: {  	s31 =	sadd.s32 $0x5EC0, s0;
	v5 =	vperm.xlane v4, v1  }
0xf1: {  	v6 =	vld [tilespmem:s31+$0x0]  }
0xf2: {  	vm5 =	veq.s32 v7, v3;
	vm6 =	veq.s32 v7, v5  }
0xf3: {  	vm7 =	vgt.u32 v7, $0xFFFFFFFD;
	vm6 =	vmor vm6, vm5  }
0xf4: {  	vm6 =	vmor vm6, vm7  }
0xf5: {  	v9 =	vld [tilespmem:$0xA0];
	v7 =	vsel vm6, $0xFFFFFFFF, v7  }
0xf6: {  	v10 =	vld [tilespmem:$0x90];
	v6 =	vsel vm5, $0x0, v6;
	v8, _, _ =	vpop (xrf2)  }
0xf7: {  	v6 =	vadd.f32 v8, v6  }
0xf8: {  	s0 =	sadd.s32 $0xDBC0, s0  }
0xf9: {  	vm4 =	vmand vm4, vm3;
	[tilespmem:s0+$0x0] =	vst v6;
	(ifvalue) =	ssetifvalue $0xFFFFFFFF  }
0xfa: {  	vm6 =	veq.s32 v9, $0x1;
	[hbm4b:s1+s16] =	stream.indirect_vreg.scatter [tilespmem:s0], [sflag:$0x2], $0x1, v7, vm0, $0x4038;
	v7 =	vsel vm4, $0x0, v8;
	[tilespmem:$0x11A60] =	vst v63  }
0xfb: {  	s2 =	simm.s32 $0x0;
	s22 =	sadd.s32 $0x10, s22;
	vm4 =	vmor vm6, vm5;
	v6 =	vsel vm5, v8, v10;
	v7 =	vshift.insert v7, v0, s21  }
.LBB3_7:
0xfc: {  	v8 =	vld [tilespmem:s22+$0x0];
	s30 =	sadd.s32 $0x10, s30  }
0xfd: {  	s31 =	sadd.s32 $0x10, s31;
	v9 =	vld [tilespmem:s30+$0x0]  }
0xfe: {  	s2 =	sadd.s32 $0x10, s2;
	v10 =	vld [tilespmem:s31+$0x0]  }
0xff: {  	p2 =	slt.u32 s2, $0x1F30;
	_ =	sdelay $0x2  }
0x100: {  	v7 =	vadd.f32 v9, v7  }
0x101: {  	vm5 =	vne.s32 v8, $0xFFFFFFFF  }
0x102: {  	vm6 =	vmand vm5, vm3;
	(xrf2) =	vadd.seg.scan.f32 vm5, v7;
	_ =	sdelay $0x5  }
0x103: {  	vm7 =	veq.s32 v8, v5;
	vm5 =	veq.s32 v8, v3  }
0x104: {  	vm8 =	vgt.u32 v8, $0xFFFFFFFD;
	vm4 =	vmor vm4, vm5;
	vm7 =	vmor vm7, vm5  }
0x105: {  	vm7 =	vmor vm7, vm8  }
0x106: {  	v8 =	vsel vm7, $0xFFFFFFFF, v8  }
.Ltmp11:
0x107: {  	v7 =	vsel vm5, $0x0, v10;
	v9, _, _ =	vpop (xrf2);
	(pc) =	sbr.rel @p2 .LBB3_7-.Ltmp11, $4  }
0x108: {  	v6 =	vsel vm5, v9, v6;
	v10 =	vadd.f32 v9, v7;
	v7 =	vsel vm6, $0x0, v9  }
0x109: {  	s0 =	sadd.s32 $0x10, s0;
	v7 =	vshift.insert v7, v0, s21  }
0x10a: {  	s22 =	sadd.s32 $0x10, s22;
	[tilespmem:s0+$0x0] =	vst v10;
	(ifvalue) =	ssetifvalue $0xFFFFFFFF  }
0x10b: {  	[hbm4b:s1+s16] =	stream.indirect_vreg.scatter [tilespmem:s0], [sflag:$0x2], $0x1, v8, vm0, $0x4038;
	[tilespmem:$0x11A60] =	vst v63  }
0x10c: {  	v3 =	vld [tilespmem:s29+$0xFAF0];
	_ =	sdelay $0x4  }
0x10d: {  	v3 =	vshift.insert v3, v0, s21  }
0x10e: {  	s0 =	simm.s32 $0x30  }
0x10f: {  	[tilespmem:s0+$0x0] =	vst.msk $0x1, v3  }
0x110: {  	v3 =	vsel vm4, $0x1, v1;
	[tilespmem:$0x90] =	vst v6  }
0x111: {  	s0 =	sadd.s32 @!p1 $0xFAFF, s29;
	[tilespmem:$0xA0] =	vst v3  }
0x112: {  	[spmem:s14] =	stream.linear.scatter @!p1 [tilespmem:s0], [sflag:$0x1], $0x1, $0x38;
	[tilespmem:$0x11A60] =	vst v63  }
0x113: {  	s0 =	simm.s32 @!p1 $0x1  }
0x114: {  	v3 =	vmctz.xlane @!p1 vm4;
	_ =	swait.ge @!p1 [sflag:s0], $0x1  }
0x115: {  	(v2sf) =	vpush @!p1 v4, $0x0  }
0x116: {  	(v2sf) =	vpush @!p1 v3, $0x0;
	_ =	sdelay $0xd  }
0x117: {  	s2 =	spop @!p1 (v2sf)  }
0x118: {  	s22 =	spop @!p1 (v2sf)  }
0x119: {  	p2 =	sne.s32 @!p1 s28, s2;
	p3 =	slt.s32 @!p1 s22, $0xF  }
0x11a: {  	[sflag:s0] =	ssyncset.done @!p1 $0x0;
	p2 =	por p2, p1;
	p3 =	por !p3, p1  }
0x11b: {  	[sflag:s0] =	ssyncadd.s32 @!p1 $0xFFFFFFFF;
	v3 =	vimm.s32 @!p2 $0xFFFFFFFF;
	s22 =	simm.s32 @p3 $0xF  }
0x11c: {  	[tilespmem:$0x80] =	vst @!p2 v3;
	s2 =	sadd.s32 @!p1 $0x90, s22  }
0x11d: {  	[spmem:s10] =	stream.linear.scatter @!p1 [tilespmem:s2], [sflag:$0x1], $0x1, $0x38;
	[tilespmem:$0x11A60] =	vst v63  }
0x11e: {  	_ =	swait.ge @!p1 [sflag:s0], $0x1  }
0x11f: {  	[sflag:s0] =	ssyncset.done @!p1 $0x0  }
0x120: {  	s2 =	simm.s32 @!p1 $0x80;
	[sflag:s0] =	ssyncadd.s32 @!p1 $0xFFFFFFFF  }
0x121: {  	[spmem:s15] =	stream.linear.scatter @!p1 [tilespmem:s2], [sflag:$0x1], $0x1, $0x38;
	[tilespmem:$0x11A60] =	vst v63  }
0x122: {  	_ =	swait.ge @!p1 [sflag:s0], $0x1  }
0x123: {  	[sflag:s0] =	ssyncset.done @!p1 $0x0  }
0x124: {  	[sflag:s0] =	ssyncadd.s32 @!p1 $0xFFFFFFFF;
	(ifvalue) =	ssetifvalue $0xFFFFFFFF;
	v3 =	vld [tilespmem:s25+$0x10];
	_ =	sdelay $0x3  }
.Ltmp12:
0x125: {  	_ = 	snop;
	(pc) =	sbr.rel .LBB3_9-.Ltmp12, $3  }
0x126: {  	_ =	sdelay $0x1  }
0x127: {  	(ifvalue) =	ssetifvalue $0xFFFFFFFF  }
0x128: {  	[hbm4b:s1+s16] =	stream.indirect_vreg.scatter [tilespmem:s26], [sflag:$0x9], $0x1, v3, vm0, $0x4038;
	[tilespmem:$0x11A60] =	vst v63  }
.LBB3_10:
0x129: {  	_ =	sfence.sel $0x180000  }
0x12a: {  	s0 =	simm.s32 $0x7;
	[bflag:$0x0] =	sbarrier.arrive $0xFFFF  }
0x12b: {  	s26 =	simm.s32 $0x8;
	[sflag:s0] =	ssyncpa.u1 $0x1  }
0x12c: {  	s28 =	simm.s32 $0x9;
	[sflag:s26] =	ssyncpa.u1 $0x1  }
0x12d: {  	[sflag:s28] =	ssyncpa.u1 $0x1  }
0x12e: {  	_ =	sfence.stream.spmem  }
0x12f: {  	s29 =	simm.s32 $0x3;
	[bflag:$0x0] =	sbarrier.arrive $0xFFFF  }
0x130: {  	s30 =	simm.s32 $0x4;
	[sflag:s29] =	ssyncpa.u1 $0x1  }
0x131: {  	s31 =	simm.s32 $0x3C;
	s2 =	stileid.u32;
	[sflag:s30] =	ssyncpa.u1 $0x1  }
0x132: {  	p0 =	sne.s32 s2, $0x0;
	[sflag:s31] =	ssyncpa.u1 $0x1  }
0x133: {  	s0 =	simm.s32 @p0 $0x1;
	_ =	sfence @p0  }
0x134: {  	[sflag:s0] =	ssyncpa.u1 @p0 $0x1;
	s0 =	simm.s32 @p0 $0x2  }
0x135: {  	[sflag:s0] =	ssyncpa.u1 @p0 $0x1  }
0x136: {  	_ =	strace @p0 $0x90000053  }
0x137: {  	[bflag:$0x2] =	sbarrier.arrive @p0 $0xFFFF  }
0x138: {  	_ =	shalt @p0  }
.LBB3_11:
0x139: {  	_ =	sfence.stream.spmem;
	s0 =	simm.s32 $0x5  }
0x13a: {  	s2 =	simm.s32 $0x80;
	s3 =	simm.s32 $0xC0;
	[sflag:s0] =	ssyncpa.u1 $0x0  }
0x13b: {  	[tilespmem:s3], [sflag:$0x5] =	stream.linear.gather [spmem:s2], $0x20, $0x38;
	[tilespmem:$0x11A60] =	vst v63  }
0x13c: {  	s2 =	simm.s32 $0x0;
	s3 =	simm.s32 $0xE0  }
0x13d: {  	[tilespmem:s3], [sflag:$0x5] =	stream.linear.gather [spmem:s2], $0x20, $0x38;
	[tilespmem:$0x11A60] =	vst v63  }
.Ltmp13:
0x13e: {  	_ = 	snop;
	(pc) =	sbr.rel .LBB3_12-.Ltmp13, $4  }
0x13f: {  	_ =	swait.ge [sflag:s0], $0x40  }
0x140: {  	[sflag:s0] =	ssyncset.done $0x0  }
0x141: {  	s31 =	simm.s32 $0x6;
	[sflag:s0] =	ssyncadd.s32 $0xFFFFFFC0  }
0x142: {  	s4 =	simm.s32 $0x0;
	[sflag:s31] =	ssyncpa.u1 $0x0  }
.LBB3_17:
0x143: {  	p0 =	sgt.u32 s5, $0x187FF  }
0x144: {  	s0 =	sshrl.u32 @!p0 s5, $0x3  }
0x145: {  	s5 =	sand.u32 @!p0 $0x7, s5;
	s6 =	simm.s32 @!p0 $0xB0;
	s0 =	sadd.s32 @!p0 s1, s0  }
0x146: {  	[tilespmem:s6], [sflag:$0x6] =	stream.linear.gather @!p0 [hbm4b:s0+s5], $0x1, $0x38;
	[tilespmem:$0x11A60] =	vst v63  }
0x147: {  	s0 =	simm.s32 @!p0 $0x6  }
0x148: {  	_ =	swait.ge @!p0 [sflag:s0], $0x1  }
0x149: {  	[sflag:s0] =	ssyncset.done @!p0 $0x0  }
0x14a: {  	[sflag:s0] =	ssyncadd.s32 @!p0 $0xFFFFFFFF  }
0x14b: {  	v2 =	vmov @!p0 s4;
	v1 =	vld.msk @!p0 [tilespmem:$0xB0], $0x1;
	_ =	sdelay $0x3  }
0x14c: {  	s0 =	simm.s32 @!p0 $0xE0  }
0x14d: {  	[tilespmem:v2+s0+$0x0], v1 =	vst.idx.ret.add.f32.msk @!p0 $0x1, v1  }
0x14e: {  	[tilespmem:s2+$0xC0] =	vst.msk $0x1, v0  }
0x14f: {  	v0 =	vld.msk [tilespmem:s4+$0xE0], $0x1;
	_ =	sdelay $0x4  }
0x150: {  	[tilespmem:s2+$0xE0] =	vst.msk $0x1, v0;
	s2 =	sadd.s32 $0x1, s2  }
.LBB3_19:
0x151: {  	s4 =	sadd.s32 $0x1, s4  }
0x152: {  	p0 =	sne.s32 s4, $0x20  }
.Ltmp14:
0x153: {  	_ = 	snop;
	(pc) =	sbr.rel @!p0 .LBB3_20-.Ltmp14, $1  }
0x154: {  	_ =	sdelay $0x3  }
.LBB3_12:
0x155: {  	v0 =	vld.msk [tilespmem:s4+$0xC0], $0x1;
	_ =	sdelay $0x4  }
0x156: {  	(v2sf) =	vpush v0, $0x0;
	_ =	sdelay $0xe  }
0x157: {  	s5 =	spop (v2sf)  }
0x158: {  	p0 =	seq.s32 s5, $0xFFFFFFFF  }
.Ltmp15:
0x159: {  	_ = 	snop;
	(pc) =	sbr.rel @p0 .LBB3_19-.Ltmp15, $1  }
0x15a: {  	_ =	sdelay $0x3  }
0x15b: {  	p0 =	slt.s32 s2, $0x1  }
.Ltmp16:
0x15c: {  	_ = 	snop;
	(pc) =	sbr.rel @p0 .LBB3_17-.Ltmp16, $1  }
0x15d: {  	_ =	sdelay $0x3  }
0x15e: {  	s0 =	simm.s32 $0xC0;
	p0 =	por $0x0, $0x0  }
0x15f: {  	v1 =	vld.msk @!p0 [tilespmem:s0+$0x0], $0x1;
	_ =	sdelay $0x4  }
0x160: {  	(v2sf) =	vpush @!p0 v1, $0x0;
	_ =	sdelay $0xd  }
0x161: {  	p2 =	sne.s32 s2, $0x1  }
.Ltmp17:
0x162: {  	s6 =	spop @!p0 (v2sf);
	(pc) =	sbr.rel @!p2 .LBB3_16-.Ltmp17, $4  }
0x163: {  	p1 =	seq.s32 @!p0 s5, s6  }
0x164: {  	s6 =	simm.s32 $0x0;
	p1 =	por !p1, p0  }
0x165: {  	s8 =	simm.s32 $0xFFFFFFFF;
	s6 =	simm.s32 @p1 $0xFFFFFFFF  }
0x166: {  	s7 =	simm.s32 $0x1;
	s6 =	smov.u32 @p0 s8  }
.LBB3_15:
0x167: {  	s8 =	smov.u32 s6;
	p0 =	sne.s32 s6, $0xFFFFFFFF  }
0x168: {  	s0 =	sadd.s32 $0x1, s0;
	s6 =	smov.u32 s7;
	s7 =	sadd.s32 $0x1, s7  }
0x169: {  	p1 =	sne.s32 s2, s7;
	v1 =	vld.msk @!p0 [tilespmem:s0+$0x0], $0x1;
	_ =	sdelay $0x4  }
0x16a: {  	(v2sf) =	vpush @!p0 v1, $0x0;
	_ =	sdelay $0xe  }
.Ltmp18:
0x16b: {  	s9 =	spop @!p0 (v2sf);
	(pc) =	sbr.rel @p1 .LBB3_15-.Ltmp18, $4  }
0x16c: {  	p2 =	seq.s32 @!p0 s5, s9  }
0x16d: {  	p2 =	por !p2, p0  }
0x16e: {  	s6 =	simm.s32 @p2 $0xFFFFFFFF  }
0x16f: {  	s6 =	smov.u32 @p0 s8  }
.LBB3_16:
0x170: {  	p0 =	sne.s32 s6, $0xFFFFFFFF  }
.Ltmp19:
0x171: {  	_ = 	snop;
	(pc) =	sbr.rel @!p0 .LBB3_17-.Ltmp19, $1  }
0x172: {  	_ =	sdelay $0x3  }
0x173: {  	v0 =	vld.msk [tilespmem:s4+$0xE0], $0x1;
	v1 =	vmov s6  }
.Ltmp20:
0x174: {  	_ = 	snop;
	(pc) =	sbr.rel .LBB3_19-.Ltmp20, $2  }
0x175: {  	_ =	sdelay $0x2  }
0x176: {  	[tilespmem:v1+s3+$0x0], v0 =	vst.idx.ret.add.f32.msk $0x1, v0  }
.LBB3_20:
0x177: {  	p0 =	slt.s32 s2, $0x1  }
.Ltmp21:
0x178: {  	_ = 	snop;
	(pc) =	sbr.rel @p0 .LBB3_24-.Ltmp21, $3  }
0x179: {  	_ =	sdelay $0x1  }
0x17a: {  	s0 =	simm.s32 $0x6  }
0x17b: {  	s3 =	simm.s32 $0x0;
	[sflag:s0] =	ssyncpa.u1 $0x1  }
0x17c: {  	s0 =	simm.s32 $0xC0  }
0x17d: {  	v0 =	vld.msk [tilespmem:s0+$0x0], $0x1;
	_ =	sdelay $0x4  }
0x17e: {  	(v2sf) =	vpush v0, $0x0;
	_ =	sdelay $0xe  }
0x17f: {  	s2 =	sadd.s32 $0xFFFFFFFF, s2;
	s4 =	spop (v2sf)  }
0x180: {  	p1 =	sne.s32 s2, $0x0;
	p0 =	sgt.u32 s4, $0x187FF  }
.Ltmp22:
0x181: {  	s5 =	sshrl.u32 @!p0 s4, $0x3;
	(pc) =	sbr.rel @!p1 .LBB3_23-.Ltmp22, $4  }
0x182: {  	s0 =	simm.s32 $0xE0;
	s4 =	sand.u32 @!p0 $0x7, s4;
	s5 =	sadd.s32 @!p0 s1, s5  }
0x183: {  	[hbm4b:s5+s4] =	stream.linear.scatter @!p0 [tilespmem:s0], [sflag:$0x5], $0x1, $0x38;
	[tilespmem:$0x11A60] =	vst v63  }
0x184: {  	s5 =	simm.s32 $0x0  }
0x185: {  	s4 =	simm.s32 $0xC1;
	s5 =	simm.s32 @!p0 $0x4  }
.LBB3_22:
0x186: {  	v0 =	vld.msk [tilespmem:s4+$0x0], $0x1;
	s2 =	sadd.s32 $0xFFFFFFFF, s2;
	s3 =	sadd.s32 s3, s5  }
0x187: {  	p0 =	sne.s32 s2, $0x0;
	_ =	sdelay $0x3  }
0x188: {  	(v2sf) =	vpush v0, $0x0;
	_ =	sdelay $0xe  }
.Ltmp23:
0x189: {  	s6 =	spop (v2sf);
	(pc) =	sbr.rel @p0 .LBB3_22-.Ltmp23, $4  }
0x18a: {  	s5 =	simm.s32 $0x0;
	p1 =	sgt.u32 s6, $0x187FF  }
0x18b: {  	s0 =	sadd.s32 $0x1, s0;
	s5 =	simm.s32 @!p1 $0x4;
	s7 =	sshrl.u32 @!p1 s6, $0x3  }
0x18c: {  	s4 =	sadd.s32 $0x1, s4;
	s6 =	sand.u32 @!p1 $0x7, s6;
	s7 =	sadd.s32 @!p1 s1, s7  }
0x18d: {  	[hbm4b:s7+s6] =	stream.linear.scatter @!p1 [tilespmem:s0], [sflag:$0x5], $0x1, $0x38;
	[tilespmem:$0x11A60] =	vst v63  }
.LBB3_23:
0x18e: {  	s0 =	sadd.s32 s3, s5  }
0x18f: {  	s3 =	sshrl.u32 s0, $0x2  }
.LBB3_24:
0x190: {  	s0 =	simm.s32 $0x5  }
0x191: {  	_ =	swait.ge [sflag:s0], s3  }
0x192: {  	s1 =	ssub.s32 $0x0, s3;
	[sflag:s0] =	ssyncset.done $0x0  }
0x193: {  	[sflag:s0] =	ssyncadd.s32 s1  }
0x194: {  	[sflag:s0] =	ssyncpa.u1 $0x1  }
0x195: {  	s29 =	simm.s32 $0x1;
	_ =	sfence  }
0x196: {  	s30 =	simm.s32 $0x2;
	[sflag:s29] =	ssyncpa.u1 $0x1  }
0x197: {  	[sflag:s30] =	ssyncpa.u1 $0x1  }
0x198: {  	_ =	strace $0x90000053  }
0x199: {  	[bflag:$0x2] =	sbarrier.arrive $0xFFFF  }
0x19a: {  	s31 =	rddreg [dreg:$0x1]  }
0x19b: {  	s0 =	sadd.s32 $0x100000, s31  }
0x19c: {  	[sflag:s0] =	ssyncadd.tile.s32 $0x1;
	_ =	shalt  }
.Lfunc_end3:
_tile_overlayer_lowered:
.L_overlay_start_3:
0x19d: {  	(tag) =	ssettag $0x3  }
0x19e: {  	s0 =	rddreg [dreg:$0x0];
	s2 =	stileid.u32  }
0x19f: {  	s1 =	rddreg [dreg:$0x1];
	p0 =	sne.s32 s2, $0x0  }
0x1a0: {  	s3 =	rddreg [dreg:$0x2];
	[bflag:$0x3] =	sbarrier.arrive $0xFFFF;
	s2 =	simm.s32 @!p0 $0x1C01  }
0x1a1: {  	[timem:s3], [sflag:s2] =	dma.local @!p0 [hbm:s0], s1  }
0x1a2: {  	s0 =	simm.s32 @!p0 $0x1  }
0x1a3: {  	_ =	swait.ge @!p0 [sflag:s0], s1  }
0x1a4: {  	s1 =	ssub.s32 @!p0 $0x0, s1;
	[sflag:s0] =	ssyncset.done @!p0 $0x0  }
0x1a5: {  	[sflag:s0] =	ssyncadd.s32 @!p0 s1  }
0x1a6: {  	[bflag:$0x3] =	sbarrier.arrive $0xFFFF  }
0x1a7: {  	_ =	shalt  }

// kernel: scatter_offload_async_start.2
scs
__scs_entry_jumppad:
0x0: {  	(pc) =	sbr.rel $0x88, $3  }
0x1: {  	(tag) =	ssettag $0x0;
	lr =	simm.s32 $0x1  }
0x2: {  	[smem:$0x3F91] =	sst lr;
	_ =	strace $0xD0000000  }
0x3: {  	_ = 	snop  }
0x4: {  	_ = 	snop  }
0x5: {  	_ = 	snop  }
0x6: {  	_ = 	snop  }
0x7: {  	_ = 	snop  }
__scs_overlays_trampoline_lowered:
0x8: {  	[smem:$0x3FA0] =	sst s0  }
0x9: {  	[smem:$0x3FA1] =	sst s1  }
0xa: {  	[smem:$0x3FA2] =	sst s2  }
0xb: {  	[smem:$0x3FA3] =	sst s3  }
0xc: {  	[smem:$0x3FA4] =	sst s4  }
0xd: {  	[smem:$0x3FA5] =	sst s5  }
0xe: {  	[smem:$0x3FA6] =	sst s6  }
0xf: {  	[smem:$0x3FA7] =	sst s7  }
0x10: {  	[smem:$0x3FA8] =	sst s8  }
0x11: {  	[smem:$0x3FA9] =	sst s9;
	s0 =	simm.s32 @!p0 $0x0  }
0x12: {  	s1 =	sld [smem:$0x3F8F];
	s0 =	simm.s32 @p0 $0x1  }
0x13: {  	[smem:$0x3FAA] =	sst s0;
	s0 =	simm.s32 @!p1 $0x0  }
0x14: {  	s2 =	sld [smem:$0x3F8E];
	s0 =	simm.s32 @p1 $0x1  }
0x15: {  	[smem:$0x3FAB] =	sst s0;
	s0 =	simm.s32 @!p2 $0x0  }
0x16: {  	s3 =	sld [smem:$0x3FDB];
	s0 =	simm.s32 @p2 $0x1  }
0x17: {  	s4 =	simm.s32 $0x1BF5;
	[smem:$0x3FAD] =	sst s0  }
0x18: {  	s0 =	sld [smem:$0x3F90];
	_ =	swait.ge [sflag:s4], $0x0  }
0x19: {  	s7 =	sld [smem:$0x3F91]  }
0x1a: {  	s8 =	sadd.s32 $0xFFFFE003, lr  }
0x1b: {  	s9 =	sadd.s32 $0xFFFFFEF7, lr;
	s5 =	simm.s32 $0xFFFFFFFF;
	p2 =	slt.u32 s8, $0xFFFFF086  }
0x1c: {  	p1 =	slt.u32 s9, $0xF7A;
	s5 =	simm.s32 @!p2 $0x0  }
0x1d: {  	s5 =	simm.s32 @p1 $0x1;
	p0 =	seq.s32 s7, s2  }
0x1e: {  	s7 =	smul.u32 @!p0 $0xF7A, s2;
	p2 =	seq.s32 @!p0 s5, $0x0  }
0x1f: {  	s9 =	smul.u32 $0xF7A, s1;
	s8 =	simm.s32 @!p0 $0x1BF5;
	p2 =	por !p2, p0  }
0x20: {  	[sflag:s8] =	ssyncset.s32 @!p0 $0xFFFFF086;
	s6 =	sadd.s32 @!p0 s3, s7;
	s7 =	simm.s32 @!p0 $0x108  }
0x21: {  	s3 =	sadd.s32 s3, s9;
	s6 =	sadd.s32 @!p0 $0x88, s6;
	s7 =	simm.s32 @p2 $0x1082  }
0x22: {  	[simem:s7], [sflag:s8] =	dma.local @!p0 [hbm:s6], $0xF7A  }
0x23: {  	s9 =	sor.u32 $0xD0000000, s2;
	s6 =	simm.s32 $0x108;
	_ =	swait.ge @!p0 [sflag:s8], $0x0  }
0x24: {  	s3 =	sadd.s32 $0x88, s3;
	s6 =	simm.s32 @!p1 $0x1082;
	[sflag:s4] =	ssyncset.s32 $0xFFFFF086  }
0x25: {  	[simem:s6], [sflag:s4] =	dma.local [hbm:s3], $0xF7A  }
0x26: {  	[smem:$0x3F91] =	sst s1;
	(tag) =	ssettag s2;
	_ =	strace s9  }
0x27: {  	s1 =	sld [smem:$0x3FA1]  }
0x28: {  	s2 =	sld [smem:$0x3FA2]  }
0x29: {  	s4 =	sld [smem:$0x3FA4]  }
0x2a: {  	p0 =	seq.s32 s5, $0x0;
	s5 =	sld [smem:$0x3FA5]  }
0x2b: {  	s6 =	sld [smem:$0x3FA6]  }
0x2c: {  	s7 =	sld [smem:$0x3FA7]  }
0x2d: {  	s3 =	simm.s32 $0x108;
	s8 =	sld [smem:$0x3FA8]  }
0x2e: {  	s3 =	simm.s32 @!p0 $0x1082;
	s9 =	sld [smem:$0x3FA9]  }
0x2f: {  	lr =	sadd.s32 s0, s3;
	s0 =	sld [smem:$0x3FA0]  }
0x30: {  	s3 =	sld [smem:$0x3FA3]  }
0x31: {  	[smem:$0x3FAC] =	sst s10  }
0x32: {  	s10 =	sld [smem:$0x3FAA];
	_ =	sdelay $0x3  }
0x33: {  	p0 =	seq.s32 s10, $0x1;
	s10 =	sld [smem:$0x3FAC];
	_ =	sdelay $0x3  }
0x34: {  	[smem:$0x3FAC] =	sst s10  }
0x35: {  	s10 =	sld [smem:$0x3FAB];
	_ =	sdelay $0x3  }
0x36: {  	p1 =	seq.s32 s10, $0x1;
	s10 =	sld [smem:$0x3FAC];
	_ =	sdelay $0x3  }
0x37: {  	[smem:$0x3FAC] =	sst s10  }
0x38: {  	s10 =	sld [smem:$0x3FAD]  }
0x39: {  	_ = 	snop;
	(pc) =	sbr.ind lr, $3  }
0x3a: {  	_ = 	snop  }
0x3b: {  	_ = 	snop  }
0x3c: {  	p2 =	seq.s32 s10, $0x1;
	s10 =	sld [smem:$0x3FAC]  }
0x3d: {  	_ =	shalt  }
0x3e: {  	_ =	shalt  }
0x3f: {  	_ =	shalt  }
0x40: {  	_ =	shalt  }
0x41: {  	_ =	shalt  }
0x42: {  	_ =	shalt  }
0x43: {  	_ =	shalt  }
0x44: {  	_ =	shalt  }
0x45: {  	_ =	shalt  }
0x46: {  	_ =	shalt  }
0x47: {  	_ =	shalt  }
0x48: {  	_ =	shalt  }
0x49: {  	_ =	shalt  }
0x4a: {  	_ =	shalt  }
0x4b: {  	_ =	shalt  }
0x4c: {  	_ =	shalt  }
0x4d: {  	_ =	shalt  }
0x4e: {  	_ =	shalt  }
0x4f: {  	_ =	shalt  }
0x50: {  	_ =	shalt  }
0x51: {  	_ =	shalt  }
0x52: {  	_ =	shalt  }
0x53: {  	_ =	shalt  }
0x54: {  	_ =	shalt  }
0x55: {  	_ =	shalt  }
0x56: {  	_ =	shalt  }
0x57: {  	_ =	shalt  }
0x58: {  	_ =	shalt  }
0x59: {  	_ =	shalt  }
0x5a: {  	_ =	shalt  }
0x5b: {  	_ =	shalt  }
0x5c: {  	_ =	shalt  }
0x5d: {  	_ =	shalt  }
0x5e: {  	_ =	shalt  }
0x5f: {  	_ =	shalt  }
0x60: {  	_ =	shalt  }
0x61: {  	_ =	shalt  }
0x62: {  	_ =	shalt  }
0x63: {  	_ =	shalt  }
0x64: {  	_ =	shalt  }
0x65: {  	_ =	shalt  }
0x66: {  	_ =	shalt  }
0x67: {  	_ =	shalt  }
0x68: {  	_ =	shalt  }
0x69: {  	_ =	shalt  }
0x6a: {  	_ =	shalt  }
0x6b: {  	_ =	shalt  }
0x6c: {  	_ =	shalt  }
0x6d: {  	_ =	shalt  }
0x6e: {  	_ =	shalt  }
0x6f: {  	_ =	shalt  }
0x70: {  	_ =	shalt  }
0x71: {  	_ =	shalt  }
0x72: {  	_ =	shalt  }
0x73: {  	_ =	shalt  }
0x74: {  	_ =	shalt  }
0x75: {  	_ =	shalt  }
0x76: {  	_ =	shalt  }
0x77: {  	_ =	shalt  }
0x78: {  	_ =	shalt  }
0x79: {  	_ =	shalt  }
0x7a: {  	_ =	shalt  }
0x7b: {  	_ =	shalt  }
0x7c: {  	_ =	shalt  }
0x7d: {  	_ =	shalt  }
0x7e: {  	_ =	shalt  }
0x7f: {  	_ =	shalt  }
0x80: {  	_ =	shalt  }
0x81: {  	_ =	shalt  }
0x82: {  	_ =	shalt  }
0x83: {  	_ =	shalt  }
0x84: {  	_ =	shalt  }
0x85: {  	_ =	shalt  }
0x86: {  	_ =	shalt  }
0x87: {  	_ =	shalt  }
.Lfunc_end0:
.L_simem_size_0:
called_computation.2_lowered:
.L_overlay_start_0:
0x88: {  	s2 =	sld [smem:$0x3FD9]  }
0x89: {  	s3 =	sld [smem:$0x3FFE];
	_ =	sdelay $0x1  }
0x8a: {  	s1 =	srdreg.scid  }
0x8b: {  	s0 =	sand.u32 $0x1, s1  }
0x8c: {  	s12 =	sshll.u32 s0, $0xA;
	s2 =	sadd.s32 s3, s2  }
0x8d: {  	s2 =	sadd.s32 s2, s12  }
0x8e: {  	[smem:$0x3FB8] =	sst s2  }
0x8f: {  	_ = 	snop  }
0x90: {  	s13 =	sld [smem:$0x3FD0];
	(tm) =	ssettm $0x1  }
0x91: {  	s14 =	sld [smem:$0x3FFB];
	_ =	sdelay $0x3  }
0x92: {  	_ =	strace s14  }
0x93: {  	s2 =	sld [smem:$0x3FFC];
	_ =	sdelay $0x3  }
0x94: {  	_ =	strace s2  }
0x95: {  	s2 =	sld [smem:$0x3FFD];
	_ =	sdelay $0x3  }
0x96: {  	_ =	strace s2  }
0x97: {  	_ =	strace $0x8FFFFFFF  }
0x98: {  	s15 =	sld [smem:$0x3FDB];
	_ =	sdelay $0x1  }
0x99: {  	s4 =	simm.s32 $_scs_section_size  }
0x9a: {  	s5 =	simm.s32 $_size__tile_overlayer_lowered;
	s6 =	simm.s32 $_tile_overlayer_lowered  }
0x9b: {  	s19 =	simm.s32 $0x1BFF;
	s17 =	sshll.u32 s6, $0x1;
	s7 =	sadd.s32 s4, s15  }
0x9c: {  	s20 =	simm.s32 $0x0;
	s16 =	sshll.u32 s5, $0x1;
	s18 =	sadd.s32 s17, s7  }
0x9d: {  	[timem:s20], [sflag:s19] =	dma.local [hbm:s18], s16  }
0x9e: {  	_ =	swait.ge [sflag:s19], s16  }
0x9f: {  	s4 =	ssub.s32 $0x0, s16;
	[sflag:s19] =	ssyncset.done $0x0  }
0xa0: {  	[sflag:s19] =	ssyncadd.s32 s4;
	_ =	sdelay $0x1  }
0xa1: {  	s21 =	simm.s32 $0x1B8B  }
0xa2: {  	_ =	swait.ge [sflag:s21], $0x1  }
0xa3: {  	[sflag:s21] =	ssyncset.done $0x0  }
0xa4: {  	[sflag:s21] =	ssyncadd.s32 $0xFFFFFFFF  }
0xa5: {  	s4 =	sld [smem:$0x0]  }
0xa6: {  	s5 =	sand.u32 $0xFFFFFFFE, s1  }
0xa7: {  	p0 =	sne.s32 s1, s5  }
0xa8: {  	s5 =	sshll.u32 @p0 s5, $0xE  }
0xa9: {  	s6 =	sadd.s32 @p0 $0x11B8D, s5;
	s8 =	sshll.u32 @p0 s4, $0x11  }
0xaa: {  	s6 =	sor.u32 @p0 s8, s6  }
0xab: {  	[sflag:s6] =	ssyncadd.remote.s32 @p0 $0x1;
	_ =	sdelay $0x1  }
0xac: {  	s6 =	simm.s32 @p0 $0x1B8D  }
0xad: {  	_ =	swait.eq @p0 [sflag:s6], $0x1  }
0xae: {  	[sflag:s6] =	ssyncadd.s32 @p0 $0xFFFFFFFF  }
0xaf: {  	s8 =	sshll.u32 @!p0 s1, $0xE  }
0xb0: {  	s8 =	sor.u32 @!p0 $0x4000, s8;
	s6 =	simm.s32 @!p0 $0x1B8D  }
0xb1: {  	s10 =	sshll.u32 @!p0 s4, $0x11;
	s9 =	sadd.s32 @!p0 $0x11B8D, s8;
	_ =	swait.eq @!p0 [sflag:s6], $0x1  }
0xb2: {  	[sflag:s6] =	ssyncadd.s32 @!p0 $0xFFFFFFFF;
	s6 =	sor.u32 @!p0 s10, s9  }
0xb3: {  	s23 =	simm.s32 $0x1B8E;
	s22 =	sld [smem:$0x3FFE];
	[sflag:s6] =	ssyncadd.remote.s32 @!p0 $0x1  }
0xb4: {  	s24 =	simm.s32 $execute0_lowered;
	[smem:$0x3FD2] =	sst s23  }
0xb5: {  	s9 =	sshll.u32 s24, $0x1;
	_ =	strace $0x80000055;
	[dreg:$0x1] =	wrdreg $0xFFFFFFFF  }
0xb6: {  	s25 =	simm.s32 $_size_execute0_lowered;
	s9 =	sadd.s32 s7, s9;
	[dreg:$0x0] =	wrdreg $0x0  }
0xb7: {  	s10 =	sshll.u32 s25, $0x1;
	[dreg:$0x2] =	wrdreg s9  }
0xb8: {  	[dreg:$0x3] =	wrdreg s10  }
0xb9: {  	[dreg:$0x4] =	wrdreg $0xC0  }
0xba: {  	s26 =	simm.s32 $execute1_lowered;
	_ =	task [dreg:s20], $0x5FFFF  }
0xbb: {  	s9 =	sshll.u32 s26, $0x1;
	[dreg:$0x1] =	wrdreg $0xFFFFFFFF  }
0xbc: {  	s7 =	sadd.s32 s7, s9;
	[dreg:$0x0] =	wrdreg $0x60  }
0xbd: {  	[dreg:$0x2] =	wrdreg s7  }
0xbe: {  	[dreg:$0x3] =	wrdreg s22  }
0xbf: {  	[dreg:$0x4] =	wrdreg $0xD  }
0xc0: {  	_ =	task.clear_ibuf [dreg:s20], $0x5FFFF;
	_ =	strace $0x90000055  }
0xc1: {  	s28 =	simm.s32 $0xD;
	_ =	strace $0x80000057  }
0xc2: {  	_ =	swait.ge [sflag:s28], $0x1  }
0xc3: {  	[sflag:s28] =	ssyncadd.s32 $0xFFFFFFFF  }
0xc4: {  	_ =	strace $0x90000057  }
0xc5: {  	s7 =	sld [smem:$0x0];
	_ =	sdelay $0x3  }
0xc6: {  	s5 =	sadd.s32 @p0 $0x11BF3, s5;
	s9 =	sshll.u32 @p0 s7, $0x11  }
0xc7: {  	s5 =	sor.u32 @p0 s9, s5  }
0xc8: {  	[sflag:s5] =	ssyncadd.remote.s32 @p0 $0x1;
	_ =	sdelay $0x1  }
0xc9: {  	s5 =	simm.s32 @p0 $0x1BF3  }
0xca: {  	_ =	swait.eq @p0 [sflag:s5], $0x1  }
0xcb: {  	[sflag:s5] =	ssyncadd.s32 @p0 $0xFFFFFFFF;
	_ =	sdelay $0x1  }
0xcc: {  	s5 =	simm.s32 @!p0 $0x1BF3  }
0xcd: {  	s8 =	sadd.s32 @!p0 $0x11BF3, s8;
	s7 =	sshll.u32 @!p0 s7, $0x11;
	_ =	swait.eq @!p0 [sflag:s5], $0x1  }
0xce: {  	[sflag:s5] =	ssyncadd.s32 @!p0 $0xFFFFFFFF;
	s5 =	sor.u32 @!p0 s7, s8  }
0xcf: {  	[sflag:s5] =	ssyncadd.remote.s32 @!p0 $0x1  }
0xd0: {  	_ =	strace $0x80000058;
	[dreg:$0x1] =	wrdreg $0xFFFFFFFF  }
0xd1: {  	[dreg:$0x0] =	wrdreg $0x2030  }
0xd2: {  	[dreg:$0x2] =	wrdreg s22  }
0xd3: {  	[dreg:$0x3] =	wrdreg s13  }
0xd4: {  	[dreg:$0x4] =	wrdreg s1  }
0xd5: {  	[dreg:$0x5] =	wrdreg s4  }
0xd6: {  	[dreg:$0x6] =	wrdreg $0xE  }
0xd7: {  	_ =	task.clear_ibuf [dreg:s20], $0x7FFFF;
	_ =	strace $0x90000058  }
0xd8: {  	s29 =	simm.s32 $0xE;
	_ =	strace $0x8000005A  }
0xd9: {  	_ =	swait.ge [sflag:s29], $0x1  }
0xda: {  	[sflag:s29] =	ssyncadd.s32 $0xFFFFFFFF  }
0xdb: {  	_ =	strace $0x9000005A  }
0xdc: {  	_ =	sfence  }
0xdd: {  	s30 =	sld [smem:$0x0];
	_ =	sdelay $0x2  }
0xde: {  	s31 =	sshll.u32 s1, $0xD;
	s1 =	sshrl.u32 s1, $0x2  }
0xdf: {  	s4 =	sand.u32 $0x4000, s31;
	s1 =	sadd.s32 s1, s30  }
0xe0: {  	s0 =	sor.u32 s4, s0;
	s1 =	sshll.u32 s1, $0x11  }
0xe1: {  	s0 =	sor.u32 s1, s0  }
0xe2: {  	s0 =	sadd.s32 $0x8F2B, s0  }
0xe3: {  	[sflag:s0] =	ssyncadd.remote.s32 $0x1  }
0xe4: {  	_ =	sfence.sel $0xFFFF  }
0xe5: {  	[dreg:$0x0] =	wrdreg $0xFFFFFFFF;
	(pc) =	sbr.abs _section_cstart, $3  }
0xe6: {  	[dreg:$0x1] =	wrdreg $0xFFFFFFFF  }
0xe7: {  	_ =	task.clear_ibuf [dreg:s20], $0x2FFFF;
	_ =	strace $0x9FFFFFFF  }
0xe8: {  	(tm) =	ssettm $0x7FFFFFFF  }
0xe9: {  	_ =	shalt  }
tec
execute0_lowered:
.L_overlay_start_1:
0x0: {  	(tag) =	ssettag $0x1  }
0x1: {  	s2 =	rddreg [dreg:$0x0]  }
0x2: {  	s5 =	rddreg [dreg:$0x1]  }
0x3: {  	s0 =	rddreg [dreg:$0x2];
	s3 =	stileid.u32;
	[bflag:$0x3] =	sbarrier.arrive $0xFFFF  }
0x4: {  	s1 =	simm.s32 $_size_execute1_lowered;
	s29 =	srdreg.scid;
	s31 =	simm.s32 $0x2  }
0x5: {  	s13 =	simm.s32 $0x0;
	s8 =	simm.s32 $0x40;
	p0 =	sne.s32 s3, $0x0  }
0x6: {  	s1 =	sshll.u32 s1, $0x1;
	s4 =	simm.s32 @!p0 $0x1C3F;
	s6 =	simm.s32 @!p0 $0x4060  }
0x7: {  	[timem:s6], [sflag:s4] =	dma.local @!p0 [hbm:s2], s1  }
0x8: {  	s9 =	simm.s32 $0x80;
	s11 =	simm.s32 $0x0;
	s2 =	sshll.u32 s29, $0x8  }
.Ltmp0:
0x9: {  	s3 =	sshll.u32 s3, $0x9;
	s30 =	sand.u32 $0x100, s2;
	(pc) =	sbr.rel .LBB2_1-.Ltmp0, $4  }
0xa: {  	s12 =	simm.s32 $0x0;
	_ =	strace $0x80000056;
	s3 =	sor.u32 s3, s30  }
0xb: {  	s4 =	simm.s32 $0x1;
	s2 =	sadd.s32 $0x1F5A00, s5;
	s7 =	ssub.s32 $0x18600, s3  }
0xc: {  	s5 =	sadd.s32 $0x37C400, s5;
	[sflag:s4] =	ssyncpa.u1 $0x0;
	s6 =	sshrl.u32 s7, $0xD  }
0xd: {  	[sflag:s31] =	ssyncpa.u1 $0x0;
	s10 =	smov.u32 s3;
	s7 =	sadd.s32 $0x2, s6  }
.LBB2_5:
0xe: {  	_ =	sdelay $0x3  }
0xf: {  	[tilespmem:v3+s18+$0x0 ss:$0x1] =	vst.idx.msk $0xffff, v1  }
0x10: {  	[tilespmem:v3+s17+$0x0 ss:$0x1] =	vst.idx.msk $0xffff, v2  }
0x11: {  	[tilespmem:v3+s16+$0x0 ss:$0x1] =	vst.idx.msk $0xffff, v4  }
0x12: {  	[tilespmem:v3+s19+$0x0 ss:$0x1] =	vst.idx.msk $0xffff, v5  }
.LBB2_6:
0x13: {  	s16 =	sand.u32 $0x1FFFFFF, s11  }
0x14: {  	s17 =	smulhi.u32 $0x14F8B59, s16;
	_ =	sdelay $0x1  }
0x15: {  	s17 =	sshrl.u32 s17, $0x9  }
0x16: {  	s17 =	smul.u32 $0x186A0, s17;
	_ =	sdelay $0x1  }
0x17: {  	s16 =	ssub.s32 s16, s17  }
0x18: {  	s16 =	sshll.u32 s16, $0x4  }
0x19: {  	s16 =	sadd.s32 s5, s16  }
0x1a: {  	[hbm4b:s16+s8] =	stream.strided.scatter [tilespmem:s15], [sflag:$0x2], s14, s9, s8, $0x38;
	[tilespmem:$0x10000] =	vst v63  }
.LBB2_7:
0x1b: {  	p1 =	slt.u32 s12, $0x2  }
0x1c: {  	p2 =	sgt.s32 @!p1 s13, $0x185A0  }
0x1d: {  	s14 =	smov.u32 s13;
	s15 =	sshra.s32 @!p1 s13, $0x1F;
	p2 =	por !p2, p1  }
0x1e: {  	s13 =	sand.u32 @!p1 s15, s13;
	s14 =	simm.s32 @p2 $0x185A0  }
0x1f: {  	s13 =	ssub.s32 @!p1 s14, s13  }
0x20: {  	s13 =	sadd.s32 @!p1 $0xFFFE7A60, s13  }
0x21: {  	s14 =	sshll.u32 @!p1 s13, $0x8  }
0x22: {  	p2 =	sgt.s32 @!p1 s13, $0xFF;
	s13 =	ssub.s32 @!p1 $0x10000, s14  }
0x23: {  	s15 =	sadd.s32 $0x2000, s10;
	p2 =	por !p2, p1;
	s13 =	sshrl.u32 @!p1 s13, $0x2  }
0x24: {  	s13 =	simm.s32 @!p2 $0x0;
	p2 =	sgt.s32 s15, $0x1869F  }
0x25: {  	s15 =	smov.u32 @p2 s3;
	p2 =	sne.s32 s12, s7  }
.Ltmp1:
0x26: {  	_ = 	snop;
	(pc) =	sbr.rel @!p2 .LBB2_8-.Ltmp1, $4  }
0x27: {  	s14 =	simm.s32 @!p1 $0x2  }
0x28: {  	_ =	swait.ge @!p1 [sflag:s14], s13;
	s16 =	ssub.s32 @!p1 $0x0, s13  }
0x29: {  	s13 =	smov.u32 s11;
	s12 =	sadd.s32 $0x1, s12;
	[sflag:s14] =	ssyncset.done @!p1 $0x0  }
0x2a: {  	s11 =	smov.u32 s10;
	s10 =	smov.u32 s15;
	[sflag:s14] =	ssyncadd.s32 @!p1 s16  }
.LBB2_1:
0x2b: {  	p1 =	sgt.u32 s12, s6  }
0x2c: {  	s15 =	smov.u32 s10;
	p2 =	sgt.s32 @!p1 s10, $0x185A0  }
0x2d: {  	s14 =	sand.u32 @!p1 $0x1FFFFFF, s10;
	s16 =	sshra.s32 @!p1 s10, $0x1F;
	p2 =	por !p2, p1  }
0x2e: {  	s17 =	smulhi.u32 @!p1 $0x14F8B59, s14;
	s16 =	sand.u32 @!p1 s16, s10;
	s15 =	simm.s32 @p2 $0x185A0  }
0x2f: {  	s15 =	ssub.s32 @!p1 s15, s16  }
0x30: {  	s16 =	sshrl.u32 @!p1 s17, $0x9;
	s15 =	sadd.s32 @!p1 $0xFFFE7A60, s15  }
0x31: {  	s17 =	sxor.u32 @!p1 $0xFFFFFFFF, s12;
	s16 =	smul.u32 @!p1 $0x186A0, s16;
	s18 =	sshll.u32 @!p1 s15, $0x8  }
0x32: {  	s17 =	sshll.u32 @!p1 s17, $0xE;
	p2 =	sgt.s32 @!p1 s15, $0xFF;
	s15 =	ssub.s32 @!p1 $0x10000, s18  }
0x33: {  	s14 =	ssub.s32 @!p1 s14, s16;
	p2 =	por !p2, p1;
	s16 =	sand.u32 @!p1 $0x4000, s17  }
0x34: {  	s17 =	simm.s32 @!p1 $0x40;
	s15 =	sshrl.u32 @!p1 s15, $0x2;
	s14 =	sshll.u32 @!p1 s14, $0x4  }
0x35: {  	s18 =	simm.s32 @!p1 $0x80;
	s15 =	simm.s32 @!p2 $0x0;
	s14 =	sadd.s32 @!p1 s2, s14  }
0x36: {  	[tilespmem:s16], [sflag:$0x1] =	stream.strided.gather @!p1 [hbm4b:s14+s17], s15, s18, s17, $0x38;
	[tilespmem:$0x10000] =	vst v63  }
0x37: {  	p1 =	seq.s32 s12, $0x0  }
0x38: {  	p2 =	sge.u32 @!p1 s12, s7  }
0x39: {  	p1 =	por p1, p2  }
.Ltmp2:
0x3a: {  	_ = 	snop;
	(pc) =	sbr.rel @p1 .LBB2_7-.Ltmp2, $1  }
0x3b: {  	_ =	sdelay $0x3  }
0x3c: {  	p1 =	sgt.s32 s11, $0x185A0;
	s14 =	smov.u32 s11;
	s15 =	sshra.s32 s11, $0x1F  }
0x3d: {  	s14 =	simm.s32 @!p1 $0x185A0;
	s15 =	sand.u32 s15, s11  }
0x3e: {  	s14 =	ssub.s32 s14, s15  }
0x3f: {  	s14 =	sadd.s32 $0xFFFE7A60, s14  }
0x40: {  	s31 =	sshll.u32 s14, $0x8  }
0x41: {  	s15 =	ssub.s32 $0x10000, s31  }
0x42: {  	p1 =	sgt.s32 s14, $0xFF;
	s14 =	sshrl.u32 s15, $0x2;
	s15 =	sadd.s32 $0x100, s11  }
0x43: {  	s14 =	simm.s32 @p1 $0x0;
	p1 =	slt.s32 s15, $0x186A0  }
0x44: {  	s15 =	simm.s32 @!p1 $0x186A0  }
0x45: {  	s20 =	ssub.s32 s15, s11  }
0x46: {  	p1 =	slt.s32 s20, $0x1  }
.Ltmp3:
0x47: {  	_ = 	snop;
	(pc) =	sbr.rel @p1 .LBB2_6-.Ltmp3, $4  }
0x48: {  	_ = 	snop  }
0x49: {  	s16 =	sshll.u32 s12, $0xE;
	_ =	swait.ge [sflag:s4], s14  }
0x4a: {  	s16 =	sand.u32 $0x4000, s16;
	s17 =	ssub.s32 $0x0, s14;
	[sflag:s4] =	ssyncset.done $0x0  }
0x4b: {  	s15 =	sor.u32 $0x8000, s16;
	[sflag:s4] =	ssyncadd.s32 s17  }
0x4c: {  	v0 =	vmov s16;
	_ =	sdelay $0x2  }
0x4d: {  	s31 =	simm.s32 $0x0;
	p1 =	sne.s32 s20, $0x1  }
.Ltmp4:
0x4e: {  	s18 =	sand.u32 $0x3FC0, s31;
	(pc) =	sbr.rel @!p1 .LBB2_5-.Ltmp4, $4  }
0x4f: {  	s17 =	sor.u32 $0x30, s18;
	v1 =	vld.idx.msk [tilespmem:v0+s18+$0x0 ss:$0x1], $0xffff  }
0x50: {  	v3 =	vmov s15;
	s16 =	sor.u32 $0x10, s18;
	v2 =	vld.idx.msk [tilespmem:v0+s17+$0x0 ss:$0x1], $0xffff  }
0x51: {  	s19 =	sor.u32 $0x20, s18;
	v4 =	vld.idx.msk [tilespmem:v0+s16+$0x0 ss:$0x1], $0xffff  }
0x52: {  	s20 =	sadd.s32 $0xFFFFFFFF, s20;
	s21 =	simm.s32 $0x40;
	v5 =	vld.idx.msk [tilespmem:v0+s19+$0x0 ss:$0x1], $0xffff  }
.LBB2_4:
0x53: {  	s22 =	sand.u32 $0x3FC0, s21  }
0x54: {  	p1 =	sne.s32 s20, $0x1;
	s20 =	sadd.s32 $0xFFFFFFFF, s20;
	s23 =	sor.u32 $0x10, s22  }
.Ltmp5:
0x55: {  	s24 =	sor.u32 $0x20, s22;
	s25 =	sor.u32 $0x30, s22;
	[tilespmem:v3+s18+$0x0 ss:$0x1] =	vst.idx.msk $0xffff, v1;
	v1 =	vld.idx.msk [tilespmem:v0+s22+$0x0 ss:$0x1], $0xffff;
	(pc) =	sbr.rel @p1 .LBB2_4-.Ltmp5, $4  }
0x56: {  	s18 =	smov.u32 s22;
	[tilespmem:v3+s17+$0x0 ss:$0x1] =	vst.idx.msk $0xffff, v2;
	v2 =	vld.idx.msk [tilespmem:v0+s25+$0x0 ss:$0x1], $0xffff;
	s17 =	smov.u32 s25  }
0x57: {  	[tilespmem:v3+s16+$0x0 ss:$0x1] =	vst.idx.msk $0xffff, v4;
	v4 =	vld.idx.msk [tilespmem:v0+s23+$0x0 ss:$0x1], $0xffff;
	s16 =	smov.u32 s23  }
0x58: {  	[tilespmem:v3+s19+$0x0 ss:$0x1] =	vst.idx.msk $0xffff, v5;
	v5 =	vld.idx.msk [tilespmem:v0+s24+$0x0 ss:$0x1], $0xffff;
	s19 =	smov.u32 s24  }
0x59: {  	s21 =	sadd.s32 $0x40, s21  }
.Ltmp6:
0x5a: {  	_ = 	snop;
	(pc) =	sbr.rel .LBB2_5-.Ltmp6, $1  }
0x5b: {  	_ =	sdelay $0x3  }
.LBB2_8:
0x5c: {  	_ =	sfence.sel $0x180000  }
0x5d: {  	s2 =	simm.s32 $0x1;
	[bflag:$0x0] =	sbarrier.arrive $0xFFFF  }
0x5e: {  	s31 =	simm.s32 $0x2;
	[sflag:s2] =	ssyncpa.u1 $0x1  }
0x5f: {  	[sflag:s31] =	ssyncpa.u1 $0x1  }
0x60: {  	_ =	strace $0x90000056  }
0x61: {  	s0 =	sadd.s32 @!p0 $0x100000, s0;
	[bflag:$0x2] =	sbarrier.arrive $0xFFFF  }
0x62: {  	[sflag:s0] =	ssyncadd.tile.s32 @!p0 $0x1;
	s0 =	simm.s32 @!p0 $0x3F  }
0x63: {  	_ =	swait.ge @!p0 [sflag:s0], s1  }
0x64: {  	s1 =	ssub.s32 @!p0 $0x0, s1;
	[sflag:s0] =	ssyncset.done @!p0 $0x0  }
0x65: {  	[sflag:s0] =	ssyncadd.s32 @!p0 s1  }
0x66: {  	[bflag:$0x3] =	sbarrier.arrive $0xFFFF  }
0x67: {  	_ =	shalt  }
.Lfunc_end2:
execute1_lowered:
.L_overlay_start_2:
0x68: {  	(tag) =	ssettag $0x2  }
0x69: {  	s2 =	rddreg [dreg:$0x0]  }
0x6a: {  	s0 =	rddreg [dreg:$0x1]  }
0x6b: {  	s4 =	rddreg [dreg:$0x2];
	_ =	strace $0x80000059;
	s1 =	simm.s32 $0x1  }
0x6c: {  	s3 =	simm.s32 $0x88;
	v0 =	vimm.s32 $0x0;
	[sflag:s1] =	ssyncpa.u1 $0x0  }
0x6d: {  	[tilespmem:s3+$0x30] =	vst v0  }
0x6e: {  	s1 =	sadd.s32 $0x37C400, s2;
	s6 =	sadd.s32 $0x61AE00, s2;
	[tilespmem:s3+$0x20] =	vst v0  }
0x6f: {  	s2 =	sadd.s32 $0x193E00, s2;
	s7 =	sand.u32 $0x1, s4;
	s4 =	simm.s32 $0x40;
	[tilespmem:s3+$0x10] =	vst v0  }
.LBB3_1:
0x70: {  	s4 =	sadd.s32 $0x40, s4  }
0x71: {  	[tilespmem:s3+$0x0] =	vst v0;
	s3 =	sadd.s32 $0x40, s3;
	p0 =	slt.u32 s4, $0x5040  }
.Ltmp7:
0x72: {  	(pc) =	sbr.rel @p0 .LBB3_1-.Ltmp7, $4  }
0x73: {  	_ = 	snop  }
0x74: {  	[tilespmem:s3+$0x30] =	vst v0  }
0x75: {  	[tilespmem:s3+$0x20] =	vst v0  }
0x76: {  	[tilespmem:s3+$0x10] =	vst v0  }
0x77: {  	s8 =	stileid.u32  }
0x78: {  	s4 =	smul.u32 $0x9C, s8  }
0x79: {  	s5 =	smin.u32 s8, $0x4  }
0x7a: {  	s4 =	sadd.s32 s5, s4  }
0x7b: {  	p0 =	slt.u32 s8, $0x4;
	s12 =	smul.u32 $0x140, s4;
	s4 =	simm.s32 $0xC440  }
0x7c: {  	s4 =	simm.s32 @!p0 $0xC300  }
0x7d: {  	s25 =	simm.s32 $0x2;
	s4 =	sadd.s32 s4, s12  }
0x7e: {  	s28 =	simm.s32 $0x9;
	s9 =	simm.s32 $0xA;
	s14 =	smin.u32 s4, $0xC3500  }
0x7f: {  	s30 =	simm.s32 $0xB;
	[dreg:$0x5] =	wrdreg s7;
	s4 =	ssub.s32 s14, s12  }
0x80: {  	s31 =	smul.u32 $0x186A0, s7;
	s13 =	simm.s32 $0x1;
	p0 =	sgt.s32 s4, $0x0  }
0x81: {  	s19 =	simm.s32 $0x0;
	s20 =	simm.s32 $0xA808;
	s4 =	simm.s32 @!p0 $0x0  }
0x82: {  	s21 =	simm.s32 $0xFFFFFFFF;
	p1 =	por $0x0, $0x0;
	s26 =	smulhi.u32 $0x66666667, s4  }
0x83: {  	[tilespmem:s3+$0x0] =	vst v0;
	s23 =	simm.s32 $0x0;
	[sflag:s25] =	ssyncpa.u1 $0x0;
	s18 =	sshll.u32 s8, $0x7  }
0x84: {  	s0 =	sadd.s32 s31, s0;
	[dreg:$0xb] =	wrdreg s18;
	s3 =	sshrl.u32 s26, $0x7  }
0x85: {  	v0 =	vimm.s32 $0xFFFFFFFF;
	s17 =	sadd.s32 s31, s2;
	[dreg:$0xa] =	wrdreg s0;
	s29 =	smul.u32 $0x140, s3  }
0x86: {  	s25 =	simm.s32 $0x0;
	[tilespmem:$0xA108] =	vst v0;
	[sflag:s28] =	ssyncpa.u1 $0x0;
	[dreg:$0x9] =	wrdreg s17  }
.Ltmp8:
0x87: {  	p0 =	sne.s32 s4, s29;
	s4 =	simm.s32 $0x1;
	(pc) =	sbr.rel .LBB3_3-.Ltmp8, $4  }
0x88: {  	[sflag:s9] =	ssyncpa.u1 $0x0;
	[dreg:$0x6] =	wrdreg s12;
	s4 =	simm.s32 @!p0 $0x0  }
0x89: {  	[sflag:s30] =	ssyncpa.u1 $0x0;
	[dreg:$0x7] =	wrdreg s14;
	s15 =	sadd.s32 s4, s3  }
0x8a: {  	s24 =	smov.u32 s12;
	s22 =	sadd.s32 $0x1, s15;
	[dreg:$0x8] =	wrdreg s15  }
0x8b: {  	v0 =	vlaneseq.u32;
	s26 =	simm.s32 $0x0;
	p0 =	por $0x1, $0x1;
	[dreg:$0xc] =	wrdreg s22  }
.LBB3_22:
0x8c: {  	s0 =	sshrl.u32 s3, $0x2  }
.LBB3_24:
0x8d: {  	s3 =	simm.s32 $0xC  }
0x8e: {  	_ =	swait.ge [sflag:s3], s0  }
0x8f: {  	s31 =	ssub.s32 $0x0, s0;
	v1 =	vmov s4;
	vm0 =	veq.s32 v0, $0x0;
	[sflag:s3] =	ssyncset.done $0x0  }
0x90: {  	vm15 =	veq.s32 v0, $0x2;
	v1 =	vsel vm0, s2, v1;
	[sflag:s3] =	ssyncadd.s32 s31  }
0x91: {  	v1 =	vsel vm15, s26, v1;
	[sflag:s3] =	ssyncpa.u1 $0x1  }
0x92: {  	[tilespmem:$0xA108] =	vst v1  }
.LBB3_25:
0x93: {  	s0 =	sadd.s32 $0x140, s24  }
0x94: {  	s2 =	smov.u32 s12;
	p2 =	slt.s32 s0, s14  }
0x95: {  	s2 =	smov.u32 @p2 s0;
	p2 =	sne.s32 s25, s22  }
.Ltmp9:
0x96: {  	_ = 	snop;
	(pc) =	sbr.rel @!p2 .LBB3_26-.Ltmp9, $4  }
0x97: {  	_ = 	snop  }
0x98: {  	s26 =	smov.u32 s23;
	s31 =	sadd.s32 $0x1, s25;
	p0 =	por !p0, !p0  }
0x99: {  	s23 =	smov.u32 s24;
	s20 =	sadd.s32 $0x140, s20;
	s21 =	sadd.s32 $0x1, s21  }
0x9a: {  	p1 =	por !p1, !p1;
	s25 =	smov.u32 s31;
	s24 =	smov.u32 s2  }
.LBB3_3:
0x9b: {  	p2 =	sge.u32 s25, s15  }
0x9c: {  	s0 =	smulhi.u32 @!p2 $0xAAAAAAAB, s25  }
0x9d: {  	s2 =	smov.u32 s24;
	p3 =	sgt.s32 @!p2 s24, $0xC33C0  }
0x9e: {  	s3 =	sshra.s32 @!p2 s24, $0x1F;
	p3 =	por !p3, p2;
	s0 =	sshrl.u32 @!p2 s0, $0x1  }
0x9f: {  	s3 =	sand.u32 @!p2 s3, s24;
	s2 =	simm.s32 @p3 $0xC33C0;
	s0 =	smul.u32 @!p2 $0x3, s0  }
0xa0: {  	s2 =	ssub.s32 @!p2 s2, s3  }
0xa1: {  	s2 =	sadd.s32 @!p2 $0xFFF3CC40, s2;
	s0 =	ssub.s32 @!p2 s25, s0  }
0xa2: {  	s3 =	sshll.u32 @!p2 s2, $0x2;
	p3 =	sgt.s32 @!p2 s2, $0x13F;
	s0 =	smul.u32 @!p2 $0x500, s0  }
0xa3: {  	s4 =	sand.u32 @!p2 $0x7, s24;
	s2 =	ssub.s32 @!p2 $0x500, s3;
	p3 =	por !p3, p2  }
0xa4: {  	s3 =	sshrl.u32 @!p2 s24, $0x3;
	s2 =	sshrl.u32 @!p2 s2, $0x2;
	s0 =	sshrl.u32 @!p2 s0, $0x2  }
0xa5: {  	s3 =	sadd.s32 @!p2 s3, s17;
	s2 =	simm.s32 @!p3 $0x0;
	s0 =	sadd.s32 @!p2 $0xA948, s0  }
0xa6: {  	[tilespmem:s0], [sflag:$0xA] =	stream.linear.gather @!p2 [hbm4b:s3+s4], s2, $0x38;
	[tilespmem:$0x1EF88] =	vst v63  }
0xa7: {  	s0 =	sadd.s32 $0xFFFFFFFF, s25  }
0xa8: {  	p2 =	sge.u32 s0, s15  }
.Ltmp10:
0xa9: {  	_ = 	snop;
	(pc) =	sbr.rel @p2 .LBB3_7-.Ltmp10, $1  }
0xaa: {  	_ =	sdelay $0x3  }
0xab: {  	p2 =	sgt.s32 s23, $0xC33C0;
	s2 =	smov.u32 s23;
	s3 =	sshra.s32 s23, $0x1F  }
0xac: {  	s2 =	simm.s32 @!p2 $0xC33C0;
	s3 =	sand.u32 s3, s23  }
0xad: {  	s17 =	smulhi.u32 $0xAAAAAAAB, s21;
	s2 =	ssub.s32 s2, s3  }
0xae: {  	s0 =	sand.u32 $0x1, s0;
	s2 =	sadd.s32 $0xFFF3CC40, s2  }
0xaf: {  	s5 =	simm.s32 $0xA;
	s3 =	sshrl.u32 s17, $0x1;
	s4 =	sshll.u32 s2, $0x2  }
0xb0: {  	s7 =	sshrl.u32 s23, $0x3;
	s3 =	smul.u32 $0xFFFFF100, s3;
	s4 =	ssub.s32 $0x500, s4  }
0xb1: {  	s18 =	smul.u32 $0x500, s0;
	p2 =	sgt.s32 s2, $0x13F;
	s2 =	sshrl.u32 s4, $0x2  }
0xb2: {  	s9 =	sand.u32 $0x7, s23;
	s3 =	sshra.s32 s3, $0x2;
	s2 =	simm.s32 @p2 $0x0  }
0xb3: {  	s0 =	sadd.s32 s3, s20;
	s4 =	sshrl.u32 s18, $0x2;
	_ =	swait.ge [sflag:s5], s2  }
0xb4: {  	s22 =	ssub.s32 $0x0, s2;
	[sflag:s5] =	ssyncset.done $0x0;
	s8 =	rddreg [dreg:$0xa]  }
0xb5: {  	s4 =	sadd.s32 $0xAD08, s4;
	[sflag:s5] =	ssyncadd.s32 s22;
	s3 =	sadd.s32 s7, s8  }
0xb6: {  	[tilespmem:s4], [sflag:$0xB] =	stream.linear.gather [hbm4b:s3+s9], s2, $0x38;
	[tilespmem:$0x1EF88] =	vst v63  }
0xb7: {  	v1 =	vld.msk [tilespmem:s0+$0x0], $0xffff;
	_ =	sdelay $0x4  }
0xb8: {  	v1 =	vshll.u32 v1, $0x4  }
0xb9: {  	(v2sf) =	vpush v1, $0x0  }
0xba: {  	(v2sf) =	vpush v1, $0x1  }
0xbb: {  	(v2sf) =	vpush v1, $0x2;
	_ =	sdelay $0x3  }
0xbc: {  	(v2sf) =	vpush v1, $0x3;
	_ =	sdelay $0x1  }
0xbd: {  	(v2sf) =	vpush v1, $0x4  }
0xbe: {  	s2 =	simm.s32 $0x1;
	(v2sf) =	vpush v1, $0x5  }
0xbf: {  	s2 =	simm.s32 @!p0 $0x0  }
0xc0: {  	s2 =	smul.u32 $0x28000, s2;
	(v2sf) =	vpush v1, $0x6;
	_ =	sdelay $0x1  }
0xc1: {  	s2 =	sshrl.u32 s2, $0x2  }
0xc2: {  	s28 =	sadd.s32 $0xB708, s2  }
0xc3: {  	s12 =	sadd.s32 $0xFFFFF880, s28;
	s17 =	sadd.s32 $0xFFFFF900, s28;
	s10 =	spop (v2sf);
	(v2sf) =	vpush v1, $0x7  }
0xc4: {  	s18 =	sadd.s32 $0xFFFFF980, s28;
	s11 =	sand.u32 $0x1FFFFFF0, s10;
	s14 =	spop (v2sf)  }
0xc5: {  	(v2sf) =	vpush v1, $0x8;
	s2 =	sadd.s32 s6, s11;
	s15 =	sand.u32 $0x1FFFFFF0, s14;
	s16 =	spop (v2sf)  }
0xc6: {  	[tilespmem:s12], [sflag:$0x9] =	stream.linear.gather [hbm4b:s2+s19], $0x40, $0x38;
	[tilespmem:$0x1EF88] =	vst v63  }
0xc7: {  	s5 =	sadd.s32 $0xFFFFFA00, s28;
	s2 =	sadd.s32 s6, s15;
	s3 =	sand.u32 $0x1FFFFFF0, s16  }
0xc8: {  	(v2sf) =	vpush v1, $0x9;
	[tilespmem:s17], [sflag:$0x9] =	stream.linear.gather [hbm4b:s2+s19], $0x40, $0x38;
	[tilespmem:$0x1EF88] =	vst v63  }
0xc9: {  	s7 =	sadd.s32 $0xFFFFFA80, s28;
	s22 =	spop (v2sf);
	s3 =	sadd.s32 s6, s3  }
0xca: {  	(v2sf) =	vpush v1, $0xA;
	[tilespmem:s18], [sflag:$0x9] =	stream.linear.gather [hbm4b:s3+s19], $0x40, $0x38;
	[tilespmem:$0x1EF88] =	vst v63  }
0xcb: {  	s11 =	sadd.s32 $0xFFFFFB00, s28;
	s4 =	spop (v2sf);
	(v2sf) =	vpush v1, $0xB;
	s3 =	sand.u32 $0x1FFFFFF0, s22  }
0xcc: {  	s8 =	spop (v2sf);
	s2 =	sadd.s32 s6, s3;
	s3 =	sand.u32 $0x1FFFFFF0, s4  }
0xcd: {  	(v2sf) =	vpush v1, $0xC;
	[tilespmem:s5], [sflag:$0x9] =	stream.linear.gather [hbm4b:s2+s19], $0x40, $0x38;
	[tilespmem:$0x1EF88] =	vst v63  }
0xce: {  	s9 =	sand.u32 $0x1FFFFFF0, s8;
	s10 =	spop (v2sf);
	s3 =	sadd.s32 s6, s3  }
0xcf: {  	(v2sf) =	vpush v1, $0xD;
	[tilespmem:s7], [sflag:$0x9] =	stream.linear.gather [hbm4b:s3+s19], $0x40, $0x38;
	[tilespmem:$0x1EF88] =	vst v63  }
0xd0: {  	s12 =	sadd.s32 $0xFFFFFB80, s28;
	s2 =	sadd.s32 s6, s9;
	s3 =	sand.u32 $0x1FFFFFF0, s10  }
0xd1: {  	[tilespmem:s11], [sflag:$0x9] =	stream.linear.gather [hbm4b:s2+s19], $0x40, $0x38;
	[tilespmem:$0x1EF88] =	vst v63  }
0xd2: {  	s17 =	sadd.s32 $0xFFFFFC00, s28;
	s3 =	sadd.s32 s6, s3;
	s14 =	spop (v2sf)  }
0xd3: {  	[tilespmem:s12], [sflag:$0x9] =	stream.linear.gather [hbm4b:s3+s19], $0x40, $0x38;
	(v2sf) =	vpush v1, $0xE;
	[tilespmem:$0x1EF88] =	vst v63  }
0xd4: {  	s18 =	sadd.s32 $0xFFFFFC80, s28;
	s15 =	sand.u32 $0x1FFFFFF0, s14;
	s16 =	spop (v2sf)  }
0xd5: {  	s5 =	sadd.s32 $0xFFFFFD00, s28;
	(v2sf) =	vpush v1, $0xF;
	s2 =	sadd.s32 s6, s15;
	s3 =	sand.u32 $0x1FFFFFF0, s16  }
0xd6: {  	[tilespmem:s17], [sflag:$0x9] =	stream.linear.gather [hbm4b:s2+s19], $0x40, $0x38;
	[tilespmem:$0x1EF88] =	vst v63  }
0xd7: {  	s7 =	sadd.s32 $0xFFFFFD80, s28;
	s22 =	spop (v2sf);
	s3 =	sadd.s32 s6, s3  }
0xd8: {  	[tilespmem:s18], [sflag:$0x9] =	stream.linear.gather [hbm4b:s3+s19], $0x40, $0x38;
	[tilespmem:$0x1EF88] =	vst v63  }
0xd9: {  	s11 =	sadd.s32 $0xFFFFFE00, s28;
	s4 =	spop (v2sf);
	s3 =	sand.u32 $0x1FFFFFF0, s22  }
0xda: {  	s8 =	spop (v2sf);
	s2 =	sadd.s32 s6, s3;
	s3 =	sand.u32 $0x1FFFFFF0, s4  }
0xdb: {  	[tilespmem:s5], [sflag:$0x9] =	stream.linear.gather [hbm4b:s2+s19], $0x40, $0x38;
	[tilespmem:$0x1EF88] =	vst v63  }
0xdc: {  	s9 =	sand.u32 $0x1FFFFFF0, s8;
	s10 =	spop (v2sf);
	s3 =	sadd.s32 s6, s3  }
0xdd: {  	[tilespmem:s7], [sflag:$0x9] =	stream.linear.gather [hbm4b:s3+s19], $0x40, $0x38;
	[tilespmem:$0x1EF88] =	vst v63  }
0xde: {  	s14 =	spop (v2sf);
	s2 =	sadd.s32 s6, s9;
	s3 =	sand.u32 $0x1FFFFFF0, s10  }
0xdf: {  	[tilespmem:s11], [sflag:$0x9] =	stream.linear.gather [hbm4b:s2+s19], $0x40, $0x38;
	[tilespmem:$0x1EF88] =	vst v63  }
0xe0: {  	s12 =	sadd.s32 $0xFFFFFE80, s28;
	s15 =	sand.u32 $0x1FFFFFF0, s14;
	s3 =	sadd.s32 s6, s3  }
0xe1: {  	[tilespmem:s12], [sflag:$0x9] =	stream.linear.gather [hbm4b:s3+s19], $0x40, $0x38;
	[tilespmem:$0x1EF88] =	vst v63  }
0xe2: {  	s17 =	sadd.s32 $0xFFFFFF00, s28;
	s2 =	sadd.s32 s6, s15;
	s16 =	spop (v2sf)  }
0xe3: {  	[tilespmem:s17], [sflag:$0x9] =	stream.linear.gather [hbm4b:s2+s19], $0x40, $0x38;
	[tilespmem:$0x1EF88] =	vst v63  }
0xe4: {  	s29 =	simm.s32 $0x0;
	s3 =	sand.u32 $0x1FFFFFF0, s16;
	s18 =	spop (v2sf)  }
0xe5: {  	s22 =	sadd.s32 $0xFFFFFF80, s28;
	s3 =	sadd.s32 s6, s3;
	s2 =	sand.u32 $0x1FFFFFF0, s18  }
0xe6: {  	[tilespmem:s22], [sflag:$0x9] =	stream.linear.gather [hbm4b:s3+s19], $0x40, $0x38;
	[tilespmem:$0x1EF88] =	vst v63  }
0xe7: {  	s31 =	sadd.s32 $0x10, s0;
	s30 =	sadd.s32 $0x800, s28;
	s2 =	sadd.s32 s6, s2  }
.LBB3_5:
0xe8: {  	[tilespmem:s28], [sflag:$0x9] =	stream.linear.gather [hbm4b:s2+s19], $0x40, $0x38;
	[tilespmem:$0x1EF88] =	vst v63  }
0xe9: {  	s29 =	sadd.s32 $0x10, s29;
	s28 =	smov.u32 s30  }
0xea: {  	p2 =	slt.u32 s29, $0x130;
	v1 =	vld.msk [tilespmem:s31+$0x0], $0xffff;
	_ =	sdelay $0x4  }
0xeb: {  	v1 =	vshll.u32 v1, $0x4  }
0xec: {  	(v2sf) =	vpush v1, $0x0  }
0xed: {  	(v2sf) =	vpush v1, $0x1  }
0xee: {  	(v2sf) =	vpush v1, $0x2;
	_ =	sdelay $0x1  }
0xef: {  	(v2sf) =	vpush v1, $0x3;
	_ =	sdelay $0x1  }
0xf0: {  	(v2sf) =	vpush v1, $0x4;
	_ =	sdelay $0x1  }
0xf1: {  	(v2sf) =	vpush v1, $0x5;
	_ =	sdelay $0x1  }
0xf2: {  	(v2sf) =	vpush v1, $0x6  }
0xf3: {  	s4 =	sadd.s32 $0xFFFFFE80, s30;
	s0 =	sadd.s32 $0xFFFFFF00, s30  }
0xf4: {  	s3 =	sadd.s32 $0xFFFFFD00, s30;
	s2 =	sadd.s32 $0xFFFFFD80, s30;
	s5 =	sadd.s32 $0xFFFFFE00, s30;
	(v2sf) =	vpush v1, $0x7  }
0xf5: {  	s10 =	sadd.s32 $0xFFFFFB80, s30;
	s9 =	sadd.s32 $0xFFFFFC00, s30;
	s16 =	sadd.s32 $0xFFFFFC80, s30  }
0xf6: {  	s11 =	sadd.s32 $0xFFFFFA00, s30;
	s12 =	sadd.s32 $0xFFFFFA80, s30;
	s15 =	sadd.s32 $0xFFFFFB00, s30;
	(v2sf) =	vpush v1, $0x8  }
0xf7: {  	s18 =	sadd.s32 $0xFFFFF900, s30;
	s7 =	sadd.s32 $0xFFFFF980, s30;
	s22 =	spop (v2sf)  }
0xf8: {  	s8 =	sadd.s32 $0xFFFFF880, s30;
	s22 =	sand.u32 $0x1FFFFFF0, s22;
	s14 =	spop (v2sf);
	(v2sf) =	vpush v1, $0x9  }
0xf9: {  	s22 =	sadd.s32 s6, s22;
	s14 =	sand.u32 $0x1FFFFFF0, s14;
	s17 =	spop (v2sf)  }
0xfa: {  	[tilespmem:s8], [sflag:$0x9] =	stream.linear.gather [hbm4b:s22+s19], $0x40, $0x38;
	(v2sf) =	vpush v1, $0xA;
	[tilespmem:$0x1EF88] =	vst v63  }
0xfb: {  	s8 =	sadd.s32 s6, s14;
	s14 =	sand.u32 $0x1FFFFFF0, s17;
	s17 =	spop (v2sf)  }
0xfc: {  	[tilespmem:s18], [sflag:$0x9] =	stream.linear.gather [hbm4b:s8+s19], $0x40, $0x38;
	(v2sf) =	vpush v1, $0xB;
	[tilespmem:$0x1EF88] =	vst v63  }
0xfd: {  	s8 =	sadd.s32 s6, s14;
	s14 =	sand.u32 $0x1FFFFFF0, s17;
	s17 =	spop (v2sf)  }
0xfe: {  	[tilespmem:s7], [sflag:$0x9] =	stream.linear.gather [hbm4b:s8+s19], $0x40, $0x38;
	(v2sf) =	vpush v1, $0xC;
	[tilespmem:$0x1EF88] =	vst v63  }
0xff: {  	s7 =	sadd.s32 s6, s14;
	s8 =	sand.u32 $0x1FFFFFF0, s17;
	s14 =	spop (v2sf)  }
0x100: {  	[tilespmem:s11], [sflag:$0x9] =	stream.linear.gather [hbm4b:s7+s19], $0x40, $0x38;
	(v2sf) =	vpush v1, $0xD;
	[tilespmem:$0x1EF88] =	vst v63  }
0x101: {  	s7 =	sadd.s32 s6, s8;
	s8 =	sand.u32 $0x1FFFFFF0, s14;
	s11 =	spop (v2sf)  }
0x102: {  	[tilespmem:s12], [sflag:$0x9] =	stream.linear.gather [hbm4b:s7+s19], $0x40, $0x38;
	(v2sf) =	vpush v1, $0xE;
	[tilespmem:$0x1EF88] =	vst v63  }
0x103: {  	s7 =	sadd.s32 s6, s8;
	s8 =	sand.u32 $0x1FFFFFF0, s11;
	s11 =	spop (v2sf)  }
0x104: {  	[tilespmem:s15], [sflag:$0x9] =	stream.linear.gather [hbm4b:s7+s19], $0x40, $0x38;
	(v2sf) =	vpush v1, $0xF;
	[tilespmem:$0x1EF88] =	vst v63  }
0x105: {  	s7 =	sadd.s32 s6, s8;
	s8 =	sand.u32 $0x1FFFFFF0, s11;
	s11 =	spop (v2sf)  }
0x106: {  	[tilespmem:s10], [sflag:$0x9] =	stream.linear.gather [hbm4b:s7+s19], $0x40, $0x38;
	[tilespmem:$0x1EF88] =	vst v63  }
0x107: {  	s7 =	sadd.s32 s6, s8;
	s8 =	sand.u32 $0x1FFFFFF0, s11;
	s10 =	spop (v2sf)  }
0x108: {  	[tilespmem:s9], [sflag:$0x9] =	stream.linear.gather [hbm4b:s7+s19], $0x40, $0x38;
	[tilespmem:$0x1EF88] =	vst v63  }
0x109: {  	s7 =	sadd.s32 s6, s8;
	s8 =	sand.u32 $0x1FFFFFF0, s10;
	s9 =	spop (v2sf)  }
0x10a: {  	[tilespmem:s16], [sflag:$0x9] =	stream.linear.gather [hbm4b:s7+s19], $0x40, $0x38;
	[tilespmem:$0x1EF88] =	vst v63  }
0x10b: {  	s7 =	sadd.s32 s6, s8;
	s8 =	sand.u32 $0x1FFFFFF0, s9;
	s9 =	spop (v2sf)  }
0x10c: {  	[tilespmem:s3], [sflag:$0x9] =	stream.linear.gather [hbm4b:s7+s19], $0x40, $0x38;
	[tilespmem:$0x1EF88] =	vst v63  }
0x10d: {  	s3 =	sadd.s32 s6, s8;
	s7 =	sand.u32 $0x1FFFFFF0, s9;
	s8 =	spop (v2sf)  }
0x10e: {  	[tilespmem:s2], [sflag:$0x9] =	stream.linear.gather [hbm4b:s3+s19], $0x40, $0x38;
	[tilespmem:$0x1EF88] =	vst v63  }
0x10f: {  	s2 =	sadd.s32 s6, s7;
	s3 =	sand.u32 $0x1FFFFFF0, s8;
	s7 =	spop (v2sf)  }
0x110: {  	[tilespmem:s5], [sflag:$0x9] =	stream.linear.gather [hbm4b:s2+s19], $0x40, $0x38;
	[tilespmem:$0x1EF88] =	vst v63  }
0x111: {  	s2 =	sadd.s32 s6, s3;
	s3 =	sand.u32 $0x1FFFFFF0, s7;
	s5 =	spop (v2sf)  }
0x112: {  	[tilespmem:s4], [sflag:$0x9] =	stream.linear.gather [hbm4b:s2+s19], $0x40, $0x38;
	[tilespmem:$0x1EF88] =	vst v63  }
0x113: {  	s2 =	sadd.s32 s6, s3  }
.Ltmp11:
0x114: {  	s3 =	sand.u32 $0x1FFFFFF0, s5;
	s4 =	spop (v2sf);
	(pc) =	sbr.rel @p2 .LBB3_5-.Ltmp11, $4  }
0x115: {  	[tilespmem:s0], [sflag:$0x9] =	stream.linear.gather [hbm4b:s2+s19], $0x40, $0x38;
	[tilespmem:$0x1EF88] =	vst v63  }
0x116: {  	s0 =	sadd.s32 s6, s3;
	s2 =	sadd.s32 $0xFFFFFF80, s30;
	s3 =	sand.u32 $0x1FFFFFF0, s4  }
0x117: {  	[tilespmem:s2], [sflag:$0x9] =	stream.linear.gather [hbm4b:s0+s19], $0x40, $0x38;
	[tilespmem:$0x1EF88] =	vst v63  }
0x118: {  	s31 =	sadd.s32 $0x10, s31;
	s30 =	sadd.s32 $0x800, s30;
	s2 =	sadd.s32 s6, s3  }
0x119: {  	[tilespmem:s28], [sflag:$0x9] =	stream.linear.gather [hbm4b:s2+s19], $0x40, $0x38;
	[tilespmem:$0x1EF88] =	vst v63  }
0x11a: {  	s12 =	rddreg [dreg:$0x6]  }
0x11b: {  	s14 =	rddreg [dreg:$0x7]  }
0x11c: {  	s15 =	rddreg [dreg:$0x8]  }
0x11d: {  	s17 =	rddreg [dreg:$0x9]  }
0x11e: {  	s18 =	rddreg [dreg:$0xb]  }
0x11f: {  	s22 =	rddreg [dreg:$0xc]  }
.LBB3_7:
0x120: {  	p2 =	slt.u32 s25, $0x2  }
.Ltmp12:
0x121: {  	_ = 	snop;
	(pc) =	sbr.rel @p2 .LBB3_25-.Ltmp12, $1  }
0x122: {  	_ =	sdelay $0x3  }
0x123: {  	p2 =	sgt.s32 s26, $0xC33C0;
	s0 =	smov.u32 s26;
	s2 =	sshra.s32 s26, $0x1F  }
0x124: {  	s0 =	simm.s32 @!p2 $0xC33C0;
	s2 =	sand.u32 s2, s26  }
0x125: {  	s0 =	ssub.s32 s0, s2  }
0x126: {  	s0 =	sadd.s32 $0xFFF3CC40, s0  }
0x127: {  	s3 =	simm.s32 $0x9;
	s29 =	sshll.u32 s0, $0x2  }
0x128: {  	_ =	swait.ge [sflag:s3], $0x5000;
	s2 =	ssub.s32 $0x500, s29  }
0x129: {  	[sflag:s3] =	ssyncset.done $0x0;
	p2 =	sgt.s32 s0, $0x13F;
	s0 =	sshrl.u32 s2, $0x2  }
0x12a: {  	s30 =	simm.s32 $0xB;
	[sflag:s3] =	ssyncadd.s32 $0xFFFFB000;
	s0 =	simm.s32 @p2 $0x0  }
0x12b: {  	_ =	swait.ge [sflag:s30], s0  }
0x12c: {  	s0 =	ssub.s32 $0x0, s0;
	[sflag:s30] =	ssyncset.done $0x0  }
0x12d: {  	[sflag:s30] =	ssyncadd.s32 s0  }
0x12e: {  	v1 =	vld [tilespmem:$0xA108];
	_ =	sdelay $0x4  }
0x12f: {  	(v2sf) =	vpush v1, $0x0  }
0x130: {  	(v2sf) =	vpush v1, $0x1  }
0x131: {  	(v2sf) =	vpush v1, $0x2;
	_ =	sdelay $0x3  }
0x132: {  	s0 =	sadd.s32 $0x140, s26  }
0x133: {  	s4 =	ssub.s32 $0x186A00, s26;
	p2 =	slt.s32 s14, s0  }
0x134: {  	s0 =	smov.u32 @p2 s14;
	p2 =	sgt.s32 s4, $0x0  }
0x135: {  	s0 =	ssub.s32 s0, s26;
	s4 =	simm.s32 @!p2 $0x0  }
0x136: {  	p2 =	slt.s32 s4, s0  }
0x137: {  	s0 =	smov.u32 @p2 s4  }
0x138: {  	s2 =	simm.s32 $0x1;
	p2 =	slt.s32 s0, $0x1  }
.Ltmp13:
0x139: {  	s2 =	simm.s32 @!p1 $0x0;
	(pc) =	sbr.rel @p2 .LBB3_12-.Ltmp13, $4  }
0x13a: {  	s7 =	smul.u32 $0x500, s2  }
0x13b: {  	s3 =	spop (v2sf)  }
0x13c: {  	s31 =	sshrl.u32 s7, $0x2;
	s5 =	spop (v2sf)  }
0x13d: {  	s28 =	sadd.s32 $0xAD08, s31;
	s26 =	spop (v2sf)  }
0x13e: {  	s4 =	smin.u32 s0, $0x10  }
0x13f: {  	v1 =	vmov s4  }
0x140: {  	p3 =	sgt.s32 s0, $0x10;
	vm1 =	vgt.u32 v1, v0  }
.Ltmp14:
0x141: {  	_ = 	snop;
	(pc) =	sbr.rel @!p3 .LBB3_11-.Ltmp14, $2  }
0x142: {  	_ =	sdelay $0x2  }
0x143: {  	s9 =	simm.s32 $0x10;
	s10 =	sadd.s32 $0xFFFFFFF0, s0;
	s4 =	smov.u32 s28;
	vm0 =	vmmov vm1  }
.LBB3_10:
0x144: {  	s7 =	smin.u32 s10, $0x10;
	s9 =	sadd.s32 $0x10, s9;
	v1 =	vld.msk [tilespmem:s4+$0x0 ss:$0x1], vm1  }
0x145: {  	v2 =	vmov s7;
	p3 =	slt.s32 s9, s0  }
0x146: {  	vm1 =	vgt.u32 v2, v0  }
.Ltmp15:
0x147: {  	(pc) =	sbr.rel @p3 .LBB3_10-.Ltmp15, $3  }
0x148: {  	_ =	sdelay $0x1  }
0x149: {  	v1 =	vshll.u32 v1, $0x4  }
0x14a: {  	s10 =	sadd.s32 $0xFFFFFFF0, s10;
	[tilespmem:s4+$0x0] =	vst.msk vm0, v1;
	s4 =	sadd.s32 $0x10, s4;
	vm0 =	vmmov vm1  }
.LBB3_11:
0x14b: {  	_ =	sdelay $0x4  }
0x14c: {  	v1 =	vld.msk [tilespmem:s4+$0x0 ss:$0x1], vm1;
	_ =	sdelay $0x4  }
0x14d: {  	v1 =	vshll.u32 v1, $0x4  }
0x14e: {  	[tilespmem:s4+$0x0] =	vst.msk vm0, v1  }
.LBB3_12:
0x14f: {  	s4 =	sand.u32 $0x1, s25  }
0x150: {  	s4 =	smul.u32 $0x140, s4  }
0x151: {  	p3 =	sne.s32 s5, $0xFFFFFFFF  }
0x152: {  	v1 =	vld.msk @!p3 [tilespmem:s4+$0xAD08], $0x1;
	_ =	sdelay $0x4  }
0x153: {  	(v2sf) =	vpush @!p3 v1, $0x0;
	_ =	sdelay $0xc  }
.Ltmp16:
0x154: {  	_ = 	snop;
	(pc) =	sbr.rel @p2 .LBB3_23-.Ltmp16, $4  }
0x155: {  	_ = 	snop  }
0x156: {  	s29 =	spop @!p3 (v2sf)  }
0x157: {  	s31 =	simm.s32 $0xC;
	s26 =	simm.s32 @!p3 $0x0;
	s4 =	smov.u32 s29  }
0x158: {  	[sflag:s31] =	ssyncpa.u1 $0x0;
	s29 =	smov.u32 @p3 s3;
	s4 =	smov.u32 @p3 s5  }
0x159: {  	v1 =	vld.msk [tilespmem:s28+$0x0], $0x1;
	_ =	sdelay $0x4  }
0x15a: {  	(v2sf) =	vpush v1, $0x0;
	_ =	sdelay $0xe  }
0x15b: {  	s2 =	smul.u32 $0x28000, s2;
	s5 =	spop (v2sf)  }
0x15c: {  	s31 =	ssub.s32 $0x0, s0;
	p2 =	seq.s32 s29, s5  }
0x15d: {  	s3 =	smov.u32 s29;
	s2 =	sshrl.u32 s2, $0x2;
	p3 =	sgt.s32 @!p2 s29, $0x0  }
0x15e: {  	s30 =	sadd.s32 $0xAFA8, s2;
	s2 =	sadd.s32 $0x1, s31;
	p3 =	por !p3, p2  }
0x15f: {  	s3 =	simm.s32 @p3 $0x0;
	p3 =	seq.s32 s2, $0x0  }
.Ltmp17:
0x160: {  	_ = 	snop;
	(pc) =	sbr.rel @p3 .LBB3_15-.Ltmp17, $4  }
0x161: {  	_ = 	snop  }
0x162: {  	s0 =	simm.s32 $0x0;
	s9 =	simm.s32 @!p2 $0x1;
	s3 =	smin.u32 @!p2 s3, $0x1869F8  }
0x163: {  	s10 =	simm.s32 @!p2 $0x50C8;
	s9 =	smov.u32 @p2 s0;
	s7 =	sand.u32 @!p2 $0x1FFFF8, s3  }
0x164: {  	s16 =	sand.u32 @!p2 $0x7, s3;
	s3 =	sadd.s32 $0x1, s28;
	s11 =	sadd.s32 @!p2 s1, s7  }
.LBB3_14:
0x165: {  	s7 =	smov.u32 s9  }
0x166: {  	[tilespmem:s10], [sflag:$0x2] =	stream.linear.gather @!p2 [hbm4b:s11+s16], $0x40, $0x38;
	[tilespmem:$0x1EF88] =	vst v63  }
0x167: {  	s2 =	sadd.s32 $0x1, s2;
	s8 =	smov.u32 s5;
	v1 =	vld.msk [tilespmem:s3+$0x0], $0x1  }
0x168: {  	p3 =	seq.s32 s2, $0x0;
	_ =	sdelay $0x3  }
0x169: {  	(v2sf) =	vpush v1, $0x0;
	_ =	sdelay $0xe  }
0x16a: {  	s5 =	spop (v2sf)  }
0x16b: {  	p2 =	seq.s32 s8, s5  }
0x16c: {  	p4 =	sgt.s32 @!p2 s8, $0x0;
	s10 =	sshll.u32 @!p2 s9, $0x8;
	s9 =	sadd.s32 @!p2 $0x1, s9  }
.Ltmp18:
0x16d: {  	p4 =	por !p4, p2;
	s10 =	sshra.s32 @!p2 s10, $0x2;
	(pc) =	sbr.rel @!p3 .LBB3_14-.Ltmp18, $4  }
0x16e: {  	s9 =	smov.u32 @p2 s7;
	s8 =	simm.s32 @p4 $0x0;
	s10 =	sadd.s32 @!p2 $0x50C8, s10  }
0x16f: {  	s7 =	smin.u32 @!p2 s8, $0x1869F8  }
0x170: {  	s8 =	sand.u32 @!p2 $0x1FFFF8, s7;
	s16 =	sand.u32 @!p2 $0x7, s7  }
0x171: {  	s3 =	sadd.s32 $0x1, s3;
	s11 =	sadd.s32 @!p2 s1, s8  }
.LBB3_15:
0x172: {  	[tilespmem:s10], [sflag:$0x2] =	stream.linear.gather @!p2 [hbm4b:s11+s16], $0x40, $0x38;
	[tilespmem:$0x1EF88] =	vst v63  }
.Ltmp19:
0x173: {  	s2 =	sshll.u32 s9, $0x6;
	(pc) =	sbr.rel .LBB3_16-.Ltmp19, $4  }
0x174: {  	s3 =	simm.s32 $0x2;
	s2 =	sand.u32 $0x3FFFFFC0, s2  }
0x175: {  	_ =	swait.ge [sflag:s3], s2  }
0x176: {  	s2 =	ssub.s32 $0x0, s2;
	[sflag:s3] =	ssyncset.done $0x0  }
0x177: {  	[sflag:s3] =	ssyncadd.s32 s2;
	s3 =	simm.s32 $0x0  }
.LBB3_17:
0x178: {  	v1 =	vld [tilespmem:s30+$0xFFFFFFE0];
	_ =	sdelay $0x4  }
0x179: {  	[tilespmem:s5+$0x88] =	vst.add.f32.msk $0xffff, v1  }
0x17a: {  	v1 =	vld [tilespmem:s30+$0xFFFFFFF0];
	_ =	sdelay $0x4  }
0x17b: {  	[tilespmem:s5+$0x98] =	vst.add.f32.msk $0xffff, v1  }
0x17c: {  	v1 =	vld [tilespmem:s30+$0x0];
	_ =	sdelay $0x4  }
0x17d: {  	[tilespmem:s5+$0xA8] =	vst.add.f32.msk $0xffff, v1  }
0x17e: {  	v1 =	vld [tilespmem:s30+$0x10];
	_ =	sdelay $0x4  }
0x17f: {  	[tilespmem:s5+$0xB8] =	vst.add.f32.msk $0xffff, v1  }
.LBB3_21:
0x180: {  	s31 =	sadd.s32 $0x1, s31  }
0x181: {  	p2 =	seq.s32 s31, $0x0  }
.Ltmp20:
0x182: {  	_ = 	snop;
	(pc) =	sbr.rel @p2 .LBB3_22-.Ltmp20, $2  }
0x183: {  	_ =	sdelay $0x2  }
0x184: {  	s30 =	sadd.s32 $0x80, s30;
	s28 =	sadd.s32 $0x1, s28;
	s29 =	smov.u32 s2  }
.LBB3_16:
0x185: {  	v1 =	vld.msk [tilespmem:s28+$0x0], $0x1;
	_ =	sdelay $0x4  }
0x186: {  	(v2sf) =	vpush v1, $0x0;
	_ =	sdelay $0xe  }
0x187: {  	s2 =	spop (v2sf)  }
0x188: {  	p2 =	sne.s32 s29, s2  }
.Ltmp21:
0x189: {  	_ = 	snop;
	(pc) =	sbr.rel @!p2 .LBB3_17-.Ltmp21, $3  }
0x18a: {  	_ =	sdelay $0x1  }
0x18b: {  	s5 =	sshll.u32 s26, $0x8  }
0x18c: {  	s5 =	sshra.s32 s5, $0x2  }
0x18d: {  	p2 =	seq.s32 s29, s4  }
.Ltmp22:
0x18e: {  	_ = 	snop;
	(pc) =	sbr.rel @!p2 .LBB3_19-.Ltmp22, $1  }
0x18f: {  	_ =	sdelay $0x3  }
.Ltmp23:
0x190: {  	s5 =	sadd.s32 $0x88, s5;
	(pc) =	sbr.rel .LBB3_20-.Ltmp23, $4  }
0x191: {  	[spmem:s18] =	stream.linear.scatter [tilespmem:s5], [sflag:$0x1], $0x40, $0x38;
	[tilespmem:$0x1EF88] =	vst v63  }
0x192: {  	_ =	swait.ge [sflag:s13], $0x40  }
0x193: {  	[sflag:s13] =	ssyncset.done $0x0  }
0x194: {  	[sflag:s13] =	ssyncadd.s32 $0xFFFFFFC0  }
.LBB3_19:
0x195: {  	s7 =	sshll.u32 s0, $0x8  }
0x196: {  	s7 =	sshra.s32 s7, $0x2  }
0x197: {  	v1 =	vld [tilespmem:s7+$0x50C8];
	_ =	sdelay $0x4  }
0x198: {  	[tilespmem:s5+$0x88] =	vst.add.f32.msk $0xffff, v1  }
0x199: {  	v1 =	vld [tilespmem:s7+$0x50D8];
	_ =	sdelay $0x4  }
0x19a: {  	[tilespmem:s5+$0x98] =	vst.add.f32.msk $0xffff, v1  }
0x19b: {  	v1 =	vld [tilespmem:s7+$0x50E8];
	_ =	sdelay $0x4  }
0x19c: {  	[tilespmem:s5+$0xA8] =	vst.add.f32.msk $0xffff, v1  }
0x19d: {  	v1 =	vld [tilespmem:s7+$0x50F8];
	_ =	sdelay $0x2  }
0x19e: {  	p2 =	sgt.u32 s29, $0x1869F8  }
0x19f: {  	s7 =	sand.u32 @!p2 $0x1FFFF8, s29  }
0x1a0: {  	s8 =	sadd.s32 $0x88, s5;
	[tilespmem:s5+$0xB8] =	vst.add.f32.msk $0xffff, v1;
	s5 =	sadd.s32 @!p2 s1, s7;
	s7 =	sand.u32 @!p2 $0x7, s29  }
0x1a1: {  	[hbm4b:s5+s7] =	stream.linear.scatter @!p2 [tilespmem:s8], [sflag:$0xC], $0x40, $0x38;
	[tilespmem:$0x1EF88] =	vst v63  }
0x1a2: {  	s5 =	simm.s32 $0x0  }
0x1a3: {  	s5 =	simm.s32 @!p2 $0x100  }
0x1a4: {  	s3 =	sadd.s32 s5, s3  }
.LBB3_20:
0x1a5: {  	s5 =	sadd.s32 $0x1, s26  }
0x1a6: {  	s7 =	smulhi.u32 $0xCCCCCCCD, s5;
	_ =	sdelay $0x1  }
0x1a7: {  	v1 =	vld [tilespmem:s30+$0xFFFFFFE0];
	s7 =	sshrl.u32 s7, $0x8  }
0x1a8: {  	s7 =	smul.u32 $0x140, s7;
	_ =	sdelay $0x1  }
0x1a9: {  	s26 =	ssub.s32 s5, s7  }
0x1aa: {  	s5 =	sshll.u32 s26, $0x6  }
0x1ab: {  	[tilespmem:s5+$0x88] =	vst v1  }
0x1ac: {  	v1 =	vld [tilespmem:s30+$0xFFFFFFF0];
	_ =	sdelay $0x4  }
0x1ad: {  	[tilespmem:s5+$0x98] =	vst v1  }
0x1ae: {  	v1 =	vld [tilespmem:s30+$0x0];
	_ =	sdelay $0x4  }
0x1af: {  	[tilespmem:s5+$0xA8] =	vst v1  }
0x1b0: {  	v1 =	vld [tilespmem:s30+$0x10]  }
.Ltmp24:
0x1b1: {  	_ = 	snop;
	(pc) =	sbr.rel .LBB3_21-.Ltmp24, $2  }
0x1b2: {  	_ =	sdelay $0x2  }
0x1b3: {  	s0 =	sadd.s32 $0x1, s0;
	[tilespmem:s5+$0xB8] =	vst v1  }
.LBB3_23:
.Ltmp25:
0x1b4: {  	(pc) =	sbr.rel .LBB3_24-.Ltmp25, $4  }
0x1b5: {  	_ = 	snop  }
0x1b6: {  	s0 =	simm.s32 $0x2  }
0x1b7: {  	_ =	swait.ge [sflag:s0], $0x0  }
0x1b8: {  	s2 =	smov.u32 s29;
	[sflag:s0] =	ssyncset.done $0x0;
	s0 =	simm.s32 $0x0  }
.LBB3_26:
0x1b9: {  	_ =	sfence.sel $0x180000  }
0x1ba: {  	s0 =	simm.s32 $0x9;
	[bflag:$0x0] =	sbarrier.arrive $0xFFFF  }
0x1bb: {  	s24 =	simm.s32 $0xA;
	[sflag:s0] =	ssyncpa.u1 $0x1  }
0x1bc: {  	s25 =	simm.s32 $0xB;
	[sflag:s24] =	ssyncpa.u1 $0x1  }
0x1bd: {  	s26 =	simm.s32 $0x2;
	[sflag:s25] =	ssyncpa.u1 $0x1  }
0x1be: {  	[sflag:s26] =	ssyncpa.u1 $0x1  }
0x1bf: {  	v0 =	vld [tilespmem:$0xA108];
	_ =	sdelay $0x4  }
0x1c0: {  	(v2sf) =	vpush v0, $0x0  }
0x1c1: {  	(v2sf) =	vpush v0, $0x1;
	_ =	sdelay $0x1  }
0x1c2: {  	(v2sf) =	vpush v0, $0x2;
	_ =	sdelay $0xb  }
0x1c3: {  	s0 =	spop (v2sf)  }
0x1c4: {  	s2 =	spop (v2sf)  }
0x1c5: {  	s3 =	smov.u32 s0;
	p0 =	sne.s32 s0, s2  }
0x1c6: {  	s4 =	spop (v2sf);
	s3 =	simm.s32 @!p0 $0xFFFFFFFF  }
0x1c7: {  	v2 =	vimm.s32 $0x1;
	v3 =	vlaneseq.u32;
	p0 =	seq.s32 s4, $0xFFFFFFFF;
	v1 =	vmov s3  }
0x1c8: {  	s14 =	stileid.u32;
	v0 =	vperm.xlane v0, v2;
	p1 =	sne.s32 @!p0 s0, s2;
	v1 =	vperm.xlane v1, v3  }
0x1c9: {  	vm0 =	vcmask $0x3F04;
	s6 =	simm.s32 $0xA108;
	s0 =	simm.s32 @!p0 $0x1;
	p1 =	por !p1, p0  }
0x1ca: {  	s3 =	sshll.u32 s14, $0x1;
	s2 =	sshll.u32 @!p0 s4, $0x8;
	s0 =	simm.s32 @p1 $0x0;
	v0 =	vsel vm0, v1, v0  }
0x1cb: {  	s5 =	sor.u32 $0x800, s3;
	s2 =	sshra.s32 @!p0 s2, $0x2;
	s0 =	sor.u32 @!p0 s0, s3;
	[tilespmem:$0xA108] =	vst v0  }
0x1cc: {  	[spmem:s5] =	stream.linear.scatter [tilespmem:s6], [sflag:$0x1], $0x2, $0x38;
	[tilespmem:$0x1EF88] =	vst v63  }
0x1cd: {  	s2 =	sadd.s32 @!p0 $0x88, s2;
	s0 =	sshll.u32 @!p0 s0, $0x6  }
0x1ce: {  	[spmem:s0] =	stream.linear.scatter @!p0 [tilespmem:s2], [sflag:$0x1], $0x40, $0x38;
	[tilespmem:$0x1EF88] =	vst v63  }
0x1cf: {  	s0 =	simm.s32 @!p0 $0x42  }
0x1d0: {  	s28 =	simm.s32 $0x1;
	s0 =	simm.s32 @p0 $0x2  }
0x1d1: {  	_ =	swait.ge [sflag:s28], s0  }
0x1d2: {  	s0 =	ssub.s32 $0x0, s0;
	[sflag:s28] =	ssyncset.done $0x0  }
0x1d3: {  	p0 =	sne.s32 s14, $0x0;
	[sflag:s28] =	ssyncadd.s32 s0  }
.Ltmp26:
0x1d4: {  	_ =	sfence.stream.spmem;
	(pc) =	sbr.rel @p0 .LBB3_43-.Ltmp26, $4  }
0x1d5: {  	s29 =	simm.s32 $0x3;
	[bflag:$0x0] =	sbarrier.arrive $0xFFFF  }
0x1d6: {  	s30 =	simm.s32 $0x4;
	[sflag:s29] =	ssyncpa.u1 $0x1  }
0x1d7: {  	s31 =	simm.s32 $0x3C;
	[sflag:s30] =	ssyncpa.u1 $0x1  }
0x1d8: {  	s13 =	rddreg [dreg:$0x5];
	[sflag:s31] =	ssyncpa.u1 $0x1  }
0x1d9: {  	_ =	sfence.stream.spmem;
	s0 =	simm.s32 $0x5  }
0x1da: {  	s2 =	simm.s32 $0x800;
	s3 =	simm.s32 $0xA118;
	[sflag:s0] =	ssyncpa.u1 $0x0  }
0x1db: {  	[tilespmem:s3], [sflag:$0x5] =	stream.linear.gather [spmem:s2], $0x20, $0x38;
	[tilespmem:$0x1EF88] =	vst v63  }
0x1dc: {  	s26 =	simm.s32 $0x0;
	s28 =	simm.s32 $0xA138  }
0x1dd: {  	[tilespmem:s28], [sflag:$0x5] =	stream.linear.gather [spmem:s26], $0x800, $0x38;
	[tilespmem:$0x1EF88] =	vst v63  }
0x1de: {  	_ =	swait.ge [sflag:s0], $0x820  }
0x1df: {  	[sflag:s0] =	ssyncset.done $0x0  }
0x1e0: {  	s29 =	simm.s32 $0x0;
	[sflag:s0] =	ssyncadd.s32 $0xFFFFF7E0  }
0x1e1: {  	v0 =	vld.msk [tilespmem:s29+$0xA118], $0x1;
	_ =	sdelay $0x1  }
0x1e2: {  	s30 =	simm.s32 $0x1  }
0x1e3: {  	v1 =	vld.msk [tilespmem:s30+$0xA118], $0x1;
	_ =	sdelay $0x1  }
0x1e4: {  	(v2sf) =	vpush v0, $0x0;
	_ =	sdelay $0x2  }
0x1e5: {  	(v2sf) =	vpush v1, $0x0;
	_ =	sdelay $0x2  }
0x1e6: {  	s31 =	simm.s32 $0x2  }
0x1e7: {  	v0 =	vld.msk [tilespmem:s31+$0xA118], $0x1;
	_ =	sdelay $0x2  }
0x1e8: {  	s2 =	simm.s32 $0xFFFFFFFF;
	s3 =	simm.s32 $0xFFFFFFFF;
	s0 =	simm.s32 $0xC  }
.LBB3_28:
0x1e9: {  	s4 =	smov.u32 s3;
	s5 =	smov.u32 s2  }
0x1ea: {  	s2 =	sshra.s32 s0, $0x2;
	p1 =	sne.s32 s0, $0x7C;
	s0 =	sadd.s32 $0x4, s0;
	(v2sf) =	vpush v0, $0x0  }
0x1eb: {  	v0 =	vld.msk [tilespmem:s2+$0xA118], $0x1  }
.Ltmp27:
0x1ec: {  	(pc) =	sbr.rel @p1 .LBB3_28-.Ltmp27, $4  }
0x1ed: {  	s3 =	spop (v2sf)  }
0x1ee: {  	p2 =	sne.s32 s5, $0xFFFFFFFF;
	s2 =	smov.u32 s3  }
0x1ef: {  	p3 =	seq.s32 s3, $0xFFFFFFFF;
	s2 =	smov.u32 @p2 s5  }
0x1f0: {  	s3 =	smov.u32 @p3 s4;
	s2 =	smov.u32 @p3 s5  }
0x1f1: {  	(v2sf) =	vpush v0, $0x0;
	_ =	sdelay $0x8  }
0x1f2: {  	s0 =	spop (v2sf)  }
0x1f3: {  	p1 =	sne.s32 s2, $0xFFFFFFFF;
	s4 =	smov.u32 s0  }
0x1f4: {  	s6 =	simm.s32 $0x0;
	p2 =	seq.s32 s0, $0xFFFFFFFF;
	s4 =	smov.u32 @p1 s2  }
0x1f5: {  	s9 =	simm.s32 $0xA0C8;
	s4 =	smov.u32 @p2 s2;
	s2 =	spop (v2sf)  }
0x1f6: {  	s0 =	smov.u32 @p2 s3;
	p1 =	sne.s32 s4, $0xFFFFFFFF;
	s5 =	smov.u32 s2  }
.Ltmp28:
0x1f7: {  	p2 =	seq.s32 s2, $0xFFFFFFFF;
	s5 =	smov.u32 @p1 s4;
	(pc) =	sbr.rel .LBB3_30-.Ltmp28, $4  }
0x1f8: {  	s10 =	simm.s32 $0x0;
	s5 =	smov.u32 @p2 s4;
	s7 =	spop (v2sf)  }
0x1f9: {  	s2 =	smov.u32 @p2 s0;
	p1 =	sne.s32 s5, $0xFFFFFFFF;
	s8 =	smov.u32 s7  }
0x1fa: {  	s0 =	simm.s32 $0x6;
	p2 =	seq.s32 s7, $0xFFFFFFFF;
	s8 =	smov.u32 @p1 s5  }
0x1fb: {  	[sflag:s0] =	ssyncpa.u1 $0x0;
	s7 =	smov.u32 @p2 s2;
	s8 =	smov.u32 @p2 s5  }
.LBB3_36:
0x1fc: {  	p1 =	sgt.u32 s2, $0x1869F8  }
0x1fd: {  	p2 =	seq.s32 @!p1 s2, s8  }
0x1fe: {  	p1 =	por p1, p2  }
0x1ff: {  	p2 =	sne.s32 @!p1 s2, s7  }
0x200: {  	p1 =	por p1, !p2  }
0x201: {  	s2 =	sshll.u32 @p1 s10, $0x8  }
0x202: {  	s3 =	sand.u32 @!p1 $0x1FFFF8, s2  }
0x203: {  	s2 =	sand.u32 @!p1 $0x7, s2;
	s3 =	sadd.s32 @!p1 s1, s3  }
0x204: {  	[tilespmem:s9], [sflag:$0x6] =	stream.linear.gather @!p1 [hbm4b:s3+s2], $0x40, $0x38;
	[tilespmem:$0x1EF88] =	vst v63  }
0x205: {  	_ =	swait.ge @!p1 [sflag:s0], $0x40  }
0x206: {  	[sflag:s0] =	ssyncset.done @!p1 $0x0  }
0x207: {  	[sflag:s0] =	ssyncadd.s32 @!p1 $0xFFFFFFC0  }
0x208: {  	v1 =	vld @!p1 [tilespmem:$0xA0C8];
	_ =	sdelay $0x2  }
0x209: {  	s2 =	sshll.u32 @!p1 s10, $0x8  }
0x20a: {  	s3 =	sshrl.u32 @!p1 s2, $0x2  }
0x20b: {  	[tilespmem:s3+$0xA138] =	vst.add.f32.msk @!p1 $0xffff, v1  }
0x20c: {  	v1 =	vld @!p1 [tilespmem:$0xA0D8];
	_ =	sdelay $0x4  }
0x20d: {  	[tilespmem:s3+$0xA148] =	vst.add.f32.msk @!p1 $0xffff, v1  }
0x20e: {  	v1 =	vld @!p1 [tilespmem:$0xA0E8];
	_ =	sdelay $0x4  }
0x20f: {  	[tilespmem:s3+$0xA158] =	vst.add.f32.msk @!p1 $0xffff, v1  }
0x210: {  	v1 =	vld @!p1 [tilespmem:$0xA0F8];
	_ =	sdelay $0x4  }
0x211: {  	[tilespmem:s3+$0xA168] =	vst.add.f32.msk @!p1 $0xffff, v1  }
0x212: {  	s2 =	sshrl.u32 s2, $0x2;
	[tilespmem:s6+$0xA118] =	vst.msk $0x1, v0  }
0x213: {  	v0 =	vld [tilespmem:s2+$0xA138];
	_ =	sdelay $0x2  }
0x214: {  	s31 =	sshll.u32 s6, $0x8  }
0x215: {  	s3 =	sshra.s32 s31, $0x2  }
0x216: {  	[tilespmem:s3+$0xA138] =	vst v0  }
0x217: {  	v0 =	vld [tilespmem:s2+$0xA148];
	_ =	sdelay $0x4  }
0x218: {  	[tilespmem:s3+$0xA148] =	vst v0  }
0x219: {  	v0 =	vld [tilespmem:s2+$0xA158];
	_ =	sdelay $0x4  }
0x21a: {  	[tilespmem:s3+$0xA158] =	vst v0  }
0x21b: {  	v0 =	vld [tilespmem:s2+$0xA168];
	_ =	sdelay $0x4  }
0x21c: {  	s6 =	sadd.s32 $0x1, s6;
	[tilespmem:s3+$0xA168] =	vst v0  }
.LBB3_37:
0x21d: {  	s10 =	sadd.s32 $0x1, s10  }
0x21e: {  	p1 =	sne.s32 s10, $0x20  }
.Ltmp29:
0x21f: {  	_ = 	snop;
	(pc) =	sbr.rel @!p1 .LBB3_38-.Ltmp29, $1  }
0x220: {  	_ =	sdelay $0x3  }
.LBB3_30:
0x221: {  	v0 =	vld.msk [tilespmem:s10+$0xA118], $0x1;
	_ =	sdelay $0x4  }
0x222: {  	(v2sf) =	vpush v0, $0x0;
	_ =	sdelay $0xe  }
0x223: {  	s2 =	spop (v2sf)  }
0x224: {  	p1 =	seq.s32 s2, $0xFFFFFFFF  }
.Ltmp30:
0x225: {  	_ = 	snop;
	(pc) =	sbr.rel @p1 .LBB3_37-.Ltmp30, $1  }
0x226: {  	_ =	sdelay $0x3  }
0x227: {  	p1 =	slt.s32 s6, $0x1  }
.Ltmp31:
0x228: {  	_ = 	snop;
	(pc) =	sbr.rel @p1 .LBB3_36-.Ltmp31, $1  }
0x229: {  	_ =	sdelay $0x3  }
0x22a: {  	s3 =	simm.s32 $0xA118;
	p1 =	por $0x0, $0x0  }
0x22b: {  	v1 =	vld.msk @!p1 [tilespmem:s3+$0x0], $0x1;
	_ =	sdelay $0x4  }
0x22c: {  	(v2sf) =	vpush @!p1 v1, $0x0;
	_ =	sdelay $0xd  }
0x22d: {  	p3 =	sne.s32 s6, $0x1  }
.Ltmp32:
0x22e: {  	s4 =	spop @!p1 (v2sf);
	(pc) =	sbr.rel @!p3 .LBB3_34-.Ltmp32, $4  }
0x22f: {  	p2 =	seq.s32 @!p1 s2, s4  }
0x230: {  	s4 =	simm.s32 $0x0;
	p2 =	por !p2, p1  }
0x231: {  	s11 =	simm.s32 $0xFFFFFFFF;
	s4 =	simm.s32 @p2 $0xFFFFFFFF  }
0x232: {  	s5 =	simm.s32 $0x1;
	s4 =	smov.u32 @p1 s11  }
.LBB3_33:
0x233: {  	s11 =	smov.u32 s4;
	p1 =	sne.s32 s4, $0xFFFFFFFF  }
0x234: {  	s3 =	sadd.s32 $0x1, s3;
	s4 =	smov.u32 s5;
	s5 =	sadd.s32 $0x1, s5  }
0x235: {  	p2 =	sne.s32 s6, s5;
	v1 =	vld.msk @!p1 [tilespmem:s3+$0x0], $0x1;
	_ =	sdelay $0x4  }
0x236: {  	(v2sf) =	vpush @!p1 v1, $0x0;
	_ =	sdelay $0xe  }
.Ltmp33:
0x237: {  	s12 =	spop @!p1 (v2sf);
	(pc) =	sbr.rel @p2 .LBB3_33-.Ltmp33, $4  }
0x238: {  	p3 =	seq.s32 @!p1 s2, s12  }
0x239: {  	p3 =	por !p3, p1  }
0x23a: {  	s4 =	simm.s32 @p3 $0xFFFFFFFF  }
0x23b: {  	s4 =	smov.u32 @p1 s11  }
.LBB3_34:
0x23c: {  	p1 =	seq.s32 s4, $0xFFFFFFFF  }
.Ltmp34:
0x23d: {  	_ = 	snop;
	(pc) =	sbr.rel @p1 .LBB3_36-.Ltmp34, $1  }
0x23e: {  	_ =	sdelay $0x3  }
0x23f: {  	s2 =	sshll.u32 s10, $0x6  }
0x240: {  	s2 =	sand.u32 $0x3FFFFFC0, s2  }
0x241: {  	v0 =	vld [tilespmem:s2+$0xA138];
	_ =	sdelay $0x2  }
0x242: {  	s3 =	sshll.u32 s4, $0x8  }
0x243: {  	s3 =	sshra.s32 s3, $0x2  }
0x244: {  	[tilespmem:s3+$0xA138] =	vst.add.f32.msk $0xffff, v0  }
0x245: {  	v0 =	vld [tilespmem:s2+$0xA148];
	_ =	sdelay $0x4  }
0x246: {  	[tilespmem:s3+$0xA148] =	vst.add.f32.msk $0xffff, v0  }
0x247: {  	v0 =	vld [tilespmem:s2+$0xA158];
	_ =	sdelay $0x4  }
0x248: {  	[tilespmem:s3+$0xA158] =	vst.add.f32.msk $0xffff, v0  }
0x249: {  	v0 =	vld [tilespmem:s2+$0xA168]  }
.Ltmp35:
0x24a: {  	_ = 	snop;
	(pc) =	sbr.rel .LBB3_37-.Ltmp35, $2  }
0x24b: {  	_ =	sdelay $0x2  }
0x24c: {  	[tilespmem:s3+$0xA168] =	vst.add.f32.msk $0xffff, v0  }
.LBB3_38:
0x24d: {  	s0 =	simm.s32 $0x6;
	p1 =	seq.s32 s6, $0x0  }
0x24e: {  	[sflag:s0] =	ssyncpa.u1 $0x1;
	v0 =	vimm.s32 @p1 $0xFFFFFFFF  }
0x24f: {  	s0 =	sadd.s32 $0xFFFFFFFF, s6;
	[tilespmem:$0xA938] =	vst @p1 v0  }
0x250: {  	v0 =	vld.msk @!p1 [tilespmem:s0+$0xA118], $0x1;
	_ =	sdelay $0x1  }
0x251: {  	v1 =	vld.msk @!p1 [tilespmem:$0xA118], $0x1;
	_ =	sdelay $0x2  }
0x252: {  	p2 =	seq.s32 @!p1 s0, $0x0;
	v0 =	vbroadcast @!p1 v0, $0x0  }
0x253: {  	vm0 =	vmmov @!p1 $0x1;
	p2 =	por !p2, p1  }
0x254: {  	v1 =	vnsel @!p1 vm0, $0xFFFFFFFF, v1;
	vm0 =	vcmask @!p1 $0x308;
	v0 =	vpsel !p2, $0xFFFFFFFF, v0  }
0x255: {  	p2 =	sne.s32 @!p1 s8, s7;
	v0 =	vsel @!p1 vm0, v1, v0  }
0x256: {  	s2 =	simm.s32 @!p1 $0xA138;
	s3 =	simm.s32 @!p1 $0x0;
	p3 =	por !p2, p1;
	[tilespmem:$0xA938] =	vst @!p1 v0  }
0x257: {  	[spmem:s3] =	stream.linear.scatter @!p1 [tilespmem:s2], [sflag:$0x1], $0x40, $0x38;
	[tilespmem:$0x1EF88] =	vst v63  }
0x258: {  	s2 =	sshll.u32 @!p3 s0, $0x8  }
0x259: {  	s2 =	sshra.s32 @!p3 s2, $0x2  }
0x25a: {  	s3 =	simm.s32 @!p3 $0x40;
	s2 =	sadd.s32 @!p3 $0xA138, s2  }
0x25b: {  	[spmem:s3] =	stream.linear.scatter @!p3 [tilespmem:s2], [sflag:$0x1], $0x40, $0x38;
	[tilespmem:$0x1EF88] =	vst v63  }
0x25c: {  	s2 =	simm.s32 @!p3 $0x1  }
0x25d: {  	_ =	swait.ge @!p3 [sflag:s2], $0x80  }
0x25e: {  	p1 =	por p2, p1;
	[sflag:s2] =	ssyncset.done @!p3 $0x0  }
0x25f: {  	[sflag:s2] =	ssyncadd.s32 @!p3 $0xFFFFFF80;
	s2 =	simm.s32 @!p1 $0x1  }
0x260: {  	_ =	swait.ge @!p1 [sflag:s2], $0x40  }
0x261: {  	s29 =	simm.s32 $0xA938;
	[sflag:s2] =	ssyncset.done @!p1 $0x0  }
0x262: {  	s30 =	simm.s32 $0x800;
	s31 =	simm.s32 $0x1;
	[sflag:s2] =	ssyncadd.s32 @!p1 $0xFFFFFFC0  }
0x263: {  	[spmem:s30] =	stream.linear.scatter [tilespmem:s29], [sflag:$0x1], $0x10, $0x38;
	[tilespmem:$0x1EF88] =	vst v63  }
0x264: {  	_ =	swait.ge [sflag:s31], $0x10  }
0x265: {  	[sflag:s31] =	ssyncset.done $0x0  }
0x266: {  	p1 =	seq.s32 s13, $0x0;
	s9 =	rddreg [dreg:$0x2];
	[sflag:s31] =	ssyncadd.s32 $0xFFFFFFF0  }
0x267: {  	s3 =	sshll.u32 @p1 s9, $0xE;
	s8 =	rddreg [dreg:$0x3]  }
0x268: {  	s2 =	sadd.s32 @p1 $0x15C3C, s3;
	s3 =	sshll.u32 @p1 s8, $0x11  }
0x269: {  	_ =	sfence.stream.spmem;
	s2 =	sor.u32 @p1 s3, s2  }
0x26a: {  	[sflag:s2] =	ssyncadd.remote.s32 @p1 $0x1;
	s2 =	simm.s32 @p1 $0x4  }
0x26b: {  	s4 =	simm.s32 @!p1 $0x3C;
	s3 =	sand.u32 $0xFFFFFFFE, s9;
	_ =	swait.ge @p1 [sflag:s2], $0x12  }
0x26c: {  	s5 =	simm.s32 @!p1 $0x0;
	s3 =	sadd.s32 @!p1 $0x4, s3;
	[sflag:s2] =	ssyncset.done @p1 $0x0  }
0x26d: {  	s7 =	simm.s32 @!p1 $0x80;
	[sflag:s2] =	ssyncadd.s32 @p1 $0xFFFFFFEE;
	s2 =	sshll.u32 @!p1 s3, $0x1A  }
0x26e: {  	s3 =	sshll.u32 @!p1 s3, $0xD;
	s2 =	sor.u32 @!p1 s2, s8;
	_ =	swait.eq @!p1 [sflag:s4], $0x1  }
0x26f: {  	s3 =	sor.u32 @!p1 $0x1C04, s3;
	s4 =	simm.s32 @!p1 $0x1C03;
	s2 =	sor.u32 @!p1 $0x80004000, s2  }
0x270: {  	[spmem:s7], [sflag:s3] =	dma.general @!p1 [spmem:s5], [sflag:s4], length:$0x10, [dreg:$0x0], stride_count:$0x0, ici_dest:s2, dma_misc:DstOpCode:WRITE  }
0x271: {  	p2 =	slt.s32 s0, $0x2;
	s5 =	simm.s32 @!p1 $0x100;
	s7 =	simm.s32 @!p1 $0x102  }
0x272: {  	[spmem:s7], [sflag:s3] =	dma.general @!p1 [spmem:s5], [sflag:s4], length:$0x2, [dreg:$0x0], stride_count:$0x0, ici_dest:s2, dma_misc:DstOpCode:WRITE  }
.Ltmp36:
0x273: {  	s2 =	simm.s32 @!p1 $0x3;
	(pc) =	sbr.rel @p2 .LBB3_42-.Ltmp36, $4  }
0x274: {  	s3 =	sshll.u32 @!p1 s9, $0xE;
	_ =	swait.ge @!p1 [sflag:s2], $0x12  }
0x275: {  	s4 =	sshll.u32 @!p1 s8, $0x11;
	s3 =	sadd.s32 @!p1 $0x11C3C, s3;
	[sflag:s2] =	ssyncset.done @!p1 $0x0  }
0x276: {  	[sflag:s2] =	ssyncadd.s32 @!p1 $0xFFFFFFEE;
	s2 =	sor.u32 @!p1 s4, s3  }
0x277: {  	s0 =	simm.s32 $0x0;
	[sflag:s2] =	ssyncadd.remote.s32 @!p1 $0xFFFFFFFF  }
0x278: {  	s0 =	simm.s32 $0xA119  }
0x279: {  	v0 =	vld.msk [tilespmem:s0+$0x0], $0x1;
	_ =	sdelay $0x4  }
0x27a: {  	(v2sf) =	vpush v0, $0x0;
	_ =	sdelay $0xc  }
0x27b: {  	s2 =	sadd.s32 $0xFFFFFFFE, s6  }
0x27c: {  	s2 =	sadd.s32 $0xFFFFFFFF, s2  }
0x27d: {  	p2 =	sne.s32 s2, $0x0;
	s3 =	spop (v2sf)  }
.Ltmp37:
0x27e: {  	p1 =	sgt.u32 s3, $0x1869F8;
	(pc) =	sbr.rel @!p2 .LBB3_41-.Ltmp37, $4  }
0x27f: {  	s5 =	simm.s32 $0x0;
	s4 =	sand.u32 @!p1 $0x1FFFF8, s3  }
0x280: {  	s0 =	simm.s32 $0xA178;
	s3 =	sand.u32 @!p1 $0x7, s3;
	s4 =	sadd.s32 @!p1 s1, s4  }
0x281: {  	[hbm4b:s4+s3] =	stream.linear.scatter @!p1 [tilespmem:s0], [sflag:$0x5], $0x40, $0x38;
	[tilespmem:$0x1EF88] =	vst v63  }
0x282: {  	s5 =	simm.s32 @!p1 $0x100;
	s3 =	simm.s32 $0x0;
	s4 =	simm.s32 $0xA11A  }
.LBB3_40:
0x283: {  	v0 =	vld.msk [tilespmem:s4+$0x0], $0x1;
	s2 =	sadd.s32 $0xFFFFFFFF, s2;
	s3 =	sadd.s32 s3, s5  }
0x284: {  	p1 =	sne.s32 s2, $0x0;
	_ =	sdelay $0x3  }
0x285: {  	(v2sf) =	vpush v0, $0x0;
	_ =	sdelay $0xe  }
.Ltmp38:
0x286: {  	s6 =	spop (v2sf);
	(pc) =	sbr.rel @p1 .LBB3_40-.Ltmp38, $4  }
0x287: {  	s5 =	simm.s32 $0x0;
	p2 =	sgt.u32 s6, $0x1869F8  }
0x288: {  	s0 =	sadd.s32 $0x40, s0;
	s5 =	simm.s32 @!p2 $0x100;
	s7 =	sand.u32 @!p2 $0x1FFFF8, s6  }
0x289: {  	s4 =	sadd.s32 $0x1, s4;
	s6 =	sand.u32 @!p2 $0x7, s6;
	s7 =	sadd.s32 @!p2 s1, s7  }
0x28a: {  	[hbm4b:s7+s6] =	stream.linear.scatter @!p2 [tilespmem:s0], [sflag:$0x5], $0x40, $0x38;
	[tilespmem:$0x1EF88] =	vst v63  }
.LBB3_41:
0x28b: {  	s0 =	sadd.s32 s3, s5  }
0x28c: {  	s0 =	sshrl.u32 s0, $0x2  }
.LBB3_42:
0x28d: {  	s2 =	simm.s32 $0x5  }
0x28e: {  	_ =	swait.ge [sflag:s2], s0  }
0x28f: {  	s31 =	ssub.s32 $0x0, s0;
	[sflag:s2] =	ssyncset.done $0x0  }
0x290: {  	[sflag:s2] =	ssyncadd.s32 s31  }
0x291: {  	[sflag:s2] =	ssyncpa.u1 $0x1  }
.LBB3_43:
0x292: {  	s0 =	sor.u32 s13, s14  }
0x293: {  	p1 =	sne.s32 s0, $0x0  }
.Ltmp39:
0x294: {  	_ = 	snop;
	(pc) =	sbr.rel @p1 .LBB3_58-.Ltmp39, $3  }
0x295: {  	_ =	sdelay $0x1  }
0x296: {  	[bflag:$0x0] =	sbarrier.arrive $0xFFFF  }
0x297: {  	_ =	sfence  }
0x298: {  	s2 =	simm.s32 $0x7  }
0x299: {  	s0 =	simm.s32 $0x800;
	s3 =	simm.s32 $0xA118;
	[sflag:s2] =	ssyncpa.u1 $0x0  }
0x29a: {  	[tilespmem:s3], [sflag:$0x7] =	stream.linear.gather [spmem:s0], $0x20, $0x38;
	[tilespmem:$0x1EF88] =	vst v63  }
0x29b: {  	s30 =	simm.s32 $0xA138;
	s0 =	simm.s32 $0x0  }
0x29c: {  	[tilespmem:s30], [sflag:$0x7] =	stream.linear.gather [spmem:s0], $0x800, $0x38;
	[tilespmem:$0x1EF88] =	vst v63  }
.Ltmp40:
0x29d: {  	_ = 	snop;
	(pc) =	sbr.rel .LBB3_45-.Ltmp40, $4  }
0x29e: {  	_ =	swait.ge [sflag:s2], $0x820  }
0x29f: {  	[sflag:s2] =	ssyncset.done $0x0  }
0x2a0: {  	s31 =	simm.s32 $0x8;
	[sflag:s2] =	ssyncadd.s32 $0xFFFFF7E0  }
0x2a1: {  	s2 =	simm.s32 $0x0;
	[sflag:s31] =	ssyncpa.u1 $0x0  }
.LBB3_51:
0x2a2: {  	p1 =	slt.u32 s3, $0x1869F9  }
0x2a3: {  	s4 =	sand.u32 @p1 $0x1FFFF8, s3  }
0x2a4: {  	s3 =	sand.u32 @p1 $0x7, s3;
	s5 =	simm.s32 @p1 $0xA0C8;
	s4 =	sadd.s32 @p1 s1, s4  }
0x2a5: {  	[tilespmem:s5], [sflag:$0x8] =	stream.linear.gather @p1 [hbm4b:s4+s3], $0x40, $0x38;
	[tilespmem:$0x1EF88] =	vst v63  }
0x2a6: {  	s3 =	simm.s32 @p1 $0x8  }
0x2a7: {  	_ =	swait.ge @p1 [sflag:s3], $0x40  }
0x2a8: {  	[sflag:s3] =	ssyncset.done @p1 $0x0  }
0x2a9: {  	[sflag:s3] =	ssyncadd.s32 @p1 $0xFFFFFFC0  }
0x2aa: {  	v1 =	vld @p1 [tilespmem:$0xA0C8];
	_ =	sdelay $0x2  }
0x2ab: {  	s3 =	sshll.u32 @p1 s2, $0x8  }
0x2ac: {  	s4 =	sshrl.u32 @p1 s3, $0x2  }
0x2ad: {  	[tilespmem:s4+$0xA138] =	vst.add.f32.msk @p1 $0xffff, v1  }
0x2ae: {  	v1 =	vld @p1 [tilespmem:$0xA0D8];
	_ =	sdelay $0x4  }
0x2af: {  	[tilespmem:s4+$0xA148] =	vst.add.f32.msk @p1 $0xffff, v1  }
0x2b0: {  	v1 =	vld @p1 [tilespmem:$0xA0E8];
	_ =	sdelay $0x4  }
0x2b1: {  	[tilespmem:s4+$0xA158] =	vst.add.f32.msk @p1 $0xffff, v1  }
0x2b2: {  	v1 =	vld @p1 [tilespmem:$0xA0F8];
	_ =	sdelay $0x3  }
0x2b3: {  	s5 =	sshll.u32 @!p1 s2, $0x8  }
0x2b4: {  	s5 =	smov.u32 @p1 s3;
	[tilespmem:s4+$0xA168] =	vst.add.f32.msk @p1 $0xffff, v1  }
0x2b5: {  	s3 =	sshrl.u32 s5, $0x2;
	[tilespmem:s0+$0xA118] =	vst.msk $0x1, v0  }
0x2b6: {  	v0 =	vld [tilespmem:s3+$0xA138];
	_ =	sdelay $0x2  }
0x2b7: {  	s31 =	sshll.u32 s0, $0x8  }
0x2b8: {  	s4 =	sshra.s32 s31, $0x2  }
0x2b9: {  	[tilespmem:s4+$0xA138] =	vst v0  }
0x2ba: {  	v0 =	vld [tilespmem:s3+$0xA148];
	_ =	sdelay $0x4  }
0x2bb: {  	[tilespmem:s4+$0xA148] =	vst v0  }
0x2bc: {  	v0 =	vld [tilespmem:s3+$0xA158];
	_ =	sdelay $0x4  }
0x2bd: {  	[tilespmem:s4+$0xA158] =	vst v0  }
0x2be: {  	v0 =	vld [tilespmem:s3+$0xA168];
	_ =	sdelay $0x4  }
0x2bf: {  	s0 =	sadd.s32 $0x1, s0;
	[tilespmem:s4+$0xA168] =	vst v0  }
.LBB3_52:
0x2c0: {  	s2 =	sadd.s32 $0x1, s2  }
0x2c1: {  	p1 =	sne.s32 s2, $0x20  }
.Ltmp41:
0x2c2: {  	_ = 	snop;
	(pc) =	sbr.rel @!p1 .LBB3_53-.Ltmp41, $1  }
0x2c3: {  	_ =	sdelay $0x3  }
.LBB3_45:
0x2c4: {  	v0 =	vld.msk [tilespmem:s2+$0xA118], $0x1;
	_ =	sdelay $0x4  }
0x2c5: {  	(v2sf) =	vpush v0, $0x0;
	_ =	sdelay $0xe  }
0x2c6: {  	s3 =	spop (v2sf)  }
0x2c7: {  	p1 =	seq.s32 s3, $0xFFFFFFFF  }
.Ltmp42:
0x2c8: {  	_ = 	snop;
	(pc) =	sbr.rel @p1 .LBB3_52-.Ltmp42, $1  }
0x2c9: {  	_ =	sdelay $0x3  }
0x2ca: {  	p1 =	slt.s32 s0, $0x1  }
.Ltmp43:
0x2cb: {  	_ = 	snop;
	(pc) =	sbr.rel @p1 .LBB3_51-.Ltmp43, $1  }
0x2cc: {  	_ =	sdelay $0x3  }
0x2cd: {  	s4 =	simm.s32 $0xA118;
	p1 =	por $0x0, $0x0  }
0x2ce: {  	v1 =	vld.msk @!p1 [tilespmem:s4+$0x0], $0x1;
	_ =	sdelay $0x4  }
0x2cf: {  	(v2sf) =	vpush @!p1 v1, $0x0;
	_ =	sdelay $0xd  }
0x2d0: {  	p3 =	sne.s32 s0, $0x1  }
.Ltmp44:
0x2d1: {  	s5 =	spop @!p1 (v2sf);
	(pc) =	sbr.rel @!p3 .LBB3_49-.Ltmp44, $4  }
0x2d2: {  	p2 =	seq.s32 @!p1 s3, s5  }
0x2d3: {  	s5 =	simm.s32 $0x0;
	p2 =	por !p2, p1  }
0x2d4: {  	s7 =	simm.s32 $0xFFFFFFFF;
	s5 =	simm.s32 @p2 $0xFFFFFFFF  }
0x2d5: {  	s6 =	simm.s32 $0x1;
	s5 =	smov.u32 @p1 s7  }
.LBB3_48:
0x2d6: {  	s7 =	smov.u32 s5;
	p1 =	sne.s32 s5, $0xFFFFFFFF  }
0x2d7: {  	s4 =	sadd.s32 $0x1, s4;
	s5 =	smov.u32 s6;
	s6 =	sadd.s32 $0x1, s6  }
0x2d8: {  	p2 =	sne.s32 s0, s6;
	v1 =	vld.msk @!p1 [tilespmem:s4+$0x0], $0x1;
	_ =	sdelay $0x4  }
0x2d9: {  	(v2sf) =	vpush @!p1 v1, $0x0;
	_ =	sdelay $0xe  }
.Ltmp45:
0x2da: {  	s8 =	spop @!p1 (v2sf);
	(pc) =	sbr.rel @p2 .LBB3_48-.Ltmp45, $4  }
0x2db: {  	p3 =	seq.s32 @!p1 s3, s8  }
0x2dc: {  	p3 =	por !p3, p1  }
0x2dd: {  	s5 =	simm.s32 @p3 $0xFFFFFFFF  }
0x2de: {  	s5 =	smov.u32 @p1 s7  }
.LBB3_49:
0x2df: {  	p1 =	seq.s32 s5, $0xFFFFFFFF  }
.Ltmp46:
0x2e0: {  	_ = 	snop;
	(pc) =	sbr.rel @p1 .LBB3_51-.Ltmp46, $1  }
0x2e1: {  	_ =	sdelay $0x3  }
0x2e2: {  	s3 =	sshll.u32 s2, $0x6  }
0x2e3: {  	s3 =	sand.u32 $0x3FFFFFC0, s3  }
0x2e4: {  	v0 =	vld [tilespmem:s3+$0xA138];
	_ =	sdelay $0x2  }
0x2e5: {  	s4 =	sshll.u32 s5, $0x8  }
0x2e6: {  	s4 =	sshra.s32 s4, $0x2  }
0x2e7: {  	[tilespmem:s4+$0xA138] =	vst.add.f32.msk $0xffff, v0  }
0x2e8: {  	v0 =	vld [tilespmem:s3+$0xA148];
	_ =	sdelay $0x4  }
0x2e9: {  	[tilespmem:s4+$0xA148] =	vst.add.f32.msk $0xffff, v0  }
0x2ea: {  	v0 =	vld [tilespmem:s3+$0xA158];
	_ =	sdelay $0x4  }
0x2eb: {  	[tilespmem:s4+$0xA158] =	vst.add.f32.msk $0xffff, v0  }
0x2ec: {  	v0 =	vld [tilespmem:s3+$0xA168]  }
.Ltmp47:
0x2ed: {  	_ = 	snop;
	(pc) =	sbr.rel .LBB3_52-.Ltmp47, $2  }
0x2ee: {  	_ =	sdelay $0x2  }
0x2ef: {  	[tilespmem:s4+$0xA168] =	vst.add.f32.msk $0xffff, v0  }
.LBB3_53:
0x2f0: {  	p1 =	slt.s32 s0, $0x1  }
.Ltmp48:
0x2f1: {  	_ = 	snop;
	(pc) =	sbr.rel @p1 .LBB3_57-.Ltmp48, $3  }
0x2f2: {  	_ =	sdelay $0x1  }
0x2f3: {  	s2 =	simm.s32 $0x8  }
0x2f4: {  	[sflag:s2] =	ssyncpa.u1 $0x1;
	s2 =	simm.s32 $0x0  }
0x2f5: {  	s3 =	simm.s32 $0xA118  }
0x2f6: {  	v0 =	vld.msk [tilespmem:s3+$0x0], $0x1;
	_ =	sdelay $0x4  }
0x2f7: {  	(v2sf) =	vpush v0, $0x0;
	_ =	sdelay $0xe  }
0x2f8: {  	s0 =	sadd.s32 $0xFFFFFFFF, s0;
	s4 =	spop (v2sf)  }
0x2f9: {  	p2 =	sne.s32 s0, $0x0;
	p1 =	sgt.u32 s4, $0x1869F8  }
.Ltmp49:
0x2fa: {  	s5 =	sand.u32 @!p1 $0x1FFFF8, s4;
	(pc) =	sbr.rel @!p2 .LBB3_56-.Ltmp49, $4  }
0x2fb: {  	s3 =	simm.s32 $0xA138;
	s4 =	sand.u32 @!p1 $0x7, s4;
	s5 =	sadd.s32 @!p1 s1, s5  }
0x2fc: {  	[hbm4b:s5+s4] =	stream.linear.scatter @!p1 [tilespmem:s3], [sflag:$0x7], $0x40, $0x38;
	[tilespmem:$0x1EF88] =	vst v63  }
0x2fd: {  	s5 =	simm.s32 $0x0  }
0x2fe: {  	s4 =	simm.s32 $0xA119;
	s5 =	simm.s32 @!p1 $0x100  }
.LBB3_55:
0x2ff: {  	v0 =	vld.msk [tilespmem:s4+$0x0], $0x1;
	s0 =	sadd.s32 $0xFFFFFFFF, s0;
	s2 =	sadd.s32 s2, s5  }
0x300: {  	p1 =	sne.s32 s0, $0x0;
	_ =	sdelay $0x3  }
0x301: {  	(v2sf) =	vpush v0, $0x0;
	_ =	sdelay $0xe  }
.Ltmp50:
0x302: {  	s6 =	spop (v2sf);
	(pc) =	sbr.rel @p1 .LBB3_55-.Ltmp50, $4  }
0x303: {  	s5 =	simm.s32 $0x0;
	p2 =	sgt.u32 s6, $0x1869F8  }
0x304: {  	s3 =	sadd.s32 $0x40, s3;
	s5 =	simm.s32 @!p2 $0x100;
	s7 =	sand.u32 @!p2 $0x1FFFF8, s6  }
0x305: {  	s4 =	sadd.s32 $0x1, s4;
	s6 =	sand.u32 @!p2 $0x7, s6;
	s7 =	sadd.s32 @!p2 s1, s7  }
0x306: {  	[hbm4b:s7+s6] =	stream.linear.scatter @!p2 [tilespmem:s3], [sflag:$0x7], $0x40, $0x38;
	[tilespmem:$0x1EF88] =	vst v63  }
.LBB3_56:
0x307: {  	s0 =	sadd.s32 s2, s5  }
0x308: {  	s2 =	sshrl.u32 s0, $0x2  }
.LBB3_57:
0x309: {  	s0 =	simm.s32 $0x7  }
0x30a: {  	_ =	swait.ge [sflag:s0], s2  }
0x30b: {  	s1 =	ssub.s32 $0x0, s2;
	[sflag:s0] =	ssyncset.done $0x0  }
0x30c: {  	[sflag:s0] =	ssyncadd.s32 s1  }
0x30d: {  	[sflag:s0] =	ssyncpa.u1 $0x1  }
.LBB3_58:
0x30e: {  	_ =	sfence;
	s0 =	simm.s32 $0x1  }
0x30f: {  	[sflag:s0] =	ssyncpa.u1 $0x1  }
0x310: {  	_ =	strace $0x90000059  }
0x311: {  	[bflag:$0x2] =	sbarrier.arrive $0xFFFF  }
0x312: {  	s0 =	rddreg [dreg:$0x4]  }
0x313: {  	s0 =	sadd.s32 @!p0 $0x100000, s0  }
0x314: {  	[sflag:s0] =	ssyncadd.tile.s32 @!p0 $0x1;
	_ =	shalt  }
.Lfunc_end3:
_tile_overlayer_lowered:
.L_overlay_start_3:
0x315: {  	(tag) =	ssettag $0x3  }
0x316: {  	s0 =	rddreg [dreg:$0x0];
	s2 =	stileid.u32  }
0x317: {  	s1 =	rddreg [dreg:$0x1];
	p0 =	sne.s32 s2, $0x0  }
0x318: {  	s3 =	rddreg [dreg:$0x2];
	[bflag:$0x3] =	sbarrier.arrive $0xFFFF;
	s2 =	simm.s32 @!p0 $0x1C01  }
0x319: {  	[timem:s3], [sflag:s2] =	dma.local @!p0 [hbm:s0], s1  }
0x31a: {  	s0 =	simm.s32 @!p0 $0x1  }
0x31b: {  	_ =	swait.ge @!p0 [sflag:s0], s1  }
0x31c: {  	s1 =	ssub.s32 @!p0 $0x0, s1;
	[sflag:s0] =	ssyncset.done @!p0 $0x0  }
0x31d: {  	[sflag:s0] =	ssyncadd.s32 @!p0 s1  }
0x31e: {  	[bflag:$0x3] =	sbarrier.arrive $0xFFFF  }
0x31f: {  	_ =	shalt  }

// kernel: scatter_offload_async_start.3
scs
__scs_entry_jumppad:
0x0: {  	(pc) =	sbr.rel $0x88, $3  }
0x1: {  	(tag) =	ssettag $0x0;
	lr =	simm.s32 $0x1  }
0x2: {  	[smem:$0x3F91] =	sst lr;
	_ =	strace $0xD0000000  }
0x3: {  	_ = 	snop  }
0x4: {  	_ = 	snop  }
0x5: {  	_ = 	snop  }
0x6: {  	_ = 	snop  }
0x7: {  	_ = 	snop  }
__scs_overlays_trampoline_lowered:
0x8: {  	[smem:$0x3FA0] =	sst s0  }
0x9: {  	[smem:$0x3FA1] =	sst s1  }
0xa: {  	[smem:$0x3FA2] =	sst s2  }
0xb: {  	[smem:$0x3FA3] =	sst s3  }
0xc: {  	[smem:$0x3FA4] =	sst s4  }
0xd: {  	[smem:$0x3FA5] =	sst s5  }
0xe: {  	[smem:$0x3FA6] =	sst s6  }
0xf: {  	[smem:$0x3FA7] =	sst s7  }
0x10: {  	[smem:$0x3FA8] =	sst s8  }
0x11: {  	[smem:$0x3FA9] =	sst s9;
	s0 =	simm.s32 @!p0 $0x0  }
0x12: {  	s1 =	sld [smem:$0x3F8F];
	s0 =	simm.s32 @p0 $0x1  }
0x13: {  	[smem:$0x3FAA] =	sst s0;
	s0 =	simm.s32 @!p1 $0x0  }
0x14: {  	s2 =	sld [smem:$0x3F8E];
	s0 =	simm.s32 @p1 $0x1  }
0x15: {  	[smem:$0x3FAB] =	sst s0;
	s0 =	simm.s32 @!p2 $0x0  }
0x16: {  	s3 =	sld [smem:$0x3FDB];
	s0 =	simm.s32 @p2 $0x1  }
0x17: {  	s4 =	simm.s32 $0x1BF5;
	[smem:$0x3FAD] =	sst s0  }
0x18: {  	s0 =	sld [smem:$0x3F90];
	_ =	swait.ge [sflag:s4], $0x0  }
0x19: {  	s7 =	sld [smem:$0x3F91]  }
0x1a: {  	s8 =	sadd.s32 $0xFFFFE003, lr  }
0x1b: {  	s9 =	sadd.s32 $0xFFFFFEF7, lr;
	s5 =	simm.s32 $0xFFFFFFFF;
	p2 =	slt.u32 s8, $0xFFFFF086  }
0x1c: {  	p1 =	slt.u32 s9, $0xF7A;
	s5 =	simm.s32 @!p2 $0x0  }
0x1d: {  	s5 =	simm.s32 @p1 $0x1;
	p0 =	seq.s32 s7, s2  }
0x1e: {  	s7 =	smul.u32 @!p0 $0xF7A, s2;
	p2 =	seq.s32 @!p0 s5, $0x0  }
0x1f: {  	s9 =	smul.u32 $0xF7A, s1;
	s8 =	simm.s32 @!p0 $0x1BF5;
	p2 =	por !p2, p0  }
0x20: {  	[sflag:s8] =	ssyncset.s32 @!p0 $0xFFFFF086;
	s6 =	sadd.s32 @!p0 s3, s7;
	s7 =	simm.s32 @!p0 $0x108  }
0x21: {  	s3 =	sadd.s32 s3, s9;
	s6 =	sadd.s32 @!p0 $0x88, s6;
	s7 =	simm.s32 @p2 $0x1082  }
0x22: {  	[simem:s7], [sflag:s8] =	dma.local @!p0 [hbm:s6], $0xF7A  }
0x23: {  	s9 =	sor.u32 $0xD0000000, s2;
	s6 =	simm.s32 $0x108;
	_ =	swait.ge @!p0 [sflag:s8], $0x0  }
0x24: {  	s3 =	sadd.s32 $0x88, s3;
	s6 =	simm.s32 @!p1 $0x1082;
	[sflag:s4] =	ssyncset.s32 $0xFFFFF086  }
0x25: {  	[simem:s6], [sflag:s4] =	dma.local [hbm:s3], $0xF7A  }
0x26: {  	[smem:$0x3F91] =	sst s1;
	(tag) =	ssettag s2;
	_ =	strace s9  }
0x27: {  	s1 =	sld [smem:$0x3FA1]  }
0x28: {  	s2 =	sld [smem:$0x3FA2]  }
0x29: {  	s4 =	sld [smem:$0x3FA4]  }
0x2a: {  	p0 =	seq.s32 s5, $0x0;
	s5 =	sld [smem:$0x3FA5]  }
0x2b: {  	s6 =	sld [smem:$0x3FA6]  }
0x2c: {  	s7 =	sld [smem:$0x3FA7]  }
0x2d: {  	s3 =	simm.s32 $0x108;
	s8 =	sld [smem:$0x3FA8]  }
0x2e: {  	s3 =	simm.s32 @!p0 $0x1082;
	s9 =	sld [smem:$0x3FA9]  }
0x2f: {  	lr =	sadd.s32 s0, s3;
	s0 =	sld [smem:$0x3FA0]  }
0x30: {  	s3 =	sld [smem:$0x3FA3]  }
0x31: {  	[smem:$0x3FAC] =	sst s10  }
0x32: {  	s10 =	sld [smem:$0x3FAA];
	_ =	sdelay $0x3  }
0x33: {  	p0 =	seq.s32 s10, $0x1;
	s10 =	sld [smem:$0x3FAC];
	_ =	sdelay $0x3  }
0x34: {  	[smem:$0x3FAC] =	sst s10  }
0x35: {  	s10 =	sld [smem:$0x3FAB];
	_ =	sdelay $0x3  }
0x36: {  	p1 =	seq.s32 s10, $0x1;
	s10 =	sld [smem:$0x3FAC];
	_ =	sdelay $0x3  }
0x37: {  	[smem:$0x3FAC] =	sst s10  }
0x38: {  	s10 =	sld [smem:$0x3FAD]  }
0x39: {  	_ = 	snop;
	(pc) =	sbr.ind lr, $3  }
0x3a: {  	_ = 	snop  }
0x3b: {  	_ = 	snop  }
0x3c: {  	p2 =	seq.s32 s10, $0x1;
	s10 =	sld [smem:$0x3FAC]  }
0x3d: {  	_ =	shalt  }
0x3e: {  	_ =	shalt  }
0x3f: {  	_ =	shalt  }
0x40: {  	_ =	shalt  }
0x41: {  	_ =	shalt  }
0x42: {  	_ =	shalt  }
0x43: {  	_ =	shalt  }
0x44: {  	_ =	shalt  }
0x45: {  	_ =	shalt  }
0x46: {  	_ =	shalt  }
0x47: {  	_ =	shalt  }
0x48: {  	_ =	shalt  }
0x49: {  	_ =	shalt  }
0x4a: {  	_ =	shalt  }
0x4b: {  	_ =	shalt  }
0x4c: {  	_ =	shalt  }
0x4d: {  	_ =	shalt  }
0x4e: {  	_ =	shalt  }
0x4f: {  	_ =	shalt  }
0x50: {  	_ =	shalt  }
0x51: {  	_ =	shalt  }
0x52: {  	_ =	shalt  }
0x53: {  	_ =	shalt  }
0x54: {  	_ =	shalt  }
0x55: {  	_ =	shalt  }
0x56: {  	_ =	shalt  }
0x57: {  	_ =	shalt  }
0x58: {  	_ =	shalt  }
0x59: {  	_ =	shalt  }
0x5a: {  	_ =	shalt  }
0x5b: {  	_ =	shalt  }
0x5c: {  	_ =	shalt  }
0x5d: {  	_ =	shalt  }
0x5e: {  	_ =	shalt  }
0x5f: {  	_ =	shalt  }
0x60: {  	_ =	shalt  }
0x61: {  	_ =	shalt  }
0x62: {  	_ =	shalt  }
0x63: {  	_ =	shalt  }
0x64: {  	_ =	shalt  }
0x65: {  	_ =	shalt  }
0x66: {  	_ =	shalt  }
0x67: {  	_ =	shalt  }
0x68: {  	_ =	shalt  }
0x69: {  	_ =	shalt  }
0x6a: {  	_ =	shalt  }
0x6b: {  	_ =	shalt  }
0x6c: {  	_ =	shalt  }
0x6d: {  	_ =	shalt  }
0x6e: {  	_ =	shalt  }
0x6f: {  	_ =	shalt  }
0x70: {  	_ =	shalt  }
0x71: {  	_ =	shalt  }
0x72: {  	_ =	shalt  }
0x73: {  	_ =	shalt  }
0x74: {  	_ =	shalt  }
0x75: {  	_ =	shalt  }
0x76: {  	_ =	shalt  }
0x77: {  	_ =	shalt  }
0x78: {  	_ =	shalt  }
0x79: {  	_ =	shalt  }
0x7a: {  	_ =	shalt  }
0x7b: {  	_ =	shalt  }
0x7c: {  	_ =	shalt  }
0x7d: {  	_ =	shalt  }
0x7e: {  	_ =	shalt  }
0x7f: {  	_ =	shalt  }
0x80: {  	_ =	shalt  }
0x81: {  	_ =	shalt  }
0x82: {  	_ =	shalt  }
0x83: {  	_ =	shalt  }
0x84: {  	_ =	shalt  }
0x85: {  	_ =	shalt  }
0x86: {  	_ =	shalt  }
0x87: {  	_ =	shalt  }
.Lfunc_end0:
.L_simem_size_0:
called_computation.3_lowered:
.L_overlay_start_0:
0x88: {  	s0 =	sld [smem:$0x3FD9]  }
0x89: {  	s1 =	sld [smem:$0x3FFE];
	_ =	sdelay $0x3  }
0x8a: {  	s0 =	sadd.s32 s1, s0  }
0x8b: {  	[smem:$0x3FB8] =	sst s0  }
0x8c: {  	_ = 	snop  }
0x8d: {  	(tm) =	ssettm $0x1  }
0x8e: {  	s15 =	sld [smem:$0x3FFB];
	_ =	sdelay $0x3  }
0x8f: {  	_ =	strace s15  }
0x90: {  	s0 =	sld [smem:$0x3FFC];
	_ =	sdelay $0x3  }
0x91: {  	_ =	strace s0  }
0x92: {  	s0 =	sld [smem:$0x3FFD];
	_ =	sdelay $0x3  }
0x93: {  	_ =	strace s0  }
0x94: {  	_ =	strace $0x8FFFFFFF  }
0x95: {  	s16 =	sld [smem:$0x3FDB];
	_ =	sdelay $0x1  }
0x96: {  	s17 =	simm.s32 $_scs_section_size  }
0x97: {  	s2 =	simm.s32 $_size__tile_overlayer_lowered;
	s3 =	simm.s32 $_tile_overlayer_lowered  }
0x98: {  	s20 =	simm.s32 $0x1BFF;
	s19 =	sshll.u32 s3, $0x1;
	s0 =	sadd.s32 s17, s16  }
0x99: {  	s4 =	simm.s32 $0x0;
	s18 =	sshll.u32 s2, $0x1;
	s2 =	sadd.s32 s19, s0  }
0x9a: {  	[timem:s4], [sflag:s20] =	dma.local [hbm:s2], s18  }
0x9b: {  	_ =	swait.ge [sflag:s20], s18  }
0x9c: {  	s1 =	ssub.s32 $0x0, s18;
	[sflag:s20] =	ssyncset.done $0x0  }
0x9d: {  	[sflag:s20] =	ssyncadd.s32 s1;
	_ =	sdelay $0x1  }
0x9e: {  	s21 =	simm.s32 $0x1B8B  }
0x9f: {  	_ =	swait.ge [sflag:s21], $0x1  }
0xa0: {  	[sflag:s21] =	ssyncset.done $0x0  }
0xa1: {  	s23 =	simm.s32 $0x1B8E;
	s22 =	sld [smem:$0x3FFE];
	[sflag:s21] =	ssyncadd.s32 $0xFFFFFFFF  }
0xa2: {  	s24 =	simm.s32 $execute0_lowered;
	[smem:$0x3FD2] =	sst s23  }
0xa3: {  	s2 =	sshll.u32 s24, $0x1;
	_ =	strace $0x8000005E;
	[dreg:$0x1] =	wrdreg $0xFFFFFFFF  }
0xa4: {  	s25 =	simm.s32 $_size_execute0_lowered;
	s0 =	sadd.s32 s0, s2;
	[dreg:$0x0] =	wrdreg $0x0  }
0xa5: {  	s2 =	sshll.u32 s25, $0x1;
	[dreg:$0x2] =	wrdreg s0  }
0xa6: {  	[dreg:$0x3] =	wrdreg s2  }
0xa7: {  	[dreg:$0x4] =	wrdreg $0xC0  }
0xa8: {  	_ =	task [dreg:s4], $0x5FFFF  }
0xa9: {  	[dreg:$0x1] =	wrdreg $0xFFFFFFFF  }
0xaa: {  	[dreg:$0x0] =	wrdreg $0x60  }
0xab: {  	[dreg:$0x2] =	wrdreg s22  }
0xac: {  	[dreg:$0x3] =	wrdreg $0x9  }
0xad: {  	_ =	task.clear_ibuf [dreg:s4], $0x4FFFF;
	_ =	strace $0x9000005E  }
0xae: {  	s26 =	simm.s32 $0x9;
	_ =	strace $0x80000060  }
0xaf: {  	_ =	swait.ge [sflag:s26], $0x1  }
0xb0: {  	[sflag:s26] =	ssyncadd.s32 $0xFFFFFFFF  }
0xb1: {  	_ =	strace $0x90000060  }
0xb2: {  	_ =	sfence  }
0xb3: {  	s28 =	sld [smem:$0x0];
	_ =	sdelay $0x1  }
0xb4: {  	s29 =	srdreg.scid  }
0xb5: {  	s30 =	sshll.u32 s29, $0xD;
	s31 =	sshrl.u32 s29, $0x2  }
0xb6: {  	s1 =	sand.u32 $0x1, s29;
	s2 =	sand.u32 $0x4000, s30;
	s0 =	sadd.s32 s31, s28  }
0xb7: {  	s1 =	sor.u32 s2, s1;
	s0 =	sshll.u32 s0, $0x11  }
0xb8: {  	s0 =	sor.u32 s0, s1  }
0xb9: {  	s0 =	sadd.s32 $0x8F2B, s0  }
0xba: {  	[sflag:s0] =	ssyncadd.remote.s32 $0x1  }
0xbb: {  	_ =	sfence.sel $0xFFFF  }
0xbc: {  	[dreg:$0x0] =	wrdreg $0xFFFFFFFF;
	(pc) =	sbr.abs _section_cstart, $3  }
0xbd: {  	[dreg:$0x1] =	wrdreg $0xFFFFFFFF  }
0xbe: {  	_ =	task.clear_ibuf [dreg:s4], $0x2FFFF;
	_ =	strace $0x9FFFFFFF  }
0xbf: {  	(tm) =	ssettm $0x7FFFFFFF  }
tec
execute0_lowered:
.L_overlay_start_1:
0x0: {  	(tag) =	ssettag $0x1  }
0x1: {  	s0 =	rddreg [dreg:$0x0];
	s14 =	stileid.u32  }
0x2: {  	_ =	strace $0x8000005F;
	s2 =	simm.s32 $0x1;
	s1 =	smul.u32 $0xC, s14  }
0x3: {  	v1 =	vimm.s32 $0xFFFFFFFF;
	s3 =	smin.u32 s14, $0x8;
	[sflag:s2] =	ssyncpa.u1 $0x0  }
0x4: {  	[tilespmem:$0x10] =	vst v1;
	s1 =	sadd.s32 s3, s1  }
0x5: {  	v0 =	vimm.f32 $0.0e+00;
	p0 =	slt.u32 s14, $0x8;
	[tilespmem:$0x20] =	vst v1;
	s3 =	smul.u32 $0x1F40, s1;
	s1 =	simm.s32 $0x19640  }
0x6: {  	[tilespmem:$0x30] =	vst v0;
	s1 =	simm.s32 @!p0 $0x17700  }
0x7: {  	[tilespmem:$0x40] =	vst v0;
	s1 =	sadd.s32 s1, s3  }
0x8: {  	[tilespmem:$0x50] =	vst v0;
	s4 =	smin.u32 s1, $0x186A00  }
0x9: {  	[tilespmem:$0x60] =	vst v1;
	s9 =	ssub.s32 s4, s3  }
0xa: {  	s7 =	simm.s32 $0x2;
	s8 =	simm.s32 $0x8;
	[tilespmem:$0x70] =	vst v1;
	p0 =	sgt.s32 s9, $0x0  }
0xb: {  	s31 =	simm.s32 $0x9;
	s16 =	simm.s32 $0x0;
	[tilespmem:$0x80] =	vst v1;
	s9 =	simm.s32 @!p0 $0x0  }
0xc: {  	s17 =	simm.s32 $0xF0;
	s18 =	simm.s32 $0xFFFFFFFF;
	v1 =	vimm.s32 $0x0;
	[tilespmem:$0xB0] =	vst v0;
	s5 =	smulhi.u32 $0x10624DD3, s9  }
0xd: {  	s19 =	simm.s32 $0xFFFFC280;
	s20 =	simm.s32 $0xFFFFFFFE;
	s21 =	simm.s32 $0xF;
	[tilespmem:$0x90] =	vst v1  }
0xe: {  	[tilespmem:$0xA0] =	vst v1;
	[sflag:s7] =	ssyncpa.u1 $0x0;
	s7 =	simm.s32 $0x7;
	s10 =	sshrl.u32 s5, $0x9  }
0xf: {  	s25 =	simm.s32 $0x0;
	[sflag:s7] =	ssyncpa.u1 $0x0;
	s11 =	smul.u32 $0x1F40, s10  }
0x10: {  	s24 =	simm.s32 $0x0;
	s6 =	sadd.s32 $0x15FE00, s0;
	[sflag:s8] =	ssyncpa.u1 $0x0  }
.Ltmp0:
0x11: {  	[sflag:s31] =	ssyncpa.u1 $0x0;
	p0 =	sne.s32 s9, s11;
	(pc) =	sbr.rel .LBB2_1-.Ltmp0, $4  }
0x12: {  	s23 =	smov.u32 s3;
	s1 =	sadd.s32 $0x15CC00, s0;
	s2 =	simm.s32 @!p0 $0x0  }
0x13: {  	s5 =	sadd.s32 $0x1C4C00, s0;
	p0 =	por $0x0, $0x0;
	s9 =	sadd.s32 s2, s10  }
0x14: {  	vm0 =	vmmov $0xffff;
	v2 =	vlaneseq.u32;
	s10 =	sshll.u32 s14, $0x1;
	s14 =	sshllo.u32 s14, $0x1;
	s11 =	sadd.s32 $0x1, s9  }
0x15: {  	vm1 =	vmxor vm1, vm1;
	vm2 =	vmmov $0x1;
	vm3 =	vcmask $0x3F3C;
	s12 =	sadd.s32 $0x2, s9;
	s13 =	sor.u32 $0x81, s10;
	s15 =	sor.u32 $0x80, s10  }
.LBB2_9:
0x16: {  	p1 =	slt.u32 s24, $0x3  }
0x17: {  	s0 =	simm.s32 @!p1 $0x2  }
0x18: {  	_ =	swait.ge @!p1 [sflag:s0], $0x1F40  }
0x19: {  	[sflag:s0] =	ssyncset.done @!p1 $0x0  }
0x1a: {  	[sflag:s0] =	ssyncadd.s32 @!p1 $0xFFFFE0C0;
	s0 =	simm.s32 @!p1 $0x9  }
0x1b: {  	_ =	swait.ge @!p1 [sflag:s0], $0x10  }
0x1c: {  	[sflag:s0] =	ssyncset.done @!p1 $0x0  }
0x1d: {  	[sflag:s0] =	ssyncadd.s32 @!p1 $0xFFFFFFF0;
	p1 =	sne.s32 s24, s12  }
.Ltmp1:
0x1e: {  	s2 =	sadd.s32 $0x1F40, s23;
	(pc) =	sbr.rel @!p1 .LBB2_10-.Ltmp1, $4  }
0x1f: {  	s22 =	smov.u32 s3;
	s31 =	sadd.s32 $0x1, s24;
	s17 =	sadd.s32 $0x1F40, s17  }
0x20: {  	s18 =	sadd.s32 $0x1, s18;
	s25 =	smov.u32 s23;
	p2 =	slt.s32 s2, s4  }
0x21: {  	p0 =	por !p0, !p0;
	s19 =	sadd.s32 $0x1F40, s19;
	s22 =	smov.u32 @p2 s2  }
0x22: {  	s20 =	sadd.s32 $0x1, s20;
	s23 =	smov.u32 s22;
	s24 =	smov.u32 s31  }
.LBB2_1:
0x23: {  	p1 =	sge.u32 s24, s9  }
0x24: {  	s0 =	smulhi.u32 @!p1 $0xAAAAAAAB, s24;
	_ =	sdelay $0x1  }
0x25: {  	s0 =	sshrl.u32 @!p1 s0, $0x1  }
0x26: {  	s0 =	smul.u32 @!p1 $0x3, s0;
	_ =	sdelay $0x1  }
0x27: {  	s0 =	ssub.s32 @!p1 s24, s0  }
0x28: {  	s0 =	smul.u32 @!p1 $0x7D00, s0;
	_ =	sdelay $0x1  }
0x29: {  	s2 =	sshrl.u32 @!p1 s23, $0x3;
	s0 =	sshrl.u32 @!p1 s0, $0x2  }
0x2a: {  	s22 =	sand.u32 @!p1 $0x7, s23;
	s2 =	sadd.s32 @!p1 s5, s2;
	s0 =	sadd.s32 @!p1 $0x100, s0  }
0x2b: {  	[tilespmem:s0], [sflag:$0x7] =	stream.linear.gather @!p1 [hbm4b:s2+s22], $0x1F40, $0x38;
	[tilespmem:$0x11A60] =	vst v63  }
0x2c: {  	s0 =	sadd.s32 $0xFFFFFFFF, s24  }
0x2d: {  	p1 =	sge.u32 s0, s9  }
.Ltmp2:
0x2e: {  	_ = 	snop;
	(pc) =	sbr.rel @p1 .LBB2_5-.Ltmp2, $1  }
0x2f: {  	_ =	sdelay $0x3  }
0x30: {  	s2 =	smulhi.u32 $0xAAAAAAAB, s0;
	_ =	sdelay $0x1  }
0x31: {  	s2 =	sshrl.u32 s2, $0x1  }
0x32: {  	s2 =	smul.u32 $0x3, s2;
	_ =	sdelay $0x1  }
0x33: {  	s2 =	ssub.s32 s0, s2  }
0x34: {  	s2 =	smul.u32 $0x7D00, s2  }
0x35: {  	_ =	swait.ge [sflag:s7], $0x1F40  }
0x36: {  	[sflag:s7] =	ssyncset.done $0x0;
	s2 =	sshrl.u32 s2, $0x2  }
0x37: {  	[sflag:s7] =	ssyncadd.s32 $0xFFFFE0C0;
	(ifvalue) =	ssetifvalue $0xFFFFFFFF;
	v3 =	vld.msk [tilespmem:s2+$0x100 ss:$0x1], $0xffff;
	_ =	sdelay $0x2  }
0x38: {  	s30 =	smulhi.u32 $0xAAAAAAAB, s18;
	p1 =	sne.s32 s24, $0x1  }
0x39: {  	v4 =	vimm.s32 @!p1 $0x0  }
0x3a: {  	s2 =	sshrl.u32 s30, $0x1;
	v4 =	vperm.xlane @!p1 v3, v4  }
0x3b: {  	s22 =	sshll.u32 s24, $0x4;
	s2 =	smul.u32 $0xFFFE8900, s2;
	vm4 =	vlt.u32 v3, $0x18800  }
0x3c: {  	s22 =	sand.u32 $0x10, s22;
	v3 =	vnsel vm4, $0xFFFFFFFE, v3;
	vm4 =	vlt.u32 @!p1 v4, $0x18800  }
0x3d: {  	s2 =	sshra.s32 s2, $0x2;
	[tilespmem:s22+$0x60] =	vst v3;
	v3 =	vnsel @!p1 vm4, $0xFFFFFFFE, v4  }
0x3e: {  	s28 =	sadd.s32 s2, s17;
	[tilespmem:$0x80] =	vst @!p1 v3  }
0x3f: {  	v3 =	vld.msk [tilespmem:s28+$0x0 ss:$0x1], $0xffff;
	_ =	sdelay $0x4  }
0x40: {  	(xrf1) =	vunique.msk.u32 $0xffff, v3;
	_ =	sdelay $0xd  }
0x41: {  	v4 =	vimm.s32 $0xFFFFFFFF;
	v5, _, _ =	vpop (xrf1)  }
0x42: {  	vm5 =	vne.s32 v3, v4;
	vm4 =	veq.s32 v5, v2  }
0x43: {  	vm6 =	vlt.u32 v3, $0x18800;
	vm4 =	vmand vm5, vm4  }
0x44: {  	vm4 =	vmand vm6, vm4  }
0x45: {  	v4 =	vnsel vm4, $0xFFFFFFFF, v3  }
0x46: {  	s31 =	sand.u32 $0x1, s0  }
0x47: {  	s0 =	simm.s32 $0x1F40;
	p1 =	seq.s32 s31, $0x1  }
0x48: {  	s0 =	simm.s32 @!p1 $0x0  }
0x49: {  	s26 =	sadd.s32 $0x7DF0, s0;
	(ifvalue) =	ssetifvalue $0xFFFFFFFF  }
0x4a: {  	v3 =	vperm.xlane v3, v1;
	[tilespmem:s26], [sflag:$0x8] =	stream.indirect_vreg.gather [hbm4b:s1+s16], $0x1, v4, vm0, $0x4038;
	v4 =	vnsel vm6, $0xFFFFFFFE, v4;
	[tilespmem:$0x11A60] =	vst v63  }
0x4b: {  	s2 =	simm.s32 $0x0;
	s22 =	sadd.s32 $0xFFFFFFF0, s28;
	[tilespmem:s28+$0x0] =	vst v4  }
.LBB2_3:
0x4c: {  	v4 =	vld.msk [tilespmem:s22+$0x0 ss:$0x1], $0xffff;
	s2 =	sadd.s32 $0x10, s2;
	v5 =	vmov v3;
	s28 =	smov.u32 s22  }
0x4d: {  	p1 =	slt.u32 s2, $0x1F30;
	_ =	sdelay $0x4  }
0x4e: {  	v3 =	vperm.xlane v4, v1;
	(xrf1) =	vunique.msk.u32 $0xffff, v4;
	_ =	sdelay $0xd  }
0x4f: {  	v6, _, _ =	vpop (xrf1)  }
0x50: {  	vm5 =	vne.s32 v4, v5;
	vm4 =	veq.s32 v6, v2  }
0x51: {  	vm6 =	vlt.u32 v4, $0x18800;
	vm4 =	vmand vm5, vm4  }
0x52: {  	vm4 =	vmand vm6, vm4  }
0x53: {  	v4 =	vnsel vm4, $0xFFFFFFFF, v4  }
.Ltmp3:
0x54: {  	v5 =	vnsel vm6, $0xFFFFFFFE, v4;
	(pc) =	sbr.rel @p1 .LBB2_3-.Ltmp3, $3  }
0x55: {  	_ =	sdelay $0x1  }
0x56: {  	s22 =	sadd.s32 $0xFFFFFFF0, s22;
	s26 =	sadd.s32 $0xFFFFFFF0, s26;
	(ifvalue) =	ssetifvalue $0xFFFFFFFF  }
0x57: {  	[tilespmem:s26], [sflag:$0x8] =	stream.indirect_vreg.gather [hbm4b:s1+s16], $0x1, v4, vm0, $0x4038;
	[tilespmem:s28+$0x0] =	vst v5  }
0x58: {  	s2 =	sshrl.u32 s25, $0x3  }
0x59: {  	s0 =	sadd.s32 $0x9D40, s0;
	s2 =	sadd.s32 s6, s2  }
0x5a: {  	[tilespmem:s0], [sflag:$0x8] =	stream.linear.gather [hbm:s2], $0x1F40, $0x38;
	[tilespmem:$0x11A60] =	vst v63  }
.LBB2_5:
0x5b: {  	p1 =	slt.u32 s24, $0x2  }
0x5c: {  	p2 =	sge.u32 @!p1 s24, s12  }
0x5d: {  	p1 =	por p1, p2  }
.Ltmp4:
0x5e: {  	_ = 	snop;
	(pc) =	sbr.rel @p1 .LBB2_9-.Ltmp4, $1  }
0x5f: {  	_ =	sdelay $0x3  }
0x60: {  	s0 =	sadd.s32 $0xFFFFFFFE, s24  }
0x61: {  	s2 =	smulhi.u32 $0xAAAAAAAB, s0;
	_ =	sdelay $0x1  }
0x62: {  	s2 =	sshrl.u32 s2, $0x1  }
0x63: {  	s2 =	smul.u32 $0x3, s2;
	_ =	sdelay $0x1  }
0x64: {  	s0 =	ssub.s32 s0, s2  }
0x65: {  	_ =	swait.ge [sflag:s8], $0x3E80;
	s0 =	smul.u32 $0x1F40, s0  }
0x66: {  	p1 =	sne.s32 s24, s11;
	[sflag:s8] =	ssyncset.done $0x0  }
0x67: {  	[sflag:s8] =	ssyncadd.s32 $0xFFFFC180;
	s2 =	sadd.s32 @!p1 $0x203F, s0  }
0x68: {  	[spmem:s13] =	stream.linear.scatter @!p1 [tilespmem:s2], [sflag:$0x1], $0x1, $0x38;
	[tilespmem:$0x11A60] =	vst v63  }
0x69: {  	s2 =	simm.s32 @!p1 $0x1  }
0x6a: {  	_ =	swait.ge @!p1 [sflag:s2], $0x1  }
0x6b: {  	s22 =	sshll.u32 s24, $0x4;
	[sflag:s2] =	ssyncset.done @!p1 $0x0  }
0x6c: {  	s25 =	sand.u32 $0x10, s22;
	[sflag:s2] =	ssyncadd.s32 @!p1 $0xFFFFFFFF  }
0x6d: {  	s2 =	sxor.u32 $0x10, s25;
	v4 =	vld [tilespmem:s25+$0x10]  }
0x6e: {  	v5 =	vld [tilespmem:s2+$0x60]  }
0x6f: {  	v3 =	vld [tilespmem:$0x80];
	_ =	sdelay $0x2  }
0x70: {  	(v2sf) =	vpush v4, $0x0  }
0x71: {  	(v2sf) =	vpush v5, $0x0  }
0x72: {  	(v2sf) =	vpush v3, $0x0;
	_ =	sdelay $0xc  }
0x73: {  	s22 =	spop (v2sf)  }
0x74: {  	s26 =	spop (v2sf)  }
0x75: {  	s28 =	spop (v2sf)  }
0x76: {  	p2 =	seq.s32 s22, s26;
	p3 =	seq.s32 s28, s22  }
0x77: {  	p3 =	por p2, p3  }
0x78: {  	s26 =	sand.u32 $0x1, s24;
	v4 =	vpsel p3, $0xFFFFFFFF, v4  }
0x79: {  	s29 =	smul.u32 $0x1F40, s26;
	[tilespmem:s25+$0x10] =	vst.msk $0x1, v4  }
0x7a: {  	v4 =	vld [tilespmem:$0x30]  }
0x7b: {  	v5 =	vld [tilespmem:s29+$0x9D40]  }
0x7c: {  	v6 =	vld [tilespmem:s25+$0x40];
	_ =	sdelay $0x3  }
0x7d: {  	vm4 =	vmmov vm1;
	v5 =	vadd.f32 v5, v4  }
0x7e: {  	vm5 =	vmmov vm2;
	vm4 =	vmmov @p2 vm2;
	s22 =	sshll.u32 s26, $0x4;
	v4 =	vadd.f32 v6, v4  }
0x7f: {  	s26 =	sor.u32 $0x11A40, s22;
	vm5 =	vmmov @p3 vm1;
	[tilespmem:s29+$0x9D40] =	vst.msk vm4, v5  }
0x80: {  	[tilespmem:s26+$0x0] =	vst.msk vm5, v4  }
0x81: {  	v4 =	vld [tilespmem:s29+$0x7DF0];
	_ =	sdelay $0x3  }
0x82: {  	v5 =	vimm.f32 $0.0e+00  }
0x83: {  	v4 =	vshift.insert v4, v5, s21  }
0x84: {  	s22 =	sor.u32 $0x40, s2  }
0x85: {  	[tilespmem:s22+$0x0] =	vst.msk $0x1, v4  }
0x86: {  	[tilespmem:s29+$0x7DFF] =	vst.msk $0x1, v5  }
0x87: {  	v4 =	vld [tilespmem:s0+$0x2030];
	_ =	sdelay $0x1  }
0x88: {  	s22 =	smulhi.u32 $0xAAAAAAAB, s20;
	s0 =	simm.s32 $0x1  }
0x89: {  	s0 =	simm.s32 @!p0 $0x0  }
0x8a: {  	s22 =	sshrl.u32 s22, $0x1;
	s0 =	smul.u32 $0x7D00, s0  }
0x8b: {  	s22 =	smul.u32 $0xFFFE8900, s22;
	v4 =	vshift.insert v4, v1, s21  }
0x8c: {  	s0 =	sshrl.u32 s0, $0x2  }
0x8d: {  	s22 =	sshra.s32 s22, $0x2;
	s30 =	sadd.s32 $0x9D40, s0;
	[tilespmem:s2+$0x10] =	vst.msk $0x1, v4  }
0x8e: {  	s22 =	sadd.s32 s22, s19;
	v6 =	vld [tilespmem:s30+$0x0]  }
0x8f: {  	v7 =	vld [tilespmem:s22+$0x0];
	_ =	sdelay $0x3  }
0x90: {  	v5 =	vadd.f32 v6, v5  }
0x91: {  	vm4 =	vne.s32 v7, $0xFFFFFFFF  }
0x92: {  	(xrf2) =	vadd.seg.scan.f32 vm4, v5;
	_ =	sdelay $0x3  }
0x93: {  	s31 =	sadd.s32 $0x5EC0, s0;
	v5 =	vperm.xlane v4, v1  }
0x94: {  	v6 =	vld [tilespmem:s31+$0x0]  }
0x95: {  	vm5 =	veq.s32 v7, v3;
	vm6 =	veq.s32 v7, v5  }
0x96: {  	vm7 =	vgt.u32 v7, $0xFFFFFFFD;
	vm6 =	vmor vm6, vm5  }
0x97: {  	vm6 =	vmor vm6, vm7  }
0x98: {  	v9 =	vld [tilespmem:$0xA0];
	v7 =	vsel vm6, $0xFFFFFFFF, v7  }
0x99: {  	v10 =	vld [tilespmem:$0x90];
	v6 =	vsel vm5, $0x0, v6;
	v8, _, _ =	vpop (xrf2)  }
0x9a: {  	v6 =	vadd.f32 v8, v6  }
0x9b: {  	s0 =	sadd.s32 $0xDBC0, s0  }
0x9c: {  	vm4 =	vmand vm4, vm3;
	[tilespmem:s0+$0x0] =	vst v6;
	(ifvalue) =	ssetifvalue $0xFFFFFFFF  }
0x9d: {  	vm6 =	veq.s32 v9, $0x1;
	[hbm4b:s1+s16] =	stream.indirect_vreg.scatter [tilespmem:s0], [sflag:$0x2], $0x1, v7, vm0, $0x4038;
	v7 =	vsel vm4, $0x0, v8;
	[tilespmem:$0x11A60] =	vst v63  }
0x9e: {  	s2 =	simm.s32 $0x0;
	s22 =	sadd.s32 $0x10, s22;
	vm4 =	vmor vm6, vm5;
	v6 =	vsel vm5, v8, v10;
	v7 =	vshift.insert v7, v0, s21  }
.LBB2_7:
0x9f: {  	v8 =	vld [tilespmem:s22+$0x0];
	s30 =	sadd.s32 $0x10, s30  }
0xa0: {  	s31 =	sadd.s32 $0x10, s31;
	v9 =	vld [tilespmem:s30+$0x0]  }
0xa1: {  	s2 =	sadd.s32 $0x10, s2;
	v10 =	vld [tilespmem:s31+$0x0]  }
0xa2: {  	p2 =	slt.u32 s2, $0x1F30;
	_ =	sdelay $0x2  }
0xa3: {  	v7 =	vadd.f32 v9, v7  }
0xa4: {  	vm5 =	vne.s32 v8, $0xFFFFFFFF  }
0xa5: {  	vm6 =	vmand vm5, vm3;
	(xrf2) =	vadd.seg.scan.f32 vm5, v7;
	_ =	sdelay $0x5  }
0xa6: {  	vm7 =	veq.s32 v8, v5;
	vm5 =	veq.s32 v8, v3  }
0xa7: {  	vm8 =	vgt.u32 v8, $0xFFFFFFFD;
	vm4 =	vmor vm4, vm5;
	vm7 =	vmor vm7, vm5  }
0xa8: {  	vm7 =	vmor vm7, vm8  }
0xa9: {  	v8 =	vsel vm7, $0xFFFFFFFF, v8  }
.Ltmp5:
0xaa: {  	v7 =	vsel vm5, $0x0, v10;
	v9, _, _ =	vpop (xrf2);
	(pc) =	sbr.rel @p2 .LBB2_7-.Ltmp5, $4  }
0xab: {  	v6 =	vsel vm5, v9, v6;
	v10 =	vadd.f32 v9, v7;
	v7 =	vsel vm6, $0x0, v9  }
0xac: {  	s0 =	sadd.s32 $0x10, s0;
	v7 =	vshift.insert v7, v0, s21  }
0xad: {  	s22 =	sadd.s32 $0x10, s22;
	[tilespmem:s0+$0x0] =	vst v10;
	(ifvalue) =	ssetifvalue $0xFFFFFFFF  }
0xae: {  	[hbm4b:s1+s16] =	stream.indirect_vreg.scatter [tilespmem:s0], [sflag:$0x2], $0x1, v8, vm0, $0x4038;
	[tilespmem:$0x11A60] =	vst v63  }
0xaf: {  	v3 =	vld [tilespmem:s29+$0xFAF0];
	_ =	sdelay $0x4  }
0xb0: {  	v3 =	vshift.insert v3, v0, s21  }
0xb1: {  	s0 =	simm.s32 $0x30  }
0xb2: {  	[tilespmem:s0+$0x0] =	vst.msk $0x1, v3  }
0xb3: {  	v3 =	vsel vm4, $0x1, v1;
	[tilespmem:$0x90] =	vst v6  }
0xb4: {  	s0 =	sadd.s32 @!p1 $0xFAFF, s29;
	[tilespmem:$0xA0] =	vst v3  }
0xb5: {  	[spmem:s14] =	stream.linear.scatter @!p1 [tilespmem:s0], [sflag:$0x1], $0x1, $0x38;
	[tilespmem:$0x11A60] =	vst v63  }
0xb6: {  	s0 =	simm.s32 @!p1 $0x1  }
0xb7: {  	v3 =	vmctz.xlane @!p1 vm4;
	_ =	swait.ge @!p1 [sflag:s0], $0x1  }
0xb8: {  	(v2sf) =	vpush @!p1 v4, $0x0  }
0xb9: {  	(v2sf) =	vpush @!p1 v3, $0x0;
	_ =	sdelay $0xd  }
0xba: {  	s2 =	spop @!p1 (v2sf)  }
0xbb: {  	s22 =	spop @!p1 (v2sf)  }
0xbc: {  	p2 =	sne.s32 @!p1 s28, s2;
	p3 =	slt.s32 @!p1 s22, $0xF  }
0xbd: {  	[sflag:s0] =	ssyncset.done @!p1 $0x0;
	p2 =	por p2, p1;
	p3 =	por !p3, p1  }
0xbe: {  	[sflag:s0] =	ssyncadd.s32 @!p1 $0xFFFFFFFF;
	v3 =	vimm.s32 @!p2 $0xFFFFFFFF;
	s22 =	simm.s32 @p3 $0xF  }
0xbf: {  	[tilespmem:$0x80] =	vst @!p2 v3;
	s2 =	sadd.s32 @!p1 $0x90, s22  }
0xc0: {  	[spmem:s10] =	stream.linear.scatter @!p1 [tilespmem:s2], [sflag:$0x1], $0x1, $0x38;
	[tilespmem:$0x11A60] =	vst v63  }
0xc1: {  	_ =	swait.ge @!p1 [sflag:s0], $0x1  }
0xc2: {  	[sflag:s0] =	ssyncset.done @!p1 $0x0  }
0xc3: {  	s2 =	simm.s32 @!p1 $0x80;
	[sflag:s0] =	ssyncadd.s32 @!p1 $0xFFFFFFFF  }
0xc4: {  	[spmem:s15] =	stream.linear.scatter @!p1 [tilespmem:s2], [sflag:$0x1], $0x1, $0x38;
	[tilespmem:$0x11A60] =	vst v63  }
0xc5: {  	_ =	swait.ge @!p1 [sflag:s0], $0x1  }
0xc6: {  	[sflag:s0] =	ssyncset.done @!p1 $0x0  }
0xc7: {  	[sflag:s0] =	ssyncadd.s32 @!p1 $0xFFFFFFFF;
	(ifvalue) =	ssetifvalue $0xFFFFFFFF;
	v3 =	vld [tilespmem:s25+$0x10];
	_ =	sdelay $0x3  }
.Ltmp6:
0xc8: {  	_ = 	snop;
	(pc) =	sbr.rel .LBB2_9-.Ltmp6, $3  }
0xc9: {  	_ =	sdelay $0x1  }
0xca: {  	(ifvalue) =	ssetifvalue $0xFFFFFFFF  }
0xcb: {  	[hbm4b:s1+s16] =	stream.indirect_vreg.scatter [tilespmem:s26], [sflag:$0x9], $0x1, v3, vm0, $0x4038;
	[tilespmem:$0x11A60] =	vst v63  }
.LBB2_10:
0xcc: {  	_ =	sfence.sel $0x180000  }
0xcd: {  	s0 =	simm.s32 $0x7;
	[bflag:$0x0] =	sbarrier.arrive $0xFFFF  }
0xce: {  	s26 =	simm.s32 $0x8;
	[sflag:s0] =	ssyncpa.u1 $0x1  }
0xcf: {  	s28 =	simm.s32 $0x9;
	[sflag:s26] =	ssyncpa.u1 $0x1  }
0xd0: {  	[sflag:s28] =	ssyncpa.u1 $0x1  }
0xd1: {  	_ =	sfence.stream.spmem  }
0xd2: {  	s29 =	simm.s32 $0x3;
	[bflag:$0x0] =	sbarrier.arrive $0xFFFF  }
0xd3: {  	s30 =	simm.s32 $0x4;
	[sflag:s29] =	ssyncpa.u1 $0x1  }
0xd4: {  	s31 =	simm.s32 $0x3C;
	s2 =	stileid.u32;
	[sflag:s30] =	ssyncpa.u1 $0x1  }
0xd5: {  	p0 =	sne.s32 s2, $0x0;
	[sflag:s31] =	ssyncpa.u1 $0x1  }
0xd6: {  	s0 =	simm.s32 @p0 $0x1;
	_ =	sfence @p0  }
0xd7: {  	[sflag:s0] =	ssyncpa.u1 @p0 $0x1;
	s0 =	simm.s32 @p0 $0x2  }
0xd8: {  	[sflag:s0] =	ssyncpa.u1 @p0 $0x1  }
0xd9: {  	_ =	strace @p0 $0x9000005F  }
0xda: {  	[bflag:$0x2] =	sbarrier.arrive @p0 $0xFFFF  }
0xdb: {  	_ =	shalt @p0  }
.LBB2_11:
0xdc: {  	_ =	sfence.stream.spmem;
	s0 =	simm.s32 $0x5  }
0xdd: {  	s2 =	simm.s32 $0x80;
	s3 =	simm.s32 $0xC0;
	[sflag:s0] =	ssyncpa.u1 $0x0  }
0xde: {  	[tilespmem:s3], [sflag:$0x5] =	stream.linear.gather [spmem:s2], $0x20, $0x38;
	[tilespmem:$0x11A60] =	vst v63  }
0xdf: {  	s2 =	simm.s32 $0x0;
	s3 =	simm.s32 $0xE0  }
0xe0: {  	[tilespmem:s3], [sflag:$0x5] =	stream.linear.gather [spmem:s2], $0x20, $0x38;
	[tilespmem:$0x11A60] =	vst v63  }
.Ltmp7:
0xe1: {  	_ = 	snop;
	(pc) =	sbr.rel .LBB2_12-.Ltmp7, $4  }
0xe2: {  	_ =	swait.ge [sflag:s0], $0x40  }
0xe3: {  	[sflag:s0] =	ssyncset.done $0x0  }
0xe4: {  	s31 =	simm.s32 $0x6;
	[sflag:s0] =	ssyncadd.s32 $0xFFFFFFC0  }
0xe5: {  	s4 =	simm.s32 $0x0;
	[sflag:s31] =	ssyncpa.u1 $0x0  }
.LBB2_17:
0xe6: {  	p0 =	sgt.u32 s5, $0x187FF  }
0xe7: {  	s0 =	sshrl.u32 @!p0 s5, $0x3  }
0xe8: {  	s5 =	sand.u32 @!p0 $0x7, s5;
	s6 =	simm.s32 @!p0 $0xB0;
	s0 =	sadd.s32 @!p0 s1, s0  }
0xe9: {  	[tilespmem:s6], [sflag:$0x6] =	stream.linear.gather @!p0 [hbm4b:s0+s5], $0x1, $0x38;
	[tilespmem:$0x11A60] =	vst v63  }
0xea: {  	s0 =	simm.s32 @!p0 $0x6  }
0xeb: {  	_ =	swait.ge @!p0 [sflag:s0], $0x1  }
0xec: {  	[sflag:s0] =	ssyncset.done @!p0 $0x0  }
0xed: {  	[sflag:s0] =	ssyncadd.s32 @!p0 $0xFFFFFFFF  }
0xee: {  	v2 =	vmov @!p0 s4;
	v1 =	vld.msk @!p0 [tilespmem:$0xB0], $0x1;
	_ =	sdelay $0x3  }
0xef: {  	s0 =	simm.s32 @!p0 $0xE0  }
0xf0: {  	[tilespmem:v2+s0+$0x0], v1 =	vst.idx.ret.add.f32.msk @!p0 $0x1, v1  }
0xf1: {  	[tilespmem:s2+$0xC0] =	vst.msk $0x1, v0  }
0xf2: {  	v0 =	vld.msk [tilespmem:s4+$0xE0], $0x1;
	_ =	sdelay $0x4  }
0xf3: {  	[tilespmem:s2+$0xE0] =	vst.msk $0x1, v0;
	s2 =	sadd.s32 $0x1, s2  }
.LBB2_19:
0xf4: {  	s4 =	sadd.s32 $0x1, s4  }
0xf5: {  	p0 =	sne.s32 s4, $0x20  }
.Ltmp8:
0xf6: {  	_ = 	snop;
	(pc) =	sbr.rel @!p0 .LBB2_20-.Ltmp8, $1  }
0xf7: {  	_ =	sdelay $0x3  }
.LBB2_12:
0xf8: {  	v0 =	vld.msk [tilespmem:s4+$0xC0], $0x1;
	_ =	sdelay $0x4  }
0xf9: {  	(v2sf) =	vpush v0, $0x0;
	_ =	sdelay $0xe  }
0xfa: {  	s5 =	spop (v2sf)  }
0xfb: {  	p0 =	seq.s32 s5, $0xFFFFFFFF  }
.Ltmp9:
0xfc: {  	_ = 	snop;
	(pc) =	sbr.rel @p0 .LBB2_19-.Ltmp9, $1  }
0xfd: {  	_ =	sdelay $0x3  }
0xfe: {  	p0 =	slt.s32 s2, $0x1  }
.Ltmp10:
0xff: {  	_ = 	snop;
	(pc) =	sbr.rel @p0 .LBB2_17-.Ltmp10, $1  }
0x100: {  	_ =	sdelay $0x3  }
0x101: {  	s0 =	simm.s32 $0xC0;
	p0 =	por $0x0, $0x0  }
0x102: {  	v1 =	vld.msk @!p0 [tilespmem:s0+$0x0], $0x1;
	_ =	sdelay $0x4  }
0x103: {  	(v2sf) =	vpush @!p0 v1, $0x0;
	_ =	sdelay $0xd  }
0x104: {  	p2 =	sne.s32 s2, $0x1  }
.Ltmp11:
0x105: {  	s6 =	spop @!p0 (v2sf);
	(pc) =	sbr.rel @!p2 .LBB2_16-.Ltmp11, $4  }
0x106: {  	p1 =	seq.s32 @!p0 s5, s6  }
0x107: {  	s6 =	simm.s32 $0x0;
	p1 =	por !p1, p0  }
0x108: {  	s8 =	simm.s32 $0xFFFFFFFF;
	s6 =	simm.s32 @p1 $0xFFFFFFFF  }
0x109: {  	s7 =	simm.s32 $0x1;
	s6 =	smov.u32 @p0 s8  }
.LBB2_15:
0x10a: {  	s8 =	smov.u32 s6;
	p0 =	sne.s32 s6, $0xFFFFFFFF  }
0x10b: {  	s0 =	sadd.s32 $0x1, s0;
	s6 =	smov.u32 s7;
	s7 =	sadd.s32 $0x1, s7  }
0x10c: {  	p1 =	sne.s32 s2, s7;
	v1 =	vld.msk @!p0 [tilespmem:s0+$0x0], $0x1;
	_ =	sdelay $0x4  }
0x10d: {  	(v2sf) =	vpush @!p0 v1, $0x0;
	_ =	sdelay $0xe  }
.Ltmp12:
0x10e: {  	s9 =	spop @!p0 (v2sf);
	(pc) =	sbr.rel @p1 .LBB2_15-.Ltmp12, $4  }
0x10f: {  	p2 =	seq.s32 @!p0 s5, s9  }
0x110: {  	p2 =	por !p2, p0  }
0x111: {  	s6 =	simm.s32 @p2 $0xFFFFFFFF  }
0x112: {  	s6 =	smov.u32 @p0 s8  }
.LBB2_16:
0x113: {  	p0 =	sne.s32 s6, $0xFFFFFFFF  }
.Ltmp13:
0x114: {  	_ = 	snop;
	(pc) =	sbr.rel @!p0 .LBB2_17-.Ltmp13, $1  }
0x115: {  	_ =	sdelay $0x3  }
0x116: {  	v0 =	vld.msk [tilespmem:s4+$0xE0], $0x1;
	v1 =	vmov s6  }
.Ltmp14:
0x117: {  	_ = 	snop;
	(pc) =	sbr.rel .LBB2_19-.Ltmp14, $2  }
0x118: {  	_ =	sdelay $0x2  }
0x119: {  	[tilespmem:v1+s3+$0x0], v0 =	vst.idx.ret.add.f32.msk $0x1, v0  }
.LBB2_20:
0x11a: {  	p0 =	slt.s32 s2, $0x1  }
.Ltmp15:
0x11b: {  	_ = 	snop;
	(pc) =	sbr.rel @p0 .LBB2_24-.Ltmp15, $3  }
0x11c: {  	_ =	sdelay $0x1  }
0x11d: {  	s0 =	simm.s32 $0x6  }
0x11e: {  	s3 =	simm.s32 $0x0;
	[sflag:s0] =	ssyncpa.u1 $0x1  }
0x11f: {  	s0 =	simm.s32 $0xC0  }
0x120: {  	v0 =	vld.msk [tilespmem:s0+$0x0], $0x1;
	_ =	sdelay $0x4  }
0x121: {  	(v2sf) =	vpush v0, $0x0;
	_ =	sdelay $0xe  }
0x122: {  	s2 =	sadd.s32 $0xFFFFFFFF, s2;
	s4 =	spop (v2sf)  }
0x123: {  	p1 =	sne.s32 s2, $0x0;
	p0 =	sgt.u32 s4, $0x187FF  }
.Ltmp16:
0x124: {  	s5 =	sshrl.u32 @!p0 s4, $0x3;
	(pc) =	sbr.rel @!p1 .LBB2_23-.Ltmp16, $4  }
0x125: {  	s0 =	simm.s32 $0xE0;
	s4 =	sand.u32 @!p0 $0x7, s4;
	s5 =	sadd.s32 @!p0 s1, s5  }
0x126: {  	[hbm4b:s5+s4] =	stream.linear.scatter @!p0 [tilespmem:s0], [sflag:$0x5], $0x1, $0x38;
	[tilespmem:$0x11A60] =	vst v63  }
0x127: {  	s5 =	simm.s32 $0x0  }
0x128: {  	s4 =	simm.s32 $0xC1;
	s5 =	simm.s32 @!p0 $0x4  }
.LBB2_22:
0x129: {  	v0 =	vld.msk [tilespmem:s4+$0x0], $0x1;
	s2 =	sadd.s32 $0xFFFFFFFF, s2;
	s3 =	sadd.s32 s3, s5  }
0x12a: {  	p0 =	sne.s32 s2, $0x0;
	_ =	sdelay $0x3  }
0x12b: {  	(v2sf) =	vpush v0, $0x0;
	_ =	sdelay $0xe  }
.Ltmp17:
0x12c: {  	s6 =	spop (v2sf);
	(pc) =	sbr.rel @p0 .LBB2_22-.Ltmp17, $4  }
0x12d: {  	s5 =	simm.s32 $0x0;
	p1 =	sgt.u32 s6, $0x187FF  }
0x12e: {  	s0 =	sadd.s32 $0x1, s0;
	s5 =	simm.s32 @!p1 $0x4;
	s7 =	sshrl.u32 @!p1 s6, $0x3  }
0x12f: {  	s4 =	sadd.s32 $0x1, s4;
	s6 =	sand.u32 @!p1 $0x7, s6;
	s7 =	sadd.s32 @!p1 s1, s7  }
0x130: {  	[hbm4b:s7+s6] =	stream.linear.scatter @!p1 [tilespmem:s0], [sflag:$0x5], $0x1, $0x38;
	[tilespmem:$0x11A60] =	vst v63  }
.LBB2_23:
0x131: {  	s0 =	sadd.s32 s3, s5  }
0x132: {  	s3 =	sshrl.u32 s0, $0x2  }
.LBB2_24:
0x133: {  	s0 =	simm.s32 $0x5  }
0x134: {  	_ =	swait.ge [sflag:s0], s3  }
0x135: {  	s1 =	ssub.s32 $0x0, s3;
	[sflag:s0] =	ssyncset.done $0x0  }
0x136: {  	[sflag:s0] =	ssyncadd.s32 s1  }
0x137: {  	[sflag:s0] =	ssyncpa.u1 $0x1  }
0x138: {  	s29 =	simm.s32 $0x1;
	_ =	sfence  }
0x139: {  	s30 =	simm.s32 $0x2;
	[sflag:s29] =	ssyncpa.u1 $0x1  }
0x13a: {  	[sflag:s30] =	ssyncpa.u1 $0x1  }
0x13b: {  	_ =	strace $0x9000005F  }
0x13c: {  	[bflag:$0x2] =	sbarrier.arrive $0xFFFF  }
0x13d: {  	s31 =	rddreg [dreg:$0x1]  }
0x13e: {  	s0 =	sadd.s32 $0x100000, s31  }
0x13f: {  	[sflag:s0] =	ssyncadd.tile.s32 $0x1;
	_ =	shalt  }
.Lfunc_end2:
_tile_overlayer_lowered:
.L_overlay_start_2:
0x140: {  	(tag) =	ssettag $0x2  }
0x141: {  	s0 =	rddreg [dreg:$0x0];
	s2 =	stileid.u32  }
0x142: {  	s1 =	rddreg [dreg:$0x1];
	p0 =	sne.s32 s2, $0x0  }
0x143: {  	s3 =	rddreg [dreg:$0x2];
	[bflag:$0x3] =	sbarrier.arrive $0xFFFF;
	s2 =	simm.s32 @!p0 $0x1C01  }
0x144: {  	[timem:s3], [sflag:s2] =	dma.local @!p0 [hbm:s0], s1  }
0x145: {  	s0 =	simm.s32 @!p0 $0x1  }
0x146: {  	_ =	swait.ge @!p0 [sflag:s0], s1  }
0x147: {  	s1 =	ssub.s32 @!p0 $0x0, s1;
	[sflag:s0] =	ssyncset.done @!p0 $0x0  }
0x148: {  	[sflag:s0] =	ssyncadd.s32 @!p0 s1  }
0x149: {  	[bflag:$0x3] =	sbarrier.arrive $0xFFFF  }
0x14a: {  	_ =	shalt  }

// kernel: scatter_offload_async_start.4
scs
__scs_entry_jumppad:
0x0: {  	(pc) =	sbr.rel $0x88, $3  }
0x1: {  	(tag) =	ssettag $0x0;
	lr =	simm.s32 $0x1  }
0x2: {  	[smem:$0x3F91] =	sst lr;
	_ =	strace $0xD0000000  }
0x3: {  	_ = 	snop  }
0x4: {  	_ = 	snop  }
0x5: {  	_ = 	snop  }
0x6: {  	_ = 	snop  }
0x7: {  	_ = 	snop  }
__scs_overlays_trampoline_lowered:
0x8: {  	[smem:$0x3FA0] =	sst s0  }
0x9: {  	[smem:$0x3FA1] =	sst s1  }
0xa: {  	[smem:$0x3FA2] =	sst s2  }
0xb: {  	[smem:$0x3FA3] =	sst s3  }
0xc: {  	[smem:$0x3FA4] =	sst s4  }
0xd: {  	[smem:$0x3FA5] =	sst s5  }
0xe: {  	[smem:$0x3FA6] =	sst s6  }
0xf: {  	[smem:$0x3FA7] =	sst s7  }
0x10: {  	[smem:$0x3FA8] =	sst s8  }
0x11: {  	[smem:$0x3FA9] =	sst s9;
	s0 =	simm.s32 @!p0 $0x0  }
0x12: {  	s1 =	sld [smem:$0x3F8F];
	s0 =	simm.s32 @p0 $0x1  }
0x13: {  	[smem:$0x3FAA] =	sst s0;
	s0 =	simm.s32 @!p1 $0x0  }
0x14: {  	s2 =	sld [smem:$0x3F8E];
	s0 =	simm.s32 @p1 $0x1  }
0x15: {  	[smem:$0x3FAB] =	sst s0;
	s0 =	simm.s32 @!p2 $0x0  }
0x16: {  	s3 =	sld [smem:$0x3FDB];
	s0 =	simm.s32 @p2 $0x1  }
0x17: {  	s4 =	simm.s32 $0x1BF5;
	[smem:$0x3FAD] =	sst s0  }
0x18: {  	s0 =	sld [smem:$0x3F90];
	_ =	swait.ge [sflag:s4], $0x0  }
0x19: {  	s7 =	sld [smem:$0x3F91]  }
0x1a: {  	s8 =	sadd.s32 $0xFFFFE003, lr  }
0x1b: {  	s9 =	sadd.s32 $0xFFFFFEF7, lr;
	s5 =	simm.s32 $0xFFFFFFFF;
	p2 =	slt.u32 s8, $0xFFFFF086  }
0x1c: {  	p1 =	slt.u32 s9, $0xF7A;
	s5 =	simm.s32 @!p2 $0x0  }
0x1d: {  	s5 =	simm.s32 @p1 $0x1;
	p0 =	seq.s32 s7, s2  }
0x1e: {  	s7 =	smul.u32 @!p0 $0xF7A, s2;
	p2 =	seq.s32 @!p0 s5, $0x0  }
0x1f: {  	s9 =	smul.u32 $0xF7A, s1;
	s8 =	simm.s32 @!p0 $0x1BF5;
	p2 =	por !p2, p0  }
0x20: {  	[sflag:s8] =	ssyncset.s32 @!p0 $0xFFFFF086;
	s6 =	sadd.s32 @!p0 s3, s7;
	s7 =	simm.s32 @!p0 $0x108  }
0x21: {  	s3 =	sadd.s32 s3, s9;
	s6 =	sadd.s32 @!p0 $0x88, s6;
	s7 =	simm.s32 @p2 $0x1082  }
0x22: {  	[simem:s7], [sflag:s8] =	dma.local @!p0 [hbm:s6], $0xF7A  }
0x23: {  	s9 =	sor.u32 $0xD0000000, s2;
	s6 =	simm.s32 $0x108;
	_ =	swait.ge @!p0 [sflag:s8], $0x0  }
0x24: {  	s3 =	sadd.s32 $0x88, s3;
	s6 =	simm.s32 @!p1 $0x1082;
	[sflag:s4] =	ssyncset.s32 $0xFFFFF086  }
0x25: {  	[simem:s6], [sflag:s4] =	dma.local [hbm:s3], $0xF7A  }
0x26: {  	[smem:$0x3F91] =	sst s1;
	(tag) =	ssettag s2;
	_ =	strace s9  }
0x27: {  	s1 =	sld [smem:$0x3FA1]  }
0x28: {  	s2 =	sld [smem:$0x3FA2]  }
0x29: {  	s4 =	sld [smem:$0x3FA4]  }
0x2a: {  	p0 =	seq.s32 s5, $0x0;
	s5 =	sld [smem:$0x3FA5]  }
0x2b: {  	s6 =	sld [smem:$0x3FA6]  }
0x2c: {  	s7 =	sld [smem:$0x3FA7]  }
0x2d: {  	s3 =	simm.s32 $0x108;
	s8 =	sld [smem:$0x3FA8]  }
0x2e: {  	s3 =	simm.s32 @!p0 $0x1082;
	s9 =	sld [smem:$0x3FA9]  }
0x2f: {  	lr =	sadd.s32 s0, s3;
	s0 =	sld [smem:$0x3FA0]  }
0x30: {  	s3 =	sld [smem:$0x3FA3]  }
0x31: {  	[smem:$0x3FAC] =	sst s10  }
0x32: {  	s10 =	sld [smem:$0x3FAA];
	_ =	sdelay $0x3  }
0x33: {  	p0 =	seq.s32 s10, $0x1;
	s10 =	sld [smem:$0x3FAC];
	_ =	sdelay $0x3  }
0x34: {  	[smem:$0x3FAC] =	sst s10  }
0x35: {  	s10 =	sld [smem:$0x3FAB];
	_ =	sdelay $0x3  }
0x36: {  	p1 =	seq.s32 s10, $0x1;
	s10 =	sld [smem:$0x3FAC];
	_ =	sdelay $0x3  }
0x37: {  	[smem:$0x3FAC] =	sst s10  }
0x38: {  	s10 =	sld [smem:$0x3FAD]  }
0x39: {  	_ = 	snop;
	(pc) =	sbr.ind lr, $3  }
0x3a: {  	_ = 	snop  }
0x3b: {  	_ = 	snop  }
0x3c: {  	p2 =	seq.s32 s10, $0x1;
	s10 =	sld [smem:$0x3FAC]  }
0x3d: {  	_ =	shalt  }
0x3e: {  	_ =	shalt  }
0x3f: {  	_ =	shalt  }
0x40: {  	_ =	shalt  }
0x41: {  	_ =	shalt  }
0x42: {  	_ =	shalt  }
0x43: {  	_ =	shalt  }
0x44: {  	_ =	shalt  }
0x45: {  	_ =	shalt  }
0x46: {  	_ =	shalt  }
0x47: {  	_ =	shalt  }
0x48: {  	_ =	shalt  }
0x49: {  	_ =	shalt  }
0x4a: {  	_ =	shalt  }
0x4b: {  	_ =	shalt  }
0x4c: {  	_ =	shalt  }
0x4d: {  	_ =	shalt  }
0x4e: {  	_ =	shalt  }
0x4f: {  	_ =	shalt  }
0x50: {  	_ =	shalt  }
0x51: {  	_ =	shalt  }
0x52: {  	_ =	shalt  }
0x53: {  	_ =	shalt  }
0x54: {  	_ =	shalt  }
0x55: {  	_ =	shalt  }
0x56: {  	_ =	shalt  }
0x57: {  	_ =	shalt  }
0x58: {  	_ =	shalt  }
0x59: {  	_ =	shalt  }
0x5a: {  	_ =	shalt  }
0x5b: {  	_ =	shalt  }
0x5c: {  	_ =	shalt  }
0x5d: {  	_ =	shalt  }
0x5e: {  	_ =	shalt  }
0x5f: {  	_ =	shalt  }
0x60: {  	_ =	shalt  }
0x61: {  	_ =	shalt  }
0x62: {  	_ =	shalt  }
0x63: {  	_ =	shalt  }
0x64: {  	_ =	shalt  }
0x65: {  	_ =	shalt  }
0x66: {  	_ =	shalt  }
0x67: {  	_ =	shalt  }
0x68: {  	_ =	shalt  }
0x69: {  	_ =	shalt  }
0x6a: {  	_ =	shalt  }
0x6b: {  	_ =	shalt  }
0x6c: {  	_ =	shalt  }
0x6d: {  	_ =	shalt  }
0x6e: {  	_ =	shalt  }
0x6f: {  	_ =	shalt  }
0x70: {  	_ =	shalt  }
0x71: {  	_ =	shalt  }
0x72: {  	_ =	shalt  }
0x73: {  	_ =	shalt  }
0x74: {  	_ =	shalt  }
0x75: {  	_ =	shalt  }
0x76: {  	_ =	shalt  }
0x77: {  	_ =	shalt  }
0x78: {  	_ =	shalt  }
0x79: {  	_ =	shalt  }
0x7a: {  	_ =	shalt  }
0x7b: {  	_ =	shalt  }
0x7c: {  	_ =	shalt  }
0x7d: {  	_ =	shalt  }
0x7e: {  	_ =	shalt  }
0x7f: {  	_ =	shalt  }
0x80: {  	_ =	shalt  }
0x81: {  	_ =	shalt  }
0x82: {  	_ =	shalt  }
0x83: {  	_ =	shalt  }
0x84: {  	_ =	shalt  }
0x85: {  	_ =	shalt  }
0x86: {  	_ =	shalt  }
0x87: {  	_ =	shalt  }
.Lfunc_end0:
.L_simem_size_0:
called_computation.4_lowered:
.L_overlay_start_0:
0x88: {  	s2 =	sld [smem:$0x3FD9]  }
0x89: {  	s3 =	sld [smem:$0x3FFE];
	_ =	sdelay $0x1  }
0x8a: {  	s1 =	srdreg.scid  }
0x8b: {  	s0 =	sand.u32 $0x1, s1  }
0x8c: {  	s17 =	sshll.u32 s0, $0xA;
	s2 =	sadd.s32 s3, s2  }
0x8d: {  	s2 =	sadd.s32 s2, s17  }
0x8e: {  	[smem:$0x3FB8] =	sst s2  }
0x8f: {  	_ = 	snop  }
0x90: {  	s18 =	sld [smem:$0x3FD0];
	(tm) =	ssettm $0x1  }
0x91: {  	s19 =	sld [smem:$0x3FFB];
	_ =	sdelay $0x3  }
0x92: {  	_ =	strace s19  }
0x93: {  	s2 =	sld [smem:$0x3FFC];
	_ =	sdelay $0x3  }
0x94: {  	_ =	strace s2  }
0x95: {  	s2 =	sld [smem:$0x3FFD];
	_ =	sdelay $0x3  }
0x96: {  	_ =	strace s2  }
0x97: {  	_ =	strace $0x8FFFFFFF  }
0x98: {  	s20 =	sld [smem:$0x3FDB];
	_ =	sdelay $0x1  }
0x99: {  	s4 =	simm.s32 $_scs_section_size  }
0x9a: {  	s5 =	simm.s32 $_size__tile_overlayer_lowered;
	s6 =	simm.s32 $_tile_overlayer_lowered  }
0x9b: {  	s7 =	simm.s32 $0x1BFF;
	s21 =	sshll.u32 s6, $0x1;
	s4 =	sadd.s32 s4, s20  }
0x9c: {  	s22 =	simm.s32 $0x0;
	s5 =	sshll.u32 s5, $0x1;
	s6 =	sadd.s32 s21, s4  }
0x9d: {  	[timem:s22], [sflag:s7] =	dma.local [hbm:s6], s5  }
0x9e: {  	_ =	swait.ge [sflag:s7], s5  }
0x9f: {  	s5 =	ssub.s32 $0x0, s5;
	[sflag:s7] =	ssyncset.done $0x0  }
0xa0: {  	[sflag:s7] =	ssyncadd.s32 s5;
	_ =	sdelay $0x1  }
0xa1: {  	s23 =	simm.s32 $0x1B8B  }
0xa2: {  	_ =	swait.ge [sflag:s23], $0x1  }
0xa3: {  	[sflag:s23] =	ssyncset.done $0x0  }
0xa4: {  	[sflag:s23] =	ssyncadd.s32 $0xFFFFFFFF  }
0xa5: {  	s5 =	sld [smem:$0x0]  }
0xa6: {  	s6 =	sand.u32 $0xFFFFFFFE, s1  }
0xa7: {  	p0 =	sne.s32 s1, s6  }
0xa8: {  	s6 =	sshll.u32 @p0 s6, $0xE  }
0xa9: {  	s6 =	sadd.s32 @p0 $0x11B8D, s6;
	s7 =	sshll.u32 @p0 s5, $0x11  }
0xaa: {  	s6 =	sor.u32 @p0 s7, s6  }
0xab: {  	[sflag:s6] =	ssyncadd.remote.s32 @p0 $0x1;
	_ =	sdelay $0x1  }
0xac: {  	s6 =	simm.s32 @p0 $0x1B8D  }
0xad: {  	_ =	swait.eq @p0 [sflag:s6], $0x1  }
0xae: {  	[sflag:s6] =	ssyncadd.s32 @p0 $0xFFFFFFFF  }
0xaf: {  	s7 =	sshll.u32 @!p0 s1, $0xE  }
0xb0: {  	s7 =	sor.u32 @!p0 $0x4000, s7;
	s6 =	simm.s32 @!p0 $0x1B8D  }
0xb1: {  	s8 =	sshll.u32 @!p0 s5, $0x11;
	s7 =	sadd.s32 @!p0 $0x11B8D, s7;
	_ =	swait.eq @!p0 [sflag:s6], $0x1  }
0xb2: {  	[sflag:s6] =	ssyncadd.s32 @!p0 $0xFFFFFFFF;
	s6 =	sor.u32 @!p0 s8, s7  }
0xb3: {  	s25 =	simm.s32 $0x1B8E;
	s24 =	sld [smem:$0x3FFE];
	[sflag:s6] =	ssyncadd.remote.s32 @!p0 $0x1  }
0xb4: {  	s26 =	simm.s32 $execute0_lowered;
	[smem:$0x3FD2] =	sst s25  }
0xb5: {  	s7 =	sshll.u32 s26, $0x1;
	_ =	strace $0x80000061;
	[dreg:$0x1] =	wrdreg $0xFFFFFFFF  }
0xb6: {  	s28 =	simm.s32 $_size_execute0_lowered;
	s4 =	sadd.s32 s4, s7;
	[dreg:$0x0] =	wrdreg $0x0  }
0xb7: {  	s7 =	sshll.u32 s28, $0x1;
	[dreg:$0x2] =	wrdreg s4  }
0xb8: {  	[dreg:$0x3] =	wrdreg s7  }
0xb9: {  	[dreg:$0x4] =	wrdreg $0xC0  }
0xba: {  	_ =	task [dreg:s22], $0x5FFFF  }
0xbb: {  	[dreg:$0x1] =	wrdreg $0xFFFFFFFF  }
0xbc: {  	[dreg:$0x0] =	wrdreg $0x60  }
0xbd: {  	[dreg:$0x2] =	wrdreg s24  }
0xbe: {  	[dreg:$0x3] =	wrdreg s18  }
0xbf: {  	[dreg:$0x4] =	wrdreg s1  }
0xc0: {  	[dreg:$0x5] =	wrdreg s5  }
0xc1: {  	[dreg:$0x6] =	wrdreg $0xA  }
0xc2: {  	_ =	task.clear_ibuf [dreg:s22], $0x7FFFF;
	_ =	strace $0x90000061  }
0xc3: {  	s29 =	simm.s32 $0xA;
	_ =	strace $0x80000063  }
0xc4: {  	_ =	swait.ge [sflag:s29], $0x1  }
0xc5: {  	[sflag:s29] =	ssyncadd.s32 $0xFFFFFFFF  }
0xc6: {  	_ =	strace $0x90000063  }
0xc7: {  	_ =	sfence  }
0xc8: {  	s30 =	sld [smem:$0x0];
	_ =	sdelay $0x2  }
0xc9: {  	s31 =	sshll.u32 s1, $0xD;
	s1 =	sshrl.u32 s1, $0x2  }
0xca: {  	s4 =	sand.u32 $0x4000, s31;
	s1 =	sadd.s32 s1, s30  }
0xcb: {  	s0 =	sor.u32 s4, s0;
	s1 =	sshll.u32 s1, $0x11  }
0xcc: {  	s0 =	sor.u32 s1, s0  }
0xcd: {  	s0 =	sadd.s32 $0x8F2B, s0  }
0xce: {  	[sflag:s0] =	ssyncadd.remote.s32 $0x1  }
0xcf: {  	_ =	sfence.sel $0xFFFF  }
0xd0: {  	[dreg:$0x0] =	wrdreg $0xFFFFFFFF;
	(pc) =	sbr.abs _section_cstart, $3  }
0xd1: {  	[dreg:$0x1] =	wrdreg $0xFFFFFFFF  }
0xd2: {  	_ =	task.clear_ibuf [dreg:s22], $0x2FFFF;
	_ =	strace $0x9FFFFFFF  }
0xd3: {  	(tm) =	ssettm $0x7FFFFFFF  }
tec
execute0_lowered:
.L_overlay_start_1:
0x0: {  	(tag) =	ssettag $0x1  }
0x1: {  	s2 =	rddreg [dreg:$0x0]  }
0x2: {  	s0 =	rddreg [dreg:$0x1]  }
0x3: {  	s4 =	rddreg [dreg:$0x2];
	_ =	strace $0x80000062;
	s1 =	simm.s32 $0x1  }
0x4: {  	s3 =	simm.s32 $0x88;
	v0 =	vimm.s32 $0x0;
	[sflag:s1] =	ssyncpa.u1 $0x0  }
0x5: {  	[tilespmem:s3+$0x30] =	vst v0  }
0x6: {  	s1 =	sadd.s32 $0x1F5A00, s2;
	s6 =	sadd.s32 $0x200B800, s2;
	[tilespmem:s3+$0x20] =	vst v0  }
0x7: {  	s2 =	sadd.s32 $0x193E00, s2;
	s7 =	sand.u32 $0x1, s4;
	s4 =	simm.s32 $0x40;
	[tilespmem:s3+$0x10] =	vst v0  }
.LBB2_1:
0x8: {  	s4 =	sadd.s32 $0x40, s4  }
0x9: {  	[tilespmem:s3+$0x0] =	vst v0;
	s3 =	sadd.s32 $0x40, s3;
	p0 =	slt.u32 s4, $0x5040  }
.Ltmp0:
0xa: {  	(pc) =	sbr.rel @p0 .LBB2_1-.Ltmp0, $4  }
0xb: {  	_ = 	snop  }
0xc: {  	[tilespmem:s3+$0x30] =	vst v0  }
0xd: {  	[tilespmem:s3+$0x20] =	vst v0  }
0xe: {  	[tilespmem:s3+$0x10] =	vst v0  }
0xf: {  	s8 =	stileid.u32  }
0x10: {  	s4 =	smul.u32 $0x9C, s8  }
0x11: {  	s5 =	smin.u32 s8, $0x4  }
0x12: {  	s4 =	sadd.s32 s5, s4  }
0x13: {  	p0 =	slt.u32 s8, $0x4;
	s12 =	smul.u32 $0x140, s4;
	s4 =	simm.s32 $0xC440  }
0x14: {  	s4 =	simm.s32 @!p0 $0xC300  }
0x15: {  	s25 =	simm.s32 $0x2;
	s4 =	sadd.s32 s4, s12  }
0x16: {  	s28 =	simm.s32 $0x9;
	s9 =	simm.s32 $0xA;
	s14 =	smin.u32 s4, $0xC3500  }
0x17: {  	s30 =	simm.s32 $0xB;
	[dreg:$0x5] =	wrdreg s7;
	s4 =	ssub.s32 s14, s12  }
0x18: {  	s31 =	smul.u32 $0x186A0, s7;
	s13 =	simm.s32 $0x1;
	p0 =	sgt.s32 s4, $0x0  }
0x19: {  	s19 =	simm.s32 $0x0;
	s20 =	simm.s32 $0xA808;
	s4 =	simm.s32 @!p0 $0x0  }
0x1a: {  	s21 =	simm.s32 $0xFFFFFFFF;
	p1 =	por $0x0, $0x0;
	s26 =	smulhi.u32 $0x66666667, s4  }
0x1b: {  	[tilespmem:s3+$0x0] =	vst v0;
	s23 =	simm.s32 $0x0;
	[sflag:s25] =	ssyncpa.u1 $0x0;
	s18 =	sshll.u32 s8, $0x7  }
0x1c: {  	s0 =	sadd.s32 s31, s0;
	[dreg:$0xb] =	wrdreg s18;
	s3 =	sshrl.u32 s26, $0x7  }
0x1d: {  	v0 =	vimm.s32 $0xFFFFFFFF;
	s17 =	sadd.s32 s31, s2;
	[dreg:$0xa] =	wrdreg s0;
	s29 =	smul.u32 $0x140, s3  }
0x1e: {  	s25 =	simm.s32 $0x0;
	[tilespmem:$0xA108] =	vst v0;
	[sflag:s28] =	ssyncpa.u1 $0x0;
	[dreg:$0x9] =	wrdreg s17  }
.Ltmp1:
0x1f: {  	p0 =	sne.s32 s4, s29;
	s4 =	simm.s32 $0x1;
	(pc) =	sbr.rel .LBB2_3-.Ltmp1, $4  }
0x20: {  	[sflag:s9] =	ssyncpa.u1 $0x0;
	[dreg:$0x6] =	wrdreg s12;
	s4 =	simm.s32 @!p0 $0x0  }
0x21: {  	[sflag:s30] =	ssyncpa.u1 $0x0;
	[dreg:$0x7] =	wrdreg s14;
	s15 =	sadd.s32 s4, s3  }
0x22: {  	s24 =	smov.u32 s12;
	s22 =	sadd.s32 $0x1, s15;
	[dreg:$0x8] =	wrdreg s15  }
0x23: {  	v0 =	vlaneseq.u32;
	s26 =	simm.s32 $0x0;
	p0 =	por $0x1, $0x1;
	[dreg:$0xc] =	wrdreg s22  }
.LBB2_22:
0x24: {  	s0 =	sshrl.u32 s3, $0x2  }
.LBB2_24:
0x25: {  	s3 =	simm.s32 $0xC  }
0x26: {  	_ =	swait.ge [sflag:s3], s0  }
0x27: {  	s31 =	ssub.s32 $0x0, s0;
	v1 =	vmov s4;
	vm0 =	veq.s32 v0, $0x0;
	[sflag:s3] =	ssyncset.done $0x0  }
0x28: {  	vm15 =	veq.s32 v0, $0x2;
	v1 =	vsel vm0, s2, v1;
	[sflag:s3] =	ssyncadd.s32 s31  }
0x29: {  	v1 =	vsel vm15, s26, v1;
	[sflag:s3] =	ssyncpa.u1 $0x1  }
0x2a: {  	[tilespmem:$0xA108] =	vst v1  }
.LBB2_25:
0x2b: {  	s0 =	sadd.s32 $0x140, s24  }
0x2c: {  	s2 =	smov.u32 s12;
	p2 =	slt.s32 s0, s14  }
0x2d: {  	s2 =	smov.u32 @p2 s0;
	p2 =	sne.s32 s25, s22  }
.Ltmp2:
0x2e: {  	_ = 	snop;
	(pc) =	sbr.rel @!p2 .LBB2_26-.Ltmp2, $4  }
0x2f: {  	_ = 	snop  }
0x30: {  	s26 =	smov.u32 s23;
	s31 =	sadd.s32 $0x1, s25;
	p0 =	por !p0, !p0  }
0x31: {  	s23 =	smov.u32 s24;
	s20 =	sadd.s32 $0x140, s20;
	s21 =	sadd.s32 $0x1, s21  }
0x32: {  	p1 =	por !p1, !p1;
	s25 =	smov.u32 s31;
	s24 =	smov.u32 s2  }
.LBB2_3:
0x33: {  	p2 =	sge.u32 s25, s15  }
0x34: {  	s0 =	smulhi.u32 @!p2 $0xAAAAAAAB, s25  }
0x35: {  	s2 =	smov.u32 s24;
	p3 =	sgt.s32 @!p2 s24, $0xC33C0  }
0x36: {  	s3 =	sshra.s32 @!p2 s24, $0x1F;
	p3 =	por !p3, p2;
	s0 =	sshrl.u32 @!p2 s0, $0x1  }
0x37: {  	s3 =	sand.u32 @!p2 s3, s24;
	s2 =	simm.s32 @p3 $0xC33C0;
	s0 =	smul.u32 @!p2 $0x3, s0  }
0x38: {  	s2 =	ssub.s32 @!p2 s2, s3  }
0x39: {  	s2 =	sadd.s32 @!p2 $0xFFF3CC40, s2;
	s0 =	ssub.s32 @!p2 s25, s0  }
0x3a: {  	s3 =	sshll.u32 @!p2 s2, $0x2;
	p3 =	sgt.s32 @!p2 s2, $0x13F;
	s0 =	smul.u32 @!p2 $0x500, s0  }
0x3b: {  	s4 =	sand.u32 @!p2 $0x7, s24;
	s2 =	ssub.s32 @!p2 $0x500, s3;
	p3 =	por !p3, p2  }
0x3c: {  	s3 =	sshrl.u32 @!p2 s24, $0x3;
	s2 =	sshrl.u32 @!p2 s2, $0x2;
	s0 =	sshrl.u32 @!p2 s0, $0x2  }
0x3d: {  	s3 =	sadd.s32 @!p2 s3, s17;
	s2 =	simm.s32 @!p3 $0x0;
	s0 =	sadd.s32 @!p2 $0xA948, s0  }
0x3e: {  	[tilespmem:s0], [sflag:$0xA] =	stream.linear.gather @!p2 [hbm4b:s3+s4], s2, $0x38;
	[tilespmem:$0x1EF88] =	vst v63  }
0x3f: {  	s0 =	sadd.s32 $0xFFFFFFFF, s25  }
0x40: {  	p2 =	sge.u32 s0, s15  }
.Ltmp3:
0x41: {  	_ = 	snop;
	(pc) =	sbr.rel @p2 .LBB2_7-.Ltmp3, $1  }
0x42: {  	_ =	sdelay $0x3  }
0x43: {  	p2 =	sgt.s32 s23, $0xC33C0;
	s2 =	smov.u32 s23;
	s3 =	sshra.s32 s23, $0x1F  }
0x44: {  	s2 =	simm.s32 @!p2 $0xC33C0;
	s3 =	sand.u32 s3, s23  }
0x45: {  	s17 =	smulhi.u32 $0xAAAAAAAB, s21;
	s2 =	ssub.s32 s2, s3  }
0x46: {  	s0 =	sand.u32 $0x1, s0;
	s2 =	sadd.s32 $0xFFF3CC40, s2  }
0x47: {  	s5 =	simm.s32 $0xA;
	s3 =	sshrl.u32 s17, $0x1;
	s4 =	sshll.u32 s2, $0x2  }
0x48: {  	s7 =	sshrl.u32 s23, $0x3;
	s3 =	smul.u32 $0xFFFFF100, s3;
	s4 =	ssub.s32 $0x500, s4  }
0x49: {  	s18 =	smul.u32 $0x500, s0;
	p2 =	sgt.s32 s2, $0x13F;
	s2 =	sshrl.u32 s4, $0x2  }
0x4a: {  	s9 =	sand.u32 $0x7, s23;
	s3 =	sshra.s32 s3, $0x2;
	s2 =	simm.s32 @p2 $0x0  }
0x4b: {  	s0 =	sadd.s32 s3, s20;
	s4 =	sshrl.u32 s18, $0x2;
	_ =	swait.ge [sflag:s5], s2  }
0x4c: {  	s22 =	ssub.s32 $0x0, s2;
	[sflag:s5] =	ssyncset.done $0x0;
	s8 =	rddreg [dreg:$0xa]  }
0x4d: {  	s4 =	sadd.s32 $0xAD08, s4;
	[sflag:s5] =	ssyncadd.s32 s22;
	s3 =	sadd.s32 s7, s8  }
0x4e: {  	[tilespmem:s4], [sflag:$0xB] =	stream.linear.gather [hbm4b:s3+s9], s2, $0x38;
	[tilespmem:$0x1EF88] =	vst v63  }
0x4f: {  	v1 =	vld.msk [tilespmem:s0+$0x0], $0xffff;
	_ =	sdelay $0x4  }
0x50: {  	v1 =	vshll.u32 v1, $0x4  }
0x51: {  	(v2sf) =	vpush v1, $0x0  }
0x52: {  	(v2sf) =	vpush v1, $0x1  }
0x53: {  	(v2sf) =	vpush v1, $0x2;
	_ =	sdelay $0x3  }
0x54: {  	(v2sf) =	vpush v1, $0x3;
	_ =	sdelay $0x1  }
0x55: {  	(v2sf) =	vpush v1, $0x4  }
0x56: {  	s2 =	simm.s32 $0x1;
	(v2sf) =	vpush v1, $0x5  }
0x57: {  	s2 =	simm.s32 @!p0 $0x0  }
0x58: {  	s2 =	smul.u32 $0x28000, s2;
	(v2sf) =	vpush v1, $0x6;
	_ =	sdelay $0x1  }
0x59: {  	s2 =	sshrl.u32 s2, $0x2  }
0x5a: {  	s28 =	sadd.s32 $0xB708, s2  }
0x5b: {  	s12 =	sadd.s32 $0xFFFFF880, s28;
	s17 =	sadd.s32 $0xFFFFF900, s28;
	s10 =	spop (v2sf);
	(v2sf) =	vpush v1, $0x7  }
0x5c: {  	s18 =	sadd.s32 $0xFFFFF980, s28;
	s11 =	sand.u32 $0x1FFFFFF0, s10;
	s14 =	spop (v2sf)  }
0x5d: {  	(v2sf) =	vpush v1, $0x8;
	s2 =	sadd.s32 s6, s11;
	s15 =	sand.u32 $0x1FFFFFF0, s14;
	s16 =	spop (v2sf)  }
0x5e: {  	[tilespmem:s12], [sflag:$0x9] =	stream.linear.gather [hbm4b:s2+s19], $0x40, $0x38;
	[tilespmem:$0x1EF88] =	vst v63  }
0x5f: {  	s5 =	sadd.s32 $0xFFFFFA00, s28;
	s2 =	sadd.s32 s6, s15;
	s3 =	sand.u32 $0x1FFFFFF0, s16  }
0x60: {  	(v2sf) =	vpush v1, $0x9;
	[tilespmem:s17], [sflag:$0x9] =	stream.linear.gather [hbm4b:s2+s19], $0x40, $0x38;
	[tilespmem:$0x1EF88] =	vst v63  }
0x61: {  	s7 =	sadd.s32 $0xFFFFFA80, s28;
	s22 =	spop (v2sf);
	s3 =	sadd.s32 s6, s3  }
0x62: {  	(v2sf) =	vpush v1, $0xA;
	[tilespmem:s18], [sflag:$0x9] =	stream.linear.gather [hbm4b:s3+s19], $0x40, $0x38;
	[tilespmem:$0x1EF88] =	vst v63  }
0x63: {  	s11 =	sadd.s32 $0xFFFFFB00, s28;
	s4 =	spop (v2sf);
	(v2sf) =	vpush v1, $0xB;
	s3 =	sand.u32 $0x1FFFFFF0, s22  }
0x64: {  	s8 =	spop (v2sf);
	s2 =	sadd.s32 s6, s3;
	s3 =	sand.u32 $0x1FFFFFF0, s4  }
0x65: {  	(v2sf) =	vpush v1, $0xC;
	[tilespmem:s5], [sflag:$0x9] =	stream.linear.gather [hbm4b:s2+s19], $0x40, $0x38;
	[tilespmem:$0x1EF88] =	vst v63  }
0x66: {  	s9 =	sand.u32 $0x1FFFFFF0, s8;
	s10 =	spop (v2sf);
	s3 =	sadd.s32 s6, s3  }
0x67: {  	(v2sf) =	vpush v1, $0xD;
	[tilespmem:s7], [sflag:$0x9] =	stream.linear.gather [hbm4b:s3+s19], $0x40, $0x38;
	[tilespmem:$0x1EF88] =	vst v63  }
0x68: {  	s12 =	sadd.s32 $0xFFFFFB80, s28;
	s2 =	sadd.s32 s6, s9;
	s3 =	sand.u32 $0x1FFFFFF0, s10  }
0x69: {  	[tilespmem:s11], [sflag:$0x9] =	stream.linear.gather [hbm4b:s2+s19], $0x40, $0x38;
	[tilespmem:$0x1EF88] =	vst v63  }
0x6a: {  	s17 =	sadd.s32 $0xFFFFFC00, s28;
	s3 =	sadd.s32 s6, s3;
	s14 =	spop (v2sf)  }
0x6b: {  	[tilespmem:s12], [sflag:$0x9] =	stream.linear.gather [hbm4b:s3+s19], $0x40, $0x38;
	(v2sf) =	vpush v1, $0xE;
	[tilespmem:$0x1EF88] =	vst v63  }
0x6c: {  	s18 =	sadd.s32 $0xFFFFFC80, s28;
	s15 =	sand.u32 $0x1FFFFFF0, s14;
	s16 =	spop (v2sf)  }
0x6d: {  	s5 =	sadd.s32 $0xFFFFFD00, s28;
	(v2sf) =	vpush v1, $0xF;
	s2 =	sadd.s32 s6, s15;
	s3 =	sand.u32 $0x1FFFFFF0, s16  }
0x6e: {  	[tilespmem:s17], [sflag:$0x9] =	stream.linear.gather [hbm4b:s2+s19], $0x40, $0x38;
	[tilespmem:$0x1EF88] =	vst v63  }
0x6f: {  	s7 =	sadd.s32 $0xFFFFFD80, s28;
	s22 =	spop (v2sf);
	s3 =	sadd.s32 s6, s3  }
0x70: {  	[tilespmem:s18], [sflag:$0x9] =	stream.linear.gather [hbm4b:s3+s19], $0x40, $0x38;
	[tilespmem:$0x1EF88] =	vst v63  }
0x71: {  	s11 =	sadd.s32 $0xFFFFFE00, s28;
	s4 =	spop (v2sf);
	s3 =	sand.u32 $0x1FFFFFF0, s22  }
0x72: {  	s8 =	spop (v2sf);
	s2 =	sadd.s32 s6, s3;
	s3 =	sand.u32 $0x1FFFFFF0, s4  }
0x73: {  	[tilespmem:s5], [sflag:$0x9] =	stream.linear.gather [hbm4b:s2+s19], $0x40, $0x38;
	[tilespmem:$0x1EF88] =	vst v63  }
0x74: {  	s9 =	sand.u32 $0x1FFFFFF0, s8;
	s10 =	spop (v2sf);
	s3 =	sadd.s32 s6, s3  }
0x75: {  	[tilespmem:s7], [sflag:$0x9] =	stream.linear.gather [hbm4b:s3+s19], $0x40, $0x38;
	[tilespmem:$0x1EF88] =	vst v63  }
0x76: {  	s14 =	spop (v2sf);
	s2 =	sadd.s32 s6, s9;
	s3 =	sand.u32 $0x1FFFFFF0, s10  }
0x77: {  	[tilespmem:s11], [sflag:$0x9] =	stream.linear.gather [hbm4b:s2+s19], $0x40, $0x38;
	[tilespmem:$0x1EF88] =	vst v63  }
0x78: {  	s12 =	sadd.s32 $0xFFFFFE80, s28;
	s15 =	sand.u32 $0x1FFFFFF0, s14;
	s3 =	sadd.s32 s6, s3  }
0x79: {  	[tilespmem:s12], [sflag:$0x9] =	stream.linear.gather [hbm4b:s3+s19], $0x40, $0x38;
	[tilespmem:$0x1EF88] =	vst v63  }
0x7a: {  	s17 =	sadd.s32 $0xFFFFFF00, s28;
	s2 =	sadd.s32 s6, s15;
	s16 =	spop (v2sf)  }
0x7b: {  	[tilespmem:s17], [sflag:$0x9] =	stream.linear.gather [hbm4b:s2+s19], $0x40, $0x38;
	[tilespmem:$0x1EF88] =	vst v63  }
0x7c: {  	s29 =	simm.s32 $0x0;
	s3 =	sand.u32 $0x1FFFFFF0, s16;
	s18 =	spop (v2sf)  }
0x7d: {  	s22 =	sadd.s32 $0xFFFFFF80, s28;
	s3 =	sadd.s32 s6, s3;
	s2 =	sand.u32 $0x1FFFFFF0, s18  }
0x7e: {  	[tilespmem:s22], [sflag:$0x9] =	stream.linear.gather [hbm4b:s3+s19], $0x40, $0x38;
	[tilespmem:$0x1EF88] =	vst v63  }
0x7f: {  	s31 =	sadd.s32 $0x10, s0;
	s30 =	sadd.s32 $0x800, s28;
	s2 =	sadd.s32 s6, s2  }
.LBB2_5:
0x80: {  	[tilespmem:s28], [sflag:$0x9] =	stream.linear.gather [hbm4b:s2+s19], $0x40, $0x38;
	[tilespmem:$0x1EF88] =	vst v63  }
0x81: {  	s29 =	sadd.s32 $0x10, s29;
	s28 =	smov.u32 s30  }
0x82: {  	p2 =	slt.u32 s29, $0x130;
	v1 =	vld.msk [tilespmem:s31+$0x0], $0xffff;
	_ =	sdelay $0x4  }
0x83: {  	v1 =	vshll.u32 v1, $0x4  }
0x84: {  	(v2sf) =	vpush v1, $0x0  }
0x85: {  	(v2sf) =	vpush v1, $0x1  }
0x86: {  	(v2sf) =	vpush v1, $0x2;
	_ =	sdelay $0x1  }
0x87: {  	(v2sf) =	vpush v1, $0x3;
	_ =	sdelay $0x1  }
0x88: {  	(v2sf) =	vpush v1, $0x4;
	_ =	sdelay $0x1  }
0x89: {  	(v2sf) =	vpush v1, $0x5;
	_ =	sdelay $0x1  }
0x8a: {  	(v2sf) =	vpush v1, $0x6  }
0x8b: {  	s4 =	sadd.s32 $0xFFFFFE80, s30;
	s0 =	sadd.s32 $0xFFFFFF00, s30  }
0x8c: {  	s3 =	sadd.s32 $0xFFFFFD00, s30;
	s2 =	sadd.s32 $0xFFFFFD80, s30;
	s5 =	sadd.s32 $0xFFFFFE00, s30;
	(v2sf) =	vpush v1, $0x7  }
0x8d: {  	s10 =	sadd.s32 $0xFFFFFB80, s30;
	s9 =	sadd.s32 $0xFFFFFC00, s30;
	s16 =	sadd.s32 $0xFFFFFC80, s30  }
0x8e: {  	s11 =	sadd.s32 $0xFFFFFA00, s30;
	s12 =	sadd.s32 $0xFFFFFA80, s30;
	s15 =	sadd.s32 $0xFFFFFB00, s30;
	(v2sf) =	vpush v1, $0x8  }
0x8f: {  	s18 =	sadd.s32 $0xFFFFF900, s30;
	s7 =	sadd.s32 $0xFFFFF980, s30;
	s22 =	spop (v2sf)  }
0x90: {  	s8 =	sadd.s32 $0xFFFFF880, s30;
	s22 =	sand.u32 $0x1FFFFFF0, s22;
	s14 =	spop (v2sf);
	(v2sf) =	vpush v1, $0x9  }
0x91: {  	s22 =	sadd.s32 s6, s22;
	s14 =	sand.u32 $0x1FFFFFF0, s14;
	s17 =	spop (v2sf)  }
0x92: {  	[tilespmem:s8], [sflag:$0x9] =	stream.linear.gather [hbm4b:s22+s19], $0x40, $0x38;
	(v2sf) =	vpush v1, $0xA;
	[tilespmem:$0x1EF88] =	vst v63  }
0x93: {  	s8 =	sadd.s32 s6, s14;
	s14 =	sand.u32 $0x1FFFFFF0, s17;
	s17 =	spop (v2sf)  }
0x94: {  	[tilespmem:s18], [sflag:$0x9] =	stream.linear.gather [hbm4b:s8+s19], $0x40, $0x38;
	(v2sf) =	vpush v1, $0xB;
	[tilespmem:$0x1EF88] =	vst v63  }
0x95: {  	s8 =	sadd.s32 s6, s14;
	s14 =	sand.u32 $0x1FFFFFF0, s17;
	s17 =	spop (v2sf)  }
0x96: {  	[tilespmem:s7], [sflag:$0x9] =	stream.linear.gather [hbm4b:s8+s19], $0x40, $0x38;
	(v2sf) =	vpush v1, $0xC;
	[tilespmem:$0x1EF88] =	vst v63  }
0x97: {  	s7 =	sadd.s32 s6, s14;
	s8 =	sand.u32 $0x1FFFFFF0, s17;
	s14 =	spop (v2sf)  }
0x98: {  	[tilespmem:s11], [sflag:$0x9] =	stream.linear.gather [hbm4b:s7+s19], $0x40, $0x38;
	(v2sf) =	vpush v1, $0xD;
	[tilespmem:$0x1EF88] =	vst v63  }
0x99: {  	s7 =	sadd.s32 s6, s8;
	s8 =	sand.u32 $0x1FFFFFF0, s14;
	s11 =	spop (v2sf)  }
0x9a: {  	[tilespmem:s12], [sflag:$0x9] =	stream.linear.gather [hbm4b:s7+s19], $0x40, $0x38;
	(v2sf) =	vpush v1, $0xE;
	[tilespmem:$0x1EF88] =	vst v63  }
0x9b: {  	s7 =	sadd.s32 s6, s8;
	s8 =	sand.u32 $0x1FFFFFF0, s11;
	s11 =	spop (v2sf)  }
0x9c: {  	[tilespmem:s15], [sflag:$0x9] =	stream.linear.gather [hbm4b:s7+s19], $0x40, $0x38;
	(v2sf) =	vpush v1, $0xF;
	[tilespmem:$0x1EF88] =	vst v63  }
0x9d: {  	s7 =	sadd.s32 s6, s8;
	s8 =	sand.u32 $0x1FFFFFF0, s11;
	s11 =	spop (v2sf)  }
0x9e: {  	[tilespmem:s10], [sflag:$0x9] =	stream.linear.gather [hbm4b:s7+s19], $0x40, $0x38;
	[tilespmem:$0x1EF88] =	vst v63  }
0x9f: {  	s7 =	sadd.s32 s6, s8;
	s8 =	sand.u32 $0x1FFFFFF0, s11;
	s10 =	spop (v2sf)  }
0xa0: {  	[tilespmem:s9], [sflag:$0x9] =	stream.linear.gather [hbm4b:s7+s19], $0x40, $0x38;
	[tilespmem:$0x1EF88] =	vst v63  }
0xa1: {  	s7 =	sadd.s32 s6, s8;
	s8 =	sand.u32 $0x1FFFFFF0, s10;
	s9 =	spop (v2sf)  }
0xa2: {  	[tilespmem:s16], [sflag:$0x9] =	stream.linear.gather [hbm4b:s7+s19], $0x40, $0x38;
	[tilespmem:$0x1EF88] =	vst v63  }
0xa3: {  	s7 =	sadd.s32 s6, s8;
	s8 =	sand.u32 $0x1FFFFFF0, s9;
	s9 =	spop (v2sf)  }
0xa4: {  	[tilespmem:s3], [sflag:$0x9] =	stream.linear.gather [hbm4b:s7+s19], $0x40, $0x38;
	[tilespmem:$0x1EF88] =	vst v63  }
0xa5: {  	s3 =	sadd.s32 s6, s8;
	s7 =	sand.u32 $0x1FFFFFF0, s9;
	s8 =	spop (v2sf)  }
0xa6: {  	[tilespmem:s2], [sflag:$0x9] =	stream.linear.gather [hbm4b:s3+s19], $0x40, $0x38;
	[tilespmem:$0x1EF88] =	vst v63  }
0xa7: {  	s2 =	sadd.s32 s6, s7;
	s3 =	sand.u32 $0x1FFFFFF0, s8;
	s7 =	spop (v2sf)  }
0xa8: {  	[tilespmem:s5], [sflag:$0x9] =	stream.linear.gather [hbm4b:s2+s19], $0x40, $0x38;
	[tilespmem:$0x1EF88] =	vst v63  }
0xa9: {  	s2 =	sadd.s32 s6, s3;
	s3 =	sand.u32 $0x1FFFFFF0, s7;
	s5 =	spop (v2sf)  }
0xaa: {  	[tilespmem:s4], [sflag:$0x9] =	stream.linear.gather [hbm4b:s2+s19], $0x40, $0x38;
	[tilespmem:$0x1EF88] =	vst v63  }
0xab: {  	s2 =	sadd.s32 s6, s3  }
.Ltmp4:
0xac: {  	s3 =	sand.u32 $0x1FFFFFF0, s5;
	s4 =	spop (v2sf);
	(pc) =	sbr.rel @p2 .LBB2_5-.Ltmp4, $4  }
0xad: {  	[tilespmem:s0], [sflag:$0x9] =	stream.linear.gather [hbm4b:s2+s19], $0x40, $0x38;
	[tilespmem:$0x1EF88] =	vst v63  }
0xae: {  	s0 =	sadd.s32 s6, s3;
	s2 =	sadd.s32 $0xFFFFFF80, s30;
	s3 =	sand.u32 $0x1FFFFFF0, s4  }
0xaf: {  	[tilespmem:s2], [sflag:$0x9] =	stream.linear.gather [hbm4b:s0+s19], $0x40, $0x38;
	[tilespmem:$0x1EF88] =	vst v63  }
0xb0: {  	s31 =	sadd.s32 $0x10, s31;
	s30 =	sadd.s32 $0x800, s30;
	s2 =	sadd.s32 s6, s3  }
0xb1: {  	[tilespmem:s28], [sflag:$0x9] =	stream.linear.gather [hbm4b:s2+s19], $0x40, $0x38;
	[tilespmem:$0x1EF88] =	vst v63  }
0xb2: {  	s12 =	rddreg [dreg:$0x6]  }
0xb3: {  	s14 =	rddreg [dreg:$0x7]  }
0xb4: {  	s15 =	rddreg [dreg:$0x8]  }
0xb5: {  	s17 =	rddreg [dreg:$0x9]  }
0xb6: {  	s18 =	rddreg [dreg:$0xb]  }
0xb7: {  	s22 =	rddreg [dreg:$0xc]  }
.LBB2_7:
0xb8: {  	p2 =	slt.u32 s25, $0x2  }
.Ltmp5:
0xb9: {  	_ = 	snop;
	(pc) =	sbr.rel @p2 .LBB2_25-.Ltmp5, $1  }
0xba: {  	_ =	sdelay $0x3  }
0xbb: {  	p2 =	sgt.s32 s26, $0xC33C0;
	s0 =	smov.u32 s26;
	s2 =	sshra.s32 s26, $0x1F  }
0xbc: {  	s0 =	simm.s32 @!p2 $0xC33C0;
	s2 =	sand.u32 s2, s26  }
0xbd: {  	s0 =	ssub.s32 s0, s2  }
0xbe: {  	s0 =	sadd.s32 $0xFFF3CC40, s0  }
0xbf: {  	s3 =	simm.s32 $0x9;
	s29 =	sshll.u32 s0, $0x2  }
0xc0: {  	_ =	swait.ge [sflag:s3], $0x5000;
	s2 =	ssub.s32 $0x500, s29  }
0xc1: {  	[sflag:s3] =	ssyncset.done $0x0;
	p2 =	sgt.s32 s0, $0x13F;
	s0 =	sshrl.u32 s2, $0x2  }
0xc2: {  	s30 =	simm.s32 $0xB;
	[sflag:s3] =	ssyncadd.s32 $0xFFFFB000;
	s0 =	simm.s32 @p2 $0x0  }
0xc3: {  	_ =	swait.ge [sflag:s30], s0  }
0xc4: {  	s0 =	ssub.s32 $0x0, s0;
	[sflag:s30] =	ssyncset.done $0x0  }
0xc5: {  	[sflag:s30] =	ssyncadd.s32 s0  }
0xc6: {  	v1 =	vld [tilespmem:$0xA108];
	_ =	sdelay $0x4  }
0xc7: {  	(v2sf) =	vpush v1, $0x0  }
0xc8: {  	(v2sf) =	vpush v1, $0x1  }
0xc9: {  	(v2sf) =	vpush v1, $0x2;
	_ =	sdelay $0x3  }
0xca: {  	s0 =	sadd.s32 $0x140, s26  }
0xcb: {  	s4 =	ssub.s32 $0x186A00, s26;
	p2 =	slt.s32 s14, s0  }
0xcc: {  	s0 =	smov.u32 @p2 s14;
	p2 =	sgt.s32 s4, $0x0  }
0xcd: {  	s0 =	ssub.s32 s0, s26;
	s4 =	simm.s32 @!p2 $0x0  }
0xce: {  	p2 =	slt.s32 s4, s0  }
0xcf: {  	s0 =	smov.u32 @p2 s4  }
0xd0: {  	s2 =	simm.s32 $0x1;
	p2 =	slt.s32 s0, $0x1  }
.Ltmp6:
0xd1: {  	s2 =	simm.s32 @!p1 $0x0;
	(pc) =	sbr.rel @p2 .LBB2_12-.Ltmp6, $4  }
0xd2: {  	s7 =	smul.u32 $0x500, s2  }
0xd3: {  	s3 =	spop (v2sf)  }
0xd4: {  	s31 =	sshrl.u32 s7, $0x2;
	s5 =	spop (v2sf)  }
0xd5: {  	s28 =	sadd.s32 $0xAD08, s31;
	s26 =	spop (v2sf)  }
0xd6: {  	s4 =	smin.u32 s0, $0x10  }
0xd7: {  	v1 =	vmov s4  }
0xd8: {  	p3 =	sgt.s32 s0, $0x10;
	vm1 =	vgt.u32 v1, v0  }
.Ltmp7:
0xd9: {  	_ = 	snop;
	(pc) =	sbr.rel @!p3 .LBB2_11-.Ltmp7, $2  }
0xda: {  	_ =	sdelay $0x2  }
0xdb: {  	s9 =	simm.s32 $0x10;
	s10 =	sadd.s32 $0xFFFFFFF0, s0;
	s4 =	smov.u32 s28;
	vm0 =	vmmov vm1  }
.LBB2_10:
0xdc: {  	s7 =	smin.u32 s10, $0x10;
	s9 =	sadd.s32 $0x10, s9;
	v1 =	vld.msk [tilespmem:s4+$0x0 ss:$0x1], vm1  }
0xdd: {  	v2 =	vmov s7;
	p3 =	slt.s32 s9, s0  }
0xde: {  	vm1 =	vgt.u32 v2, v0  }
.Ltmp8:
0xdf: {  	(pc) =	sbr.rel @p3 .LBB2_10-.Ltmp8, $3  }
0xe0: {  	_ =	sdelay $0x1  }
0xe1: {  	v1 =	vshll.u32 v1, $0x4  }
0xe2: {  	s10 =	sadd.s32 $0xFFFFFFF0, s10;
	[tilespmem:s4+$0x0] =	vst.msk vm0, v1;
	s4 =	sadd.s32 $0x10, s4;
	vm0 =	vmmov vm1  }
.LBB2_11:
0xe3: {  	_ =	sdelay $0x4  }
0xe4: {  	v1 =	vld.msk [tilespmem:s4+$0x0 ss:$0x1], vm1;
	_ =	sdelay $0x4  }
0xe5: {  	v1 =	vshll.u32 v1, $0x4  }
0xe6: {  	[tilespmem:s4+$0x0] =	vst.msk vm0, v1  }
.LBB2_12:
0xe7: {  	s4 =	sand.u32 $0x1, s25  }
0xe8: {  	s4 =	smul.u32 $0x140, s4  }
0xe9: {  	p3 =	sne.s32 s5, $0xFFFFFFFF  }
0xea: {  	v1 =	vld.msk @!p3 [tilespmem:s4+$0xAD08], $0x1;
	_ =	sdelay $0x4  }
0xeb: {  	(v2sf) =	vpush @!p3 v1, $0x0;
	_ =	sdelay $0xc  }
.Ltmp9:
0xec: {  	_ = 	snop;
	(pc) =	sbr.rel @p2 .LBB2_23-.Ltmp9, $4  }
0xed: {  	_ = 	snop  }
0xee: {  	s29 =	spop @!p3 (v2sf)  }
0xef: {  	s31 =	simm.s32 $0xC;
	s26 =	simm.s32 @!p3 $0x0;
	s4 =	smov.u32 s29  }
0xf0: {  	[sflag:s31] =	ssyncpa.u1 $0x0;
	s29 =	smov.u32 @p3 s3;
	s4 =	smov.u32 @p3 s5  }
0xf1: {  	v1 =	vld.msk [tilespmem:s28+$0x0], $0x1;
	_ =	sdelay $0x4  }
0xf2: {  	(v2sf) =	vpush v1, $0x0;
	_ =	sdelay $0xe  }
0xf3: {  	s2 =	smul.u32 $0x28000, s2;
	s5 =	spop (v2sf)  }
0xf4: {  	s31 =	ssub.s32 $0x0, s0;
	p2 =	seq.s32 s29, s5  }
0xf5: {  	s3 =	smov.u32 s29;
	s2 =	sshrl.u32 s2, $0x2;
	p3 =	sgt.s32 @!p2 s29, $0x0  }
0xf6: {  	s30 =	sadd.s32 $0xAFA8, s2;
	s2 =	sadd.s32 $0x1, s31;
	p3 =	por !p3, p2  }
0xf7: {  	s3 =	simm.s32 @p3 $0x0;
	p3 =	seq.s32 s2, $0x0  }
.Ltmp10:
0xf8: {  	_ = 	snop;
	(pc) =	sbr.rel @p3 .LBB2_15-.Ltmp10, $4  }
0xf9: {  	_ = 	snop  }
0xfa: {  	s0 =	simm.s32 $0x0;
	s9 =	simm.s32 @!p2 $0x1;
	s3 =	smin.u32 @!p2 s3, $0x1869F8  }
0xfb: {  	s10 =	simm.s32 @!p2 $0x50C8;
	s9 =	smov.u32 @p2 s0;
	s7 =	sand.u32 @!p2 $0x1FFFF8, s3  }
0xfc: {  	s16 =	sand.u32 @!p2 $0x7, s3;
	s3 =	sadd.s32 $0x1, s28;
	s11 =	sadd.s32 @!p2 s1, s7  }
.LBB2_14:
0xfd: {  	s7 =	smov.u32 s9  }
0xfe: {  	[tilespmem:s10], [sflag:$0x2] =	stream.linear.gather @!p2 [hbm4b:s11+s16], $0x40, $0x38;
	[tilespmem:$0x1EF88] =	vst v63  }
0xff: {  	s2 =	sadd.s32 $0x1, s2;
	s8 =	smov.u32 s5;
	v1 =	vld.msk [tilespmem:s3+$0x0], $0x1  }
0x100: {  	p3 =	seq.s32 s2, $0x0;
	_ =	sdelay $0x3  }
0x101: {  	(v2sf) =	vpush v1, $0x0;
	_ =	sdelay $0xe  }
0x102: {  	s5 =	spop (v2sf)  }
0x103: {  	p2 =	seq.s32 s8, s5  }
0x104: {  	p4 =	sgt.s32 @!p2 s8, $0x0;
	s10 =	sshll.u32 @!p2 s9, $0x8;
	s9 =	sadd.s32 @!p2 $0x1, s9  }
.Ltmp11:
0x105: {  	p4 =	por !p4, p2;
	s10 =	sshra.s32 @!p2 s10, $0x2;
	(pc) =	sbr.rel @!p3 .LBB2_14-.Ltmp11, $4  }
0x106: {  	s9 =	smov.u32 @p2 s7;
	s8 =	simm.s32 @p4 $0x0;
	s10 =	sadd.s32 @!p2 $0x50C8, s10  }
0x107: {  	s7 =	smin.u32 @!p2 s8, $0x1869F8  }
0x108: {  	s8 =	sand.u32 @!p2 $0x1FFFF8, s7;
	s16 =	sand.u32 @!p2 $0x7, s7  }
0x109: {  	s3 =	sadd.s32 $0x1, s3;
	s11 =	sadd.s32 @!p2 s1, s8  }
.LBB2_15:
0x10a: {  	[tilespmem:s10], [sflag:$0x2] =	stream.linear.gather @!p2 [hbm4b:s11+s16], $0x40, $0x38;
	[tilespmem:$0x1EF88] =	vst v63  }
.Ltmp12:
0x10b: {  	s2 =	sshll.u32 s9, $0x6;
	(pc) =	sbr.rel .LBB2_16-.Ltmp12, $4  }
0x10c: {  	s3 =	simm.s32 $0x2;
	s2 =	sand.u32 $0x3FFFFFC0, s2  }
0x10d: {  	_ =	swait.ge [sflag:s3], s2  }
0x10e: {  	s2 =	ssub.s32 $0x0, s2;
	[sflag:s3] =	ssyncset.done $0x0  }
0x10f: {  	[sflag:s3] =	ssyncadd.s32 s2;
	s3 =	simm.s32 $0x0  }
.LBB2_17:
0x110: {  	v1 =	vld [tilespmem:s30+$0xFFFFFFE0];
	_ =	sdelay $0x4  }
0x111: {  	[tilespmem:s5+$0x88] =	vst.add.f32.msk $0xffff, v1  }
0x112: {  	v1 =	vld [tilespmem:s30+$0xFFFFFFF0];
	_ =	sdelay $0x4  }
0x113: {  	[tilespmem:s5+$0x98] =	vst.add.f32.msk $0xffff, v1  }
0x114: {  	v1 =	vld [tilespmem:s30+$0x0];
	_ =	sdelay $0x4  }
0x115: {  	[tilespmem:s5+$0xA8] =	vst.add.f32.msk $0xffff, v1  }
0x116: {  	v1 =	vld [tilespmem:s30+$0x10];
	_ =	sdelay $0x4  }
0x117: {  	[tilespmem:s5+$0xB8] =	vst.add.f32.msk $0xffff, v1  }
.LBB2_21:
0x118: {  	s31 =	sadd.s32 $0x1, s31  }
0x119: {  	p2 =	seq.s32 s31, $0x0  }
.Ltmp13:
0x11a: {  	_ = 	snop;
	(pc) =	sbr.rel @p2 .LBB2_22-.Ltmp13, $2  }
0x11b: {  	_ =	sdelay $0x2  }
0x11c: {  	s30 =	sadd.s32 $0x80, s30;
	s28 =	sadd.s32 $0x1, s28;
	s29 =	smov.u32 s2  }
.LBB2_16:
0x11d: {  	v1 =	vld.msk [tilespmem:s28+$0x0], $0x1;
	_ =	sdelay $0x4  }
0x11e: {  	(v2sf) =	vpush v1, $0x0;
	_ =	sdelay $0xe  }
0x11f: {  	s2 =	spop (v2sf)  }
0x120: {  	p2 =	sne.s32 s29, s2  }
.Ltmp14:
0x121: {  	_ = 	snop;
	(pc) =	sbr.rel @!p2 .LBB2_17-.Ltmp14, $3  }
0x122: {  	_ =	sdelay $0x1  }
0x123: {  	s5 =	sshll.u32 s26, $0x8  }
0x124: {  	s5 =	sshra.s32 s5, $0x2  }
0x125: {  	p2 =	seq.s32 s29, s4  }
.Ltmp15:
0x126: {  	_ = 	snop;
	(pc) =	sbr.rel @!p2 .LBB2_19-.Ltmp15, $1  }
0x127: {  	_ =	sdelay $0x3  }
.Ltmp16:
0x128: {  	s5 =	sadd.s32 $0x88, s5;
	(pc) =	sbr.rel .LBB2_20-.Ltmp16, $4  }
0x129: {  	[spmem:s18] =	stream.linear.scatter [tilespmem:s5], [sflag:$0x1], $0x40, $0x38;
	[tilespmem:$0x1EF88] =	vst v63  }
0x12a: {  	_ =	swait.ge [sflag:s13], $0x40  }
0x12b: {  	[sflag:s13] =	ssyncset.done $0x0  }
0x12c: {  	[sflag:s13] =	ssyncadd.s32 $0xFFFFFFC0  }
.LBB2_19:
0x12d: {  	s7 =	sshll.u32 s0, $0x8  }
0x12e: {  	s7 =	sshra.s32 s7, $0x2  }
0x12f: {  	v1 =	vld [tilespmem:s7+$0x50C8];
	_ =	sdelay $0x4  }
0x130: {  	[tilespmem:s5+$0x88] =	vst.add.f32.msk $0xffff, v1  }
0x131: {  	v1 =	vld [tilespmem:s7+$0x50D8];
	_ =	sdelay $0x4  }
0x132: {  	[tilespmem:s5+$0x98] =	vst.add.f32.msk $0xffff, v1  }
0x133: {  	v1 =	vld [tilespmem:s7+$0x50E8];
	_ =	sdelay $0x4  }
0x134: {  	[tilespmem:s5+$0xA8] =	vst.add.f32.msk $0xffff, v1  }
0x135: {  	v1 =	vld [tilespmem:s7+$0x50F8];
	_ =	sdelay $0x2  }
0x136: {  	p2 =	sgt.u32 s29, $0x1869F8  }
0x137: {  	s7 =	sand.u32 @!p2 $0x1FFFF8, s29  }
0x138: {  	s8 =	sadd.s32 $0x88, s5;
	[tilespmem:s5+$0xB8] =	vst.add.f32.msk $0xffff, v1;
	s5 =	sadd.s32 @!p2 s1, s7;
	s7 =	sand.u32 @!p2 $0x7, s29  }
0x139: {  	[hbm4b:s5+s7] =	stream.linear.scatter @!p2 [tilespmem:s8], [sflag:$0xC], $0x40, $0x38;
	[tilespmem:$0x1EF88] =	vst v63  }
0x13a: {  	s5 =	simm.s32 $0x0  }
0x13b: {  	s5 =	simm.s32 @!p2 $0x100  }
0x13c: {  	s3 =	sadd.s32 s5, s3  }
.LBB2_20:
0x13d: {  	s5 =	sadd.s32 $0x1, s26  }
0x13e: {  	s7 =	smulhi.u32 $0xCCCCCCCD, s5;
	_ =	sdelay $0x1  }
0x13f: {  	v1 =	vld [tilespmem:s30+$0xFFFFFFE0];
	s7 =	sshrl.u32 s7, $0x8  }
0x140: {  	s7 =	smul.u32 $0x140, s7;
	_ =	sdelay $0x1  }
0x141: {  	s26 =	ssub.s32 s5, s7  }
0x142: {  	s5 =	sshll.u32 s26, $0x6  }
0x143: {  	[tilespmem:s5+$0x88] =	vst v1  }
0x144: {  	v1 =	vld [tilespmem:s30+$0xFFFFFFF0];
	_ =	sdelay $0x4  }
0x145: {  	[tilespmem:s5+$0x98] =	vst v1  }
0x146: {  	v1 =	vld [tilespmem:s30+$0x0];
	_ =	sdelay $0x4  }
0x147: {  	[tilespmem:s5+$0xA8] =	vst v1  }
0x148: {  	v1 =	vld [tilespmem:s30+$0x10]  }
.Ltmp17:
0x149: {  	_ = 	snop;
	(pc) =	sbr.rel .LBB2_21-.Ltmp17, $2  }
0x14a: {  	_ =	sdelay $0x2  }
0x14b: {  	s0 =	sadd.s32 $0x1, s0;
	[tilespmem:s5+$0xB8] =	vst v1  }
.LBB2_23:
.Ltmp18:
0x14c: {  	(pc) =	sbr.rel .LBB2_24-.Ltmp18, $4  }
0x14d: {  	_ = 	snop  }
0x14e: {  	s0 =	simm.s32 $0x2  }
0x14f: {  	_ =	swait.ge [sflag:s0], $0x0  }
0x150: {  	s2 =	smov.u32 s29;
	[sflag:s0] =	ssyncset.done $0x0;
	s0 =	simm.s32 $0x0  }
.LBB2_26:
0x151: {  	_ =	sfence.sel $0x180000  }
0x152: {  	s0 =	simm.s32 $0x9;
	[bflag:$0x0] =	sbarrier.arrive $0xFFFF  }
0x153: {  	s24 =	simm.s32 $0xA;
	[sflag:s0] =	ssyncpa.u1 $0x1  }
0x154: {  	s25 =	simm.s32 $0xB;
	[sflag:s24] =	ssyncpa.u1 $0x1  }
0x155: {  	s26 =	simm.s32 $0x2;
	[sflag:s25] =	ssyncpa.u1 $0x1  }
0x156: {  	[sflag:s26] =	ssyncpa.u1 $0x1  }
0x157: {  	v0 =	vld [tilespmem:$0xA108];
	_ =	sdelay $0x4  }
0x158: {  	(v2sf) =	vpush v0, $0x0  }
0x159: {  	(v2sf) =	vpush v0, $0x1;
	_ =	sdelay $0x1  }
0x15a: {  	(v2sf) =	vpush v0, $0x2;
	_ =	sdelay $0xb  }
0x15b: {  	s0 =	spop (v2sf)  }
0x15c: {  	s2 =	spop (v2sf)  }
0x15d: {  	s3 =	smov.u32 s0;
	p0 =	sne.s32 s0, s2  }
0x15e: {  	s4 =	spop (v2sf);
	s3 =	simm.s32 @!p0 $0xFFFFFFFF  }
0x15f: {  	v2 =	vimm.s32 $0x1;
	v3 =	vlaneseq.u32;
	p0 =	seq.s32 s4, $0xFFFFFFFF;
	v1 =	vmov s3  }
0x160: {  	s14 =	stileid.u32;
	v0 =	vperm.xlane v0, v2;
	p1 =	sne.s32 @!p0 s0, s2;
	v1 =	vperm.xlane v1, v3  }
0x161: {  	vm0 =	vcmask $0x3F04;
	s6 =	simm.s32 $0xA108;
	s0 =	simm.s32 @!p0 $0x1;
	p1 =	por !p1, p0  }
0x162: {  	s3 =	sshll.u32 s14, $0x1;
	s2 =	sshll.u32 @!p0 s4, $0x8;
	s0 =	simm.s32 @p1 $0x0;
	v0 =	vsel vm0, v1, v0  }
0x163: {  	s5 =	sor.u32 $0x800, s3;
	s2 =	sshra.s32 @!p0 s2, $0x2;
	s0 =	sor.u32 @!p0 s0, s3;
	[tilespmem:$0xA108] =	vst v0  }
0x164: {  	[spmem:s5] =	stream.linear.scatter [tilespmem:s6], [sflag:$0x1], $0x2, $0x38;
	[tilespmem:$0x1EF88] =	vst v63  }
0x165: {  	s2 =	sadd.s32 @!p0 $0x88, s2;
	s0 =	sshll.u32 @!p0 s0, $0x6  }
0x166: {  	[spmem:s0] =	stream.linear.scatter @!p0 [tilespmem:s2], [sflag:$0x1], $0x40, $0x38;
	[tilespmem:$0x1EF88] =	vst v63  }
0x167: {  	s0 =	simm.s32 @!p0 $0x42  }
0x168: {  	s28 =	simm.s32 $0x1;
	s0 =	simm.s32 @p0 $0x2  }
0x169: {  	_ =	swait.ge [sflag:s28], s0  }
0x16a: {  	s0 =	ssub.s32 $0x0, s0;
	[sflag:s28] =	ssyncset.done $0x0  }
0x16b: {  	p0 =	sne.s32 s14, $0x0;
	[sflag:s28] =	ssyncadd.s32 s0  }
.Ltmp19:
0x16c: {  	_ =	sfence.stream.spmem;
	(pc) =	sbr.rel @p0 .LBB2_43-.Ltmp19, $4  }
0x16d: {  	s29 =	simm.s32 $0x3;
	[bflag:$0x0] =	sbarrier.arrive $0xFFFF  }
0x16e: {  	s30 =	simm.s32 $0x4;
	[sflag:s29] =	ssyncpa.u1 $0x1  }
0x16f: {  	s31 =	simm.s32 $0x3C;
	[sflag:s30] =	ssyncpa.u1 $0x1  }
0x170: {  	s13 =	rddreg [dreg:$0x5];
	[sflag:s31] =	ssyncpa.u1 $0x1  }
0x171: {  	_ =	sfence.stream.spmem;
	s0 =	simm.s32 $0x5  }
0x172: {  	s2 =	simm.s32 $0x800;
	s3 =	simm.s32 $0xA118;
	[sflag:s0] =	ssyncpa.u1 $0x0  }
0x173: {  	[tilespmem:s3], [sflag:$0x5] =	stream.linear.gather [spmem:s2], $0x20, $0x38;
	[tilespmem:$0x1EF88] =	vst v63  }
0x174: {  	s26 =	simm.s32 $0x0;
	s28 =	simm.s32 $0xA138  }
0x175: {  	[tilespmem:s28], [sflag:$0x5] =	stream.linear.gather [spmem:s26], $0x800, $0x38;
	[tilespmem:$0x1EF88] =	vst v63  }
0x176: {  	_ =	swait.ge [sflag:s0], $0x820  }
0x177: {  	[sflag:s0] =	ssyncset.done $0x0  }
0x178: {  	s29 =	simm.s32 $0x0;
	[sflag:s0] =	ssyncadd.s32 $0xFFFFF7E0  }
0x179: {  	v0 =	vld.msk [tilespmem:s29+$0xA118], $0x1;
	_ =	sdelay $0x1  }
0x17a: {  	s30 =	simm.s32 $0x1  }
0x17b: {  	v1 =	vld.msk [tilespmem:s30+$0xA118], $0x1;
	_ =	sdelay $0x1  }
0x17c: {  	(v2sf) =	vpush v0, $0x0;
	_ =	sdelay $0x2  }
0x17d: {  	(v2sf) =	vpush v1, $0x0;
	_ =	sdelay $0x2  }
0x17e: {  	s31 =	simm.s32 $0x2  }
0x17f: {  	v0 =	vld.msk [tilespmem:s31+$0xA118], $0x1;
	_ =	sdelay $0x2  }
0x180: {  	s2 =	simm.s32 $0xFFFFFFFF;
	s3 =	simm.s32 $0xFFFFFFFF;
	s0 =	simm.s32 $0xC  }
.LBB2_28:
0x181: {  	s4 =	smov.u32 s3;
	s5 =	smov.u32 s2  }
0x182: {  	s2 =	sshra.s32 s0, $0x2;
	p1 =	sne.s32 s0, $0x7C;
	s0 =	sadd.s32 $0x4, s0;
	(v2sf) =	vpush v0, $0x0  }
0x183: {  	v0 =	vld.msk [tilespmem:s2+$0xA118], $0x1  }
.Ltmp20:
0x184: {  	(pc) =	sbr.rel @p1 .LBB2_28-.Ltmp20, $4  }
0x185: {  	s3 =	spop (v2sf)  }
0x186: {  	p2 =	sne.s32 s5, $0xFFFFFFFF;
	s2 =	smov.u32 s3  }
0x187: {  	p3 =	seq.s32 s3, $0xFFFFFFFF;
	s2 =	smov.u32 @p2 s5  }
0x188: {  	s3 =	smov.u32 @p3 s4;
	s2 =	smov.u32 @p3 s5  }
0x189: {  	(v2sf) =	vpush v0, $0x0;
	_ =	sdelay $0x8  }
0x18a: {  	s0 =	spop (v2sf)  }
0x18b: {  	p1 =	sne.s32 s2, $0xFFFFFFFF;
	s4 =	smov.u32 s0  }
0x18c: {  	s6 =	simm.s32 $0x0;
	p2 =	seq.s32 s0, $0xFFFFFFFF;
	s4 =	smov.u32 @p1 s2  }
0x18d: {  	s9 =	simm.s32 $0xA0C8;
	s4 =	smov.u32 @p2 s2;
	s2 =	spop (v2sf)  }
0x18e: {  	s0 =	smov.u32 @p2 s3;
	p1 =	sne.s32 s4, $0xFFFFFFFF;
	s5 =	smov.u32 s2  }
.Ltmp21:
0x18f: {  	p2 =	seq.s32 s2, $0xFFFFFFFF;
	s5 =	smov.u32 @p1 s4;
	(pc) =	sbr.rel .LBB2_30-.Ltmp21, $4  }
0x190: {  	s10 =	simm.s32 $0x0;
	s5 =	smov.u32 @p2 s4;
	s7 =	spop (v2sf)  }
0x191: {  	s2 =	smov.u32 @p2 s0;
	p1 =	sne.s32 s5, $0xFFFFFFFF;
	s8 =	smov.u32 s7  }
0x192: {  	s0 =	simm.s32 $0x6;
	p2 =	seq.s32 s7, $0xFFFFFFFF;
	s8 =	smov.u32 @p1 s5  }
0x193: {  	[sflag:s0] =	ssyncpa.u1 $0x0;
	s7 =	smov.u32 @p2 s2;
	s8 =	smov.u32 @p2 s5  }
.LBB2_36:
0x194: {  	p1 =	sgt.u32 s2, $0x1869F8  }
0x195: {  	p2 =	seq.s32 @!p1 s2, s8  }
0x196: {  	p1 =	por p1, p2  }
0x197: {  	p2 =	sne.s32 @!p1 s2, s7  }
0x198: {  	p1 =	por p1, !p2  }
0x199: {  	s2 =	sshll.u32 @p1 s10, $0x8  }
0x19a: {  	s3 =	sand.u32 @!p1 $0x1FFFF8, s2  }
0x19b: {  	s2 =	sand.u32 @!p1 $0x7, s2;
	s3 =	sadd.s32 @!p1 s1, s3  }
0x19c: {  	[tilespmem:s9], [sflag:$0x6] =	stream.linear.gather @!p1 [hbm4b:s3+s2], $0x40, $0x38;
	[tilespmem:$0x1EF88] =	vst v63  }
0x19d: {  	_ =	swait.ge @!p1 [sflag:s0], $0x40  }
0x19e: {  	[sflag:s0] =	ssyncset.done @!p1 $0x0  }
0x19f: {  	[sflag:s0] =	ssyncadd.s32 @!p1 $0xFFFFFFC0  }
0x1a0: {  	v1 =	vld @!p1 [tilespmem:$0xA0C8];
	_ =	sdelay $0x2  }
0x1a1: {  	s2 =	sshll.u32 @!p1 s10, $0x8  }
0x1a2: {  	s3 =	sshrl.u32 @!p1 s2, $0x2  }
0x1a3: {  	[tilespmem:s3+$0xA138] =	vst.add.f32.msk @!p1 $0xffff, v1  }
0x1a4: {  	v1 =	vld @!p1 [tilespmem:$0xA0D8];
	_ =	sdelay $0x4  }
0x1a5: {  	[tilespmem:s3+$0xA148] =	vst.add.f32.msk @!p1 $0xffff, v1  }
0x1a6: {  	v1 =	vld @!p1 [tilespmem:$0xA0E8];
	_ =	sdelay $0x4  }
0x1a7: {  	[tilespmem:s3+$0xA158] =	vst.add.f32.msk @!p1 $0xffff, v1  }
0x1a8: {  	v1 =	vld @!p1 [tilespmem:$0xA0F8];
	_ =	sdelay $0x4  }
0x1a9: {  	[tilespmem:s3+$0xA168] =	vst.add.f32.msk @!p1 $0xffff, v1  }
0x1aa: {  	s2 =	sshrl.u32 s2, $0x2;
	[tilespmem:s6+$0xA118] =	vst.msk $0x1, v0  }
0x1ab: {  	v0 =	vld [tilespmem:s2+$0xA138];
	_ =	sdelay $0x2  }
0x1ac: {  	s31 =	sshll.u32 s6, $0x8  }
0x1ad: {  	s3 =	sshra.s32 s31, $0x2  }
0x1ae: {  	[tilespmem:s3+$0xA138] =	vst v0  }
0x1af: {  	v0 =	vld [tilespmem:s2+$0xA148];
	_ =	sdelay $0x4  }
0x1b0: {  	[tilespmem:s3+$0xA148] =	vst v0  }
0x1b1: {  	v0 =	vld [tilespmem:s2+$0xA158];
	_ =	sdelay $0x4  }
0x1b2: {  	[tilespmem:s3+$0xA158] =	vst v0  }
0x1b3: {  	v0 =	vld [tilespmem:s2+$0xA168];
	_ =	sdelay $0x4  }
0x1b4: {  	s6 =	sadd.s32 $0x1, s6;
	[tilespmem:s3+$0xA168] =	vst v0  }
.LBB2_37:
0x1b5: {  	s10 =	sadd.s32 $0x1, s10  }
0x1b6: {  	p1 =	sne.s32 s10, $0x20  }
.Ltmp22:
0x1b7: {  	_ = 	snop;
	(pc) =	sbr.rel @!p1 .LBB2_38-.Ltmp22, $1  }
0x1b8: {  	_ =	sdelay $0x3  }
.LBB2_30:
0x1b9: {  	v0 =	vld.msk [tilespmem:s10+$0xA118], $0x1;
	_ =	sdelay $0x4  }
0x1ba: {  	(v2sf) =	vpush v0, $0x0;
	_ =	sdelay $0xe  }
0x1bb: {  	s2 =	spop (v2sf)  }
0x1bc: {  	p1 =	seq.s32 s2, $0xFFFFFFFF  }
.Ltmp23:
0x1bd: {  	_ = 	snop;
	(pc) =	sbr.rel @p1 .LBB2_37-.Ltmp23, $1  }
0x1be: {  	_ =	sdelay $0x3  }
0x1bf: {  	p1 =	slt.s32 s6, $0x1  }
.Ltmp24:
0x1c0: {  	_ = 	snop;
	(pc) =	sbr.rel @p1 .LBB2_36-.Ltmp24, $1  }
0x1c1: {  	_ =	sdelay $0x3  }
0x1c2: {  	s3 =	simm.s32 $0xA118;
	p1 =	por $0x0, $0x0  }
0x1c3: {  	v1 =	vld.msk @!p1 [tilespmem:s3+$0x0], $0x1;
	_ =	sdelay $0x4  }
0x1c4: {  	(v2sf) =	vpush @!p1 v1, $0x0;
	_ =	sdelay $0xd  }
0x1c5: {  	p3 =	sne.s32 s6, $0x1  }
.Ltmp25:
0x1c6: {  	s4 =	spop @!p1 (v2sf);
	(pc) =	sbr.rel @!p3 .LBB2_34-.Ltmp25, $4  }
0x1c7: {  	p2 =	seq.s32 @!p1 s2, s4  }
0x1c8: {  	s4 =	simm.s32 $0x0;
	p2 =	por !p2, p1  }
0x1c9: {  	s11 =	simm.s32 $0xFFFFFFFF;
	s4 =	simm.s32 @p2 $0xFFFFFFFF  }
0x1ca: {  	s5 =	simm.s32 $0x1;
	s4 =	smov.u32 @p1 s11  }
.LBB2_33:
0x1cb: {  	s11 =	smov.u32 s4;
	p1 =	sne.s32 s4, $0xFFFFFFFF  }
0x1cc: {  	s3 =	sadd.s32 $0x1, s3;
	s4 =	smov.u32 s5;
	s5 =	sadd.s32 $0x1, s5  }
0x1cd: {  	p2 =	sne.s32 s6, s5;
	v1 =	vld.msk @!p1 [tilespmem:s3+$0x0], $0x1;
	_ =	sdelay $0x4  }
0x1ce: {  	(v2sf) =	vpush @!p1 v1, $0x0;
	_ =	sdelay $0xe  }
.Ltmp26:
0x1cf: {  	s12 =	spop @!p1 (v2sf);
	(pc) =	sbr.rel @p2 .LBB2_33-.Ltmp26, $4  }
0x1d0: {  	p3 =	seq.s32 @!p1 s2, s12  }
0x1d1: {  	p3 =	por !p3, p1  }
0x1d2: {  	s4 =	simm.s32 @p3 $0xFFFFFFFF  }
0x1d3: {  	s4 =	smov.u32 @p1 s11  }
.LBB2_34:
0x1d4: {  	p1 =	seq.s32 s4, $0xFFFFFFFF  }
.Ltmp27:
0x1d5: {  	_ = 	snop;
	(pc) =	sbr.rel @p1 .LBB2_36-.Ltmp27, $1  }
0x1d6: {  	_ =	sdelay $0x3  }
0x1d7: {  	s2 =	sshll.u32 s10, $0x6  }
0x1d8: {  	s2 =	sand.u32 $0x3FFFFFC0, s2  }
0x1d9: {  	v0 =	vld [tilespmem:s2+$0xA138];
	_ =	sdelay $0x2  }
0x1da: {  	s3 =	sshll.u32 s4, $0x8  }
0x1db: {  	s3 =	sshra.s32 s3, $0x2  }
0x1dc: {  	[tilespmem:s3+$0xA138] =	vst.add.f32.msk $0xffff, v0  }
0x1dd: {  	v0 =	vld [tilespmem:s2+$0xA148];
	_ =	sdelay $0x4  }
0x1de: {  	[tilespmem:s3+$0xA148] =	vst.add.f32.msk $0xffff, v0  }
0x1df: {  	v0 =	vld [tilespmem:s2+$0xA158];
	_ =	sdelay $0x4  }
0x1e0: {  	[tilespmem:s3+$0xA158] =	vst.add.f32.msk $0xffff, v0  }
0x1e1: {  	v0 =	vld [tilespmem:s2+$0xA168]  }
.Ltmp28:
0x1e2: {  	_ = 	snop;
	(pc) =	sbr.rel .LBB2_37-.Ltmp28, $2  }
0x1e3: {  	_ =	sdelay $0x2  }
0x1e4: {  	[tilespmem:s3+$0xA168] =	vst.add.f32.msk $0xffff, v0  }
.LBB2_38:
0x1e5: {  	s0 =	simm.s32 $0x6;
	p1 =	seq.s32 s6, $0x0  }
0x1e6: {  	[sflag:s0] =	ssyncpa.u1 $0x1;
	v0 =	vimm.s32 @p1 $0xFFFFFFFF  }
0x1e7: {  	s0 =	sadd.s32 $0xFFFFFFFF, s6;
	[tilespmem:$0xA938] =	vst @p1 v0  }
0x1e8: {  	v0 =	vld.msk @!p1 [tilespmem:s0+$0xA118], $0x1;
	_ =	sdelay $0x1  }
0x1e9: {  	v1 =	vld.msk @!p1 [tilespmem:$0xA118], $0x1;
	_ =	sdelay $0x2  }
0x1ea: {  	p2 =	seq.s32 @!p1 s0, $0x0;
	v0 =	vbroadcast @!p1 v0, $0x0  }
0x1eb: {  	vm0 =	vmmov @!p1 $0x1;
	p2 =	por !p2, p1  }
0x1ec: {  	v1 =	vnsel @!p1 vm0, $0xFFFFFFFF, v1;
	vm0 =	vcmask @!p1 $0x308;
	v0 =	vpsel !p2, $0xFFFFFFFF, v0  }
0x1ed: {  	p2 =	sne.s32 @!p1 s8, s7;
	v0 =	vsel @!p1 vm0, v1, v0  }
0x1ee: {  	s2 =	simm.s32 @!p1 $0xA138;
	s3 =	simm.s32 @!p1 $0x0;
	p3 =	por !p2, p1;
	[tilespmem:$0xA938] =	vst @!p1 v0  }
0x1ef: {  	[spmem:s3] =	stream.linear.scatter @!p1 [tilespmem:s2], [sflag:$0x1], $0x40, $0x38;
	[tilespmem:$0x1EF88] =	vst v63  }
0x1f0: {  	s2 =	sshll.u32 @!p3 s0, $0x8  }
0x1f1: {  	s2 =	sshra.s32 @!p3 s2, $0x2  }
0x1f2: {  	s3 =	simm.s32 @!p3 $0x40;
	s2 =	sadd.s32 @!p3 $0xA138, s2  }
0x1f3: {  	[spmem:s3] =	stream.linear.scatter @!p3 [tilespmem:s2], [sflag:$0x1], $0x40, $0x38;
	[tilespmem:$0x1EF88] =	vst v63  }
0x1f4: {  	s2 =	simm.s32 @!p3 $0x1  }
0x1f5: {  	_ =	swait.ge @!p3 [sflag:s2], $0x80  }
0x1f6: {  	p1 =	por p2, p1;
	[sflag:s2] =	ssyncset.done @!p3 $0x0  }
0x1f7: {  	[sflag:s2] =	ssyncadd.s32 @!p3 $0xFFFFFF80;
	s2 =	simm.s32 @!p1 $0x1  }
0x1f8: {  	_ =	swait.ge @!p1 [sflag:s2], $0x40  }
0x1f9: {  	s29 =	simm.s32 $0xA938;
	[sflag:s2] =	ssyncset.done @!p1 $0x0  }
0x1fa: {  	s30 =	simm.s32 $0x800;
	s31 =	simm.s32 $0x1;
	[sflag:s2] =	ssyncadd.s32 @!p1 $0xFFFFFFC0  }
0x1fb: {  	[spmem:s30] =	stream.linear.scatter [tilespmem:s29], [sflag:$0x1], $0x10, $0x38;
	[tilespmem:$0x1EF88] =	vst v63  }
0x1fc: {  	_ =	swait.ge [sflag:s31], $0x10  }
0x1fd: {  	[sflag:s31] =	ssyncset.done $0x0  }
0x1fe: {  	p1 =	seq.s32 s13, $0x0;
	s9 =	rddreg [dreg:$0x2];
	[sflag:s31] =	ssyncadd.s32 $0xFFFFFFF0  }
0x1ff: {  	s3 =	sshll.u32 @p1 s9, $0xE;
	s8 =	rddreg [dreg:$0x3]  }
0x200: {  	s2 =	sadd.s32 @p1 $0x15C3C, s3;
	s3 =	sshll.u32 @p1 s8, $0x11  }
0x201: {  	_ =	sfence.stream.spmem;
	s2 =	sor.u32 @p1 s3, s2  }
0x202: {  	[sflag:s2] =	ssyncadd.remote.s32 @p1 $0x1;
	s2 =	simm.s32 @p1 $0x4  }
0x203: {  	s4 =	simm.s32 @!p1 $0x3C;
	s3 =	sand.u32 $0xFFFFFFFE, s9;
	_ =	swait.ge @p1 [sflag:s2], $0x12  }
0x204: {  	s5 =	simm.s32 @!p1 $0x0;
	s3 =	sadd.s32 @!p1 $0x4, s3;
	[sflag:s2] =	ssyncset.done @p1 $0x0  }
0x205: {  	s7 =	simm.s32 @!p1 $0x80;
	[sflag:s2] =	ssyncadd.s32 @p1 $0xFFFFFFEE;
	s2 =	sshll.u32 @!p1 s3, $0x1A  }
0x206: {  	s3 =	sshll.u32 @!p1 s3, $0xD;
	s2 =	sor.u32 @!p1 s2, s8;
	_ =	swait.eq @!p1 [sflag:s4], $0x1  }
0x207: {  	s3 =	sor.u32 @!p1 $0x1C04, s3;
	s4 =	simm.s32 @!p1 $0x1C03;
	s2 =	sor.u32 @!p1 $0x80004000, s2  }
0x208: {  	[spmem:s7], [sflag:s3] =	dma.general @!p1 [spmem:s5], [sflag:s4], length:$0x10, [dreg:$0x0], stride_count:$0x0, ici_dest:s2, dma_misc:DstOpCode:WRITE  }
0x209: {  	p2 =	slt.s32 s0, $0x2;
	s5 =	simm.s32 @!p1 $0x100;
	s7 =	simm.s32 @!p1 $0x102  }
0x20a: {  	[spmem:s7], [sflag:s3] =	dma.general @!p1 [spmem:s5], [sflag:s4], length:$0x2, [dreg:$0x0], stride_count:$0x0, ici_dest:s2, dma_misc:DstOpCode:WRITE  }
.Ltmp29:
0x20b: {  	s2 =	simm.s32 @!p1 $0x3;
	(pc) =	sbr.rel @p2 .LBB2_42-.Ltmp29, $4  }
0x20c: {  	s3 =	sshll.u32 @!p1 s9, $0xE;
	_ =	swait.ge @!p1 [sflag:s2], $0x12  }
0x20d: {  	s4 =	sshll.u32 @!p1 s8, $0x11;
	s3 =	sadd.s32 @!p1 $0x11C3C, s3;
	[sflag:s2] =	ssyncset.done @!p1 $0x0  }
0x20e: {  	[sflag:s2] =	ssyncadd.s32 @!p1 $0xFFFFFFEE;
	s2 =	sor.u32 @!p1 s4, s3  }
0x20f: {  	s0 =	simm.s32 $0x0;
	[sflag:s2] =	ssyncadd.remote.s32 @!p1 $0xFFFFFFFF  }
0x210: {  	s0 =	simm.s32 $0xA119  }
0x211: {  	v0 =	vld.msk [tilespmem:s0+$0x0], $0x1;
	_ =	sdelay $0x4  }
0x212: {  	(v2sf) =	vpush v0, $0x0;
	_ =	sdelay $0xc  }
0x213: {  	s2 =	sadd.s32 $0xFFFFFFFE, s6  }
0x214: {  	s2 =	sadd.s32 $0xFFFFFFFF, s2  }
0x215: {  	p2 =	sne.s32 s2, $0x0;
	s3 =	spop (v2sf)  }
.Ltmp30:
0x216: {  	p1 =	sgt.u32 s3, $0x1869F8;
	(pc) =	sbr.rel @!p2 .LBB2_41-.Ltmp30, $4  }
0x217: {  	s5 =	simm.s32 $0x0;
	s4 =	sand.u32 @!p1 $0x1FFFF8, s3  }
0x218: {  	s0 =	simm.s32 $0xA178;
	s3 =	sand.u32 @!p1 $0x7, s3;
	s4 =	sadd.s32 @!p1 s1, s4  }
0x219: {  	[hbm4b:s4+s3] =	stream.linear.scatter @!p1 [tilespmem:s0], [sflag:$0x5], $0x40, $0x38;
	[tilespmem:$0x1EF88] =	vst v63  }
0x21a: {  	s5 =	simm.s32 @!p1 $0x100;
	s3 =	simm.s32 $0x0;
	s4 =	simm.s32 $0xA11A  }
.LBB2_40:
0x21b: {  	v0 =	vld.msk [tilespmem:s4+$0x0], $0x1;
	s2 =	sadd.s32 $0xFFFFFFFF, s2;
	s3 =	sadd.s32 s3, s5  }
0x21c: {  	p1 =	sne.s32 s2, $0x0;
	_ =	sdelay $0x3  }
0x21d: {  	(v2sf) =	vpush v0, $0x0;
	_ =	sdelay $0xe  }
.Ltmp31:
0x21e: {  	s6 =	spop (v2sf);
	(pc) =	sbr.rel @p1 .LBB2_40-.Ltmp31, $4  }
0x21f: {  	s5 =	simm.s32 $0x0;
	p2 =	sgt.u32 s6, $0x1869F8  }
0x220: {  	s0 =	sadd.s32 $0x40, s0;
	s5 =	simm.s32 @!p2 $0x100;
	s7 =	sand.u32 @!p2 $0x1FFFF8, s6  }
0x221: {  	s4 =	sadd.s32 $0x1, s4;
	s6 =	sand.u32 @!p2 $0x7, s6;
	s7 =	sadd.s32 @!p2 s1, s7  }
0x222: {  	[hbm4b:s7+s6] =	stream.linear.scatter @!p2 [tilespmem:s0], [sflag:$0x5], $0x40, $0x38;
	[tilespmem:$0x1EF88] =	vst v63  }
.LBB2_41:
0x223: {  	s0 =	sadd.s32 s3, s5  }
0x224: {  	s0 =	sshrl.u32 s0, $0x2  }
.LBB2_42:
0x225: {  	s2 =	simm.s32 $0x5  }
0x226: {  	_ =	swait.ge [sflag:s2], s0  }
0x227: {  	s31 =	ssub.s32 $0x0, s0;
	[sflag:s2] =	ssyncset.done $0x0  }
0x228: {  	[sflag:s2] =	ssyncadd.s32 s31  }
0x229: {  	[sflag:s2] =	ssyncpa.u1 $0x1  }
.LBB2_43:
0x22a: {  	s0 =	sor.u32 s13, s14  }
0x22b: {  	p1 =	sne.s32 s0, $0x0  }
.Ltmp32:
0x22c: {  	_ = 	snop;
	(pc) =	sbr.rel @p1 .LBB2_58-.Ltmp32, $3  }
0x22d: {  	_ =	sdelay $0x1  }
0x22e: {  	[bflag:$0x0] =	sbarrier.arrive $0xFFFF  }
0x22f: {  	_ =	sfence  }
0x230: {  	s2 =	simm.s32 $0x7  }
0x231: {  	s0 =	simm.s32 $0x800;
	s3 =	simm.s32 $0xA118;
	[sflag:s2] =	ssyncpa.u1 $0x0  }
0x232: {  	[tilespmem:s3], [sflag:$0x7] =	stream.linear.gather [spmem:s0], $0x20, $0x38;
	[tilespmem:$0x1EF88] =	vst v63  }
0x233: {  	s30 =	simm.s32 $0xA138;
	s0 =	simm.s32 $0x0  }
0x234: {  	[tilespmem:s30], [sflag:$0x7] =	stream.linear.gather [spmem:s0], $0x800, $0x38;
	[tilespmem:$0x1EF88] =	vst v63  }
.Ltmp33:
0x235: {  	_ = 	snop;
	(pc) =	sbr.rel .LBB2_45-.Ltmp33, $4  }
0x236: {  	_ =	swait.ge [sflag:s2], $0x820  }
0x237: {  	[sflag:s2] =	ssyncset.done $0x0  }
0x238: {  	s31 =	simm.s32 $0x8;
	[sflag:s2] =	ssyncadd.s32 $0xFFFFF7E0  }
0x239: {  	s2 =	simm.s32 $0x0;
	[sflag:s31] =	ssyncpa.u1 $0x0  }
.LBB2_51:
0x23a: {  	p1 =	slt.u32 s3, $0x1869F9  }
0x23b: {  	s4 =	sand.u32 @p1 $0x1FFFF8, s3  }
0x23c: {  	s3 =	sand.u32 @p1 $0x7, s3;
	s5 =	simm.s32 @p1 $0xA0C8;
	s4 =	sadd.s32 @p1 s1, s4  }
0x23d: {  	[tilespmem:s5], [sflag:$0x8] =	stream.linear.gather @p1 [hbm4b:s4+s3], $0x40, $0x38;
	[tilespmem:$0x1EF88] =	vst v63  }
0x23e: {  	s3 =	simm.s32 @p1 $0x8  }
0x23f: {  	_ =	swait.ge @p1 [sflag:s3], $0x40  }
0x240: {  	[sflag:s3] =	ssyncset.done @p1 $0x0  }
0x241: {  	[sflag:s3] =	ssyncadd.s32 @p1 $0xFFFFFFC0  }
0x242: {  	v1 =	vld @p1 [tilespmem:$0xA0C8];
	_ =	sdelay $0x2  }
0x243: {  	s3 =	sshll.u32 @p1 s2, $0x8  }
0x244: {  	s4 =	sshrl.u32 @p1 s3, $0x2  }
0x245: {  	[tilespmem:s4+$0xA138] =	vst.add.f32.msk @p1 $0xffff, v1  }
0x246: {  	v1 =	vld @p1 [tilespmem:$0xA0D8];
	_ =	sdelay $0x4  }
0x247: {  	[tilespmem:s4+$0xA148] =	vst.add.f32.msk @p1 $0xffff, v1  }
0x248: {  	v1 =	vld @p1 [tilespmem:$0xA0E8];
	_ =	sdelay $0x4  }
0x249: {  	[tilespmem:s4+$0xA158] =	vst.add.f32.msk @p1 $0xffff, v1  }
0x24a: {  	v1 =	vld @p1 [tilespmem:$0xA0F8];
	_ =	sdelay $0x3  }
0x24b: {  	s5 =	sshll.u32 @!p1 s2, $0x8  }
0x24c: {  	s5 =	smov.u32 @p1 s3;
	[tilespmem:s4+$0xA168] =	vst.add.f32.msk @p1 $0xffff, v1  }
0x24d: {  	s3 =	sshrl.u32 s5, $0x2;
	[tilespmem:s0+$0xA118] =	vst.msk $0x1, v0  }
0x24e: {  	v0 =	vld [tilespmem:s3+$0xA138];
	_ =	sdelay $0x2  }
0x24f: {  	s31 =	sshll.u32 s0, $0x8  }
0x250: {  	s4 =	sshra.s32 s31, $0x2  }
0x251: {  	[tilespmem:s4+$0xA138] =	vst v0  }
0x252: {  	v0 =	vld [tilespmem:s3+$0xA148];
	_ =	sdelay $0x4  }
0x253: {  	[tilespmem:s4+$0xA148] =	vst v0  }
0x254: {  	v0 =	vld [tilespmem:s3+$0xA158];
	_ =	sdelay $0x4  }
0x255: {  	[tilespmem:s4+$0xA158] =	vst v0  }
0x256: {  	v0 =	vld [tilespmem:s3+$0xA168];
	_ =	sdelay $0x4  }
0x257: {  	s0 =	sadd.s32 $0x1, s0;
	[tilespmem:s4+$0xA168] =	vst v0  }
.LBB2_52:
0x258: {  	s2 =	sadd.s32 $0x1, s2  }
0x259: {  	p1 =	sne.s32 s2, $0x20  }
.Ltmp34:
0x25a: {  	_ = 	snop;
	(pc) =	sbr.rel @!p1 .LBB2_53-.Ltmp34, $1  }
0x25b: {  	_ =	sdelay $0x3  }
.LBB2_45:
0x25c: {  	v0 =	vld.msk [tilespmem:s2+$0xA118], $0x1;
	_ =	sdelay $0x4  }
0x25d: {  	(v2sf) =	vpush v0, $0x0;
	_ =	sdelay $0xe  }
0x25e: {  	s3 =	spop (v2sf)  }
0x25f: {  	p1 =	seq.s32 s3, $0xFFFFFFFF  }
.Ltmp35:
0x260: {  	_ = 	snop;
	(pc) =	sbr.rel @p1 .LBB2_52-.Ltmp35, $1  }
0x261: {  	_ =	sdelay $0x3  }
0x262: {  	p1 =	slt.s32 s0, $0x1  }
.Ltmp36:
0x263: {  	_ = 	snop;
	(pc) =	sbr.rel @p1 .LBB2_51-.Ltmp36, $1  }
0x264: {  	_ =	sdelay $0x3  }
0x265: {  	s4 =	simm.s32 $0xA118;
	p1 =	por $0x0, $0x0  }
0x266: {  	v1 =	vld.msk @!p1 [tilespmem:s4+$0x0], $0x1;
	_ =	sdelay $0x4  }
0x267: {  	(v2sf) =	vpush @!p1 v1, $0x0;
	_ =	sdelay $0xd  }
0x268: {  	p3 =	sne.s32 s0, $0x1  }
.Ltmp37:
0x269: {  	s5 =	spop @!p1 (v2sf);
	(pc) =	sbr.rel @!p3 .LBB2_49-.Ltmp37, $4  }
0x26a: {  	p2 =	seq.s32 @!p1 s3, s5  }
0x26b: {  	s5 =	simm.s32 $0x0;
	p2 =	por !p2, p1  }
0x26c: {  	s7 =	simm.s32 $0xFFFFFFFF;
	s5 =	simm.s32 @p2 $0xFFFFFFFF  }
0x26d: {  	s6 =	simm.s32 $0x1;
	s5 =	smov.u32 @p1 s7  }
.LBB2_48:
0x26e: {  	s7 =	smov.u32 s5;
	p1 =	sne.s32 s5, $0xFFFFFFFF  }
0x26f: {  	s4 =	sadd.s32 $0x1, s4;
	s5 =	smov.u32 s6;
	s6 =	sadd.s32 $0x1, s6  }
0x270: {  	p2 =	sne.s32 s0, s6;
	v1 =	vld.msk @!p1 [tilespmem:s4+$0x0], $0x1;
	_ =	sdelay $0x4  }
0x271: {  	(v2sf) =	vpush @!p1 v1, $0x0;
	_ =	sdelay $0xe  }
.Ltmp38:
0x272: {  	s8 =	spop @!p1 (v2sf);
	(pc) =	sbr.rel @p2 .LBB2_48-.Ltmp38, $4  }
0x273: {  	p3 =	seq.s32 @!p1 s3, s8  }
0x274: {  	p3 =	por !p3, p1  }
0x275: {  	s5 =	simm.s32 @p3 $0xFFFFFFFF  }
0x276: {  	s5 =	smov.u32 @p1 s7  }
.LBB2_49:
0x277: {  	p1 =	seq.s32 s5, $0xFFFFFFFF  }
.Ltmp39:
0x278: {  	_ = 	snop;
	(pc) =	sbr.rel @p1 .LBB2_51-.Ltmp39, $1  }
0x279: {  	_ =	sdelay $0x3  }
0x27a: {  	s3 =	sshll.u32 s2, $0x6  }
0x27b: {  	s3 =	sand.u32 $0x3FFFFFC0, s3  }
0x27c: {  	v0 =	vld [tilespmem:s3+$0xA138];
	_ =	sdelay $0x2  }
0x27d: {  	s4 =	sshll.u32 s5, $0x8  }
0x27e: {  	s4 =	sshra.s32 s4, $0x2  }
0x27f: {  	[tilespmem:s4+$0xA138] =	vst.add.f32.msk $0xffff, v0  }
0x280: {  	v0 =	vld [tilespmem:s3+$0xA148];
	_ =	sdelay $0x4  }
0x281: {  	[tilespmem:s4+$0xA148] =	vst.add.f32.msk $0xffff, v0  }
0x282: {  	v0 =	vld [tilespmem:s3+$0xA158];
	_ =	sdelay $0x4  }
0x283: {  	[tilespmem:s4+$0xA158] =	vst.add.f32.msk $0xffff, v0  }
0x284: {  	v0 =	vld [tilespmem:s3+$0xA168]  }
.Ltmp40:
0x285: {  	_ = 	snop;
	(pc) =	sbr.rel .LBB2_52-.Ltmp40, $2  }
0x286: {  	_ =	sdelay $0x2  }
0x287: {  	[tilespmem:s4+$0xA168] =	vst.add.f32.msk $0xffff, v0  }
.LBB2_53:
0x288: {  	p1 =	slt.s32 s0, $0x1  }
.Ltmp41:
0x289: {  	_ = 	snop;
	(pc) =	sbr.rel @p1 .LBB2_57-.Ltmp41, $3  }
0x28a: {  	_ =	sdelay $0x1  }
0x28b: {  	s2 =	simm.s32 $0x8  }
0x28c: {  	[sflag:s2] =	ssyncpa.u1 $0x1;
	s2 =	simm.s32 $0x0  }
0x28d: {  	s3 =	simm.s32 $0xA118  }
0x28e: {  	v0 =	vld.msk [tilespmem:s3+$0x0], $0x1;
	_ =	sdelay $0x4  }
0x28f: {  	(v2sf) =	vpush v0, $0x0;
	_ =	sdelay $0xe  }
0x290: {  	s0 =	sadd.s32 $0xFFFFFFFF, s0;
	s4 =	spop (v2sf)  }
0x291: {  	p2 =	sne.s32 s0, $0x0;
	p1 =	sgt.u32 s4, $0x1869F8  }
.Ltmp42:
0x292: {  	s5 =	sand.u32 @!p1 $0x1FFFF8, s4;
	(pc) =	sbr.rel @!p2 .LBB2_56-.Ltmp42, $4  }
0x293: {  	s3 =	simm.s32 $0xA138;
	s4 =	sand.u32 @!p1 $0x7, s4;
	s5 =	sadd.s32 @!p1 s1, s5  }
0x294: {  	[hbm4b:s5+s4] =	stream.linear.scatter @!p1 [tilespmem:s3], [sflag:$0x7], $0x40, $0x38;
	[tilespmem:$0x1EF88] =	vst v63  }
0x295: {  	s5 =	simm.s32 $0x0  }
0x296: {  	s4 =	simm.s32 $0xA119;
	s5 =	simm.s32 @!p1 $0x100  }
.LBB2_55:
0x297: {  	v0 =	vld.msk [tilespmem:s4+$0x0], $0x1;
	s0 =	sadd.s32 $0xFFFFFFFF, s0;
	s2 =	sadd.s32 s2, s5  }
0x298: {  	p1 =	sne.s32 s0, $0x0;
	_ =	sdelay $0x3  }
0x299: {  	(v2sf) =	vpush v0, $0x0;
	_ =	sdelay $0xe  }
.Ltmp43:
0x29a: {  	s6 =	spop (v2sf);
	(pc) =	sbr.rel @p1 .LBB2_55-.Ltmp43, $4  }
0x29b: {  	s5 =	simm.s32 $0x0;
	p2 =	sgt.u32 s6, $0x1869F8  }
0x29c: {  	s3 =	sadd.s32 $0x40, s3;
	s5 =	simm.s32 @!p2 $0x100;
	s7 =	sand.u32 @!p2 $0x1FFFF8, s6  }
0x29d: {  	s4 =	sadd.s32 $0x1, s4;
	s6 =	sand.u32 @!p2 $0x7, s6;
	s7 =	sadd.s32 @!p2 s1, s7  }
0x29e: {  	[hbm4b:s7+s6] =	stream.linear.scatter @!p2 [tilespmem:s3], [sflag:$0x7], $0x40, $0x38;
	[tilespmem:$0x1EF88] =	vst v63  }
.LBB2_56:
0x29f: {  	s0 =	sadd.s32 s2, s5  }
0x2a0: {  	s2 =	sshrl.u32 s0, $0x2  }
.LBB2_57:
0x2a1: {  	s0 =	simm.s32 $0x7  }
0x2a2: {  	_ =	swait.ge [sflag:s0], s2  }
0x2a3: {  	s1 =	ssub.s32 $0x0, s2;
	[sflag:s0] =	ssyncset.done $0x0  }
0x2a4: {  	[sflag:s0] =	ssyncadd.s32 s1  }
0x2a5: {  	[sflag:s0] =	ssyncpa.u1 $0x1  }
.LBB2_58:
0x2a6: {  	_ =	sfence;
	s0 =	simm.s32 $0x1  }
0x2a7: {  	[sflag:s0] =	ssyncpa.u1 $0x1  }
0x2a8: {  	_ =	strace $0x90000062  }
0x2a9: {  	[bflag:$0x2] =	sbarrier.arrive $0xFFFF  }
0x2aa: {  	s0 =	rddreg [dreg:$0x4]  }
0x2ab: {  	s0 =	sadd.s32 @!p0 $0x100000, s0  }
0x2ac: {  	[sflag:s0] =	ssyncadd.tile.s32 @!p0 $0x1;
	_ =	shalt  }
.Lfunc_end2:
_tile_overlayer_lowered:
.L_overlay_start_2:
0x2ad: {  	(tag) =	ssettag $0x2  }
0x2ae: {  	s0 =	rddreg [dreg:$0x0];
	s2 =	stileid.u32  }
0x2af: {  	s1 =	rddreg [dreg:$0x1];
	p0 =	sne.s32 s2, $0x0  }
0x2b0: {  	s3 =	rddreg [dreg:$0x2];
	[bflag:$0x3] =	sbarrier.arrive $0xFFFF;
	s2 =	simm.s32 @!p0 $0x1C01  }
0x2b1: {  	[timem:s3], [sflag:s2] =	dma.local @!p0 [hbm:s0], s1  }
0x2b2: {  	s0 =	simm.s32 @!p0 $0x1  }
0x2b3: {  	_ =	swait.ge @!p0 [sflag:s0], s1  }
0x2b4: {  	s1 =	ssub.s32 @!p0 $0x0, s1;
	[sflag:s0] =	ssyncset.done @!p0 $0x0  }
0x2b5: {  	[sflag:s0] =	ssyncadd.s32 @!p0 s1  }
0x2b6: {  	[bflag:$0x3] =	sbarrier.arrive $0xFFFF  }
0x2b7: {  	_ =	shalt  }

// kernel: scatter_offload_async_start
scs
__scs_entry_jumppad:
0x0: {  	(pc) =	sbr.rel $0x88, $3  }
0x1: {  	(tag) =	ssettag $0x0;
	lr =	simm.s32 $0x1  }
0x2: {  	[smem:$0x3F91] =	sst lr;
	_ =	strace $0xD0000000  }
0x3: {  	_ = 	snop  }
0x4: {  	_ = 	snop  }
0x5: {  	_ = 	snop  }
0x6: {  	_ = 	snop  }
0x7: {  	_ = 	snop  }
__scs_overlays_trampoline_lowered:
0x8: {  	[smem:$0x3FA0] =	sst s0  }
0x9: {  	[smem:$0x3FA1] =	sst s1  }
0xa: {  	[smem:$0x3FA2] =	sst s2  }
0xb: {  	[smem:$0x3FA3] =	sst s3  }
0xc: {  	[smem:$0x3FA4] =	sst s4  }
0xd: {  	[smem:$0x3FA5] =	sst s5  }
0xe: {  	[smem:$0x3FA6] =	sst s6  }
0xf: {  	[smem:$0x3FA7] =	sst s7  }
0x10: {  	[smem:$0x3FA8] =	sst s8  }
0x11: {  	[smem:$0x3FA9] =	sst s9;
	s0 =	simm.s32 @!p0 $0x0  }
0x12: {  	s1 =	sld [smem:$0x3F8F];
	s0 =	simm.s32 @p0 $0x1  }
0x13: {  	[smem:$0x3FAA] =	sst s0;
	s0 =	simm.s32 @!p1 $0x0  }
0x14: {  	s2 =	sld [smem:$0x3F8E];
	s0 =	simm.s32 @p1 $0x1  }
0x15: {  	[smem:$0x3FAB] =	sst s0;
	s0 =	simm.s32 @!p2 $0x0  }
0x16: {  	s3 =	sld [smem:$0x3FDB];
	s0 =	simm.s32 @p2 $0x1  }
0x17: {  	s4 =	simm.s32 $0x1BF5;
	[smem:$0x3FAD] =	sst s0  }
0x18: {  	s0 =	sld [smem:$0x3F90];
	_ =	swait.ge [sflag:s4], $0x0  }
0x19: {  	s7 =	sld [smem:$0x3F91]  }
0x1a: {  	s8 =	sadd.s32 $0xFFFFE003, lr  }
0x1b: {  	s9 =	sadd.s32 $0xFFFFFEF7, lr;
	s5 =	simm.s32 $0xFFFFFFFF;
	p2 =	slt.u32 s8, $0xFFFFF086  }
0x1c: {  	p1 =	slt.u32 s9, $0xF7A;
	s5 =	simm.s32 @!p2 $0x0  }
0x1d: {  	s5 =	simm.s32 @p1 $0x1;
	p0 =	seq.s32 s7, s2  }
0x1e: {  	s7 =	smul.u32 @!p0 $0xF7A, s2;
	p2 =	seq.s32 @!p0 s5, $0x0  }
0x1f: {  	s9 =	smul.u32 $0xF7A, s1;
	s8 =	simm.s32 @!p0 $0x1BF5;
	p2 =	por !p2, p0  }
0x20: {  	[sflag:s8] =	ssyncset.s32 @!p0 $0xFFFFF086;
	s6 =	sadd.s32 @!p0 s3, s7;
	s7 =	simm.s32 @!p0 $0x108  }
0x21: {  	s3 =	sadd.s32 s3, s9;
	s6 =	sadd.s32 @!p0 $0x88, s6;
	s7 =	simm.s32 @p2 $0x1082  }
0x22: {  	[simem:s7], [sflag:s8] =	dma.local @!p0 [hbm:s6], $0xF7A  }
0x23: {  	s9 =	sor.u32 $0xD0000000, s2;
	s6 =	simm.s32 $0x108;
	_ =	swait.ge @!p0 [sflag:s8], $0x0  }
0x24: {  	s3 =	sadd.s32 $0x88, s3;
	s6 =	simm.s32 @!p1 $0x1082;
	[sflag:s4] =	ssyncset.s32 $0xFFFFF086  }
0x25: {  	[simem:s6], [sflag:s4] =	dma.local [hbm:s3], $0xF7A  }
0x26: {  	[smem:$0x3F91] =	sst s1;
	(tag) =	ssettag s2;
	_ =	strace s9  }
0x27: {  	s1 =	sld [smem:$0x3FA1]  }
0x28: {  	s2 =	sld [smem:$0x3FA2]  }
0x29: {  	s4 =	sld [smem:$0x3FA4]  }
0x2a: {  	p0 =	seq.s32 s5, $0x0;
	s5 =	sld [smem:$0x3FA5]  }
0x2b: {  	s6 =	sld [smem:$0x3FA6]  }
0x2c: {  	s7 =	sld [smem:$0x3FA7]  }
0x2d: {  	s3 =	simm.s32 $0x108;
	s8 =	sld [smem:$0x3FA8]  }
0x2e: {  	s3 =	simm.s32 @!p0 $0x1082;
	s9 =	sld [smem:$0x3FA9]  }
0x2f: {  	lr =	sadd.s32 s0, s3;
	s0 =	sld [smem:$0x3FA0]  }
0x30: {  	s3 =	sld [smem:$0x3FA3]  }
0x31: {  	[smem:$0x3FAC] =	sst s10  }
0x32: {  	s10 =	sld [smem:$0x3FAA];
	_ =	sdelay $0x3  }
0x33: {  	p0 =	seq.s32 s10, $0x1;
	s10 =	sld [smem:$0x3FAC];
	_ =	sdelay $0x3  }
0x34: {  	[smem:$0x3FAC] =	sst s10  }
0x35: {  	s10 =	sld [smem:$0x3FAB];
	_ =	sdelay $0x3  }
0x36: {  	p1 =	seq.s32 s10, $0x1;
	s10 =	sld [smem:$0x3FAC];
	_ =	sdelay $0x3  }
0x37: {  	[smem:$0x3FAC] =	sst s10  }
0x38: {  	s10 =	sld [smem:$0x3FAD]  }
0x39: {  	_ = 	snop;
	(pc) =	sbr.ind lr, $3  }
0x3a: {  	_ = 	snop  }
0x3b: {  	_ = 	snop  }
0x3c: {  	p2 =	seq.s32 s10, $0x1;
	s10 =	sld [smem:$0x3FAC]  }
0x3d: {  	_ =	shalt  }
0x3e: {  	_ =	shalt  }
0x3f: {  	_ =	shalt  }
0x40: {  	_ =	shalt  }
0x41: {  	_ =	shalt  }
0x42: {  	_ =	shalt  }
0x43: {  	_ =	shalt  }
0x44: {  	_ =	shalt  }
0x45: {  	_ =	shalt  }
0x46: {  	_ =	shalt  }
0x47: {  	_ =	shalt  }
0x48: {  	_ =	shalt  }
0x49: {  	_ =	shalt  }
0x4a: {  	_ =	shalt  }
0x4b: {  	_ =	shalt  }
0x4c: {  	_ =	shalt  }
0x4d: {  	_ =	shalt  }
0x4e: {  	_ =	shalt  }
0x4f: {  	_ =	shalt  }
0x50: {  	_ =	shalt  }
0x51: {  	_ =	shalt  }
0x52: {  	_ =	shalt  }
0x53: {  	_ =	shalt  }
0x54: {  	_ =	shalt  }
0x55: {  	_ =	shalt  }
0x56: {  	_ =	shalt  }
0x57: {  	_ =	shalt  }
0x58: {  	_ =	shalt  }
0x59: {  	_ =	shalt  }
0x5a: {  	_ =	shalt  }
0x5b: {  	_ =	shalt  }
0x5c: {  	_ =	shalt  }
0x5d: {  	_ =	shalt  }
0x5e: {  	_ =	shalt  }
0x5f: {  	_ =	shalt  }
0x60: {  	_ =	shalt  }
0x61: {  	_ =	shalt  }
0x62: {  	_ =	shalt  }
0x63: {  	_ =	shalt  }
0x64: {  	_ =	shalt  }
0x65: {  	_ =	shalt  }
0x66: {  	_ =	shalt  }
0x67: {  	_ =	shalt  }
0x68: {  	_ =	shalt  }
0x69: {  	_ =	shalt  }
0x6a: {  	_ =	shalt  }
0x6b: {  	_ =	shalt  }
0x6c: {  	_ =	shalt  }
0x6d: {  	_ =	shalt  }
0x6e: {  	_ =	shalt  }
0x6f: {  	_ =	shalt  }
0x70: {  	_ =	shalt  }
0x71: {  	_ =	shalt  }
0x72: {  	_ =	shalt  }
0x73: {  	_ =	shalt  }
0x74: {  	_ =	shalt  }
0x75: {  	_ =	shalt  }
0x76: {  	_ =	shalt  }
0x77: {  	_ =	shalt  }
0x78: {  	_ =	shalt  }
0x79: {  	_ =	shalt  }
0x7a: {  	_ =	shalt  }
0x7b: {  	_ =	shalt  }
0x7c: {  	_ =	shalt  }
0x7d: {  	_ =	shalt  }
0x7e: {  	_ =	shalt  }
0x7f: {  	_ =	shalt  }
0x80: {  	_ =	shalt  }
0x81: {  	_ =	shalt  }
0x82: {  	_ =	shalt  }
0x83: {  	_ =	shalt  }
0x84: {  	_ =	shalt  }
0x85: {  	_ =	shalt  }
0x86: {  	_ =	shalt  }
0x87: {  	_ =	shalt  }
.Lfunc_end0:
.L_simem_size_0:
called_computation_lowered:
.L_overlay_start_0:
0x88: {  	s0 =	sld [smem:$0x3FD9]  }
0x89: {  	s1 =	sld [smem:$0x3FFE];
	_ =	sdelay $0x3  }
0x8a: {  	s0 =	sadd.s32 s1, s0  }
0x8b: {  	[smem:$0x3FB8] =	sst s0  }
0x8c: {  	_ = 	snop  }
0x8d: {  	(tm) =	ssettm $0x1  }
0x8e: {  	s14 =	sld [smem:$0x3FFB];
	_ =	sdelay $0x3  }
0x8f: {  	_ =	strace s14  }
0x90: {  	s0 =	sld [smem:$0x3FFC];
	_ =	sdelay $0x3  }
0x91: {  	_ =	strace s0  }
0x92: {  	s0 =	sld [smem:$0x3FFD];
	_ =	sdelay $0x3  }
0x93: {  	_ =	strace s0  }
0x94: {  	_ =	strace $0x8FFFFFFF  }
0x95: {  	s15 =	sld [smem:$0x3FDB];
	_ =	sdelay $0x1  }
0x96: {  	s16 =	simm.s32 $_scs_section_size  }
0x97: {  	s2 =	simm.s32 $_size__tile_overlayer_lowered;
	s3 =	simm.s32 $_tile_overlayer_lowered  }
0x98: {  	s4 =	simm.s32 $0x1BFF;
	s17 =	sshll.u32 s3, $0x1;
	s1 =	sadd.s32 s16, s15  }
0x99: {  	s18 =	simm.s32 $0x0;
	s2 =	sshll.u32 s2, $0x1;
	s3 =	sadd.s32 s17, s1  }
0x9a: {  	[timem:s18], [sflag:s4] =	dma.local [hbm:s3], s2  }
0x9b: {  	_ =	swait.ge [sflag:s4], s2  }
0x9c: {  	s2 =	ssub.s32 $0x0, s2;
	[sflag:s4] =	ssyncset.done $0x0  }
0x9d: {  	[sflag:s4] =	ssyncadd.s32 s2;
	_ =	sdelay $0x1  }
0x9e: {  	s19 =	simm.s32 $0x1B8B  }
0x9f: {  	_ =	swait.ge [sflag:s19], $0x1  }
0xa0: {  	[sflag:s19] =	ssyncset.done $0x0  }
0xa1: {  	s21 =	simm.s32 $0x1B8E;
	s20 =	sld [smem:$0x3FFE];
	[sflag:s19] =	ssyncadd.s32 $0xFFFFFFFF  }
0xa2: {  	s22 =	simm.s32 $execute0_lowered;
	[smem:$0x3FD2] =	sst s21  }
0xa3: {  	s3 =	sshll.u32 s22, $0x1;
	_ =	strace $0x80000049;
	[dreg:$0x1] =	wrdreg $0xFFFFFFFF  }
0xa4: {  	s23 =	simm.s32 $_size_execute0_lowered;
	s3 =	sadd.s32 s1, s3;
	[dreg:$0x0] =	wrdreg $0x0  }
0xa5: {  	s4 =	sshll.u32 s23, $0x1;
	[dreg:$0x2] =	wrdreg s3  }
0xa6: {  	[dreg:$0x3] =	wrdreg s4  }
0xa7: {  	[dreg:$0x4] =	wrdreg $0xC0  }
0xa8: {  	s24 =	simm.s32 $execute1_lowered;
	_ =	task [dreg:s18], $0x5FFFF  }
0xa9: {  	s3 =	sshll.u32 s24, $0x1;
	[dreg:$0x1] =	wrdreg $0xFFFFFFFF  }
0xaa: {  	s1 =	sadd.s32 s1, s3;
	[dreg:$0x0] =	wrdreg $0x60  }
0xab: {  	[dreg:$0x2] =	wrdreg s1  }
0xac: {  	[dreg:$0x3] =	wrdreg s20  }
0xad: {  	[dreg:$0x4] =	wrdreg $0x9  }
0xae: {  	_ =	task.clear_ibuf [dreg:s18], $0x5FFFF;
	_ =	strace $0x90000049  }
0xaf: {  	s25 =	simm.s32 $0x9;
	_ =	strace $0x8000004B  }
0xb0: {  	_ =	swait.ge [sflag:s25], $0x1  }
0xb1: {  	[sflag:s25] =	ssyncadd.s32 $0xFFFFFFFF  }
0xb2: {  	_ =	strace $0x9000004B  }
0xb3: {  	_ =	strace $0x8000004C;
	[dreg:$0x1] =	wrdreg $0xFFFFFFFF  }
0xb4: {  	[dreg:$0x0] =	wrdreg $0x2030  }
0xb5: {  	[dreg:$0x2] =	wrdreg s20  }
0xb6: {  	[dreg:$0x3] =	wrdreg $0xA  }
0xb7: {  	_ =	task.clear_ibuf [dreg:s18], $0x4FFFF;
	_ =	strace $0x9000004C  }
0xb8: {  	s26 =	simm.s32 $0xA;
	_ =	strace $0x8000004E  }
0xb9: {  	_ =	swait.ge [sflag:s26], $0x1  }
0xba: {  	[sflag:s26] =	ssyncadd.s32 $0xFFFFFFFF  }
0xbb: {  	_ =	strace $0x9000004E  }
0xbc: {  	_ =	sfence  }
0xbd: {  	s28 =	sld [smem:$0x0];
	_ =	sdelay $0x1  }
0xbe: {  	s29 =	srdreg.scid  }
0xbf: {  	s30 =	sshll.u32 s29, $0xD;
	s31 =	sshrl.u32 s29, $0x2  }
0xc0: {  	s2 =	sand.u32 $0x1, s29;
	s3 =	sand.u32 $0x4000, s30;
	s1 =	sadd.s32 s31, s28  }
0xc1: {  	s2 =	sor.u32 s3, s2;
	s1 =	sshll.u32 s1, $0x11  }
0xc2: {  	s1 =	sor.u32 s1, s2  }
0xc3: {  	s1 =	sadd.s32 $0x8F2B, s1  }
0xc4: {  	[sflag:s1] =	ssyncadd.remote.s32 $0x1  }
0xc5: {  	_ =	sfence.sel $0xFFFF  }
0xc6: {  	[dreg:$0x0] =	wrdreg $0xFFFFFFFF;
	(pc) =	sbr.abs _section_cstart, $3  }
0xc7: {  	[dreg:$0x1] =	wrdreg $0xFFFFFFFF  }
0xc8: {  	_ =	task.clear_ibuf [dreg:s18], $0x2FFFF;
	_ =	strace $0x9FFFFFFF  }
0xc9: {  	(tm) =	ssettm $0x7FFFFFFF  }
tec
execute0_lowered:
.L_overlay_start_1:
0x0: {  	(tag) =	ssettag $0x1  }
0x1: {  	s2 =	rddreg [dreg:$0x0]  }
0x2: {  	s5 =	rddreg [dreg:$0x1]  }
0x3: {  	s0 =	rddreg [dreg:$0x2];
	s3 =	stileid.u32  }
0x4: {  	[bflag:$0x3] =	sbarrier.arrive $0xFFFF;
	s1 =	simm.s32 $_size_execute1_lowered;
	s31 =	simm.s32 $0x2  }
0x5: {  	s8 =	simm.s32 $0x0;
	p0 =	sne.s32 s3, $0x0;
	s1 =	sshll.u32 s1, $0x1  }
.Ltmp0:
0x6: {  	s4 =	simm.s32 @!p0 $0x1C3F;
	s6 =	simm.s32 @!p0 $0x4060;
	(pc) =	sbr.rel .LBB2_1-.Ltmp0, $4  }
0x7: {  	[timem:s6], [sflag:s4] =	dma.local @!p0 [hbm:s2], s1  }
0x8: {  	s3 =	smul.u32 $0xC40, s3;
	s4 =	simm.s32 $0x1;
	_ =	strace $0x8000004A  }
0x9: {  	s2 =	sadd.s32 $0x15CC00, s5;
	s5 =	sadd.s32 $0x15FE00, s5;
	[sflag:s4] =	ssyncpa.u1 $0x0  }
0xa: {  	s7 =	smov.u32 s3;
	s6 =	simm.s32 $0x0;
	[sflag:s31] =	ssyncpa.u1 $0x0  }
.LBB2_7:
0xb: {  	s10 =	sadd.s32 $0xC400, s7  }
0xc: {  	p1 =	slt.u32 s6, $0x2;
	s6 =	sadd.s32 $0x1, s6;
	p2 =	sgt.s32 s10, $0x1869F  }
0xd: {  	s10 =	smov.u32 @p2 s3;
	p2 =	sne.s32 s6, $0x4  }
.Ltmp1:
0xe: {  	_ = 	snop;
	(pc) =	sbr.rel @!p2 .LBB2_8-.Ltmp1, $4  }
0xf: {  	s9 =	simm.s32 @!p1 $0x2  }
0x10: {  	_ =	swait.ge @!p1 [sflag:s9], $0xC40  }
0x11: {  	[sflag:s9] =	ssyncset.done @!p1 $0x0  }
0x12: {  	s8 =	smov.u32 s7;
	s7 =	smov.u32 s10;
	[sflag:s9] =	ssyncadd.s32 @!p1 $0xFFFFF3C0  }
.LBB2_1:
0x13: {  	p1 =	sgt.u32 s6, $0x1  }
0x14: {  	s9 =	sxor.u32 @!p1 $0x1, s6  }
0x15: {  	s9 =	smul.u32 @!p1 $0x3100, s9  }
0x16: {  	s10 =	sshrl.u32 @!p1 s7, $0x3  }
0x17: {  	s11 =	sand.u32 @!p1 $0x7, s7;
	s10 =	sadd.s32 @!p1 s2, s10;
	s9 =	sshra.s32 @!p1 s9, $0x2  }
0x18: {  	[tilespmem:s9], [sflag:$0x1] =	stream.linear.gather @!p1 [hbm4b:s10+s11], $0xC40, $0x38;
	[tilespmem:$0x3100] =	vst v63  }
0x19: {  	p1 =	seq.s32 s6, $0x0  }
0x1a: {  	p2 =	seq.s32 @!p1 s6, $0x3  }
0x1b: {  	p1 =	por p1, p2  }
.Ltmp2:
0x1c: {  	_ = 	snop;
	(pc) =	sbr.rel @p1 .LBB2_7-.Ltmp2, $1  }
0x1d: {  	_ =	sdelay $0x3  }
0x1e: {  	s9 =	sand.u32 $0x1, s6  }
0x1f: {  	_ =	swait.ge [sflag:s4], $0xC40;
	s11 =	simm.s32 $0xC40;
	p1 =	seq.s32 s9, $0x1  }
0x20: {  	[sflag:s4] =	ssyncset.done $0x0;
	s11 =	simm.s32 @!p1 $0x0  }
0x21: {  	[sflag:s4] =	ssyncadd.s32 $0xFFFFF3C0;
	s13 =	sor.u32 $0x80, s11  }
0x22: {  	v0 =	vld [tilespmem:s13+$0x70]  }
0x23: {  	v1 =	vld [tilespmem:s13+$0xFFFFFF90]  }
0x24: {  	v2 =	vld [tilespmem:s13+$0xFFFFFFA0]  }
0x25: {  	v3 =	vld [tilespmem:s13+$0xFFFFFFB0]  }
0x26: {  	s9 =	sadd.s32 $0x1900, s11;
	v4 =	vld [tilespmem:s13+$0xFFFFFFC0]  }
0x27: {  	v5 =	vld [tilespmem:s13+$0xFFFFFFD0];
	[tilespmem:s9+$0x70] =	vst v0  }
0x28: {  	[tilespmem:s9+$0xFFFFFF90] =	vst v1;
	v0 =	vld [tilespmem:s13+$0xFFFFFFE0]  }
0x29: {  	[tilespmem:s9+$0xFFFFFFA0] =	vst v2;
	v1 =	vld [tilespmem:s13+$0xFFFFFFF0]  }
0x2a: {  	[tilespmem:s9+$0xFFFFFFB0] =	vst v3;
	v2 =	vld [tilespmem:s13+$0x0]  }
0x2b: {  	[tilespmem:s9+$0xFFFFFFC0] =	vst v4;
	v3 =	vld [tilespmem:s13+$0x10]  }
0x2c: {  	[tilespmem:s9+$0xFFFFFFD0] =	vst v5;
	v5 =	vld [tilespmem:s13+$0x20]  }
0x2d: {  	[tilespmem:s9+$0xFFFFFFE0] =	vst v0;
	v0 =	vld [tilespmem:s13+$0x30]  }
0x2e: {  	[tilespmem:s9+$0xFFFFFFF0] =	vst v1;
	v1 =	vld [tilespmem:s13+$0x40]  }
0x2f: {  	[tilespmem:s9+$0x0] =	vst v2;
	v2 =	vld [tilespmem:s13+$0x50]  }
0x30: {  	s12 =	simm.s32 $0x0;
	[tilespmem:s9+$0x10] =	vst v3;
	v3 =	vld [tilespmem:s13+$0x60]  }
0x31: {  	s10 =	sadd.s32 $0x1880, s11;
	s11 =	sshll.u32 s11, $0x2;
	v4 =	vld [tilespmem:s13+$0xFFFFFF80];
	[tilespmem:s9+$0x20] =	vst v5;
	s13 =	sadd.s32 $0x100, s13  }
.LBB2_3:
0x32: {  	v5 =	vld [tilespmem:s13+$0x70];
	s12 =	sadd.s32 $0x100, s12;
	[tilespmem:s9+$0x30] =	vst v0  }
0x33: {  	v0 =	vld [tilespmem:s13+$0xFFFFFF90];
	p1 =	slt.u32 s12, $0xB00;
	[tilespmem:s9+$0x40] =	vst v1  }
0x34: {  	v1 =	vld [tilespmem:s13+$0xFFFFFFA0];
	[tilespmem:s9+$0x50] =	vst v2  }
0x35: {  	v2 =	vld [tilespmem:s13+$0xFFFFFFB0];
	[tilespmem:s9+$0x60] =	vst v3  }
0x36: {  	v3 =	vld [tilespmem:s13+$0xFFFFFFC0];
	[tilespmem:s9+$0xFFFFFF80] =	vst v4;
	s9 =	sadd.s32 $0x100, s9  }
0x37: {  	v4 =	vld [tilespmem:s13+$0xFFFFFFD0];
	[tilespmem:s9+$0x70] =	vst v5  }
0x38: {  	[tilespmem:s9+$0xFFFFFF90] =	vst v0;
	v0 =	vld [tilespmem:s13+$0xFFFFFFE0]  }
0x39: {  	[tilespmem:s9+$0xFFFFFFA0] =	vst v1;
	v1 =	vld [tilespmem:s13+$0xFFFFFFF0]  }
0x3a: {  	[tilespmem:s9+$0xFFFFFFB0] =	vst v2;
	v2 =	vld [tilespmem:s13+$0x0]  }
0x3b: {  	[tilespmem:s9+$0xFFFFFFC0] =	vst v3;
	v3 =	vld [tilespmem:s13+$0x10]  }
0x3c: {  	[tilespmem:s9+$0xFFFFFFD0] =	vst v4;
	v5 =	vld [tilespmem:s13+$0x20]  }
.Ltmp3:
0x3d: {  	[tilespmem:s9+$0xFFFFFFE0] =	vst v0;
	v0 =	vld [tilespmem:s13+$0x30];
	(pc) =	sbr.rel @p1 .LBB2_3-.Ltmp3, $4  }
0x3e: {  	[tilespmem:s9+$0xFFFFFFF0] =	vst v1;
	v1 =	vld [tilespmem:s13+$0x40]  }
0x3f: {  	[tilespmem:s9+$0x0] =	vst v2;
	v2 =	vld [tilespmem:s13+$0x50]  }
0x40: {  	[tilespmem:s9+$0x10] =	vst v3;
	v3 =	vld [tilespmem:s13+$0x60]  }
0x41: {  	v4 =	vld [tilespmem:s13+$0xFFFFFF80];
	[tilespmem:s9+$0x20] =	vst v5;
	s13 =	sadd.s32 $0x100, s13  }
0x42: {  	[tilespmem:s9+$0x30] =	vst v0  }
0x43: {  	[tilespmem:s9+$0x40] =	vst v1  }
0x44: {  	[tilespmem:s9+$0x50] =	vst v2  }
0x45: {  	s11 =	sshrl.u32 s11, $0x2;
	[tilespmem:s9+$0x60] =	vst v3  }
0x46: {  	s12 =	simm.s32 $0xBF0;
	[tilespmem:s9+$0xFFFFFF80] =	vst v4;
	s9 =	sadd.s32 $0x2480, s11;
	s11 =	sadd.s32 $0xC00, s11  }
.LBB2_5:
0x47: {  	s12 =	sadd.s32 $0x10, s12  }
0x48: {  	v0 =	vld [tilespmem:s11+$0x0];
	p1 =	slt.u32 s12, $0xC30  }
.Ltmp4:
0x49: {  	_ = 	snop;
	(pc) =	sbr.rel @p1 .LBB2_5-.Ltmp4, $2  }
0x4a: {  	_ =	sdelay $0x2  }
0x4b: {  	s11 =	sadd.s32 $0x10, s11;
	[tilespmem:s9+$0x0] =	vst v0;
	s9 =	sadd.s32 $0x10, s9  }
.Ltmp5:
0x4c: {  	(pc) =	sbr.rel .LBB2_7-.Ltmp5, $4  }
0x4d: {  	_ = 	snop  }
0x4e: {  	s9 =	sshrl.u32 s8, $0x3  }
0x4f: {  	s31 =	sand.u32 $0x7, s8;
	s9 =	sadd.s32 s5, s9  }
0x50: {  	[hbm4b:s9+s31] =	stream.linear.scatter [tilespmem:s10], [sflag:$0x2], $0xC40, $0x38;
	[tilespmem:$0x3100] =	vst v63  }
.LBB2_8:
0x51: {  	_ =	sfence.sel $0x180000  }
0x52: {  	s2 =	simm.s32 $0x1;
	[bflag:$0x0] =	sbarrier.arrive $0xFFFF  }
0x53: {  	s31 =	simm.s32 $0x2;
	[sflag:s2] =	ssyncpa.u1 $0x1  }
0x54: {  	[sflag:s31] =	ssyncpa.u1 $0x1  }
0x55: {  	_ =	strace $0x9000004A  }
0x56: {  	s0 =	sadd.s32 @!p0 $0x100000, s0;
	[bflag:$0x2] =	sbarrier.arrive $0xFFFF  }
0x57: {  	[sflag:s0] =	ssyncadd.tile.s32 @!p0 $0x1;
	s0 =	simm.s32 @!p0 $0x3F  }
0x58: {  	_ =	swait.ge @!p0 [sflag:s0], s1  }
0x59: {  	s1 =	ssub.s32 @!p0 $0x0, s1;
	[sflag:s0] =	ssyncset.done @!p0 $0x0  }
0x5a: {  	[sflag:s0] =	ssyncadd.s32 @!p0 s1  }
0x5b: {  	[bflag:$0x3] =	sbarrier.arrive $0xFFFF  }
0x5c: {  	_ =	shalt  }
.Lfunc_end2:
execute1_lowered:
.L_overlay_start_2:
0x5d: {  	(tag) =	ssettag $0x2  }
0x5e: {  	s0 =	rddreg [dreg:$0x0];
	s14 =	stileid.u32  }
0x5f: {  	_ =	strace $0x8000004D;
	s2 =	simm.s32 $0x1;
	s1 =	smul.u32 $0xC, s14  }
0x60: {  	v1 =	vimm.s32 $0xFFFFFFFF;
	s3 =	smin.u32 s14, $0x8;
	[sflag:s2] =	ssyncpa.u1 $0x0  }
0x61: {  	[tilespmem:$0x10] =	vst v1;
	s1 =	sadd.s32 s3, s1  }
0x62: {  	v0 =	vimm.f32 $0.0e+00;
	p0 =	slt.u32 s14, $0x8;
	[tilespmem:$0x20] =	vst v1;
	s3 =	smul.u32 $0x1F40, s1;
	s1 =	simm.s32 $0x19640  }
0x63: {  	[tilespmem:$0x30] =	vst v0;
	s1 =	simm.s32 @!p0 $0x17700  }
0x64: {  	[tilespmem:$0x40] =	vst v0;
	s1 =	sadd.s32 s1, s3  }
0x65: {  	[tilespmem:$0x50] =	vst v0;
	s4 =	smin.u32 s1, $0x186A00  }
0x66: {  	[tilespmem:$0x60] =	vst v1;
	s9 =	ssub.s32 s4, s3  }
0x67: {  	s7 =	simm.s32 $0x2;
	s8 =	simm.s32 $0x8;
	[tilespmem:$0x70] =	vst v1;
	p0 =	sgt.s32 s9, $0x0  }
0x68: {  	s31 =	simm.s32 $0x9;
	s16 =	simm.s32 $0x0;
	[tilespmem:$0x80] =	vst v1;
	s9 =	simm.s32 @!p0 $0x0  }
0x69: {  	s17 =	simm.s32 $0xF0;
	s18 =	simm.s32 $0xFFFFFFFF;
	v1 =	vimm.s32 $0x0;
	[tilespmem:$0xB0] =	vst v0;
	s5 =	smulhi.u32 $0x10624DD3, s9  }
0x6a: {  	s19 =	simm.s32 $0xFFFFC280;
	s20 =	simm.s32 $0xFFFFFFFE;
	s21 =	simm.s32 $0xF;
	[tilespmem:$0x90] =	vst v1  }
0x6b: {  	[tilespmem:$0xA0] =	vst v1;
	[sflag:s7] =	ssyncpa.u1 $0x0;
	s7 =	simm.s32 $0x7;
	s10 =	sshrl.u32 s5, $0x9  }
0x6c: {  	s25 =	simm.s32 $0x0;
	[sflag:s7] =	ssyncpa.u1 $0x0;
	s11 =	smul.u32 $0x1F40, s10  }
0x6d: {  	s24 =	simm.s32 $0x0;
	s6 =	sadd.s32 $0x12BE00, s0;
	[sflag:s8] =	ssyncpa.u1 $0x0  }
.Ltmp6:
0x6e: {  	[sflag:s31] =	ssyncpa.u1 $0x0;
	p0 =	sne.s32 s9, s11;
	(pc) =	sbr.rel .LBB3_1-.Ltmp6, $4  }
0x6f: {  	s23 =	smov.u32 s3;
	s1 =	sadd.s32 $0x15FE00, s0;
	s2 =	simm.s32 @!p0 $0x0  }
0x70: {  	s5 =	sadd.s32 $0xFB000, s0;
	p0 =	por $0x0, $0x0;
	s9 =	sadd.s32 s2, s10  }
0x71: {  	vm0 =	vmmov $0xffff;
	v2 =	vlaneseq.u32;
	s10 =	sshll.u32 s14, $0x1;
	s14 =	sshllo.u32 s14, $0x1;
	s11 =	sadd.s32 $0x1, s9  }
0x72: {  	vm1 =	vmxor vm1, vm1;
	vm2 =	vmmov $0x1;
	vm3 =	vcmask $0x3F3C;
	s12 =	sadd.s32 $0x2, s9;
	s13 =	sor.u32 $0x81, s10;
	s15 =	sor.u32 $0x80, s10  }
.LBB3_9:
0x73: {  	p1 =	slt.u32 s24, $0x3  }
0x74: {  	s0 =	simm.s32 @!p1 $0x2  }
0x75: {  	_ =	swait.ge @!p1 [sflag:s0], $0x1F40  }
0x76: {  	[sflag:s0] =	ssyncset.done @!p1 $0x0  }
0x77: {  	[sflag:s0] =	ssyncadd.s32 @!p1 $0xFFFFE0C0;
	s0 =	simm.s32 @!p1 $0x9  }
0x78: {  	_ =	swait.ge @!p1 [sflag:s0], $0x10  }
0x79: {  	[sflag:s0] =	ssyncset.done @!p1 $0x0  }
0x7a: {  	[sflag:s0] =	ssyncadd.s32 @!p1 $0xFFFFFFF0;
	p1 =	sne.s32 s24, s12  }
.Ltmp7:
0x7b: {  	s2 =	sadd.s32 $0x1F40, s23;
	(pc) =	sbr.rel @!p1 .LBB3_10-.Ltmp7, $4  }
0x7c: {  	s22 =	smov.u32 s3;
	s31 =	sadd.s32 $0x1, s24;
	s17 =	sadd.s32 $0x1F40, s17  }
0x7d: {  	s18 =	sadd.s32 $0x1, s18;
	s25 =	smov.u32 s23;
	p2 =	slt.s32 s2, s4  }
0x7e: {  	p0 =	por !p0, !p0;
	s19 =	sadd.s32 $0x1F40, s19;
	s22 =	smov.u32 @p2 s2  }
0x7f: {  	s20 =	sadd.s32 $0x1, s20;
	s23 =	smov.u32 s22;
	s24 =	smov.u32 s31  }
.LBB3_1:
0x80: {  	p1 =	sge.u32 s24, s9  }
0x81: {  	s0 =	smulhi.u32 @!p1 $0xAAAAAAAB, s24;
	_ =	sdelay $0x1  }
0x82: {  	s0 =	sshrl.u32 @!p1 s0, $0x1  }
0x83: {  	s0 =	smul.u32 @!p1 $0x3, s0;
	_ =	sdelay $0x1  }
0x84: {  	s0 =	ssub.s32 @!p1 s24, s0  }
0x85: {  	s0 =	smul.u32 @!p1 $0x7D00, s0;
	_ =	sdelay $0x1  }
0x86: {  	s2 =	sshrl.u32 @!p1 s23, $0x3;
	s0 =	sshrl.u32 @!p1 s0, $0x2  }
0x87: {  	s22 =	sand.u32 @!p1 $0x7, s23;
	s2 =	sadd.s32 @!p1 s5, s2;
	s0 =	sadd.s32 @!p1 $0x100, s0  }
0x88: {  	[tilespmem:s0], [sflag:$0x7] =	stream.linear.gather @!p1 [hbm4b:s2+s22], $0x1F40, $0x38;
	[tilespmem:$0x11A60] =	vst v63  }
0x89: {  	s0 =	sadd.s32 $0xFFFFFFFF, s24  }
0x8a: {  	p1 =	sge.u32 s0, s9  }
.Ltmp8:
0x8b: {  	_ = 	snop;
	(pc) =	sbr.rel @p1 .LBB3_5-.Ltmp8, $1  }
0x8c: {  	_ =	sdelay $0x3  }
0x8d: {  	s2 =	smulhi.u32 $0xAAAAAAAB, s0;
	_ =	sdelay $0x1  }
0x8e: {  	s2 =	sshrl.u32 s2, $0x1  }
0x8f: {  	s2 =	smul.u32 $0x3, s2;
	_ =	sdelay $0x1  }
0x90: {  	s2 =	ssub.s32 s0, s2  }
0x91: {  	s2 =	smul.u32 $0x7D00, s2  }
0x92: {  	_ =	swait.ge [sflag:s7], $0x1F40  }
0x93: {  	[sflag:s7] =	ssyncset.done $0x0;
	s2 =	sshrl.u32 s2, $0x2  }
0x94: {  	[sflag:s7] =	ssyncadd.s32 $0xFFFFE0C0;
	(ifvalue) =	ssetifvalue $0xFFFFFFFF;
	v3 =	vld.msk [tilespmem:s2+$0x100 ss:$0x1], $0xffff;
	_ =	sdelay $0x2  }
0x95: {  	s30 =	smulhi.u32 $0xAAAAAAAB, s18;
	p1 =	sne.s32 s24, $0x1  }
0x96: {  	v4 =	vimm.s32 @!p1 $0x0  }
0x97: {  	s2 =	sshrl.u32 s30, $0x1;
	v4 =	vperm.xlane @!p1 v3, v4  }
0x98: {  	s22 =	sshll.u32 s24, $0x4;
	s2 =	smul.u32 $0xFFFE8900, s2;
	vm4 =	vlt.u32 v3, $0x18800  }
0x99: {  	s22 =	sand.u32 $0x10, s22;
	v3 =	vnsel vm4, $0xFFFFFFFE, v3;
	vm4 =	vlt.u32 @!p1 v4, $0x18800  }
0x9a: {  	s2 =	sshra.s32 s2, $0x2;
	[tilespmem:s22+$0x60] =	vst v3;
	v3 =	vnsel @!p1 vm4, $0xFFFFFFFE, v4  }
0x9b: {  	s28 =	sadd.s32 s2, s17;
	[tilespmem:$0x80] =	vst @!p1 v3  }
0x9c: {  	v3 =	vld.msk [tilespmem:s28+$0x0 ss:$0x1], $0xffff;
	_ =	sdelay $0x4  }
0x9d: {  	(xrf1) =	vunique.msk.u32 $0xffff, v3;
	_ =	sdelay $0xd  }
0x9e: {  	v4 =	vimm.s32 $0xFFFFFFFF;
	v5, _, _ =	vpop (xrf1)  }
0x9f: {  	vm5 =	vne.s32 v3, v4;
	vm4 =	veq.s32 v5, v2  }
0xa0: {  	vm6 =	vlt.u32 v3, $0x18800;
	vm4 =	vmand vm5, vm4  }
0xa1: {  	vm4 =	vmand vm6, vm4  }
0xa2: {  	v4 =	vnsel vm4, $0xFFFFFFFF, v3  }
0xa3: {  	s31 =	sand.u32 $0x1, s0  }
0xa4: {  	s0 =	simm.s32 $0x1F40;
	p1 =	seq.s32 s31, $0x1  }
0xa5: {  	s0 =	simm.s32 @!p1 $0x0  }
0xa6: {  	s26 =	sadd.s32 $0x7DF0, s0;
	(ifvalue) =	ssetifvalue $0xFFFFFFFF  }
0xa7: {  	v3 =	vperm.xlane v3, v1;
	[tilespmem:s26], [sflag:$0x8] =	stream.indirect_vreg.gather [hbm4b:s1+s16], $0x1, v4, vm0, $0x4038;
	v4 =	vnsel vm6, $0xFFFFFFFE, v4;
	[tilespmem:$0x11A60] =	vst v63  }
0xa8: {  	s2 =	simm.s32 $0x0;
	s22 =	sadd.s32 $0xFFFFFFF0, s28;
	[tilespmem:s28+$0x0] =	vst v4  }
.LBB3_3:
0xa9: {  	v4 =	vld.msk [tilespmem:s22+$0x0 ss:$0x1], $0xffff;
	s2 =	sadd.s32 $0x10, s2;
	v5 =	vmov v3;
	s28 =	smov.u32 s22  }
0xaa: {  	p1 =	slt.u32 s2, $0x1F30;
	_ =	sdelay $0x4  }
0xab: {  	v3 =	vperm.xlane v4, v1;
	(xrf1) =	vunique.msk.u32 $0xffff, v4;
	_ =	sdelay $0xd  }
0xac: {  	v6, _, _ =	vpop (xrf1)  }
0xad: {  	vm5 =	vne.s32 v4, v5;
	vm4 =	veq.s32 v6, v2  }
0xae: {  	vm6 =	vlt.u32 v4, $0x18800;
	vm4 =	vmand vm5, vm4  }
0xaf: {  	vm4 =	vmand vm6, vm4  }
0xb0: {  	v4 =	vnsel vm4, $0xFFFFFFFF, v4  }
.Ltmp9:
0xb1: {  	v5 =	vnsel vm6, $0xFFFFFFFE, v4;
	(pc) =	sbr.rel @p1 .LBB3_3-.Ltmp9, $3  }
0xb2: {  	_ =	sdelay $0x1  }
0xb3: {  	s22 =	sadd.s32 $0xFFFFFFF0, s22;
	s26 =	sadd.s32 $0xFFFFFFF0, s26;
	(ifvalue) =	ssetifvalue $0xFFFFFFFF  }
0xb4: {  	[tilespmem:s26], [sflag:$0x8] =	stream.indirect_vreg.gather [hbm4b:s1+s16], $0x1, v4, vm0, $0x4038;
	[tilespmem:s28+$0x0] =	vst v5  }
0xb5: {  	s2 =	sshrl.u32 s25, $0x3  }
0xb6: {  	s0 =	sadd.s32 $0x9D40, s0;
	s2 =	sadd.s32 s6, s2  }
0xb7: {  	[tilespmem:s0], [sflag:$0x8] =	stream.linear.gather [hbm:s2], $0x1F40, $0x38;
	[tilespmem:$0x11A60] =	vst v63  }
.LBB3_5:
0xb8: {  	p1 =	slt.u32 s24, $0x2  }
0xb9: {  	p2 =	sge.u32 @!p1 s24, s12  }
0xba: {  	p1 =	por p1, p2  }
.Ltmp10:
0xbb: {  	_ = 	snop;
	(pc) =	sbr.rel @p1 .LBB3_9-.Ltmp10, $1  }
0xbc: {  	_ =	sdelay $0x3  }
0xbd: {  	s0 =	sadd.s32 $0xFFFFFFFE, s24  }
0xbe: {  	s2 =	smulhi.u32 $0xAAAAAAAB, s0;
	_ =	sdelay $0x1  }
0xbf: {  	s2 =	sshrl.u32 s2, $0x1  }
0xc0: {  	s2 =	smul.u32 $0x3, s2;
	_ =	sdelay $0x1  }
0xc1: {  	s0 =	ssub.s32 s0, s2  }
0xc2: {  	_ =	swait.ge [sflag:s8], $0x3E80;
	s0 =	smul.u32 $0x1F40, s0  }
0xc3: {  	p1 =	sne.s32 s24, s11;
	[sflag:s8] =	ssyncset.done $0x0  }
0xc4: {  	[sflag:s8] =	ssyncadd.s32 $0xFFFFC180;
	s2 =	sadd.s32 @!p1 $0x203F, s0  }
0xc5: {  	[spmem:s13] =	stream.linear.scatter @!p1 [tilespmem:s2], [sflag:$0x1], $0x1, $0x38;
	[tilespmem:$0x11A60] =	vst v63  }
0xc6: {  	s2 =	simm.s32 @!p1 $0x1  }
0xc7: {  	_ =	swait.ge @!p1 [sflag:s2], $0x1  }
0xc8: {  	s22 =	sshll.u32 s24, $0x4;
	[sflag:s2] =	ssyncset.done @!p1 $0x0  }
0xc9: {  	s25 =	sand.u32 $0x10, s22;
	[sflag:s2] =	ssyncadd.s32 @!p1 $0xFFFFFFFF  }
0xca: {  	s2 =	sxor.u32 $0x10, s25;
	v4 =	vld [tilespmem:s25+$0x10]  }
0xcb: {  	v5 =	vld [tilespmem:s2+$0x60]  }
0xcc: {  	v3 =	vld [tilespmem:$0x80];
	_ =	sdelay $0x2  }
0xcd: {  	(v2sf) =	vpush v4, $0x0  }
0xce: {  	(v2sf) =	vpush v5, $0x0  }
0xcf: {  	(v2sf) =	vpush v3, $0x0;
	_ =	sdelay $0xc  }
0xd0: {  	s22 =	spop (v2sf)  }
0xd1: {  	s26 =	spop (v2sf)  }
0xd2: {  	s28 =	spop (v2sf)  }
0xd3: {  	p2 =	seq.s32 s22, s26;
	p3 =	seq.s32 s28, s22  }
0xd4: {  	p3 =	por p2, p3  }
0xd5: {  	s26 =	sand.u32 $0x1, s24;
	v4 =	vpsel p3, $0xFFFFFFFF, v4  }
0xd6: {  	s29 =	smul.u32 $0x1F40, s26;
	[tilespmem:s25+$0x10] =	vst.msk $0x1, v4  }
0xd7: {  	v4 =	vld [tilespmem:$0x30]  }
0xd8: {  	v5 =	vld [tilespmem:s29+$0x9D40]  }
0xd9: {  	v6 =	vld [tilespmem:s25+$0x40];
	_ =	sdelay $0x3  }
0xda: {  	vm4 =	vmmov vm1;
	v5 =	vadd.f32 v5, v4  }
0xdb: {  	vm5 =	vmmov vm2;
	vm4 =	vmmov @p2 vm2;
	s22 =	sshll.u32 s26, $0x4;
	v4 =	vadd.f32 v6, v4  }
0xdc: {  	s26 =	sor.u32 $0x11A40, s22;
	vm5 =	vmmov @p3 vm1;
	[tilespmem:s29+$0x9D40] =	vst.msk vm4, v5  }
0xdd: {  	[tilespmem:s26+$0x0] =	vst.msk vm5, v4  }
0xde: {  	v4 =	vld [tilespmem:s29+$0x7DF0];
	_ =	sdelay $0x3  }
0xdf: {  	v5 =	vimm.f32 $0.0e+00  }
0xe0: {  	v4 =	vshift.insert v4, v5, s21  }
0xe1: {  	s22 =	sor.u32 $0x40, s2  }
0xe2: {  	[tilespmem:s22+$0x0] =	vst.msk $0x1, v4  }
0xe3: {  	[tilespmem:s29+$0x7DFF] =	vst.msk $0x1, v5  }
0xe4: {  	v4 =	vld [tilespmem:s0+$0x2030];
	_ =	sdelay $0x1  }
0xe5: {  	s22 =	smulhi.u32 $0xAAAAAAAB, s20;
	s0 =	simm.s32 $0x1  }
0xe6: {  	s0 =	simm.s32 @!p0 $0x0  }
0xe7: {  	s22 =	sshrl.u32 s22, $0x1;
	s0 =	smul.u32 $0x7D00, s0  }
0xe8: {  	s22 =	smul.u32 $0xFFFE8900, s22;
	v4 =	vshift.insert v4, v1, s21  }
0xe9: {  	s0 =	sshrl.u32 s0, $0x2  }
0xea: {  	s22 =	sshra.s32 s22, $0x2;
	s30 =	sadd.s32 $0x9D40, s0;
	[tilespmem:s2+$0x10] =	vst.msk $0x1, v4  }
0xeb: {  	s22 =	sadd.s32 s22, s19;
	v6 =	vld [tilespmem:s30+$0x0]  }
0xec: {  	v7 =	vld [tilespmem:s22+$0x0];
	_ =	sdelay $0x3  }
0xed: {  	v5 =	vadd.f32 v6, v5  }
0xee: {  	vm4 =	vne.s32 v7, $0xFFFFFFFF  }
0xef: {  	(xrf2) =	vadd.seg.scan.f32 vm4, v5;
	_ =	sdelay $0x3  }
0xf0: {  	s31 =	sadd.s32 $0x5EC0, s0;
	v5 =	vperm.xlane v4, v1  }
0xf1: {  	v6 =	vld [tilespmem:s31+$0x0]  }
0xf2: {  	vm5 =	veq.s32 v7, v3;
	vm6 =	veq.s32 v7, v5  }
0xf3: {  	vm7 =	vgt.u32 v7, $0xFFFFFFFD;
	vm6 =	vmor vm6, vm5  }
0xf4: {  	vm6 =	vmor vm6, vm7  }
0xf5: {  	v9 =	vld [tilespmem:$0xA0];
	v7 =	vsel vm6, $0xFFFFFFFF, v7  }
0xf6: {  	v10 =	vld [tilespmem:$0x90];
	v6 =	vsel vm5, $0x0, v6;
	v8, _, _ =	vpop (xrf2)  }
0xf7: {  	v6 =	vadd.f32 v8, v6  }
0xf8: {  	s0 =	sadd.s32 $0xDBC0, s0  }
0xf9: {  	vm4 =	vmand vm4, vm3;
	[tilespmem:s0+$0x0] =	vst v6;
	(ifvalue) =	ssetifvalue $0xFFFFFFFF  }
0xfa: {  	vm6 =	veq.s32 v9, $0x1;
	[hbm4b:s1+s16] =	stream.indirect_vreg.scatter [tilespmem:s0], [sflag:$0x2], $0x1, v7, vm0, $0x4038;
	v7 =	vsel vm4, $0x0, v8;
	[tilespmem:$0x11A60] =	vst v63  }
0xfb: {  	s2 =	simm.s32 $0x0;
	s22 =	sadd.s32 $0x10, s22;
	vm4 =	vmor vm6, vm5;
	v6 =	vsel vm5, v8, v10;
	v7 =	vshift.insert v7, v0, s21  }
.LBB3_7:
0xfc: {  	v8 =	vld [tilespmem:s22+$0x0];
	s30 =	sadd.s32 $0x10, s30  }
0xfd: {  	s31 =	sadd.s32 $0x10, s31;
	v9 =	vld [tilespmem:s30+$0x0]  }
0xfe: {  	s2 =	sadd.s32 $0x10, s2;
	v10 =	vld [tilespmem:s31+$0x0]  }
0xff: {  	p2 =	slt.u32 s2, $0x1F30;
	_ =	sdelay $0x2  }
0x100: {  	v7 =	vadd.f32 v9, v7  }
0x101: {  	vm5 =	vne.s32 v8, $0xFFFFFFFF  }
0x102: {  	vm6 =	vmand vm5, vm3;
	(xrf2) =	vadd.seg.scan.f32 vm5, v7;
	_ =	sdelay $0x5  }
0x103: {  	vm7 =	veq.s32 v8, v5;
	vm5 =	veq.s32 v8, v3  }
0x104: {  	vm8 =	vgt.u32 v8, $0xFFFFFFFD;
	vm4 =	vmor vm4, vm5;
	vm7 =	vmor vm7, vm5  }
0x105: {  	vm7 =	vmor vm7, vm8  }
0x106: {  	v8 =	vsel vm7, $0xFFFFFFFF, v8  }
.Ltmp11:
0x107: {  	v7 =	vsel vm5, $0x0, v10;
	v9, _, _ =	vpop (xrf2);
	(pc) =	sbr.rel @p2 .LBB3_7-.Ltmp11, $4  }
0x108: {  	v6 =	vsel vm5, v9, v6;
	v10 =	vadd.f32 v9, v7;
	v7 =	vsel vm6, $0x0, v9  }
0x109: {  	s0 =	sadd.s32 $0x10, s0;
	v7 =	vshift.insert v7, v0, s21  }
0x10a: {  	s22 =	sadd.s32 $0x10, s22;
	[tilespmem:s0+$0x0] =	vst v10;
	(ifvalue) =	ssetifvalue $0xFFFFFFFF  }
0x10b: {  	[hbm4b:s1+s16] =	stream.indirect_vreg.scatter [tilespmem:s0], [sflag:$0x2], $0x1, v8, vm0, $0x4038;
	[tilespmem:$0x11A60] =	vst v63  }
0x10c: {  	v3 =	vld [tilespmem:s29+$0xFAF0];
	_ =	sdelay $0x4  }
0x10d: {  	v3 =	vshift.insert v3, v0, s21  }
0x10e: {  	s0 =	simm.s32 $0x30  }
0x10f: {  	[tilespmem:s0+$0x0] =	vst.msk $0x1, v3  }
0x110: {  	v3 =	vsel vm4, $0x1, v1;
	[tilespmem:$0x90] =	vst v6  }
0x111: {  	s0 =	sadd.s32 @!p1 $0xFAFF, s29;
	[tilespmem:$0xA0] =	vst v3  }
0x112: {  	[spmem:s14] =	stream.linear.scatter @!p1 [tilespmem:s0], [sflag:$0x1], $0x1, $0x38;
	[tilespmem:$0x11A60] =	vst v63  }
0x113: {  	s0 =	simm.s32 @!p1 $0x1  }
0x114: {  	v3 =	vmctz.xlane @!p1 vm4;
	_ =	swait.ge @!p1 [sflag:s0], $0x1  }
0x115: {  	(v2sf) =	vpush @!p1 v4, $0x0  }
0x116: {  	(v2sf) =	vpush @!p1 v3, $0x0;
	_ =	sdelay $0xd  }
0x117: {  	s2 =	spop @!p1 (v2sf)  }
0x118: {  	s22 =	spop @!p1 (v2sf)  }
0x119: {  	p2 =	sne.s32 @!p1 s28, s2;
	p3 =	slt.s32 @!p1 s22, $0xF  }
0x11a: {  	[sflag:s0] =	ssyncset.done @!p1 $0x0;
	p2 =	por p2, p1;
	p3 =	por !p3, p1  }
0x11b: {  	[sflag:s0] =	ssyncadd.s32 @!p1 $0xFFFFFFFF;
	v3 =	vimm.s32 @!p2 $0xFFFFFFFF;
	s22 =	simm.s32 @p3 $0xF  }
0x11c: {  	[tilespmem:$0x80] =	vst @!p2 v3;
	s2 =	sadd.s32 @!p1 $0x90, s22  }
0x11d: {  	[spmem:s10] =	stream.linear.scatter @!p1 [tilespmem:s2], [sflag:$0x1], $0x1, $0x38;
	[tilespmem:$0x11A60] =	vst v63  }
0x11e: {  	_ =	swait.ge @!p1 [sflag:s0], $0x1  }
0x11f: {  	[sflag:s0] =	ssyncset.done @!p1 $0x0  }
0x120: {  	s2 =	simm.s32 @!p1 $0x80;
	[sflag:s0] =	ssyncadd.s32 @!p1 $0xFFFFFFFF  }
0x121: {  	[spmem:s15] =	stream.linear.scatter @!p1 [tilespmem:s2], [sflag:$0x1], $0x1, $0x38;
	[tilespmem:$0x11A60] =	vst v63  }
0x122: {  	_ =	swait.ge @!p1 [sflag:s0], $0x1  }
0x123: {  	[sflag:s0] =	ssyncset.done @!p1 $0x0  }
0x124: {  	[sflag:s0] =	ssyncadd.s32 @!p1 $0xFFFFFFFF;
	(ifvalue) =	ssetifvalue $0xFFFFFFFF;
	v3 =	vld [tilespmem:s25+$0x10];
	_ =	sdelay $0x3  }
.Ltmp12:
0x125: {  	_ = 	snop;
	(pc) =	sbr.rel .LBB3_9-.Ltmp12, $3  }
0x126: {  	_ =	sdelay $0x1  }
0x127: {  	(ifvalue) =	ssetifvalue $0xFFFFFFFF  }
0x128: {  	[hbm4b:s1+s16] =	stream.indirect_vreg.scatter [tilespmem:s26], [sflag:$0x9], $0x1, v3, vm0, $0x4038;
	[tilespmem:$0x11A60] =	vst v63  }
.LBB3_10:
0x129: {  	_ =	sfence.sel $0x180000  }
0x12a: {  	s0 =	simm.s32 $0x7;
	[bflag:$0x0] =	sbarrier.arrive $0xFFFF  }
0x12b: {  	s26 =	simm.s32 $0x8;
	[sflag:s0] =	ssyncpa.u1 $0x1  }
0x12c: {  	s28 =	simm.s32 $0x9;
	[sflag:s26] =	ssyncpa.u1 $0x1  }
0x12d: {  	[sflag:s28] =	ssyncpa.u1 $0x1  }
0x12e: {  	_ =	sfence.stream.spmem  }
0x12f: {  	s29 =	simm.s32 $0x3;
	[bflag:$0x0] =	sbarrier.arrive $0xFFFF  }
0x130: {  	s30 =	simm.s32 $0x4;
	[sflag:s29] =	ssyncpa.u1 $0x1  }
0x131: {  	s31 =	simm.s32 $0x3C;
	s2 =	stileid.u32;
	[sflag:s30] =	ssyncpa.u1 $0x1  }
0x132: {  	p0 =	sne.s32 s2, $0x0;
	[sflag:s31] =	ssyncpa.u1 $0x1  }
0x133: {  	s0 =	simm.s32 @p0 $0x1;
	_ =	sfence @p0  }
0x134: {  	[sflag:s0] =	ssyncpa.u1 @p0 $0x1;
	s0 =	simm.s32 @p0 $0x2  }
0x135: {  	[sflag:s0] =	ssyncpa.u1 @p0 $0x1  }
0x136: {  	_ =	strace @p0 $0x9000004D  }
0x137: {  	[bflag:$0x2] =	sbarrier.arrive @p0 $0xFFFF  }
0x138: {  	_ =	shalt @p0  }
.LBB3_11:
0x139: {  	_ =	sfence.stream.spmem;
	s0 =	simm.s32 $0x5  }
0x13a: {  	s2 =	simm.s32 $0x80;
	s3 =	simm.s32 $0xC0;
	[sflag:s0] =	ssyncpa.u1 $0x0  }
0x13b: {  	[tilespmem:s3], [sflag:$0x5] =	stream.linear.gather [spmem:s2], $0x20, $0x38;
	[tilespmem:$0x11A60] =	vst v63  }
0x13c: {  	s2 =	simm.s32 $0x0;
	s3 =	simm.s32 $0xE0  }
0x13d: {  	[tilespmem:s3], [sflag:$0x5] =	stream.linear.gather [spmem:s2], $0x20, $0x38;
	[tilespmem:$0x11A60] =	vst v63  }
.Ltmp13:
0x13e: {  	_ = 	snop;
	(pc) =	sbr.rel .LBB3_12-.Ltmp13, $4  }
0x13f: {  	_ =	swait.ge [sflag:s0], $0x40  }
0x140: {  	[sflag:s0] =	ssyncset.done $0x0  }
0x141: {  	s31 =	simm.s32 $0x6;
	[sflag:s0] =	ssyncadd.s32 $0xFFFFFFC0  }
0x142: {  	s4 =	simm.s32 $0x0;
	[sflag:s31] =	ssyncpa.u1 $0x0  }
.LBB3_17:
0x143: {  	p0 =	sgt.u32 s5, $0x187FF  }
0x144: {  	s0 =	sshrl.u32 @!p0 s5, $0x3  }
0x145: {  	s5 =	sand.u32 @!p0 $0x7, s5;
	s6 =	simm.s32 @!p0 $0xB0;
	s0 =	sadd.s32 @!p0 s1, s0  }
0x146: {  	[tilespmem:s6], [sflag:$0x6] =	stream.linear.gather @!p0 [hbm4b:s0+s5], $0x1, $0x38;
	[tilespmem:$0x11A60] =	vst v63  }
0x147: {  	s0 =	simm.s32 @!p0 $0x6  }
0x148: {  	_ =	swait.ge @!p0 [sflag:s0], $0x1  }
0x149: {  	[sflag:s0] =	ssyncset.done @!p0 $0x0  }
0x14a: {  	[sflag:s0] =	ssyncadd.s32 @!p0 $0xFFFFFFFF  }
0x14b: {  	v2 =	vmov @!p0 s4;
	v1 =	vld.msk @!p0 [tilespmem:$0xB0], $0x1;
	_ =	sdelay $0x3  }
0x14c: {  	s0 =	simm.s32 @!p0 $0xE0  }
0x14d: {  	[tilespmem:v2+s0+$0x0], v1 =	vst.idx.ret.add.f32.msk @!p0 $0x1, v1  }
0x14e: {  	[tilespmem:s2+$0xC0] =	vst.msk $0x1, v0  }
0x14f: {  	v0 =	vld.msk [tilespmem:s4+$0xE0], $0x1;
	_ =	sdelay $0x4  }
0x150: {  	[tilespmem:s2+$0xE0] =	vst.msk $0x1, v0;
	s2 =	sadd.s32 $0x1, s2  }
.LBB3_19:
0x151: {  	s4 =	sadd.s32 $0x1, s4  }
0x152: {  	p0 =	sne.s32 s4, $0x20  }
.Ltmp14:
0x153: {  	_ = 	snop;
	(pc) =	sbr.rel @!p0 .LBB3_20-.Ltmp14, $1  }
0x154: {  	_ =	sdelay $0x3  }
.LBB3_12:
0x155: {  	v0 =	vld.msk [tilespmem:s4+$0xC0], $0x1;
	_ =	sdelay $0x4  }
0x156: {  	(v2sf) =	vpush v0, $0x0;
	_ =	sdelay $0xe  }
0x157: {  	s5 =	spop (v2sf)  }
0x158: {  	p0 =	seq.s32 s5, $0xFFFFFFFF  }
.Ltmp15:
0x159: {  	_ = 	snop;
	(pc) =	sbr.rel @p0 .LBB3_19-.Ltmp15, $1  }
0x15a: {  	_ =	sdelay $0x3  }
0x15b: {  	p0 =	slt.s32 s2, $0x1  }
.Ltmp16:
0x15c: {  	_ = 	snop;
	(pc) =	sbr.rel @p0 .LBB3_17-.Ltmp16, $1  }
0x15d: {  	_ =	sdelay $0x3  }
0x15e: {  	s0 =	simm.s32 $0xC0;
	p0 =	por $0x0, $0x0  }
0x15f: {  	v1 =	vld.msk @!p0 [tilespmem:s0+$0x0], $0x1;
	_ =	sdelay $0x4  }
0x160: {  	(v2sf) =	vpush @!p0 v1, $0x0;
	_ =	sdelay $0xd  }
0x161: {  	p2 =	sne.s32 s2, $0x1  }
.Ltmp17:
0x162: {  	s6 =	spop @!p0 (v2sf);
	(pc) =	sbr.rel @!p2 .LBB3_16-.Ltmp17, $4  }
0x163: {  	p1 =	seq.s32 @!p0 s5, s6  }
0x164: {  	s6 =	simm.s32 $0x0;
	p1 =	por !p1, p0  }
0x165: {  	s8 =	simm.s32 $0xFFFFFFFF;
	s6 =	simm.s32 @p1 $0xFFFFFFFF  }
0x166: {  	s7 =	simm.s32 $0x1;
	s6 =	smov.u32 @p0 s8  }
.LBB3_15:
0x167: {  	s8 =	smov.u32 s6;
	p0 =	sne.s32 s6, $0xFFFFFFFF  }
0x168: {  	s0 =	sadd.s32 $0x1, s0;
	s6 =	smov.u32 s7;
	s7 =	sadd.s32 $0x1, s7  }
0x169: {  	p1 =	sne.s32 s2, s7;
	v1 =	vld.msk @!p0 [tilespmem:s0+$0x0], $0x1;
	_ =	sdelay $0x4  }
0x16a: {  	(v2sf) =	vpush @!p0 v1, $0x0;
	_ =	sdelay $0xe  }
.Ltmp18:
0x16b: {  	s9 =	spop @!p0 (v2sf);
	(pc) =	sbr.rel @p1 .LBB3_15-.Ltmp18, $4  }
0x16c: {  	p2 =	seq.s32 @!p0 s5, s9  }
0x16d: {  	p2 =	por !p2, p0  }
0x16e: {  	s6 =	simm.s32 @p2 $0xFFFFFFFF  }
0x16f: {  	s6 =	smov.u32 @p0 s8  }
.LBB3_16:
0x170: {  	p0 =	sne.s32 s6, $0xFFFFFFFF  }
.Ltmp19:
0x171: {  	_ = 	snop;
	(pc) =	sbr.rel @!p0 .LBB3_17-.Ltmp19, $1  }
0x172: {  	_ =	sdelay $0x3  }
0x173: {  	v0 =	vld.msk [tilespmem:s4+$0xE0], $0x1;
	v1 =	vmov s6  }
.Ltmp20:
0x174: {  	_ = 	snop;
	(pc) =	sbr.rel .LBB3_19-.Ltmp20, $2  }
0x175: {  	_ =	sdelay $0x2  }
0x176: {  	[tilespmem:v1+s3+$0x0], v0 =	vst.idx.ret.add.f32.msk $0x1, v0  }
.LBB3_20:
0x177: {  	p0 =	slt.s32 s2, $0x1  }
.Ltmp21:
0x178: {  	_ = 	snop;
	(pc) =	sbr.rel @p0 .LBB3_24-.Ltmp21, $3  }
0x179: {  	_ =	sdelay $0x1  }
0x17a: {  	s0 =	simm.s32 $0x6  }
0x17b: {  	s3 =	simm.s32 $0x0;
	[sflag:s0] =	ssyncpa.u1 $0x1  }
0x17c: {  	s0 =	simm.s32 $0xC0  }
0x17d: {  	v0 =	vld.msk [tilespmem:s0+$0x0], $0x1;
	_ =	sdelay $0x4  }
0x17e: {  	(v2sf) =	vpush v0, $0x0;
	_ =	sdelay $0xe  }
0x17f: {  	s2 =	sadd.s32 $0xFFFFFFFF, s2;
	s4 =	spop (v2sf)  }
0x180: {  	p1 =	sne.s32 s2, $0x0;
	p0 =	sgt.u32 s4, $0x187FF  }
.Ltmp22:
0x181: {  	s5 =	sshrl.u32 @!p0 s4, $0x3;
	(pc) =	sbr.rel @!p1 .LBB3_23-.Ltmp22, $4  }
0x182: {  	s0 =	simm.s32 $0xE0;
	s4 =	sand.u32 @!p0 $0x7, s4;
	s5 =	sadd.s32 @!p0 s1, s5  }
0x183: {  	[hbm4b:s5+s4] =	stream.linear.scatter @!p0 [tilespmem:s0], [sflag:$0x5], $0x1, $0x38;
	[tilespmem:$0x11A60] =	vst v63  }
0x184: {  	s5 =	simm.s32 $0x0  }
0x185: {  	s4 =	simm.s32 $0xC1;
	s5 =	simm.s32 @!p0 $0x4  }
.LBB3_22:
0x186: {  	v0 =	vld.msk [tilespmem:s4+$0x0], $0x1;
	s2 =	sadd.s32 $0xFFFFFFFF, s2;
	s3 =	sadd.s32 s3, s5  }
0x187: {  	p0 =	sne.s32 s2, $0x0;
	_ =	sdelay $0x3  }
0x188: {  	(v2sf) =	vpush v0, $0x0;
	_ =	sdelay $0xe  }
.Ltmp23:
0x189: {  	s6 =	spop (v2sf);
	(pc) =	sbr.rel @p0 .LBB3_22-.Ltmp23, $4  }
0x18a: {  	s5 =	simm.s32 $0x0;
	p1 =	sgt.u32 s6, $0x187FF  }
0x18b: {  	s0 =	sadd.s32 $0x1, s0;
	s5 =	simm.s32 @!p1 $0x4;
	s7 =	sshrl.u32 @!p1 s6, $0x3  }
0x18c: {  	s4 =	sadd.s32 $0x1, s4;
	s6 =	sand.u32 @!p1 $0x7, s6;
	s7 =	sadd.s32 @!p1 s1, s7  }
0x18d: {  	[hbm4b:s7+s6] =	stream.linear.scatter @!p1 [tilespmem:s0], [sflag:$0x5], $0x1, $0x38;
	[tilespmem:$0x11A60] =	vst v63  }
.LBB3_23:
0x18e: {  	s0 =	sadd.s32 s3, s5  }
0x18f: {  	s3 =	sshrl.u32 s0, $0x2  }
.LBB3_24:
0x190: {  	s0 =	simm.s32 $0x5  }
0x191: {  	_ =	swait.ge [sflag:s0], s3  }
0x192: {  	s1 =	ssub.s32 $0x0, s3;
	[sflag:s0] =	ssyncset.done $0x0  }
0x193: {  	[sflag:s0] =	ssyncadd.s32 s1  }
0x194: {  	[sflag:s0] =	ssyncpa.u1 $0x1  }
0x195: {  	s29 =	simm.s32 $0x1;
	_ =	sfence  }
0x196: {  	s30 =	simm.s32 $0x2;
	[sflag:s29] =	ssyncpa.u1 $0x1  }
0x197: {  	[sflag:s30] =	ssyncpa.u1 $0x1  }
0x198: {  	_ =	strace $0x9000004D  }
0x199: {  	[bflag:$0x2] =	sbarrier.arrive $0xFFFF  }
0x19a: {  	s31 =	rddreg [dreg:$0x1]  }
0x19b: {  	s0 =	sadd.s32 $0x100000, s31  }
0x19c: {  	[sflag:s0] =	ssyncadd.tile.s32 $0x1;
	_ =	shalt  }
.Lfunc_end3:
_tile_overlayer_lowered:
.L_overlay_start_3:
0x19d: {  	(tag) =	ssettag $0x3  }
0x19e: {  	s0 =	rddreg [dreg:$0x0];
	s2 =	stileid.u32  }
0x19f: {  	s1 =	rddreg [dreg:$0x1];
	p0 =	sne.s32 s2, $0x0  }
0x1a0: {  	s3 =	rddreg [dreg:$0x2];
	[bflag:$0x3] =	sbarrier.arrive $0xFFFF;
	s2 =	simm.s32 @!p0 $0x1C01  }
0x1a1: {  	[timem:s3], [sflag:s2] =	dma.local @!p0 [hbm:s0], s1  }
0x1a2: {  	s0 =	simm.s32 @!p0 $0x1  }
0x1a3: {  	_ =	swait.ge @!p0 [sflag:s0], s1  }
0x1a4: {  	s1 =	ssub.s32 @!p0 $0x0, s1;
	[sflag:s0] =	ssyncset.done @!p0 $0x0  }
0x1a5: {  	[sflag:s0] =	ssyncadd.s32 @!p0 s1  }
0x1a6: {  	[bflag:$0x3] =	sbarrier.arrive $0xFFFF  }
0x1a7: {  	_ =	shalt  }

</sc_bundles>
